<compile_context>
chip_gen: v7x
topology: tpu7x:2x2x1
jax: 0.10.2.dev20260603
libtpu: 0.0.44.dev20260713+nightly
codegen_flags: <defaults>
</compile_context>

<pallas_src>
import functools
import math

import jax
import jax.numpy as jnp
from jax import lax
from jax.experimental import pallas as pl
from jax.experimental.pallas import tpu as pltpu
from jax.experimental.pallas import tpu_sc as plsc

N_NODES = 10000
N_EDGES = 320000
H = 128

NC = 2
NS = 16
NW = NC * NS
CS = 128
NCHS = 80
EPWS = NCHS * CS
EP = NW * EPWS
N_PAD = 10240
ROWS_T = N_PAD // NS
WCHUNK = 80

_f32 = jnp.float32


def _sc_mesh():
    return plsc.VectorSubcoreMesh(
        core_axis_name="c", subcore_axis_name="s", num_cores=NC, num_subcores=NS
    )


N_VP = 10240
VROWS_T = N_VP // NS


def _gather_kernel(hvp_hbm, src2d, dst2d, gs_out, gd_out,
                   idx, b0, b1, hv_sp, s0, s1):
    c = lax.axis_index("c")
    s = lax.axis_index("s")
    wid = s * NC + c

    r0 = s * VROWS_T

    def vbody(j, carry):
        off = r0 + j * WCHUNK
        pltpu.sync_copy(hvp_hbm.at[pl.ds(off, WCHUNK)], b0.at[pl.ds(0, WCHUNK)])
        pltpu.sync_copy(b0.at[pl.ds(0, WCHUNK)], hv_sp.at[pl.ds(off, WCHUNK)])
        return carry

    lax.fori_loop(0, VROWS_T // WCHUNK, vbody, 0)
    plsc.subcore_barrier()

    for idx_hbm, out_ref in ((src2d, gs_out), (dst2d, gd_out)):
        pltpu.sync_copy(idx_hbm.at[pl.ds(wid * NCHS, NCHS)], idx)

        def start(i, buf, sem):
            pltpu.async_copy(hv_sp.at[idx.at[i]], buf, sem)

        def finish(i, buf, sem, out_ref=out_ref):
            pltpu.make_async_copy(hv_sp.at[idx.at[0]], buf, sem).wait()
            pltpu.sync_copy(buf, out_ref.at[pl.ds(wid * EPWS + i * CS, CS)])

        start(0, b0, s0)

        def outer(o, carry):
            i0 = o * 2
            start(i0 + 1, b1, s1)
            finish(i0, b0, s0)
            start(i0 + 2, b0, s0)
            finish(i0 + 1, b1, s1)
            return carry

        lax.fori_loop(0, NCHS // 2 - 1, outer, 0)
        start(NCHS - 1, b1, s1)
        finish(NCHS - 2, b0, s0)
        finish(NCHS - 1, b1, s1)


def _sc_gather(hvp, src2d, dst2d):
    k = functools.partial(
        pl.kernel,
        out_type=[
            jax.ShapeDtypeStruct((EP, H), _f32),
            jax.ShapeDtypeStruct((EP, H), _f32),
        ],
        mesh=_sc_mesh(),
        scratch_types=[
            pltpu.VMEM((NCHS, CS), jnp.int32),
            pltpu.VMEM((CS, H), _f32),
            pltpu.VMEM((CS, H), _f32),
            pltpu.VMEM_SHARED((N_VP, H), _f32),
            pltpu.SemaphoreType.DMA,
            pltpu.SemaphoreType.DMA,
        ],
    )(_gather_kernel)
    return k(hvp, src2d, dst2d)


def _scatter_kernel(p_hbm, ew_hbm, src_hbm, z_hbm, num_out, den_out,
                    idx_s, pbuf, pbuf2, acc, sem0, sem1):
    c = lax.axis_index("c")
    s = lax.axis_index("s")
    wid = s * NC + c
    pltpu.sync_copy(src_hbm.at[pl.ds(wid * NCHS, NCHS)], idx_s)
    r0 = s * ROWS_T

    for data_hbm, out in ((p_hbm, num_out), (ew_hbm, den_out)):
        def zbody(j, carry):
            off = r0 + j * WCHUNK
            pltpu.sync_copy(z_hbm.at[pl.ds(off, WCHUNK)], pbuf.at[pl.ds(0, WCHUNK)])
            pltpu.sync_copy(pbuf.at[pl.ds(0, WCHUNK)], acc.at[pl.ds(off, WCHUNK)])
            return carry

        lax.fori_loop(0, ROWS_T // WCHUNK, zbody, 0)
        plsc.subcore_barrier()

        def start(i, buf, sem, data_hbm=data_hbm):
            pltpu.async_copy(data_hbm.at[pl.ds(wid * EPWS + i * CS, CS)], buf, sem)

        def finish(i, buf, sem, data_hbm=data_hbm):
            pltpu.make_async_copy(data_hbm.at[pl.ds(0, CS)], buf, sem).wait()
            pltpu.sync_copy(buf, acc.at[idx_s.at[i]], add=True)

        start(0, pbuf, sem0)

        def body(o, carry):
            i0 = o * 2
            start(i0 + 1, pbuf2, sem1)
            finish(i0, pbuf, sem0)
            start(i0 + 2, pbuf, sem0)
            finish(i0 + 1, pbuf2, sem1)
            return carry

        lax.fori_loop(0, NCHS // 2 - 1, body, 0)
        start(NCHS - 1, pbuf2, sem1)
        finish(NCHS - 2, pbuf, sem0)
        finish(NCHS - 1, pbuf2, sem1)
        plsc.subcore_barrier()

        def wbody(j, carry):
            off = r0 + j * WCHUNK
            pltpu.sync_copy(acc.at[pl.ds(off, WCHUNK)], pbuf.at[pl.ds(0, WCHUNK)])
            pltpu.sync_copy(pbuf.at[pl.ds(0, WCHUNK)],
                            out.at[pl.ds(c * N_PAD + off, WCHUNK)])
            return carry

        lax.fori_loop(0, ROWS_T // WCHUNK, wbody, 0)
        plsc.subcore_barrier()


def _sc_scatter(p, ew, src_pad2d):
    z = jnp.zeros((N_PAD, H), _f32)
    k = functools.partial(
        pl.kernel,
        out_type=[
            jax.ShapeDtypeStruct((NC * N_PAD, H), _f32),
            jax.ShapeDtypeStruct((NC * N_PAD, H), _f32),
        ],
        mesh=_sc_mesh(),
        scratch_types=[
            pltpu.VMEM((NCHS, CS), jnp.int32),
            pltpu.VMEM((CS, H), _f32),
            pltpu.VMEM((CS, H), _f32),
            pltpu.VMEM_SHARED((N_PAD, H), _f32),
            pltpu.SemaphoreType.DMA,
            pltpu.SemaphoreType.DMA,
        ],
    )(_scatter_kernel)
    return k(p, ew, src_pad2d, z)


B_TC = 2560
GRID_E = N_EDGES // B_TC


_bf16 = jnp.bfloat16


def _bdot(a, b):
    return jnp.dot(a, b, preferred_element_type=_f32)


def _attn_edge_kernel(hE, gs, gd, wb1a, wb1b, wb1c, bb1, wb2, bb2, wb3t, bb3,
                      wv1a, wv1b, bv1, wv2, bv2, wv3, bv3, p_o, ew_o):
    x = (_bdot(gs[...], wb1a[...])
         + _bdot(hE[...], wb1b[...])
         + _bdot(gd[...], wb1c[...])
         + bb1[...])
    x = jax.nn.gelu(x)
    x = jax.nn.gelu(_bdot(x, wb2[...]) + bb2[...])
    w = jnp.sum(x * wb3t[...], axis=1, keepdims=True) + bb3[0, 0]
    w = w * (1.0 / math.sqrt(H))
    v = (_bdot(hE[...], wv1a[...])
         + _bdot(gd[...], wv1b[...])
         + bv1[...])
    v = jax.nn.gelu(v)
    v = jax.nn.gelu(_bdot(v, wv2[...]) + bv2[...])
    v = _bdot(v, wv3[...]) + bv3[...]
    e = jnp.exp(w)
    p_o[...] = v * e
    ew_o[...] = jnp.broadcast_to(e, (B_TC, H))


def _tc_attn_edges(hE, gs, gd, pa):
    wb1 = pa["Bias"][0]["W"]
    wv1 = pa["W_V"][0]["W"]
    wb3 = pa["Bias"][2]["W"]
    args = (
        hE, gs, gd,
        wb1[:H], wb1[H:2 * H], wb1[2 * H:],
        pa["Bias"][0]["b"].reshape(1, H),
        pa["Bias"][1]["W"], pa["Bias"][1]["b"].reshape(1, H),
        wb3.T, jnp.broadcast_to(pa["Bias"][2]["b"].reshape(1, 1), (1, H)),
        wv1[:H], wv1[H:],
        pa["W_V"][0]["b"].reshape(1, H),
        pa["W_V"][1]["W"], pa["W_V"][1]["b"].reshape(1, H),
        pa["W_V"][2]["W"], pa["W_V"][2]["b"].reshape(1, H),
    )
    blk = lambda r, cdim: pl.BlockSpec((r, cdim), lambda i: (i, 0))
    cst = lambda r, cdim: pl.BlockSpec((r, cdim), lambda i: (0, 0))
    in_specs = [blk(B_TC, H)] * 3 + [
        cst(H, H), cst(H, H), cst(H, H), cst(1, H),
        cst(H, H), cst(1, H),
        cst(1, H), cst(1, H),
        cst(H, H), cst(H, H), cst(1, H),
        cst(H, H), cst(1, H),
        cst(H, H), cst(1, H),
    ]
    return pl.pallas_call(
        _attn_edge_kernel,
        grid=(GRID_E,),
        in_specs=in_specs,
        out_specs=[blk(B_TC, H), blk(B_TC, H)],
        out_shape=[
            jax.ShapeDtypeStruct((EP, H), _f32),
            jax.ShapeDtypeStruct((EP, H), _f32),
        ],
    )(*args)


def _node_kernel(num2, den2, hv, wo, g0, be0, wd0, bd0, wd1, bd1, g1, be1, out):
    num = num2[:N_NODES] + num2[N_PAD:N_PAD + N_NODES]
    den = den2[:N_NODES, 0:1] + den2[N_PAD:N_PAD + N_NODES, 0:1]
    attn = num / (den + 1e-12)
    x = hv[...] + jnp.dot(attn, wo[...], preferred_element_type=_f32)
    mu = jnp.mean(x, axis=0, keepdims=True)
    var = jnp.mean((x - mu) ** 2, axis=0, keepdims=True)
    h1 = (x - mu) / jnp.sqrt(var + 1e-5) * g0[...] + be0[...]
    nch = 5
    rows = N_NODES // nch
    ssum = jnp.zeros((1, H), _f32)
    ssq = jnp.zeros((1, H), _f32)
    for i in range(nch):
        hc = h1[i * rows:(i + 1) * rows]
        t = jax.nn.gelu(jnp.dot(hc, wd0[...], preferred_element_type=_f32) + bd0[...])
        x2 = hc + jnp.dot(t, wd1[...], preferred_element_type=_f32) + bd1[...]
        out[i * rows:(i + 1) * rows, :] = x2
        ssum = ssum + jnp.sum(x2, axis=0, keepdims=True)
        ssq = ssq + jnp.sum(x2 * x2, axis=0, keepdims=True)
    mu2 = ssum * (1.0 / N_NODES)
    var2 = ssq * (1.0 / N_NODES) - mu2 * mu2
    out[0:N_NODES, :] = ((out[0:N_NODES, :] - mu2) / jnp.sqrt(var2 + 1e-5)
                         * g1[...] + be1[...])


def _tc_node(num2, den2, hv, params):
    args = (
        num2, den2, hv,
        params["attention"]["W_O"]["W"],
        params["norm0"]["gamma"].reshape(1, H), params["norm0"]["beta"].reshape(1, H),
        params["dense0"]["W"], params["dense0"]["b"].reshape(1, 4 * H),
        params["dense1"]["W"], params["dense1"]["b"].reshape(1, H),
        params["norm1"]["gamma"].reshape(1, H), params["norm1"]["beta"].reshape(1, H),
    )
    return pl.pallas_call(
        _node_kernel,
        out_shape=jax.ShapeDtypeStruct((N_VP, H), _f32),
    )(*args)


def _edge_mlp_kernel(gs, hE, gd, w1a, w1b, w1c, b1, w2, b2, w3, b3, t_o, st_o):
    i = pl.program_id(0)

    @pl.when(i == 0)
    def _():
        st_o[...] = jnp.zeros_like(st_o)

    x = (_bdot(gs[...], w1a[...])
         + _bdot(hE[...], w1b[...])
         + _bdot(gd[...], w1c[...])
         + b1[...])
    x = jax.nn.gelu(x)
    x = jax.nn.gelu(_bdot(x, w2[...]) + b2[...])
    x = _bdot(x, w3[...]) + b3[...]
    t = hE[...] + x
    t_o[...] = t.astype(_bf16)
    st_o[0:1, :] += jnp.sum(t, axis=0, keepdims=True)
    st_o[1:2, :] += jnp.sum(t * t, axis=0, keepdims=True)


def _edge_bn_kernel(t, st, g, be, out):
    mu = st[0:1, :] * (1.0 / N_EDGES)
    var = st[1:2, :] * (1.0 / N_EDGES) - mu * mu
    out[...] = (t[...].astype(_f32) - mu) / jnp.sqrt(var + 1e-5) * g[...] + be[...]


def _tc_edge_update(gs2, hE, gd2, pe):
    w11 = pe["W11"]["W"]
    args = (
        gs2, hE, gd2,
        w11[:H], w11[H:2 * H], w11[2 * H:],
        pe["W11"]["b"].reshape(1, H),
        pe["W12"]["W"], pe["W12"]["b"].reshape(1, H),
        pe["W13"]["W"], pe["W13"]["b"].reshape(1, H),
    )
    blk = lambda: pl.BlockSpec((B_TC, H), lambda i: (i, 0))
    cst = lambda r: pl.BlockSpec((r, H), lambda i: (0, 0))
    t, st = pl.pallas_call(
        _edge_mlp_kernel,
        grid=(GRID_E,),
        in_specs=[blk()] * 3 + [cst(H), cst(H), cst(H), cst(1),
                                cst(H), cst(1), cst(H), cst(1)],
        out_specs=[blk(), pl.BlockSpec((2, H), lambda i: (0, 0))],
        out_shape=[
            jax.ShapeDtypeStruct((N_EDGES, H), _bf16),
            jax.ShapeDtypeStruct((2, H), _f32),
        ],
    )(*args)
    return pl.pallas_call(
        _edge_bn_kernel,
        grid=(GRID_E,),
        in_specs=[blk(), pl.BlockSpec((2, H), lambda i: (0, 0)),
                  cst(1), cst(1)],
        out_specs=blk(),
        out_shape=jax.ShapeDtypeStruct((N_EDGES, H), _f32),
    )(t, st, pe["norm"]["gamma"].reshape(1, H), pe["norm"]["beta"].reshape(1, H))


def kernel(h_V, h_E, params, edge_idx, batch_id):
    src = edge_idx[0].astype(jnp.int32)
    dst = edge_idx[1].astype(jnp.int32)
    pad = jnp.full((EP - N_EDGES,), N_NODES, jnp.int32)
    src_pad2d = jnp.concatenate([src, pad]).reshape(EP // CS, CS)
    dst_pad2d = jnp.concatenate([dst, pad]).reshape(EP // CS, CS)
    hvp = jnp.concatenate([h_V, jnp.zeros((N_VP - N_NODES, H), _f32)])

    gs, gd = _sc_gather(hvp, src_pad2d, dst_pad2d)
    p, ew = _tc_attn_edges(h_E, gs, gd, params["attention"])
    num2, den2 = _sc_scatter(p, ew, src_pad2d)
    hv2p = _tc_node(num2, den2, h_V, params)
    gs2, gd2 = _sc_gather(hv2p, src_pad2d, dst_pad2d)
    h_E2 = _tc_edge_update(gs2, h_E, gd2, params["edge"])
    return hv2p[:N_NODES], h_E2

# --- scband reference (transcript-rebuilt; emitter-appended) ---
"""Pipeline reference for scband-general-gnn-22170621182103 (READ-ONLY COPY).

The authoritative reference and input builder live on the scoring server;
editing this copy changes nothing except your own understanding.
"""

import jax, jax.numpy as jnp
import numpy as np

N_NODES = 10000
N_EDGES = 320000
H = 128
NUM_HEADS = 1

def _linear(p, x):
    y = x @ p["W"]
    if "b" in p:
        y = y + p["b"]
    return y

def _mlp3(ps, x):
    x = jax.nn.gelu(_linear(ps[0], x))
    x = jax.nn.gelu(_linear(ps[1], x))
    return _linear(ps[2], x)

def _bn(p, x, eps=1e-5):
    mu = jnp.mean(x, axis=0)
    var = jnp.var(x, axis=0)
    return (x - mu) / jnp.sqrt(var + eps) * p["gamma"] + p["beta"]

def _attention(p, h_V, h_E_aug, center_id):
    E = h_E_aug.shape[0]
    N = h_V.shape[0]
    d = H // NUM_HEADS
    w = _mlp3(p["Bias"], jnp.concatenate([h_V[center_id], h_E_aug], axis=-1)) * (1.0 / np.sqrt(d))
    w = w.reshape(E, NUM_HEADS, 1)
    V = _mlp3(p["W_V"], h_E_aug).reshape(E, NUM_HEADS, d)
    m = jax.ops.segment_max(w, center_id, num_segments=N)
    m = jnp.where(jnp.isfinite(m), m, 0.0)
    ew = jnp.exp(w - m[center_id])
    denom = jax.ops.segment_sum(ew, center_id, num_segments=N)
    attend = ew / (denom[center_id] + 1e-12)
    out = jax.ops.segment_sum(attend * V, center_id, num_segments=N).reshape(N, H)
    return out @ p["W_O"]["W"]

def _edge_update(p, h_V, h_E, edge_idx):
    src = edge_idx[0]
    dst = edge_idx[1]
    h_EV = jnp.concatenate([h_V[src], h_E, h_V[dst]], axis=-1)
    m = jax.nn.gelu(_linear(p["W11"], h_EV))
    m = jax.nn.gelu(_linear(p["W12"], m))
    m = _linear(p["W13"], m)
    return _bn(p["norm"], h_E + m)

def _forward(h_V, h_E, params, edge_idx, batch_id):
    src = edge_idx[0]
    dst = edge_idx[1]
    h_E_aug = jnp.concatenate([h_E, h_V[dst]], axis=-1)
    dh = _attention(params["attention"], h_V, h_E_aug, src)
    h_V = _bn(params["norm0"], h_V + dh)
    dh = _linear(params["dense1"], jax.nn.gelu(_linear(params["dense0"], h_V)))
    h_V = _bn(params["norm1"], h_V + dh)
    h_E = _edge_update(params["edge"], h_V, h_E, edge_idx)
    return h_V, h_E

def setup_inputs(seed: int = 0):
    key = jax.random.key(seed)
    ks = jax.random.split(key, 16)

    def lin(k, din, dout, bias=True):
        kw, kb = jax.random.split(k)
        p = {"W": jax.random.normal(kw, (din, dout), jnp.float32) / np.sqrt(din)}
        if bias:
            p["b"] = jnp.zeros((dout,), jnp.float32)
        return p

    def bn():
        return {"gamma": jnp.ones((H,), jnp.float32), "beta": jnp.zeros((H,), jnp.float32)}

    params = {
        "attention": {
            "W_V": [lin(ks[0], 2 * H, H), lin(ks[1], H, H), lin(ks[2], H, H)],
            "Bias": [lin(ks[3], 3 * H, H), lin(ks[4], H, H), lin(ks[5], H, NUM_HEADS)],
            "W_O": {"W": jax.random.normal(ks[6], (H, H), jnp.float32) / np.sqrt(H)},
        },
        "norm0": bn(),
        "norm1": bn(),
        "dense0": lin(ks[7], H, 4 * H),
        "dense1": lin(ks[8], 4 * H, H),
        "edge": {"W11": lin(ks[9], 3 * H, H), "W12": lin(ks[10], H, H), "W13": lin(ks[11], H, H), "norm": bn()},
    }
    h_V = jax.random.normal(ks[12], (N_NODES, H), jnp.float32)
    h_E = jax.random.normal(ks[13], (N_EDGES, H), jnp.float32)
    edge_idx = jax.random.randint(ks[14], (2, N_EDGES), 0, N_NODES)
    batch_id = jnp.sort(jax.random.randint(ks[15], (N_NODES,), 0, 16))
    return {"h_V": h_V, "h_E": h_E, "params": params, "edge_idx": edge_idx, "batch_id": batch_id}

def reference(h_V, h_E, params, edge_idx, batch_id):
    return _forward(h_V, h_E, params, edge_idx, batch_id)

if __name__ == "__main__":
    import jax
    _d = setup_inputs()
    print(jax.jit(kernel)(*tuple(_d.values())))

</pallas_src>

<mosaic_0001>
#map = affine_map<(d0, d1) -> (0, 0)>
module attributes {stable_mosaic.version = 14 : i64} {
  func.func @_gather_kernel(%arg0: i32, %arg1: i32, %arg2: memref<10240x128xf32, #tpu.memory_space<hbm>>, %arg3: memref<2560x128xi32, #tpu.memory_space<hbm>>, %arg4: memref<2560x128xi32, #tpu.memory_space<hbm>>, %arg5: memref<327680x128xf32, #tpu.memory_space<hbm>>, %arg6: memref<327680x128xf32, #tpu.memory_space<hbm>>, %arg7: memref<80x128xi32, #tpu.memory_space<vmem>>, %arg8: memref<128x128xf32, #tpu.memory_space<vmem>>, %arg9: memref<128x128xf32, #tpu.memory_space<vmem>>, %arg10: memref<10240x128xf32, #tpu.memory_space<vmem_shared>>, %arg11: memref<!tpu.dma_semaphore, #tpu.memory_space<semaphore_mem>>, %arg12: memref<!tpu.dma_semaphore, #tpu.memory_space<semaphore_mem>>) attributes {dimension_semantics = [#tpu.dimension_semantics<core_parallel>, #tpu.dimension_semantics<subcore_parallel>], iteration_bounds = array<i64: 2, 16>, scalar_prefetch = 0 : i64, scratch_operands = 6 : i64, tpu.core_type = #tpu.core_type<sc_vector_subcore>, window_params = [{transform_indices = #map}, {transform_indices = #map}, {transform_indices = #map}, {transform_indices = #map}, {transform_indices = #map}]} {
    %mul3A = arith.constant 2 : i32
    %mul3A_0 = arith.muli %arg1, %mul3A : i32
    %add3A = arith.addi %mul3A_0, %arg0 : i32
    %mul3A_1 = arith.constant 640 : i32
    %mul3A_2 = arith.muli %arg1, %mul3A_1 : i32
    %scan3A = arith.constant 0 : i32
    %scan3A_3 = arith.constant 0 : i32
    %scan3A_4 = arith.constant 8 : i32
    %scan3A_5 = arith.addi %scan3A_3, %scan3A_4 : i32
    %scan3A_6 = arith.constant 1 : i32
    scf.for %scan3A_94 = %scan3A_3 to %scan3A_5 step %scan3A_6  : i32 {
      %mul3A_95 = arith.constant 80 : i32
      %mul3A_96 = arith.muli %scan3A_94, %mul3A_95 : i32
      %add3A_97 = arith.addi %mul3A_2, %mul3A_96 : i32
      "tpu.region"() ({
        %run_scoped3A = tpu.sem_alloc : memref<!tpu.dma_semaphore, #tpu.memory_space<semaphore_mem>>
        %dma_start3A_98 = arith.constant 0 : i32
        %dma_start3A_99 = arith.constant 0 : i32
        %dma_start3A_100 = tpu.memref_slice %arg8[%dma_start3A_98, %dma_start3A_99] : memref<128x128xf32, #tpu.memory_space<vmem>> -> memref<80x128xf32, #tpu.memory_space<vmem>>
        %dma_start3A_101 = arith.constant 0 : i32
        %dma_start3A_102 = tpu.memref_slice %arg2[%add3A_97, %dma_start3A_101] : memref<10240x128xf32, #tpu.memory_space<hbm>> -> memref<80x128xf32, #tpu.memory_space<hbm>>
        %dma_start3A_103 = arith.constant 0 : i32
        %dma_start3A_104 = arith.constant 0 : i32
        %dma_start3A_105 = tpu.memref_slice %arg8[%dma_start3A_103, %dma_start3A_104] : memref<128x128xf32, #tpu.memory_space<vmem>> -> memref<80x128xf32, #tpu.memory_space<vmem>>
        %dma_start3A_106 = arith.constant 0 : i32
        %dma_start3A_107 = tpu.memref_slice %arg2[%add3A_97, %dma_start3A_106] : memref<10240x128xf32, #tpu.memory_space<hbm>> -> memref<80x128xf32, #tpu.memory_space<hbm>>
        tpu.enqueue_dma source(%dma_start3A_107 : memref<80x128xf32, #tpu.memory_space<hbm>>) target(%dma_start3A_105 : memref<80x128xf32, #tpu.memory_space<vmem>>) target_semaphore(%run_scoped3A : memref<!tpu.dma_semaphore, #tpu.memory_space<semaphore_mem>>)
        %dma_wait3A_108 = arith.constant 0 : i32
        %dma_wait3A_109 = arith.constant 0 : i32
        %dma_wait3A_110 = tpu.memref_slice %arg8[%dma_wait3A_108, %dma_wait3A_109] : memref<128x128xf32, #tpu.memory_space<vmem>> -> memref<80x128xf32, #tpu.memory_space<vmem>>
        %dma_wait3A_111 = arith.constant 0 : i32
        %dma_wait3A_112 = tpu.memref_slice %arg2[%add3A_97, %dma_wait3A_111] : memref<10240x128xf32, #tpu.memory_space<hbm>> -> memref<80x128xf32, #tpu.memory_space<hbm>>
        %dma_wait3A_113 = arith.constant 0 : i32
        %dma_wait3A_114 = arith.constant 0 : i32
        %dma_wait3A_115 = tpu.memref_slice %arg8[%dma_wait3A_113, %dma_wait3A_114] : memref<128x128xf32, #tpu.memory_space<vmem>> -> memref<80x128xf32, #tpu.memory_space<vmem>>
        %dma_wait3A_116 = arith.constant 0 : i32
        %dma_wait3A_117 = tpu.memref_slice %arg2[%add3A_97, %dma_wait3A_116] : memref<10240x128xf32, #tpu.memory_space<hbm>> -> memref<80x128xf32, #tpu.memory_space<hbm>>
        tpu.wait_dma2 semaphore(%run_scoped3A : memref<!tpu.dma_semaphore, #tpu.memory_space<semaphore_mem>>) src(%dma_wait3A_117 : memref<80x128xf32, #tpu.memory_space<hbm>>) dst(%dma_wait3A_115 : memref<80x128xf32, #tpu.memory_space<vmem>>)
        tpu.yield
      }) : () -> ()
      "tpu.region"() ({
        %run_scoped3A = tpu.sem_alloc : memref<!tpu.dma_semaphore, #tpu.memory_space<semaphore_mem>>
        %dma_start3A_98 = arith.constant 0 : i32
        %dma_start3A_99 = arith.constant 0 : i32
        %dma_start3A_100 = tpu.memref_slice %arg8[%dma_start3A_98, %dma_start3A_99] : memref<128x128xf32, #tpu.memory_space<vmem>> -> memref<80x128xf32, #tpu.memory_space<vmem>>
        %dma_start3A_101 = arith.constant 0 : i32
        %dma_start3A_102 = tpu.memref_slice %arg10[%add3A_97, %dma_start3A_101] : memref<10240x128xf32, #tpu.memory_space<vmem_shared>> -> memref<80x128xf32, #tpu.memory_space<vmem_shared>>
        %dma_start3A_103 = arith.constant 0 : i32
        %dma_start3A_104 = tpu.memref_slice %arg10[%add3A_97, %dma_start3A_103] : memref<10240x128xf32, #tpu.memory_space<vmem_shared>> -> memref<80x128xf32, #tpu.memory_space<vmem_shared>>
        %dma_start3A_105 = arith.constant 0 : i32
        %dma_start3A_106 = arith.constant 0 : i32
        %dma_start3A_107 = tpu.memref_slice %arg8[%dma_start3A_105, %dma_start3A_106] : memref<128x128xf32, #tpu.memory_space<vmem>> -> memref<80x128xf32, #tpu.memory_space<vmem>>
        tpu.enqueue_dma source(%dma_start3A_107 : memref<80x128xf32, #tpu.memory_space<vmem>>) target(%dma_start3A_104 : memref<80x128xf32, #tpu.memory_space<vmem_shared>>) target_semaphore(%run_scoped3A : memref<!tpu.dma_semaphore, #tpu.memory_space<semaphore_mem>>)
        %dma_wait3A_108 = arith.constant 0 : i32
        %dma_wait3A_109 = arith.constant 0 : i32
        %dma_wait3A_110 = tpu.memref_slice %arg8[%dma_wait3A_108, %dma_wait3A_109] : memref<128x128xf32, #tpu.memory_space<vmem>> -> memref<80x128xf32, #tpu.memory_space<vmem>>
        %dma_wait3A_111 = arith.constant 0 : i32
        %dma_wait3A_112 = tpu.memref_slice %arg10[%add3A_97, %dma_wait3A_111] : memref<10240x128xf32, #tpu.memory_space<vmem_shared>> -> memref<80x128xf32, #tpu.memory_space<vmem_shared>>
        %dma_wait3A_113 = arith.constant 0 : i32
        %dma_wait3A_114 = tpu.memref_slice %arg10[%add3A_97, %dma_wait3A_113] : memref<10240x128xf32, #tpu.memory_space<vmem_shared>> -> memref<80x128xf32, #tpu.memory_space<vmem_shared>>
        %dma_wait3A_115 = arith.constant 0 : i32
        %dma_wait3A_116 = arith.constant 0 : i32
        %dma_wait3A_117 = tpu.memref_slice %arg8[%dma_wait3A_115, %dma_wait3A_116] : memref<128x128xf32, #tpu.memory_space<vmem>> -> memref<80x128xf32, #tpu.memory_space<vmem>>
        tpu.wait_dma2 semaphore(%run_scoped3A : memref<!tpu.dma_semaphore, #tpu.memory_space<semaphore_mem>>) src(%dma_wait3A_117 : memref<80x128xf32, #tpu.memory_space<vmem>>) dst(%dma_wait3A_114 : memref<80x128xf32, #tpu.memory_space<vmem_shared>>)
        tpu.yield
      }) : () -> ()
    }
    %scan3A_7 = arith.constant 8 : i32
    %barrier3A = arith.constant 0 : index
    tpu.barrier barrier_id(%barrier3A)
    %mul3A_8 = arith.constant 80 : i32
    %mul3A_9 = arith.muli %add3A, %mul3A_8 : i32
    "tpu.region"() ({
      %run_scoped3A = tpu.sem_alloc : memref<!tpu.dma_semaphore, #tpu.memory_space<semaphore_mem>>
      %dma_start3A_94 = arith.constant 0 : i32
      %dma_start3A_95 = tpu.memref_slice %arg3[%mul3A_9, %dma_start3A_94] : memref<2560x128xi32, #tpu.memory_space<hbm>> -> memref<80x128xi32, #tpu.memory_space<hbm>>
      %dma_start3A_96 = arith.constant 0 : i32
      %dma_start3A_97 = tpu.memref_slice %arg3[%mul3A_9, %dma_start3A_96] : memref<2560x128xi32, #tpu.memory_space<hbm>> -> memref<80x128xi32, #tpu.memory_space<hbm>>
      tpu.enqueue_dma source(%dma_start3A_97 : memref<80x128xi32, #tpu.memory_space<hbm>>) target(%arg7 : memref<80x128xi32, #tpu.memory_space<vmem>>) target_semaphore(%run_scoped3A : memref<!tpu.dma_semaphore, #tpu.memory_space<semaphore_mem>>)
      %dma_wait3A_98 = arith.constant 0 : i32
      %dma_wait3A_99 = tpu.memref_slice %arg3[%mul3A_9, %dma_wait3A_98] : memref<2560x128xi32, #tpu.memory_space<hbm>> -> memref<80x128xi32, #tpu.memory_space<hbm>>
      %dma_wait3A_100 = arith.constant 0 : i32
      %dma_wait3A_101 = tpu.memref_slice %arg3[%mul3A_9, %dma_wait3A_100] : memref<2560x128xi32, #tpu.memory_space<hbm>> -> memref<80x128xi32, #tpu.memory_space<hbm>>
      tpu.wait_dma2 semaphore(%run_scoped3A : memref<!tpu.dma_semaphore, #tpu.memory_space<semaphore_mem>>) src(%dma_wait3A_101 : memref<80x128xi32, #tpu.memory_space<hbm>>) dst(%arg7 : memref<80x128xi32, #tpu.memory_space<vmem>>)
      tpu.yield
    }) : () -> ()
    %dma_start3A = arith.constant 0 : i32
    %dma_start3A_10 = arith.constant 0 : i32
    %dma_start3A_11 = tpu.memref_slice %arg7[%dma_start3A, %dma_start3A_10] : memref<80x128xi32, #tpu.memory_space<vmem>> -> memref<1x128xi32, #tpu.memory_space<vmem>>
    %dma_start3A_12 = tpu.memref_squeeze %dma_start3A_11 : memref<1x128xi32, #tpu.memory_space<vmem>> -> memref<128xi32, #tpu.memory_space<vmem>>
    %dma_start3A_13 = arith.constant 0 : i32
    %dma_start3A_14 = arith.constant 0 : i32
    %dma_start3A_15 = tpu.memref_slice %arg10[%dma_start3A_13, %dma_start3A_14] : memref<10240x128xf32, #tpu.memory_space<vmem_shared>> -> memref<10240x128xf32, #tpu.memory_space<vmem_shared>>
    tpu.enqueue_indirect_dma source(%dma_start3A_15 : memref<10240x128xf32, #tpu.memory_space<vmem_shared>>) target(%arg8 : memref<128x128xf32, #tpu.memory_space<vmem>>) offsets(%dma_start3A_12 : memref<128xi32, #tpu.memory_space<vmem>>) semaphore(%arg11 : memref<!tpu.dma_semaphore, #tpu.memory_space<semaphore_mem>>)
    %scan3A_16 = arith.constant 0 : i32
    %scan3A_17 = arith.constant 0 : i32
    %scan3A_18 = arith.constant 39 : i32
    %scan3A_19 = arith.addi %scan3A_17, %scan3A_18 : i32
    %scan3A_20 = arith.constant 1 : i32
    scf.for %scan3A_94 = %scan3A_17 to %scan3A_19 step %scan3A_20  : i32 {
      %mul3A_95 = arith.constant 2 : i32
      %mul3A_96 = arith.muli %scan3A_94, %mul3A_95 : i32
      %add3A_97 = arith.constant 1 : i32
      %add3A_98 = arith.addi %mul3A_96, %add3A_97 : i32
      %dma_start3A_99 = arith.constant 0 : i32
      %dma_start3A_100 = tpu.memref_slice %arg7[%add3A_98, %dma_start3A_99] : memref<80x128xi32, #tpu.memory_space<vmem>> -> memref<1x128xi32, #tpu.memory_space<vmem>>
      %dma_start3A_101 = tpu.memref_squeeze %dma_start3A_100 : memref<1x128xi32, #tpu.memory_space<vmem>> -> memref<128xi32, #tpu.memory_space<vmem>>
      %dma_start3A_102 = arith.constant 0 : i32
      %dma_start3A_103 = arith.constant 0 : i32
      %dma_start3A_104 = tpu.memref_slice %arg10[%dma_start3A_102, %dma_start3A_103] : memref<10240x128xf32, #tpu.memory_space<vmem_shared>> -> memref<10240x128xf32, #tpu.memory_space<vmem_shared>>
      tpu.enqueue_indirect_dma source(%dma_start3A_104 : memref<10240x128xf32, #tpu.memory_space<vmem_shared>>) target(%arg9 : memref<128x128xf32, #tpu.memory_space<vmem>>) offsets(%dma_start3A_101 : memref<128xi32, #tpu.memory_space<vmem>>) semaphore(%arg12 : memref<!tpu.dma_semaphore, #tpu.memory_space<semaphore_mem>>)
      %dma_wait3A_105 = arith.constant 0 : i32
      %dma_wait3A_106 = arith.constant 0 : i32
      %dma_wait3A_107 = tpu.memref_slice %arg7[%dma_wait3A_105, %dma_wait3A_106] : memref<80x128xi32, #tpu.memory_space<vmem>> -> memref<1x128xi32, #tpu.memory_space<vmem>>
      %dma_wait3A_108 = tpu.memref_squeeze %dma_wait3A_107 : memref<1x128xi32, #tpu.memory_space<vmem>> -> memref<128xi32, #tpu.memory_space<vmem>>
      %dma_wait3A_109 = arith.constant 0 : i32
      %dma_wait3A_110 = arith.constant 0 : i32
      %dma_wait3A_111 = tpu.memref_slice %arg10[%dma_wait3A_109, %dma_wait3A_110] : memref<10240x128xf32, #tpu.memory_space<vmem_shared>> -> memref<10240x128xf32, #tpu.memory_space<vmem_shared>>
      tpu.wait_indirect_dma semaphore(%arg11 : memref<!tpu.dma_semaphore, #tpu.memory_space<semaphore_mem>>) src(%dma_wait3A_111 : memref<10240x128xf32, #tpu.memory_space<vmem_shared>>) dst(%arg8 : memref<128x128xf32, #tpu.memory_space<vmem>>)
      %mul3A_112 = arith.constant 10240 : i32
      %mul3A_113 = arith.muli %add3A, %mul3A_112 : i32
      %mul3A_114 = arith.constant 128 : i32
      %mul3A_115 = arith.muli %mul3A_96, %mul3A_114 : i32
      %add3A_116 = arith.addi %mul3A_113, %mul3A_115 : i32
      "tpu.region"() ({
        %run_scoped3A = tpu.sem_alloc : memref<!tpu.dma_semaphore, #tpu.memory_space<semaphore_mem>>
        %dma_start3A_139 = arith.constant 0 : i32
        %dma_start3A_140 = tpu.memref_slice %arg5[%add3A_116, %dma_start3A_139] : memref<327680x128xf32, #tpu.memory_space<hbm>> -> memref<128x128xf32, #tpu.memory_space<hbm>>
        %dma_start3A_141 = arith.constant 0 : i32
        %dma_start3A_142 = tpu.memref_slice %arg5[%add3A_116, %dma_start3A_141] : memref<327680x128xf32, #tpu.memory_space<hbm>> -> memref<128x128xf32, #tpu.memory_space<hbm>>
        tpu.enqueue_dma source(%arg8 : memref<128x128xf32, #tpu.memory_space<vmem>>) target(%dma_start3A_142 : memref<128x128xf32, #tpu.memory_space<hbm>>) target_semaphore(%run_scoped3A : memref<!tpu.dma_semaphore, #tpu.memory_space<semaphore_mem>>)
        %dma_wait3A_143 = arith.constant 0 : i32
        %dma_wait3A_144 = tpu.memref_slice %arg5[%add3A_116, %dma_wait3A_143] : memref<327680x128xf32, #tpu.memory_space<hbm>> -> memref<128x128xf32, #tpu.memory_space<hbm>>
        %dma_wait3A_145 = arith.constant 0 : i32
        %dma_wait3A_146 = tpu.memref_slice %arg5[%add3A_116, %dma_wait3A_145] : memref<327680x128xf32, #tpu.memory_space<hbm>> -> memref<128x128xf32, #tpu.memory_space<hbm>>
        tpu.wait_dma2 semaphore(%run_scoped3A : memref<!tpu.dma_semaphore, #tpu.memory_space<semaphore_mem>>) src(%arg8 : memref<128x128xf32, #tpu.memory_space<vmem>>) dst(%dma_wait3A_146 : memref<128x128xf32, #tpu.memory_space<hbm>>)
        tpu.yield
      }) : () -> ()
      %add3A_117 = arith.constant 2 : i32
      %add3A_118 = arith.addi %mul3A_96, %add3A_117 : i32
      %dma_start3A_119 = arith.constant 0 : i32
      %dma_start3A_120 = tpu.memref_slice %arg7[%add3A_118, %dma_start3A_119] : memref<80x128xi32, #tpu.memory_space<vmem>> -> memref<1x128xi32, #tpu.memory_space<vmem>>
      %dma_start3A_121 = tpu.memref_squeeze %dma_start3A_120 : memref<1x128xi32, #tpu.memory_space<vmem>> -> memref<128xi32, #tpu.memory_space<vmem>>
      %dma_start3A_122 = arith.constant 0 : i32
      %dma_start3A_123 = arith.constant 0 : i32
      %dma_start3A_124 = tpu.memref_slice %arg10[%dma_start3A_122, %dma_start3A_123] : memref<10240x128xf32, #tpu.memory_space<vmem_shared>> -> memref<10240x128xf32, #tpu.memory_space<vmem_shared>>
      tpu.enqueue_indirect_dma source(%dma_start3A_124 : memref<10240x128xf32, #tpu.memory_space<vmem_shared>>) target(%arg8 : memref<128x128xf32, #tpu.memory_space<vmem>>) offsets(%dma_start3A_121 : memref<128xi32, #tpu.memory_space<vmem>>) semaphore(%arg11 : memref<!tpu.dma_semaphore, #tpu.memory_space<semaphore_mem>>)
      %add3A_125 = arith.constant 1 : i32
      %add3A_126 = arith.addi %mul3A_96, %add3A_125 : i32
      %dma_wait3A_127 = arith.constant 0 : i32
      %dma_wait3A_128 = arith.constant 0 : i32
      %dma_wait3A_129 = tpu.memref_slice %arg7[%dma_wait3A_127, %dma_wait3A_128] : memref<80x128xi32, #tpu.memory_space<vmem>> -> memref<1x128xi32, #tpu.memory_space<vmem>>
      %dma_wait3A_130 = tpu.memref_squeeze %dma_wait3A_129 : memref<1x128xi32, #tpu.memory_space<vmem>> -> memref<128xi32, #tpu.memory_space<vmem>>
      %dma_wait3A_131 = arith.constant 0 : i32
      %dma_wait3A_132 = arith.constant 0 : i32
      %dma_wait3A_133 = tpu.memref_slice %arg10[%dma_wait3A_131, %dma_wait3A_132] : memref<10240x128xf32, #tpu.memory_space<vmem_shared>> -> memref<10240x128xf32, #tpu.memory_space<vmem_shared>>
      tpu.wait_indirect_dma semaphore(%arg12 : memref<!tpu.dma_semaphore, #tpu.memory_space<semaphore_mem>>) src(%dma_wait3A_133 : memref<10240x128xf32, #tpu.memory_space<vmem_shared>>) dst(%arg9 : memref<128x128xf32, #tpu.memory_space<vmem>>)
      %mul3A_134 = arith.constant 10240 : i32
      %mul3A_135 = arith.muli %add3A, %mul3A_134 : i32
      %mul3A_136 = arith.constant 128 : i32
      %mul3A_137 = arith.muli %add3A_126, %mul3A_136 : i32
      %add3A_138 = arith.addi %mul3A_135, %mul3A_137 : i32
      "tpu.region"() ({
        %run_scoped3A = tpu.sem_alloc : memref<!tpu.dma_semaphore, #tpu.memory_space<semaphore_mem>>
        %dma_start3A_139 = arith.constant 0 : i32
        %dma_start3A_140 = tpu.memref_slice %arg5[%add3A_138, %dma_start3A_139] : memref<327680x128xf32, #tpu.memory_space<hbm>> -> memref<128x128xf32, #tpu.memory_space<hbm>>
        %dma_start3A_141 = arith.constant 0 : i32
        %dma_start3A_142 = tpu.memref_slice %arg5[%add3A_138, %dma_start3A_141] : memref<327680x128xf32, #tpu.memory_space<hbm>> -> memref<128x128xf32, #tpu.memory_space<hbm>>
        tpu.enqueue_dma source(%arg9 : memref<128x128xf32, #tpu.memory_space<vmem>>) target(%dma_start3A_142 : memref<128x128xf32, #tpu.memory_space<hbm>>) target_semaphore(%run_scoped3A : memref<!tpu.dma_semaphore, #tpu.memory_space<semaphore_mem>>)
        %dma_wait3A_143 = arith.constant 0 : i32
        %dma_wait3A_144 = tpu.memref_slice %arg5[%add3A_138, %dma_wait3A_143] : memref<327680x128xf32, #tpu.memory_space<hbm>> -> memref<128x128xf32, #tpu.memory_space<hbm>>
        %dma_wait3A_145 = arith.constant 0 : i32
        %dma_wait3A_146 = tpu.memref_slice %arg5[%add3A_138, %dma_wait3A_145] : memref<327680x128xf32, #tpu.memory_space<hbm>> -> memref<128x128xf32, #tpu.memory_space<hbm>>
        tpu.wait_dma2 semaphore(%run_scoped3A : memref<!tpu.dma_semaphore, #tpu.memory_space<semaphore_mem>>) src(%arg9 : memref<128x128xf32, #tpu.memory_space<vmem>>) dst(%dma_wait3A_146 : memref<128x128xf32, #tpu.memory_space<hbm>>)
        tpu.yield
      }) : () -> ()
    }
    %scan3A_21 = arith.constant 39 : i32
    %dma_start3A_22 = arith.constant 79 : i32
    %dma_start3A_23 = arith.constant 0 : i32
    %dma_start3A_24 = tpu.memref_slice %arg7[%dma_start3A_22, %dma_start3A_23] : memref<80x128xi32, #tpu.memory_space<vmem>> -> memref<1x128xi32, #tpu.memory_space<vmem>>
    %dma_start3A_25 = tpu.memref_squeeze %dma_start3A_24 : memref<1x128xi32, #tpu.memory_space<vmem>> -> memref<128xi32, #tpu.memory_space<vmem>>
    %dma_start3A_26 = arith.constant 0 : i32
    %dma_start3A_27 = arith.constant 0 : i32
    %dma_start3A_28 = tpu.memref_slice %arg10[%dma_start3A_26, %dma_start3A_27] : memref<10240x128xf32, #tpu.memory_space<vmem_shared>> -> memref<10240x128xf32, #tpu.memory_space<vmem_shared>>
    tpu.enqueue_indirect_dma source(%dma_start3A_28 : memref<10240x128xf32, #tpu.memory_space<vmem_shared>>) target(%arg9 : memref<128x128xf32, #tpu.memory_space<vmem>>) offsets(%dma_start3A_25 : memref<128xi32, #tpu.memory_space<vmem>>) semaphore(%arg12 : memref<!tpu.dma_semaphore, #tpu.memory_space<semaphore_mem>>)
    %dma_wait3A = arith.constant 0 : i32
    %dma_wait3A_29 = arith.constant 0 : i32
    %dma_wait3A_30 = tpu.memref_slice %arg7[%dma_wait3A, %dma_wait3A_29] : memref<80x128xi32, #tpu.memory_space<vmem>> -> memref<1x128xi32, #tpu.memory_space<vmem>>
    %dma_wait3A_31 = tpu.memref_squeeze %dma_wait3A_30 : memref<1x128xi32, #tpu.memory_space<vmem>> -> memref<128xi32, #tpu.memory_space<vmem>>
    %dma_wait3A_32 = arith.constant 0 : i32
    %dma_wait3A_33 = arith.constant 0 : i32
    %dma_wait3A_34 = tpu.memref_slice %arg10[%dma_wait3A_32, %dma_wait3A_33] : memref<10240x128xf32, #tpu.memory_space<vmem_shared>> -> memref<10240x128xf32, #tpu.memory_space<vmem_shared>>
    tpu.wait_indirect_dma semaphore(%arg11 : memref<!tpu.dma_semaphore, #tpu.memory_space<semaphore_mem>>) src(%dma_wait3A_34 : memref<10240x128xf32, #tpu.memory_space<vmem_shared>>) dst(%arg8 : memref<128x128xf32, #tpu.memory_space<vmem>>)
    %mul3A_35 = arith.constant 10240 : i32
    %mul3A_36 = arith.muli %add3A, %mul3A_35 : i32
    %add3A_37 = arith.constant 9984 : i32
    %add3A_38 = arith.addi %mul3A_36, %add3A_37 : i32
    "tpu.region"() ({
      %run_scoped3A = tpu.sem_alloc : memref<!tpu.dma_semaphore, #tpu.memory_space<semaphore_mem>>
      %dma_start3A_94 = arith.constant 0 : i32
      %dma_start3A_95 = tpu.memref_slice %arg5[%add3A_38, %dma_start3A_94] : memref<327680x128xf32, #tpu.memory_space<hbm>> -> memref<128x128xf32, #tpu.memory_space<hbm>>
      %dma_start3A_96 = arith.constant 0 : i32
      %dma_start3A_97 = tpu.memref_slice %arg5[%add3A_38, %dma_start3A_96] : memref<327680x128xf32, #tpu.memory_space<hbm>> -> memref<128x128xf32, #tpu.memory_space<hbm>>
      tpu.enqueue_dma source(%arg8 : memref<128x128xf32, #tpu.memory_space<vmem>>) target(%dma_start3A_97 : memref<128x128xf32, #tpu.memory_space<hbm>>) target_semaphore(%run_scoped3A : memref<!tpu.dma_semaphore, #tpu.memory_space<semaphore_mem>>)
      %dma_wait3A_98 = arith.constant 0 : i32
      %dma_wait3A_99 = tpu.memref_slice %arg5[%add3A_38, %dma_wait3A_98] : memref<327680x128xf32, #tpu.memory_space<hbm>> -> memref<128x128xf32, #tpu.memory_space<hbm>>
      %dma_wait3A_100 = arith.constant 0 : i32
      %dma_wait3A_101 = tpu.memref_slice %arg5[%add3A_38, %dma_wait3A_100] : memref<327680x128xf32, #tpu.memory_space<hbm>> -> memref<128x128xf32, #tpu.memory_space<hbm>>
      tpu.wait_dma2 semaphore(%run_scoped3A : memref<!tpu.dma_semaphore, #tpu.memory_space<semaphore_mem>>) src(%arg8 : memref<128x128xf32, #tpu.memory_space<vmem>>) dst(%dma_wait3A_101 : memref<128x128xf32, #tpu.memory_space<hbm>>)
      tpu.yield
    }) : () -> ()
    %dma_wait3A_39 = arith.constant 0 : i32
    %dma_wait3A_40 = arith.constant 0 : i32
    %dma_wait3A_41 = tpu.memref_slice %arg7[%dma_wait3A_39, %dma_wait3A_40] : memref<80x128xi32, #tpu.memory_space<vmem>> -> memref<1x128xi32, #tpu.memory_space<vmem>>
    %dma_wait3A_42 = tpu.memref_squeeze %dma_wait3A_41 : memref<1x128xi32, #tpu.memory_space<vmem>> -> memref<128xi32, #tpu.memory_space<vmem>>
    %dma_wait3A_43 = arith.constant 0 : i32
    %dma_wait3A_44 = arith.constant 0 : i32
    %dma_wait3A_45 = tpu.memref_slice %arg10[%dma_wait3A_43, %dma_wait3A_44] : memref<10240x128xf32, #tpu.memory_space<vmem_shared>> -> memref<10240x128xf32, #tpu.memory_space<vmem_shared>>
    tpu.wait_indirect_dma semaphore(%arg12 : memref<!tpu.dma_semaphore, #tpu.memory_space<semaphore_mem>>) src(%dma_wait3A_45 : memref<10240x128xf32, #tpu.memory_space<vmem_shared>>) dst(%arg9 : memref<128x128xf32, #tpu.memory_space<vmem>>)
    %mul3A_46 = arith.constant 10240 : i32
    %mul3A_47 = arith.muli %add3A, %mul3A_46 : i32
    %add3A_48 = arith.constant 10112 : i32
    %add3A_49 = arith.addi %mul3A_47, %add3A_48 : i32
    "tpu.region"() ({
      %run_scoped3A = tpu.sem_alloc : memref<!tpu.dma_semaphore, #tpu.memory_space<semaphore_mem>>
      %dma_start3A_94 = arith.constant 0 : i32
      %dma_start3A_95 = tpu.memref_slice %arg5[%add3A_49, %dma_start3A_94] : memref<327680x128xf32, #tpu.memory_space<hbm>> -> memref<128x128xf32, #tpu.memory_space<hbm>>
      %dma_start3A_96 = arith.constant 0 : i32
      %dma_start3A_97 = tpu.memref_slice %arg5[%add3A_49, %dma_start3A_96] : memref<327680x128xf32, #tpu.memory_space<hbm>> -> memref<128x128xf32, #tpu.memory_space<hbm>>
      tpu.enqueue_dma source(%arg9 : memref<128x128xf32, #tpu.memory_space<vmem>>) target(%dma_start3A_97 : memref<128x128xf32, #tpu.memory_space<hbm>>) target_semaphore(%run_scoped3A : memref<!tpu.dma_semaphore, #tpu.memory_space<semaphore_mem>>)
      %dma_wait3A_98 = arith.constant 0 : i32
      %dma_wait3A_99 = tpu.memref_slice %arg5[%add3A_49, %dma_wait3A_98] : memref<327680x128xf32, #tpu.memory_space<hbm>> -> memref<128x128xf32, #tpu.memory_space<hbm>>
      %dma_wait3A_100 = arith.constant 0 : i32
      %dma_wait3A_101 = tpu.memref_slice %arg5[%add3A_49, %dma_wait3A_100] : memref<327680x128xf32, #tpu.memory_space<hbm>> -> memref<128x128xf32, #tpu.memory_space<hbm>>
      tpu.wait_dma2 semaphore(%run_scoped3A : memref<!tpu.dma_semaphore, #tpu.memory_space<semaphore_mem>>) src(%arg9 : memref<128x128xf32, #tpu.memory_space<vmem>>) dst(%dma_wait3A_101 : memref<128x128xf32, #tpu.memory_space<hbm>>)
      tpu.yield
    }) : () -> ()
    %mul3A_50 = arith.constant 80 : i32
    %mul3A_51 = arith.muli %add3A, %mul3A_50 : i32
    "tpu.region"() ({
      %run_scoped3A = tpu.sem_alloc : memref<!tpu.dma_semaphore, #tpu.memory_space<semaphore_mem>>
      %dma_start3A_94 = arith.constant 0 : i32
      %dma_start3A_95 = tpu.memref_slice %arg4[%mul3A_51, %dma_start3A_94] : memref<2560x128xi32, #tpu.memory_space<hbm>> -> memref<80x128xi32, #tpu.memory_space<hbm>>
      %dma_start3A_96 = arith.constant 0 : i32
      %dma_start3A_97 = tpu.memref_slice %arg4[%mul3A_51, %dma_start3A_96] : memref<2560x128xi32, #tpu.memory_space<hbm>> -> memref<80x128xi32, #tpu.memory_space<hbm>>
      tpu.enqueue_dma source(%dma_start3A_97 : memref<80x128xi32, #tpu.memory_space<hbm>>) target(%arg7 : memref<80x128xi32, #tpu.memory_space<vmem>>) target_semaphore(%run_scoped3A : memref<!tpu.dma_semaphore, #tpu.memory_space<semaphore_mem>>)
      %dma_wait3A_98 = arith.constant 0 : i32
      %dma_wait3A_99 = tpu.memref_slice %arg4[%mul3A_51, %dma_wait3A_98] : memref<2560x128xi32, #tpu.memory_space<hbm>> -> memref<80x128xi32, #tpu.memory_space<hbm>>
      %dma_wait3A_100 = arith.constant 0 : i32
      %dma_wait3A_101 = tpu.memref_slice %arg4[%mul3A_51, %dma_wait3A_100] : memref<2560x128xi32, #tpu.memory_space<hbm>> -> memref<80x128xi32, #tpu.memory_space<hbm>>
      tpu.wait_dma2 semaphore(%run_scoped3A : memref<!tpu.dma_semaphore, #tpu.memory_space<semaphore_mem>>) src(%dma_wait3A_101 : memref<80x128xi32, #tpu.memory_space<hbm>>) dst(%arg7 : memref<80x128xi32, #tpu.memory_space<vmem>>)
      tpu.yield
    }) : () -> ()
    %dma_start3A_52 = arith.constant 0 : i32
    %dma_start3A_53 = arith.constant 0 : i32
    %dma_start3A_54 = tpu.memref_slice %arg7[%dma_start3A_52, %dma_start3A_53] : memref<80x128xi32, #tpu.memory_space<vmem>> -> memref<1x128xi32, #tpu.memory_space<vmem>>
    %dma_start3A_55 = tpu.memref_squeeze %dma_start3A_54 : memref<1x128xi32, #tpu.memory_space<vmem>> -> memref<128xi32, #tpu.memory_space<vmem>>
    %dma_start3A_56 = arith.constant 0 : i32
    %dma_start3A_57 = arith.constant 0 : i32
    %dma_start3A_58 = tpu.memref_slice %arg10[%dma_start3A_56, %dma_start3A_57] : memref<10240x128xf32, #tpu.memory_space<vmem_shared>> -> memref<10240x128xf32, #tpu.memory_space<vmem_shared>>
    tpu.enqueue_indirect_dma source(%dma_start3A_58 : memref<10240x128xf32, #tpu.memory_space<vmem_shared>>) target(%arg8 : memref<128x128xf32, #tpu.memory_space<vmem>>) offsets(%dma_start3A_55 : memref<128xi32, #tpu.memory_space<vmem>>) semaphore(%arg11 : memref<!tpu.dma_semaphore, #tpu.memory_space<semaphore_mem>>)
    %scan3A_59 = arith.constant 0 : i32
    %scan3A_60 = arith.constant 0 : i32
    %scan3A_61 = arith.constant 39 : i32
    %scan3A_62 = arith.addi %scan3A_60, %scan3A_61 : i32
    %scan3A_63 = arith.constant 1 : i32
    scf.for %scan3A_94 = %scan3A_60 to %scan3A_62 step %scan3A_63  : i32 {
      %mul3A_95 = arith.constant 2 : i32
      %mul3A_96 = arith.muli %scan3A_94, %mul3A_95 : i32
      %add3A_97 = arith.constant 1 : i32
      %add3A_98 = arith.addi %mul3A_96, %add3A_97 : i32
      %dma_start3A_99 = arith.constant 0 : i32
      %dma_start3A_100 = tpu.memref_slice %arg7[%add3A_98, %dma_start3A_99] : memref<80x128xi32, #tpu.memory_space<vmem>> -> memref<1x128xi32, #tpu.memory_space<vmem>>
      %dma_start3A_101 = tpu.memref_squeeze %dma_start3A_100 : memref<1x128xi32, #tpu.memory_space<vmem>> -> memref<128xi32, #tpu.memory_space<vmem>>
      %dma_start3A_102 = arith.constant 0 : i32
      %dma_start3A_103 = arith.constant 0 : i32
      %dma_start3A_104 = tpu.memref_slice %arg10[%dma_start3A_102, %dma_start3A_103] : memref<10240x128xf32, #tpu.memory_space<vmem_shared>> -> memref<10240x128xf32, #tpu.memory_space<vmem_shared>>
      tpu.enqueue_indirect_dma source(%dma_start3A_104 : memref<10240x128xf32, #tpu.memory_space<vmem_shared>>) target(%arg9 : memref<128x128xf32, #tpu.memory_space<vmem>>) offsets(%dma_start3A_101 : memref<128xi32, #tpu.memory_space<vmem>>) semaphore(%arg12 : memref<!tpu.dma_semaphore, #tpu.memory_space<semaphore_mem>>)
      %dma_wait3A_105 = arith.constant 0 : i32
      %dma_wait3A_106 = arith.constant 0 : i32
      %dma_wait3A_107 = tpu.memref_slice %arg7[%dma_wait3A_105, %dma_wait3A_106] : memref<80x128xi32, #tpu.memory_space<vmem>> -> memref<1x128xi32, #tpu.memory_space<vmem>>
      %dma_wait3A_108 = tpu.memref_squeeze %dma_wait3A_107 : memref<1x128xi32, #tpu.memory_space<vmem>> -> memref<128xi32, #tpu.memory_space<vmem>>
      %dma_wait3A_109 = arith.constant 0 : i32
      %dma_wait3A_110 = arith.constant 0 : i32
      %dma_wait3A_111 = tpu.memref_slice %arg10[%dma_wait3A_109, %dma_wait3A_110] : memref<10240x128xf32, #tpu.memory_space<vmem_shared>> -> memref<10240x128xf32, #tpu.memory_space<vmem_shared>>
      tpu.wait_indirect_dma semaphore(%arg11 : memref<!tpu.dma_semaphore, #tpu.memory_space<semaphore_mem>>) src(%dma_wait3A_111 : memref<10240x128xf32, #tpu.memory_space<vmem_shared>>) dst(%arg8 : memref<128x128xf32, #tpu.memory_space<vmem>>)
      %mul3A_112 = arith.constant 10240 : i32
      %mul3A_113 = arith.muli %add3A, %mul3A_112 : i32
      %mul3A_114 = arith.constant 128 : i32
      %mul3A_115 = arith.muli %mul3A_96, %mul3A_114 : i32
      %add3A_116 = arith.addi %mul3A_113, %mul3A_115 : i32
      "tpu.region"() ({
        %run_scoped3A = tpu.sem_alloc : memref<!tpu.dma_semaphore, #tpu.memory_space<semaphore_mem>>
        %dma_start3A_139 = arith.constant 0 : i32
        %dma_start3A_140 = tpu.memref_slice %arg6[%add3A_116, %dma_start3A_139] : memref<327680x128xf32, #tpu.memory_space<hbm>> -> memref<128x128xf32, #tpu.memory_space<hbm>>
        %dma_start3A_141 = arith.constant 0 : i32
        %dma_start3A_142 = tpu.memref_slice %arg6[%add3A_116, %dma_start3A_141] : memref<327680x128xf32, #tpu.memory_space<hbm>> -> memref<128x128xf32, #tpu.memory_space<hbm>>
        tpu.enqueue_dma source(%arg8 : memref<128x128xf32, #tpu.memory_space<vmem>>) target(%dma_start3A_142 : memref<128x128xf32, #tpu.memory_space<hbm>>) target_semaphore(%run_scoped3A : memref<!tpu.dma_semaphore, #tpu.memory_space<semaphore_mem>>)
        %dma_wait3A_143 = arith.constant 0 : i32
        %dma_wait3A_144 = tpu.memref_slice %arg6[%add3A_116, %dma_wait3A_143] : memref<327680x128xf32, #tpu.memory_space<hbm>> -> memref<128x128xf32, #tpu.memory_space<hbm>>
        %dma_wait3A_145 = arith.constant 0 : i32
        %dma_wait3A_146 = tpu.memref_slice %arg6[%add3A_116, %dma_wait3A_145] : memref<327680x128xf32, #tpu.memory_space<hbm>> -> memref<128x128xf32, #tpu.memory_space<hbm>>
        tpu.wait_dma2 semaphore(%run_scoped3A : memref<!tpu.dma_semaphore, #tpu.memory_space<semaphore_mem>>) src(%arg8 : memref<128x128xf32, #tpu.memory_space<vmem>>) dst(%dma_wait3A_146 : memref<128x128xf32, #tpu.memory_space<hbm>>)
        tpu.yield
      }) : () -> ()
      %add3A_117 = arith.constant 2 : i32
      %add3A_118 = arith.addi %mul3A_96, %add3A_117 : i32
      %dma_start3A_119 = arith.constant 0 : i32
      %dma_start3A_120 = tpu.memref_slice %arg7[%add3A_118, %dma_start3A_119] : memref<80x128xi32, #tpu.memory_space<vmem>> -> memref<1x128xi32, #tpu.memory_space<vmem>>
      %dma_start3A_121 = tpu.memref_squeeze %dma_start3A_120 : memref<1x128xi32, #tpu.memory_space<vmem>> -> memref<128xi32, #tpu.memory_space<vmem>>
      %dma_start3A_122 = arith.constant 0 : i32
      %dma_start3A_123 = arith.constant 0 : i32
      %dma_start3A_124 = tpu.memref_slice %arg10[%dma_start3A_122, %dma_start3A_123] : memref<10240x128xf32, #tpu.memory_space<vmem_shared>> -> memref<10240x128xf32, #tpu.memory_space<vmem_shared>>
      tpu.enqueue_indirect_dma source(%dma_start3A_124 : memref<10240x128xf32, #tpu.memory_space<vmem_shared>>) target(%arg8 : memref<128x128xf32, #tpu.memory_space<vmem>>) offsets(%dma_start3A_121 : memref<128xi32, #tpu.memory_space<vmem>>) semaphore(%arg11 : memref<!tpu.dma_semaphore, #tpu.memory_space<semaphore_mem>>)
      %add3A_125 = arith.constant 1 : i32
      %add3A_126 = arith.addi %mul3A_96, %add3A_125 : i32
      %dma_wait3A_127 = arith.constant 0 : i32
      %dma_wait3A_128 = arith.constant 0 : i32
      %dma_wait3A_129 = tpu.memref_slice %arg7[%dma_wait3A_127, %dma_wait3A_128] : memref<80x128xi32, #tpu.memory_space<vmem>> -> memref<1x128xi32, #tpu.memory_space<vmem>>
      %dma_wait3A_130 = tpu.memref_squeeze %dma_wait3A_129 : memref<1x128xi32, #tpu.memory_space<vmem>> -> memref<128xi32, #tpu.memory_space<vmem>>
      %dma_wait3A_131 = arith.constant 0 : i32
      %dma_wait3A_132 = arith.constant 0 : i32
      %dma_wait3A_133 = tpu.memref_slice %arg10[%dma_wait3A_131, %dma_wait3A_132] : memref<10240x128xf32, #tpu.memory_space<vmem_shared>> -> memref<10240x128xf32, #tpu.memory_space<vmem_shared>>
      tpu.wait_indirect_dma semaphore(%arg12 : memref<!tpu.dma_semaphore, #tpu.memory_space<semaphore_mem>>) src(%dma_wait3A_133 : memref<10240x128xf32, #tpu.memory_space<vmem_shared>>) dst(%arg9 : memref<128x128xf32, #tpu.memory_space<vmem>>)
      %mul3A_134 = arith.constant 10240 : i32
      %mul3A_135 = arith.muli %add3A, %mul3A_134 : i32
      %mul3A_136 = arith.constant 128 : i32
      %mul3A_137 = arith.muli %add3A_126, %mul3A_136 : i32
      %add3A_138 = arith.addi %mul3A_135, %mul3A_137 : i32
      "tpu.region"() ({
        %run_scoped3A = tpu.sem_alloc : memref<!tpu.dma_semaphore, #tpu.memory_space<semaphore_mem>>
        %dma_start3A_139 = arith.constant 0 : i32
        %dma_start3A_140 = tpu.memref_slice %arg6[%add3A_138, %dma_start3A_139] : memref<327680x128xf32, #tpu.memory_space<hbm>> -> memref<128x128xf32, #tpu.memory_space<hbm>>
        %dma_start3A_141 = arith.constant 0 : i32
        %dma_start3A_142 = tpu.memref_slice %arg6[%add3A_138, %dma_start3A_141] : memref<327680x128xf32, #tpu.memory_space<hbm>> -> memref<128x128xf32, #tpu.memory_space<hbm>>
        tpu.enqueue_dma source(%arg9 : memref<128x128xf32, #tpu.memory_space<vmem>>) target(%dma_start3A_142 : memref<128x128xf32, #tpu.memory_space<hbm>>) target_semaphore(%run_scoped3A : memref<!tpu.dma_semaphore, #tpu.memory_space<semaphore_mem>>)
        %dma_wait3A_143 = arith.constant 0 : i32
        %dma_wait3A_144 = tpu.memref_slice %arg6[%add3A_138, %dma_wait3A_143] : memref<327680x128xf32, #tpu.memory_space<hbm>> -> memref<128x128xf32, #tpu.memory_space<hbm>>
        %dma_wait3A_145 = arith.constant 0 : i32
        %dma_wait3A_146 = tpu.memref_slice %arg6[%add3A_138, %dma_wait3A_145] : memref<327680x128xf32, #tpu.memory_space<hbm>> -> memref<128x128xf32, #tpu.memory_space<hbm>>
        tpu.wait_dma2 semaphore(%run_scoped3A : memref<!tpu.dma_semaphore, #tpu.memory_space<semaphore_mem>>) src(%arg9 : memref<128x128xf32, #tpu.memory_space<vmem>>) dst(%dma_wait3A_146 : memref<128x128xf32, #tpu.memory_space<hbm>>)
        tpu.yield
      }) : () -> ()
    }
    %scan3A_64 = arith.constant 39 : i32
    %dma_start3A_65 = arith.constant 79 : i32
    %dma_start3A_66 = arith.constant 0 : i32
    %dma_start3A_67 = tpu.memref_slice %arg7[%dma_start3A_65, %dma_start3A_66] : memref<80x128xi32, #tpu.memory_space<vmem>> -> memref<1x128xi32, #tpu.memory_space<vmem>>
    %dma_start3A_68 = tpu.memref_squeeze %dma_start3A_67 : memref<1x128xi32, #tpu.memory_space<vmem>> -> memref<128xi32, #tpu.memory_space<vmem>>
    %dma_start3A_69 = arith.constant 0 : i32
    %dma_start3A_70 = arith.constant 0 : i32
    %dma_start3A_71 = tpu.memref_slice %arg10[%dma_start3A_69, %dma_start3A_70] : memref<10240x128xf32, #tpu.memory_space<vmem_shared>> -> memref<10240x128xf32, #tpu.memory_space<vmem_shared>>
    tpu.enqueue_indirect_dma source(%dma_start3A_71 : memref<10240x128xf32, #tpu.memory_space<vmem_shared>>) target(%arg9 : memref<128x128xf32, #tpu.memory_space<vmem>>) offsets(%dma_start3A_68 : memref<128xi32, #tpu.memory_space<vmem>>) semaphore(%arg12 : memref<!tpu.dma_semaphore, #tpu.memory_space<semaphore_mem>>)
    %dma_wait3A_72 = arith.constant 0 : i32
    %dma_wait3A_73 = arith.constant 0 : i32
    %dma_wait3A_74 = tpu.memref_slice %arg7[%dma_wait3A_72, %dma_wait3A_73] : memref<80x128xi32, #tpu.memory_space<vmem>> -> memref<1x128xi32, #tpu.memory_space<vmem>>
    %dma_wait3A_75 = tpu.memref_squeeze %dma_wait3A_74 : memref<1x128xi32, #tpu.memory_space<vmem>> -> memref<128xi32, #tpu.memory_space<vmem>>
    %dma_wait3A_76 = arith.constant 0 : i32
    %dma_wait3A_77 = arith.constant 0 : i32
    %dma_wait3A_78 = tpu.memref_slice %arg10[%dma_wait3A_76, %dma_wait3A_77] : memref<10240x128xf32, #tpu.memory_space<vmem_shared>> -> memref<10240x128xf32, #tpu.memory_space<vmem_shared>>
    tpu.wait_indirect_dma semaphore(%arg11 : memref<!tpu.dma_semaphore, #tpu.memory_space<semaphore_mem>>) src(%dma_wait3A_78 : memref<10240x128xf32, #tpu.memory_space<vmem_shared>>) dst(%arg8 : memref<128x128xf32, #tpu.memory_space<vmem>>)
    %mul3A_79 = arith.constant 10240 : i32
    %mul3A_80 = arith.muli %add3A, %mul3A_79 : i32
    %add3A_81 = arith.constant 9984 : i32
    %add3A_82 = arith.addi %mul3A_80, %add3A_81 : i32
    "tpu.region"() ({
      %run_scoped3A = tpu.sem_alloc : memref<!tpu.dma_semaphore, #tpu.memory_space<semaphore_mem>>
      %dma_start3A_94 = arith.constant 0 : i32
      %dma_start3A_95 = tpu.memref_slice %arg6[%add3A_82, %dma_start3A_94] : memref<327680x128xf32, #tpu.memory_space<hbm>> -> memref<128x128xf32, #tpu.memory_space<hbm>>
      %dma_start3A_96 = arith.constant 0 : i32
      %dma_start3A_97 = tpu.memref_slice %arg6[%add3A_82, %dma_start3A_96] : memref<327680x128xf32, #tpu.memory_space<hbm>> -> memref<128x128xf32, #tpu.memory_space<hbm>>
      tpu.enqueue_dma source(%arg8 : memref<128x128xf32, #tpu.memory_space<vmem>>) target(%dma_start3A_97 : memref<128x128xf32, #tpu.memory_space<hbm>>) target_semaphore(%run_scoped3A : memref<!tpu.dma_semaphore, #tpu.memory_space<semaphore_mem>>)
      %dma_wait3A_98 = arith.constant 0 : i32
      %dma_wait3A_99 = tpu.memref_slice %arg6[%add3A_82, %dma_wait3A_98] : memref<327680x128xf32, #tpu.memory_space<hbm>> -> memref<128x128xf32, #tpu.memory_space<hbm>>
      %dma_wait3A_100 = arith.constant 0 : i32
      %dma_wait3A_101 = tpu.memref_slice %arg6[%add3A_82, %dma_wait3A_100] : memref<327680x128xf32, #tpu.memory_space<hbm>> -> memref<128x128xf32, #tpu.memory_space<hbm>>
      tpu.wait_dma2 semaphore(%run_scoped3A : memref<!tpu.dma_semaphore, #tpu.memory_space<semaphore_mem>>) src(%arg8 : memref<128x128xf32, #tpu.memory_space<vmem>>) dst(%dma_wait3A_101 : memref<128x128xf32, #tpu.memory_space<hbm>>)
      tpu.yield
    }) : () -> ()
    %dma_wait3A_83 = arith.constant 0 : i32
    %dma_wait3A_84 = arith.constant 0 : i32
    %dma_wait3A_85 = tpu.memref_slice %arg7[%dma_wait3A_83, %dma_wait3A_84] : memref<80x128xi32, #tpu.memory_space<vmem>> -> memref<1x128xi32, #tpu.memory_space<vmem>>
    %dma_wait3A_86 = tpu.memref_squeeze %dma_wait3A_85 : memref<1x128xi32, #tpu.memory_space<vmem>> -> memref<128xi32, #tpu.memory_space<vmem>>
    %dma_wait3A_87 = arith.constant 0 : i32
    %dma_wait3A_88 = arith.constant 0 : i32
    %dma_wait3A_89 = tpu.memref_slice %arg10[%dma_wait3A_87, %dma_wait3A_88] : memref<10240x128xf32, #tpu.memory_space<vmem_shared>> -> memref<10240x128xf32, #tpu.memory_space<vmem_shared>>
    tpu.wait_indirect_dma semaphore(%arg12 : memref<!tpu.dma_semaphore, #tpu.memory_space<semaphore_mem>>) src(%dma_wait3A_89 : memref<10240x128xf32, #tpu.memory_space<vmem_shared>>) dst(%arg9 : memref<128x128xf32, #tpu.memory_space<vmem>>)
    %mul3A_90 = arith.constant 10240 : i32
    %mul3A_91 = arith.muli %add3A, %mul3A_90 : i32
    %add3A_92 = arith.constant 10112 : i32
    %add3A_93 = arith.addi %mul3A_91, %add3A_92 : i32
    "tpu.region"() ({
      %run_scoped3A = tpu.sem_alloc : memref<!tpu.dma_semaphore, #tpu.memory_space<semaphore_mem>>
      %dma_start3A_94 = arith.constant 0 : i32
      %dma_start3A_95 = tpu.memref_slice %arg6[%add3A_93, %dma_start3A_94] : memref<327680x128xf32, #tpu.memory_space<hbm>> -> memref<128x128xf32, #tpu.memory_space<hbm>>
      %dma_start3A_96 = arith.constant 0 : i32
      %dma_start3A_97 = tpu.memref_slice %arg6[%add3A_93, %dma_start3A_96] : memref<327680x128xf32, #tpu.memory_space<hbm>> -> memref<128x128xf32, #tpu.memory_space<hbm>>
      tpu.enqueue_dma source(%arg9 : memref<128x128xf32, #tpu.memory_space<vmem>>) target(%dma_start3A_97 : memref<128x128xf32, #tpu.memory_space<hbm>>) target_semaphore(%run_scoped3A : memref<!tpu.dma_semaphore, #tpu.memory_space<semaphore_mem>>)
      %dma_wait3A_98 = arith.constant 0 : i32
      %dma_wait3A_99 = tpu.memref_slice %arg6[%add3A_93, %dma_wait3A_98] : memref<327680x128xf32, #tpu.memory_space<hbm>> -> memref<128x128xf32, #tpu.memory_space<hbm>>
      %dma_wait3A_100 = arith.constant 0 : i32
      %dma_wait3A_101 = tpu.memref_slice %arg6[%add3A_93, %dma_wait3A_100] : memref<327680x128xf32, #tpu.memory_space<hbm>> -> memref<128x128xf32, #tpu.memory_space<hbm>>
      tpu.wait_dma2 semaphore(%run_scoped3A : memref<!tpu.dma_semaphore, #tpu.memory_space<semaphore_mem>>) src(%arg9 : memref<128x128xf32, #tpu.memory_space<vmem>>) dst(%dma_wait3A_101 : memref<128x128xf32, #tpu.memory_space<hbm>>)
      tpu.yield
    }) : () -> ()
    return
  }
}

#map = affine_map<(d0, d1) -> (0, 0)>
module attributes {stable_mosaic.version = 14 : i64} {
  func.func @_gather_kernel(%arg0: i32, %arg1: i32, %arg2: memref<10240x128xf32, #tpu.memory_space<hbm>>, %arg3: memref<2560x128xi32, #tpu.memory_space<hbm>>, %arg4: memref<2560x128xi32, #tpu.memory_space<hbm>>, %arg5: memref<327680x128xf32, #tpu.memory_space<hbm>>, %arg6: memref<327680x128xf32, #tpu.memory_space<hbm>>, %arg7: memref<80x128xi32, #tpu.memory_space<vmem>>, %arg8: memref<128x128xf32, #tpu.memory_space<vmem>>, %arg9: memref<128x128xf32, #tpu.memory_space<vmem>>, %arg10: memref<10240x128xf32, #tpu.memory_space<vmem_shared>>, %arg11: memref<!tpu.dma_semaphore, #tpu.memory_space<semaphore_mem>>, %arg12: memref<!tpu.dma_semaphore, #tpu.memory_space<semaphore_mem>>) attributes {dimension_semantics = [#tpu.dimension_semantics<core_parallel>, #tpu.dimension_semantics<subcore_parallel>], iteration_bounds = array<i64: 2, 16>, scalar_prefetch = 0 : i64, scratch_operands = 6 : i64, tpu.core_type = #tpu.core_type<sc_vector_subcore>, window_params = [{transform_indices = #map}, {transform_indices = #map}, {transform_indices = #map}, {transform_indices = #map}, {transform_indices = #map}]} {
    %mul3A = arith.constant 2 : i32
    %mul3A_0 = arith.muli %arg1, %mul3A : i32
    %add3A = arith.addi %mul3A_0, %arg0 : i32
    %mul3A_1 = arith.constant 640 : i32
    %mul3A_2 = arith.muli %arg1, %mul3A_1 : i32
    %scan3A = arith.constant 0 : i32
    %scan3A_3 = arith.constant 0 : i32
    %scan3A_4 = arith.constant 8 : i32
    %scan3A_5 = arith.addi %scan3A_3, %scan3A_4 : i32
    %scan3A_6 = arith.constant 1 : i32
    scf.for %scan3A_94 = %scan3A_3 to %scan3A_5 step %scan3A_6  : i32 {
      %mul3A_95 = arith.constant 80 : i32
      %mul3A_96 = arith.muli %scan3A_94, %mul3A_95 : i32
      %add3A_97 = arith.addi %mul3A_2, %mul3A_96 : i32
      "tpu.region"() ({
        %run_scoped3A = tpu.sem_alloc : memref<!tpu.dma_semaphore, #tpu.memory_space<semaphore_mem>>
        %dma_start3A_98 = arith.constant 0 : i32
        %dma_start3A_99 = arith.constant 0 : i32
        %dma_start3A_100 = tpu.memref_slice %arg8[%dma_start3A_98, %dma_start3A_99] : memref<128x128xf32, #tpu.memory_space<vmem>> -> memref<80x128xf32, #tpu.memory_space<vmem>>
        %dma_start3A_101 = arith.constant 0 : i32
        %dma_start3A_102 = tpu.memref_slice %arg2[%add3A_97, %dma_start3A_101] : memref<10240x128xf32, #tpu.memory_space<hbm>> -> memref<80x128xf32, #tpu.memory_space<hbm>>
        %dma_start3A_103 = arith.constant 0 : i32
        %dma_start3A_104 = arith.constant 0 : i32
        %dma_start3A_105 = tpu.memref_slice %arg8[%dma_start3A_103, %dma_start3A_104] : memref<128x128xf32, #tpu.memory_space<vmem>> -> memref<80x128xf32, #tpu.memory_space<vmem>>
        %dma_start3A_106 = arith.constant 0 : i32
        %dma_start3A_107 = tpu.memref_slice %arg2[%add3A_97, %dma_start3A_106] : memref<10240x128xf32, #tpu.memory_space<hbm>> -> memref<80x128xf32, #tpu.memory_space<hbm>>
        tpu.enqueue_dma source(%dma_start3A_107 : memref<80x128xf32, #tpu.memory_space<hbm>>) target(%dma_start3A_105 : memref<80x128xf32, #tpu.memory_space<vmem>>) target_semaphore(%run_scoped3A : memref<!tpu.dma_semaphore, #tpu.memory_space<semaphore_mem>>)
        %dma_wait3A_108 = arith.constant 0 : i32
        %dma_wait3A_109 = arith.constant 0 : i32
        %dma_wait3A_110 = tpu.memref_slice %arg8[%dma_wait3A_108, %dma_wait3A_109] : memref<128x128xf32, #tpu.memory_space<vmem>> -> memref<80x128xf32, #tpu.memory_space<vmem>>
        %dma_wait3A_111 = arith.constant 0 : i32
        %dma_wait3A_112 = tpu.memref_slice %arg2[%add3A_97, %dma_wait3A_111] : memref<10240x128xf32, #tpu.memory_space<hbm>> -> memref<80x128xf32, #tpu.memory_space<hbm>>
        %dma_wait3A_113 = arith.constant 0 : i32
        %dma_wait3A_114 = arith.constant 0 : i32
        %dma_wait3A_115 = tpu.memref_slice %arg8[%dma_wait3A_113, %dma_wait3A_114] : memref<128x128xf32, #tpu.memory_space<vmem>> -> memref<80x128xf32, #tpu.memory_space<vmem>>
        %dma_wait3A_116 = arith.constant 0 : i32
        %dma_wait3A_117 = tpu.memref_slice %arg2[%add3A_97, %dma_wait3A_116] : memref<10240x128xf32, #tpu.memory_space<hbm>> -> memref<80x128xf32, #tpu.memory_space<hbm>>
        tpu.wait_dma2 semaphore(%run_scoped3A : memref<!tpu.dma_semaphore, #tpu.memory_space<semaphore_mem>>) src(%dma_wait3A_117 : memref<80x128xf32, #tpu.memory_space<hbm>>) dst(%dma_wait3A_115 : memref<80x128xf32, #tpu.memory_space<vmem>>)
        tpu.yield
      }) : () -> ()
      "tpu.region"() ({
        %run_scoped3A = tpu.sem_alloc : memref<!tpu.dma_semaphore, #tpu.memory_space<semaphore_mem>>
        %dma_start3A_98 = arith.constant 0 : i32
        %dma_start3A_99 = arith.constant 0 : i32
        %dma_start3A_100 = tpu.memref_slice %arg8[%dma_start3A_98, %dma_start3A_99] : memref<128x128xf32, #tpu.memory_space<vmem>> -> memref<80x128xf32, #tpu.memory_space<vmem>>
        %dma_start3A_101 = arith.constant 0 : i32
        %dma_start3A_102 = tpu.memref_slice %arg10[%add3A_97, %dma_start3A_101] : memref<10240x128xf32, #tpu.memory_space<vmem_shared>> -> memref<80x128xf32, #tpu.memory_space<vmem_shared>>
        %dma_start3A_103 = arith.constant 0 : i32
        %dma_start3A_104 = tpu.memref_slice %arg10[%add3A_97, %dma_start3A_103] : memref<10240x128xf32, #tpu.memory_space<vmem_shared>> -> memref<80x128xf32, #tpu.memory_space<vmem_shared>>
        %dma_start3A_105 = arith.constant 0 : i32
        %dma_start3A_106 = arith.constant 0 : i32
        %dma_start3A_107 = tpu.memref_slice %arg8[%dma_start3A_105, %dma_start3A_106] : memref<128x128xf32, #tpu.memory_space<vmem>> -> memref<80x128xf32, #tpu.memory_space<vmem>>
        tpu.enqueue_dma source(%dma_start3A_107 : memref<80x128xf32, #tpu.memory_space<vmem>>) target(%dma_start3A_104 : memref<80x128xf32, #tpu.memory_space<vmem_shared>>) target_semaphore(%run_scoped3A : memref<!tpu.dma_semaphore, #tpu.memory_space<semaphore_mem>>)
        %dma_wait3A_108 = arith.constant 0 : i32
        %dma_wait3A_109 = arith.constant 0 : i32
        %dma_wait3A_110 = tpu.memref_slice %arg8[%dma_wait3A_108, %dma_wait3A_109] : memref<128x128xf32, #tpu.memory_space<vmem>> -> memref<80x128xf32, #tpu.memory_space<vmem>>
        %dma_wait3A_111 = arith.constant 0 : i32
        %dma_wait3A_112 = tpu.memref_slice %arg10[%add3A_97, %dma_wait3A_111] : memref<10240x128xf32, #tpu.memory_space<vmem_shared>> -> memref<80x128xf32, #tpu.memory_space<vmem_shared>>
        %dma_wait3A_113 = arith.constant 0 : i32
        %dma_wait3A_114 = tpu.memref_slice %arg10[%add3A_97, %dma_wait3A_113] : memref<10240x128xf32, #tpu.memory_space<vmem_shared>> -> memref<80x128xf32, #tpu.memory_space<vmem_shared>>
        %dma_wait3A_115 = arith.constant 0 : i32
        %dma_wait3A_116 = arith.constant 0 : i32
        %dma_wait3A_117 = tpu.memref_slice %arg8[%dma_wait3A_115, %dma_wait3A_116] : memref<128x128xf32, #tpu.memory_space<vmem>> -> memref<80x128xf32, #tpu.memory_space<vmem>>
        tpu.wait_dma2 semaphore(%run_scoped3A : memref<!tpu.dma_semaphore, #tpu.memory_space<semaphore_mem>>) src(%dma_wait3A_117 : memref<80x128xf32, #tpu.memory_space<vmem>>) dst(%dma_wait3A_114 : memref<80x128xf32, #tpu.memory_space<vmem_shared>>)
        tpu.yield
      }) : () -> ()
    }
    %scan3A_7 = arith.constant 8 : i32
    %barrier3A = arith.constant 0 : index
    tpu.barrier barrier_id(%barrier3A)
    %mul3A_8 = arith.constant 80 : i32
    %mul3A_9 = arith.muli %add3A, %mul3A_8 : i32
    "tpu.region"() ({
      %run_scoped3A = tpu.sem_alloc : memref<!tpu.dma_semaphore, #tpu.memory_space<semaphore_mem>>
      %dma_start3A_94 = arith.constant 0 : i32
      %dma_start3A_95 = tpu.memref_slice %arg3[%mul3A_9, %dma_start3A_94] : memref<2560x128xi32, #tpu.memory_space<hbm>> -> memref<80x128xi32, #tpu.memory_space<hbm>>
      %dma_start3A_96 = arith.constant 0 : i32
      %dma_start3A_97 = tpu.memref_slice %arg3[%mul3A_9, %dma_start3A_96] : memref<2560x128xi32, #tpu.memory_space<hbm>> -> memref<80x128xi32, #tpu.memory_space<hbm>>
      tpu.enqueue_dma source(%dma_start3A_97 : memref<80x128xi32, #tpu.memory_space<hbm>>) target(%arg7 : memref<80x128xi32, #tpu.memory_space<vmem>>) target_semaphore(%run_scoped3A : memref<!tpu.dma_semaphore, #tpu.memory_space<semaphore_mem>>)
      %dma_wait3A_98 = arith.constant 0 : i32
      %dma_wait3A_99 = tpu.memref_slice %arg3[%mul3A_9, %dma_wait3A_98] : memref<2560x128xi32, #tpu.memory_space<hbm>> -> memref<80x128xi32, #tpu.memory_space<hbm>>
      %dma_wait3A_100 = arith.constant 0 : i32
      %dma_wait3A_101 = tpu.memref_slice %arg3[%mul3A_9, %dma_wait3A_100] : memref<2560x128xi32, #tpu.memory_space<hbm>> -> memref<80x128xi32, #tpu.memory_space<hbm>>
      tpu.wait_dma2 semaphore(%run_scoped3A : memref<!tpu.dma_semaphore, #tpu.memory_space<semaphore_mem>>) src(%dma_wait3A_101 : memref<80x128xi32, #tpu.memory_space<hbm>>) dst(%arg7 : memref<80x128xi32, #tpu.memory_space<vmem>>)
      tpu.yield
    }) : () -> ()
    %dma_start3A = arith.constant 0 : i32
    %dma_start3A_10 = arith.constant 0 : i32
    %dma_start3A_11 = tpu.memref_slice %arg7[%dma_start3A, %dma_start3A_10] : memref<80x128xi32, #tpu.memory_space<vmem>> -> memref<1x128xi32, #tpu.memory_space<vmem>>
    %dma_start3A_12 = tpu.memref_squeeze %dma_start3A_11 : memref<1x128xi32, #tpu.memory_space<vmem>> -> memref<128xi32, #tpu.memory_space<vmem>>
    %dma_start3A_13 = arith.constant 0 : i32
    %dma_start3A_14 = arith.constant 0 : i32
    %dma_start3A_15 = tpu.memref_slice %arg10[%dma_start3A_13, %dma_start3A_14] : memref<10240x128xf32, #tpu.memory_space<vmem_shared>> -> memref<10240x128xf32, #tpu.memory_space<vmem_shared>>
    tpu.enqueue_indirect_dma source(%dma_start3A_15 : memref<10240x128xf32, #tpu.memory_space<vmem_shared>>) target(%arg8 : memref<128x128xf32, #tpu.memory_space<vmem>>) offsets(%dma_start3A_12 : memref<128xi32, #tpu.memory_space<vmem>>) semaphore(%arg11 : memref<!tpu.dma_semaphore, #tpu.memory_space<semaphore_mem>>)
    %scan3A_16 = arith.constant 0 : i32
    %scan3A_17 = arith.constant 0 : i32
    %scan3A_18 = arith.constant 39 : i32
    %scan3A_19 = arith.addi %scan3A_17, %scan3A_18 : i32
    %scan3A_20 = arith.constant 1 : i32
    scf.for %scan3A_94 = %scan3A_17 to %scan3A_19 step %scan3A_20  : i32 {
      %mul3A_95 = arith.constant 2 : i32
      %mul3A_96 = arith.muli %scan3A_94, %mul3A_95 : i32
      %add3A_97 = arith.constant 1 : i32
      %add3A_98 = arith.addi %mul3A_96, %add3A_97 : i32
      %dma_start3A_99 = arith.constant 0 : i32
      %dma_start3A_100 = tpu.memref_slice %arg7[%add3A_98, %dma_start3A_99] : memref<80x128xi32, #tpu.memory_space<vmem>> -> memref<1x128xi32, #tpu.memory_space<vmem>>
      %dma_start3A_101 = tpu.memref_squeeze %dma_start3A_100 : memref<1x128xi32, #tpu.memory_space<vmem>> -> memref<128xi32, #tpu.memory_space<vmem>>
      %dma_start3A_102 = arith.constant 0 : i32
      %dma_start3A_103 = arith.constant 0 : i32
      %dma_start3A_104 = tpu.memref_slice %arg10[%dma_start3A_102, %dma_start3A_103] : memref<10240x128xf32, #tpu.memory_space<vmem_shared>> -> memref<10240x128xf32, #tpu.memory_space<vmem_shared>>
      tpu.enqueue_indirect_dma source(%dma_start3A_104 : memref<10240x128xf32, #tpu.memory_space<vmem_shared>>) target(%arg9 : memref<128x128xf32, #tpu.memory_space<vmem>>) offsets(%dma_start3A_101 : memref<128xi32, #tpu.memory_space<vmem>>) semaphore(%arg12 : memref<!tpu.dma_semaphore, #tpu.memory_space<semaphore_mem>>)
      %dma_wait3A_105 = arith.constant 0 : i32
      %dma_wait3A_106 = arith.constant 0 : i32
      %dma_wait3A_107 = tpu.memref_slice %arg7[%dma_wait3A_105, %dma_wait3A_106] : memref<80x128xi32, #tpu.memory_space<vmem>> -> memref<1x128xi32, #tpu.memory_space<vmem>>
      %dma_wait3A_108 = tpu.memref_squeeze %dma_wait3A_107 : memref<1x128xi32, #tpu.memory_space<vmem>> -> memref<128xi32, #tpu.memory_space<vmem>>
      %dma_wait3A_109 = arith.constant 0 : i32
      %dma_wait3A_110 = arith.constant 0 : i32
      %dma_wait3A_111 = tpu.memref_slice %arg10[%dma_wait3A_109, %dma_wait3A_110] : memref<10240x128xf32, #tpu.memory_space<vmem_shared>> -> memref<10240x128xf32, #tpu.memory_space<vmem_shared>>
      tpu.wait_indirect_dma semaphore(%arg11 : memref<!tpu.dma_semaphore, #tpu.memory_space<semaphore_mem>>) src(%dma_wait3A_111 : memref<10240x128xf32, #tpu.memory_space<vmem_shared>>) dst(%arg8 : memref<128x128xf32, #tpu.memory_space<vmem>>)
      %mul3A_112 = arith.constant 10240 : i32
      %mul3A_113 = arith.muli %add3A, %mul3A_112 : i32
      %mul3A_114 = arith.constant 128 : i32
      %mul3A_115 = arith.muli %mul3A_96, %mul3A_114 : i32
      %add3A_116 = arith.addi %mul3A_113, %mul3A_115 : i32
      "tpu.region"() ({
        %run_scoped3A = tpu.sem_alloc : memref<!tpu.dma_semaphore, #tpu.memory_space<semaphore_mem>>
        %dma_start3A_139 = arith.constant 0 : i32
        %dma_start3A_140 = tpu.memref_slice %arg5[%add3A_116, %dma_start3A_139] : memref<327680x128xf32, #tpu.memory_space<hbm>> -> memref<128x128xf32, #tpu.memory_space<hbm>>
        %dma_start3A_141 = arith.constant 0 : i32
        %dma_start3A_142 = tpu.memref_slice %arg5[%add3A_116, %dma_start3A_141] : memref<327680x128xf32, #tpu.memory_space<hbm>> -> memref<128x128xf32, #tpu.memory_space<hbm>>
        tpu.enqueue_dma source(%arg8 : memref<128x128xf32, #tpu.memory_space<vmem>>) target(%dma_start3A_142 : memref<128x128xf32, #tpu.memory_space<hbm>>) target_semaphore(%run_scoped3A : memref<!tpu.dma_semaphore, #tpu.memory_space<semaphore_mem>>)
        %dma_wait3A_143 = arith.constant 0 : i32
        %dma_wait3A_144 = tpu.memref_slice %arg5[%add3A_116, %dma_wait3A_143] : memref<327680x128xf32, #tpu.memory_space<hbm>> -> memref<128x128xf32, #tpu.memory_space<hbm>>
        %dma_wait3A_145 = arith.constant 0 : i32
        %dma_wait3A_146 = tpu.memref_slice %arg5[%add3A_116, %dma_wait3A_145] : memref<327680x128xf32, #tpu.memory_space<hbm>> -> memref<128x128xf32, #tpu.memory_space<hbm>>
        tpu.wait_dma2 semaphore(%run_scoped3A : memref<!tpu.dma_semaphore, #tpu.memory_space<semaphore_mem>>) src(%arg8 : memref<128x128xf32, #tpu.memory_space<vmem>>) dst(%dma_wait3A_146 : memref<128x128xf32, #tpu.memory_space<hbm>>)
        tpu.yield
      }) : () -> ()
      %add3A_117 = arith.constant 2 : i32
      %add3A_118 = arith.addi %mul3A_96, %add3A_117 : i32
      %dma_start3A_119 = arith.constant 0 : i32
      %dma_start3A_120 = tpu.memref_slice %arg7[%add3A_118, %dma_start3A_119] : memref<80x128xi32, #tpu.memory_space<vmem>> -> memref<1x128xi32, #tpu.memory_space<vmem>>
      %dma_start3A_121 = tpu.memref_squeeze %dma_start3A_120 : memref<1x128xi32, #tpu.memory_space<vmem>> -> memref<128xi32, #tpu.memory_space<vmem>>
      %dma_start3A_122 = arith.constant 0 : i32
      %dma_start3A_123 = arith.constant 0 : i32
      %dma_start3A_124 = tpu.memref_slice %arg10[%dma_start3A_122, %dma_start3A_123] : memref<10240x128xf32, #tpu.memory_space<vmem_shared>> -> memref<10240x128xf32, #tpu.memory_space<vmem_shared>>
      tpu.enqueue_indirect_dma source(%dma_start3A_124 : memref<10240x128xf32, #tpu.memory_space<vmem_shared>>) target(%arg8 : memref<128x128xf32, #tpu.memory_space<vmem>>) offsets(%dma_start3A_121 : memref<128xi32, #tpu.memory_space<vmem>>) semaphore(%arg11 : memref<!tpu.dma_semaphore, #tpu.memory_space<semaphore_mem>>)
      %add3A_125 = arith.constant 1 : i32
      %add3A_126 = arith.addi %mul3A_96, %add3A_125 : i32
      %dma_wait3A_127 = arith.constant 0 : i32
      %dma_wait3A_128 = arith.constant 0 : i32
      %dma_wait3A_129 = tpu.memref_slice %arg7[%dma_wait3A_127, %dma_wait3A_128] : memref<80x128xi32, #tpu.memory_space<vmem>> -> memref<1x128xi32, #tpu.memory_space<vmem>>
      %dma_wait3A_130 = tpu.memref_squeeze %dma_wait3A_129 : memref<1x128xi32, #tpu.memory_space<vmem>> -> memref<128xi32, #tpu.memory_space<vmem>>
      %dma_wait3A_131 = arith.constant 0 : i32
      %dma_wait3A_132 = arith.constant 0 : i32
      %dma_wait3A_133 = tpu.memref_slice %arg10[%dma_wait3A_131, %dma_wait3A_132] : memref<10240x128xf32, #tpu.memory_space<vmem_shared>> -> memref<10240x128xf32, #tpu.memory_space<vmem_shared>>
      tpu.wait_indirect_dma semaphore(%arg12 : memref<!tpu.dma_semaphore, #tpu.memory_space<semaphore_mem>>) src(%dma_wait3A_133 : memref<10240x128xf32, #tpu.memory_space<vmem_shared>>) dst(%arg9 : memref<128x128xf32, #tpu.memory_space<vmem>>)
      %mul3A_134 = arith.constant 10240 : i32
      %mul3A_135 = arith.muli %add3A, %mul3A_134 : i32
      %mul3A_136 = arith.constant 128 : i32
      %mul3A_137 = arith.muli %add3A_126, %mul3A_136 : i32
      %add3A_138 = arith.addi %mul3A_135, %mul3A_137 : i32
      "tpu.region"() ({
        %run_scoped3A = tpu.sem_alloc : memref<!tpu.dma_semaphore, #tpu.memory_space<semaphore_mem>>
        %dma_start3A_139 = arith.constant 0 : i32
        %dma_start3A_140 = tpu.memref_slice %arg5[%add3A_138, %dma_start3A_139] : memref<327680x128xf32, #tpu.memory_space<hbm>> -> memref<128x128xf32, #tpu.memory_space<hbm>>
        %dma_start3A_141 = arith.constant 0 : i32
        %dma_start3A_142 = tpu.memref_slice %arg5[%add3A_138, %dma_start3A_141] : memref<327680x128xf32, #tpu.memory_space<hbm>> -> memref<128x128xf32, #tpu.memory_space<hbm>>
        tpu.enqueue_dma source(%arg9 : memref<128x128xf32, #tpu.memory_space<vmem>>) target(%dma_start3A_142 : memref<128x128xf32, #tpu.memory_space<hbm>>) target_semaphore(%run_scoped3A : memref<!tpu.dma_semaphore, #tpu.memory_space<semaphore_mem>>)
        %dma_wait3A_143 = arith.constant 0 : i32
        %dma_wait3A_144 = tpu.memref_slice %arg5[%add3A_138, %dma_wait3A_143] : memref<327680x128xf32, #tpu.memory_space<hbm>> -> memref<128x128xf32, #tpu.memory_space<hbm>>
        %dma_wait3A_145 = arith.constant 0 : i32
        %dma_wait3A_146 = tpu.memref_slice %arg5[%add3A_138, %dma_wait3A_145] : memref<327680x128xf32, #tpu.memory_space<hbm>> -> memref<128x128xf32, #tpu.memory_space<hbm>>
        tpu.wait_dma2 semaphore(%run_scoped3A : memref<!tpu.dma_semaphore, #tpu.memory_space<semaphore_mem>>) src(%arg9 : memref<128x128xf32, #tpu.memory_space<vmem>>) dst(%dma_wait3A_146 : memref<128x128xf32, #tpu.memory_space<hbm>>)
        tpu.yield
      }) : () -> ()
    }
    %scan3A_21 = arith.constant 39 : i32
    %dma_start3A_22 = arith.constant 79 : i32
    %dma_start3A_23 = arith.constant 0 : i32
    %dma_start3A_24 = tpu.memref_slice %arg7[%dma_start3A_22, %dma_start3A_23] : memref<80x128xi32, #tpu.memory_space<vmem>> -> memref<1x128xi32, #tpu.memory_space<vmem>>
    %dma_start3A_25 = tpu.memref_squeeze %dma_start3A_24 : memref<1x128xi32, #tpu.memory_space<vmem>> -> memref<128xi32, #tpu.memory_space<vmem>>
    %dma_start3A_26 = arith.constant 0 : i32
    %dma_start3A_27 = arith.constant 0 : i32
    %dma_start3A_28 = tpu.memref_slice %arg10[%dma_start3A_26, %dma_start3A_27] : memref<10240x128xf32, #tpu.memory_space<vmem_shared>> -> memref<10240x128xf32, #tpu.memory_space<vmem_shared>>
    tpu.enqueue_indirect_dma source(%dma_start3A_28 : memref<10240x128xf32, #tpu.memory_space<vmem_shared>>) target(%arg9 : memref<128x128xf32, #tpu.memory_space<vmem>>) offsets(%dma_start3A_25 : memref<128xi32, #tpu.memory_space<vmem>>) semaphore(%arg12 : memref<!tpu.dma_semaphore, #tpu.memory_space<semaphore_mem>>)
    %dma_wait3A = arith.constant 0 : i32
    %dma_wait3A_29 = arith.constant 0 : i32
    %dma_wait3A_30 = tpu.memref_slice %arg7[%dma_wait3A, %dma_wait3A_29] : memref<80x128xi32, #tpu.memory_space<vmem>> -> memref<1x128xi32, #tpu.memory_space<vmem>>
    %dma_wait3A_31 = tpu.memref_squeeze %dma_wait3A_30 : memref<1x128xi32, #tpu.memory_space<vmem>> -> memref<128xi32, #tpu.memory_space<vmem>>
    %dma_wait3A_32 = arith.constant 0 : i32
    %dma_wait3A_33 = arith.constant 0 : i32
    %dma_wait3A_34 = tpu.memref_slice %arg10[%dma_wait3A_32, %dma_wait3A_33] : memref<10240x128xf32, #tpu.memory_space<vmem_shared>> -> memref<10240x128xf32, #tpu.memory_space<vmem_shared>>
    tpu.wait_indirect_dma semaphore(%arg11 : memref<!tpu.dma_semaphore, #tpu.memory_space<semaphore_mem>>) src(%dma_wait3A_34 : memref<10240x128xf32, #tpu.memory_space<vmem_shared>>) dst(%arg8 : memref<128x128xf32, #tpu.memory_space<vmem>>)
    %mul3A_35 = arith.constant 10240 : i32
    %mul3A_36 = arith.muli %add3A, %mul3A_35 : i32
    %add3A_37 = arith.constant 9984 : i32
    %add3A_38 = arith.addi %mul3A_36, %add3A_37 : i32
    "tpu.region"() ({
      %run_scoped3A = tpu.sem_alloc : memref<!tpu.dma_semaphore, #tpu.memory_space<semaphore_mem>>
      %dma_start3A_94 = arith.constant 0 : i32
      %dma_start3A_95 = tpu.memref_slice %arg5[%add3A_38, %dma_start3A_94] : memref<327680x128xf32, #tpu.memory_space<hbm>> -> memref<128x128xf32, #tpu.memory_space<hbm>>
      %dma_start3A_96 = arith.constant 0 : i32
      %dma_start3A_97 = tpu.memref_slice %arg5[%add3A_38, %dma_start3A_96] : memref<327680x128xf32, #tpu.memory_space<hbm>> -> memref<128x128xf32, #tpu.memory_space<hbm>>
      tpu.enqueue_dma source(%arg8 : memref<128x128xf32, #tpu.memory_space<vmem>>) target(%dma_start3A_97 : memref<128x128xf32, #tpu.memory_space<hbm>>) target_semaphore(%run_scoped3A : memref<!tpu.dma_semaphore, #tpu.memory_space<semaphore_mem>>)
      %dma_wait3A_98 = arith.constant 0 : i32
      %dma_wait3A_99 = tpu.memref_slice %arg5[%add3A_38, %dma_wait3A_98] : memref<327680x128xf32, #tpu.memory_space<hbm>> -> memref<128x128xf32, #tpu.memory_space<hbm>>
      %dma_wait3A_100 = arith.constant 0 : i32
      %dma_wait3A_101 = tpu.memref_slice %arg5[%add3A_38, %dma_wait3A_100] : memref<327680x128xf32, #tpu.memory_space<hbm>> -> memref<128x128xf32, #tpu.memory_space<hbm>>
      tpu.wait_dma2 semaphore(%run_scoped3A : memref<!tpu.dma_semaphore, #tpu.memory_space<semaphore_mem>>) src(%arg8 : memref<128x128xf32, #tpu.memory_space<vmem>>) dst(%dma_wait3A_101 : memref<128x128xf32, #tpu.memory_space<hbm>>)
      tpu.yield
    }) : () -> ()
    %dma_wait3A_39 = arith.constant 0 : i32
    %dma_wait3A_40 = arith.constant 0 : i32
    %dma_wait3A_41 = tpu.memref_slice %arg7[%dma_wait3A_39, %dma_wait3A_40] : memref<80x128xi32, #tpu.memory_space<vmem>> -> memref<1x128xi32, #tpu.memory_space<vmem>>
    %dma_wait3A_42 = tpu.memref_squeeze %dma_wait3A_41 : memref<1x128xi32, #tpu.memory_space<vmem>> -> memref<128xi32, #tpu.memory_space<vmem>>
    %dma_wait3A_43 = arith.constant 0 : i32
    %dma_wait3A_44 = arith.constant 0 : i32
    %dma_wait3A_45 = tpu.memref_slice %arg10[%dma_wait3A_43, %dma_wait3A_44] : memref<10240x128xf32, #tpu.memory_space<vmem_shared>> -> memref<10240x128xf32, #tpu.memory_space<vmem_shared>>
    tpu.wait_indirect_dma semaphore(%arg12 : memref<!tpu.dma_semaphore, #tpu.memory_space<semaphore_mem>>) src(%dma_wait3A_45 : memref<10240x128xf32, #tpu.memory_space<vmem_shared>>) dst(%arg9 : memref<128x128xf32, #tpu.memory_space<vmem>>)
    %mul3A_46 = arith.constant 10240 : i32
    %mul3A_47 = arith.muli %add3A, %mul3A_46 : i32
    %add3A_48 = arith.constant 10112 : i32
    %add3A_49 = arith.addi %mul3A_47, %add3A_48 : i32
    "tpu.region"() ({
      %run_scoped3A = tpu.sem_alloc : memref<!tpu.dma_semaphore, #tpu.memory_space<semaphore_mem>>
      %dma_start3A_94 = arith.constant 0 : i32
      %dma_start3A_95 = tpu.memref_slice %arg5[%add3A_49, %dma_start3A_94] : memref<327680x128xf32, #tpu.memory_space<hbm>> -> memref<128x128xf32, #tpu.memory_space<hbm>>
      %dma_start3A_96 = arith.constant 0 : i32
      %dma_start3A_97 = tpu.memref_slice %arg5[%add3A_49, %dma_start3A_96] : memref<327680x128xf32, #tpu.memory_space<hbm>> -> memref<128x128xf32, #tpu.memory_space<hbm>>
      tpu.enqueue_dma source(%arg9 : memref<128x128xf32, #tpu.memory_space<vmem>>) target(%dma_start3A_97 : memref<128x128xf32, #tpu.memory_space<hbm>>) target_semaphore(%run_scoped3A : memref<!tpu.dma_semaphore, #tpu.memory_space<semaphore_mem>>)
      %dma_wait3A_98 = arith.constant 0 : i32
      %dma_wait3A_99 = tpu.memref_slice %arg5[%add3A_49, %dma_wait3A_98] : memref<327680x128xf32, #tpu.memory_space<hbm>> -> memref<128x128xf32, #tpu.memory_space<hbm>>
      %dma_wait3A_100 = arith.constant 0 : i32
      %dma_wait3A_101 = tpu.memref_slice %arg5[%add3A_49, %dma_wait3A_100] : memref<327680x128xf32, #tpu.memory_space<hbm>> -> memref<128x128xf32, #tpu.memory_space<hbm>>
      tpu.wait_dma2 semaphore(%run_scoped3A : memref<!tpu.dma_semaphore, #tpu.memory_space<semaphore_mem>>) src(%arg9 : memref<128x128xf32, #tpu.memory_space<vmem>>) dst(%dma_wait3A_101 : memref<128x128xf32, #tpu.memory_space<hbm>>)
      tpu.yield
    }) : () -> ()
    %mul3A_50 = arith.constant 80 : i32
    %mul3A_51 = arith.muli %add3A, %mul3A_50 : i32
    "tpu.region"() ({
      %run_scoped3A = tpu.sem_alloc : memref<!tpu.dma_semaphore, #tpu.memory_space<semaphore_mem>>
      %dma_start3A_94 = arith.constant 0 : i32
      %dma_start3A_95 = tpu.memref_slice %arg4[%mul3A_51, %dma_start3A_94] : memref<2560x128xi32, #tpu.memory_space<hbm>> -> memref<80x128xi32, #tpu.memory_space<hbm>>
      %dma_start3A_96 = arith.constant 0 : i32
      %dma_start3A_97 = tpu.memref_slice %arg4[%mul3A_51, %dma_start3A_96] : memref<2560x128xi32, #tpu.memory_space<hbm>> -> memref<80x128xi32, #tpu.memory_space<hbm>>
      tpu.enqueue_dma source(%dma_start3A_97 : memref<80x128xi32, #tpu.memory_space<hbm>>) target(%arg7 : memref<80x128xi32, #tpu.memory_space<vmem>>) target_semaphore(%run_scoped3A : memref<!tpu.dma_semaphore, #tpu.memory_space<semaphore_mem>>)
      %dma_wait3A_98 = arith.constant 0 : i32
      %dma_wait3A_99 = tpu.memref_slice %arg4[%mul3A_51, %dma_wait3A_98] : memref<2560x128xi32, #tpu.memory_space<hbm>> -> memref<80x128xi32, #tpu.memory_space<hbm>>
      %dma_wait3A_100 = arith.constant 0 : i32
      %dma_wait3A_101 = tpu.memref_slice %arg4[%mul3A_51, %dma_wait3A_100] : memref<2560x128xi32, #tpu.memory_space<hbm>> -> memref<80x128xi32, #tpu.memory_space<hbm>>
      tpu.wait_dma2 semaphore(%run_scoped3A : memref<!tpu.dma_semaphore, #tpu.memory_space<semaphore_mem>>) src(%dma_wait3A_101 : memref<80x128xi32, #tpu.memory_space<hbm>>) dst(%arg7 : memref<80x128xi32, #tpu.memory_space<vmem>>)
      tpu.yield
    }) : () -> ()
    %dma_start3A_52 = arith.constant 0 : i32
    %dma_start3A_53 = arith.constant 0 : i32
    %dma_start3A_54 = tpu.memref_slice %arg7[%dma_start3A_52, %dma_start3A_53] : memref<80x128xi32, #tpu.memory_space<vmem>> -> memref<1x128xi32, #tpu.memory_space<vmem>>
    %dma_start3A_55 = tpu.memref_squeeze %dma_start3A_54 : memref<1x128xi32, #tpu.memory_space<vmem>> -> memref<128xi32, #tpu.memory_space<vmem>>
    %dma_start3A_56 = arith.constant 0 : i32
    %dma_start3A_57 = arith.constant 0 : i32
    %dma_start3A_58 = tpu.memref_slice %arg10[%dma_start3A_56, %dma_start3A_57] : memref<10240x128xf32, #tpu.memory_space<vmem_shared>> -> memref<10240x128xf32, #tpu.memory_space<vmem_shared>>
    tpu.enqueue_indirect_dma source(%dma_start3A_58 : memref<10240x128xf32, #tpu.memory_space<vmem_shared>>) target(%arg8 : memref<128x128xf32, #tpu.memory_space<vmem>>) offsets(%dma_start3A_55 : memref<128xi32, #tpu.memory_space<vmem>>) semaphore(%arg11 : memref<!tpu.dma_semaphore, #tpu.memory_space<semaphore_mem>>)
    %scan3A_59 = arith.constant 0 : i32
    %scan3A_60 = arith.constant 0 : i32
    %scan3A_61 = arith.constant 39 : i32
    %scan3A_62 = arith.addi %scan3A_60, %scan3A_61 : i32
    %scan3A_63 = arith.constant 1 : i32
    scf.for %scan3A_94 = %scan3A_60 to %scan3A_62 step %scan3A_63  : i32 {
      %mul3A_95 = arith.constant 2 : i32
      %mul3A_96 = arith.muli %scan3A_94, %mul3A_95 : i32
      %add3A_97 = arith.constant 1 : i32
      %add3A_98 = arith.addi %mul3A_96, %add3A_97 : i32
      %dma_start3A_99 = arith.constant 0 : i32
      %dma_start3A_100 = tpu.memref_slice %arg7[%add3A_98, %dma_start3A_99] : memref<80x128xi32, #tpu.memory_space<vmem>> -> memref<1x128xi32, #tpu.memory_space<vmem>>
      %dma_start3A_101 = tpu.memref_squeeze %dma_start3A_100 : memref<1x128xi32, #tpu.memory_space<vmem>> -> memref<128xi32, #tpu.memory_space<vmem>>
      %dma_start3A_102 = arith.constant 0 : i32
      %dma_start3A_103 = arith.constant 0 : i32
      %dma_start3A_104 = tpu.memref_slice %arg10[%dma_start3A_102, %dma_start3A_103] : memref<10240x128xf32, #tpu.memory_space<vmem_shared>> -> memref<10240x128xf32, #tpu.memory_space<vmem_shared>>
      tpu.enqueue_indirect_dma source(%dma_start3A_104 : memref<10240x128xf32, #tpu.memory_space<vmem_shared>>) target(%arg9 : memref<128x128xf32, #tpu.memory_space<vmem>>) offsets(%dma_start3A_101 : memref<128xi32, #tpu.memory_space<vmem>>) semaphore(%arg12 : memref<!tpu.dma_semaphore, #tpu.memory_space<semaphore_mem>>)
      %dma_wait3A_105 = arith.constant 0 : i32
      %dma_wait3A_106 = arith.constant 0 : i32
      %dma_wait3A_107 = tpu.memref_slice %arg7[%dma_wait3A_105, %dma_wait3A_106] : memref<80x128xi32, #tpu.memory_space<vmem>> -> memref<1x128xi32, #tpu.memory_space<vmem>>
      %dma_wait3A_108 = tpu.memref_squeeze %dma_wait3A_107 : memref<1x128xi32, #tpu.memory_space<vmem>> -> memref<128xi32, #tpu.memory_space<vmem>>
      %dma_wait3A_109 = arith.constant 0 : i32
      %dma_wait3A_110 = arith.constant 0 : i32
      %dma_wait3A_111 = tpu.memref_slice %arg10[%dma_wait3A_109, %dma_wait3A_110] : memref<10240x128xf32, #tpu.memory_space<vmem_shared>> -> memref<10240x128xf32, #tpu.memory_space<vmem_shared>>
      tpu.wait_indirect_dma semaphore(%arg11 : memref<!tpu.dma_semaphore, #tpu.memory_space<semaphore_mem>>) src(%dma_wait3A_111 : memref<10240x128xf32, #tpu.memory_space<vmem_shared>>) dst(%arg8 : memref<128x128xf32, #tpu.memory_space<vmem>>)
      %mul3A_112 = arith.constant 10240 : i32
      %mul3A_113 = arith.muli %add3A, %mul3A_112 : i32
      %mul3A_114 = arith.constant 128 : i32
      %mul3A_115 = arith.muli %mul3A_96, %mul3A_114 : i32
      %add3A_116 = arith.addi %mul3A_113, %mul3A_115 : i32
      "tpu.region"() ({
        %run_scoped3A = tpu.sem_alloc : memref<!tpu.dma_semaphore, #tpu.memory_space<semaphore_mem>>
        %dma_start3A_139 = arith.constant 0 : i32
        %dma_start3A_140 = tpu.memref_slice %arg6[%add3A_116, %dma_start3A_139] : memref<327680x128xf32, #tpu.memory_space<hbm>> -> memref<128x128xf32, #tpu.memory_space<hbm>>
        %dma_start3A_141 = arith.constant 0 : i32
        %dma_start3A_142 = tpu.memref_slice %arg6[%add3A_116, %dma_start3A_141] : memref<327680x128xf32, #tpu.memory_space<hbm>> -> memref<128x128xf32, #tpu.memory_space<hbm>>
        tpu.enqueue_dma source(%arg8 : memref<128x128xf32, #tpu.memory_space<vmem>>) target(%dma_start3A_142 : memref<128x128xf32, #tpu.memory_space<hbm>>) target_semaphore(%run_scoped3A : memref<!tpu.dma_semaphore, #tpu.memory_space<semaphore_mem>>)
        %dma_wait3A_143 = arith.constant 0 : i32
        %dma_wait3A_144 = tpu.memref_slice %arg6[%add3A_116, %dma_wait3A_143] : memref<327680x128xf32, #tpu.memory_space<hbm>> -> memref<128x128xf32, #tpu.memory_space<hbm>>
        %dma_wait3A_145 = arith.constant 0 : i32
        %dma_wait3A_146 = tpu.memref_slice %arg6[%add3A_116, %dma_wait3A_145] : memref<327680x128xf32, #tpu.memory_space<hbm>> -> memref<128x128xf32, #tpu.memory_space<hbm>>
        tpu.wait_dma2 semaphore(%run_scoped3A : memref<!tpu.dma_semaphore, #tpu.memory_space<semaphore_mem>>) src(%arg8 : memref<128x128xf32, #tpu.memory_space<vmem>>) dst(%dma_wait3A_146 : memref<128x128xf32, #tpu.memory_space<hbm>>)
        tpu.yield
      }) : () -> ()
      %add3A_117 = arith.constant 2 : i32
      %add3A_118 = arith.addi %mul3A_96, %add3A_117 : i32
      %dma_start3A_119 = arith.constant 0 : i32
      %dma_start3A_120 = tpu.memref_slice %arg7[%add3A_118, %dma_start3A_119] : memref<80x128xi32, #tpu.memory_space<vmem>> -> memref<1x128xi32, #tpu.memory_space<vmem>>
      %dma_start3A_121 = tpu.memref_squeeze %dma_start3A_120 : memref<1x128xi32, #tpu.memory_space<vmem>> -> memref<128xi32, #tpu.memory_space<vmem>>
      %dma_start3A_122 = arith.constant 0 : i32
      %dma_start3A_123 = arith.constant 0 : i32
      %dma_start3A_124 = tpu.memref_slice %arg10[%dma_start3A_122, %dma_start3A_123] : memref<10240x128xf32, #tpu.memory_space<vmem_shared>> -> memref<10240x128xf32, #tpu.memory_space<vmem_shared>>
      tpu.enqueue_indirect_dma source(%dma_start3A_124 : memref<10240x128xf32, #tpu.memory_space<vmem_shared>>) target(%arg8 : memref<128x128xf32, #tpu.memory_space<vmem>>) offsets(%dma_start3A_121 : memref<128xi32, #tpu.memory_space<vmem>>) semaphore(%arg11 : memref<!tpu.dma_semaphore, #tpu.memory_space<semaphore_mem>>)
      %add3A_125 = arith.constant 1 : i32
      %add3A_126 = arith.addi %mul3A_96, %add3A_125 : i32
      %dma_wait3A_127 = arith.constant 0 : i32
      %dma_wait3A_128 = arith.constant 0 : i32
      %dma_wait3A_129 = tpu.memref_slice %arg7[%dma_wait3A_127, %dma_wait3A_128] : memref<80x128xi32, #tpu.memory_space<vmem>> -> memref<1x128xi32, #tpu.memory_space<vmem>>
      %dma_wait3A_130 = tpu.memref_squeeze %dma_wait3A_129 : memref<1x128xi32, #tpu.memory_space<vmem>> -> memref<128xi32, #tpu.memory_space<vmem>>
      %dma_wait3A_131 = arith.constant 0 : i32
      %dma_wait3A_132 = arith.constant 0 : i32
      %dma_wait3A_133 = tpu.memref_slice %arg10[%dma_wait3A_131, %dma_wait3A_132] : memref<10240x128xf32, #tpu.memory_space<vmem_shared>> -> memref<10240x128xf32, #tpu.memory_space<vmem_shared>>
      tpu.wait_indirect_dma semaphore(%arg12 : memref<!tpu.dma_semaphore, #tpu.memory_space<semaphore_mem>>) src(%dma_wait3A_133 : memref<10240x128xf32, #tpu.memory_space<vmem_shared>>) dst(%arg9 : memref<128x128xf32, #tpu.memory_space<vmem>>)
      %mul3A_134 = arith.constant 10240 : i32
      %mul3A_135 = arith.muli %add3A, %mul3A_134 : i32
      %mul3A_136 = arith.constant 128 : i32
      %mul3A_137 = arith.muli %add3A_126, %mul3A_136 : i32
      %add3A_138 = arith.addi %mul3A_135, %mul3A_137 : i32
      "tpu.region"() ({
        %run_scoped3A = tpu.sem_alloc : memref<!tpu.dma_semaphore, #tpu.memory_space<semaphore_mem>>
        %dma_start3A_139 = arith.constant 0 : i32
        %dma_start3A_140 = tpu.memref_slice %arg6[%add3A_138, %dma_start3A_139] : memref<327680x128xf32, #tpu.memory_space<hbm>> -> memref<128x128xf32, #tpu.memory_space<hbm>>
        %dma_start3A_141 = arith.constant 0 : i32
        %dma_start3A_142 = tpu.memref_slice %arg6[%add3A_138, %dma_start3A_141] : memref<327680x128xf32, #tpu.memory_space<hbm>> -> memref<128x128xf32, #tpu.memory_space<hbm>>
        tpu.enqueue_dma source(%arg9 : memref<128x128xf32, #tpu.memory_space<vmem>>) target(%dma_start3A_142 : memref<128x128xf32, #tpu.memory_space<hbm>>) target_semaphore(%run_scoped3A : memref<!tpu.dma_semaphore, #tpu.memory_space<semaphore_mem>>)
        %dma_wait3A_143 = arith.constant 0 : i32
        %dma_wait3A_144 = tpu.memref_slice %arg6[%add3A_138, %dma_wait3A_143] : memref<327680x128xf32, #tpu.memory_space<hbm>> -> memref<128x128xf32, #tpu.memory_space<hbm>>
        %dma_wait3A_145 = arith.constant 0 : i32
        %dma_wait3A_146 = tpu.memref_slice %arg6[%add3A_138, %dma_wait3A_145] : memref<327680x128xf32, #tpu.memory_space<hbm>> -> memref<128x128xf32, #tpu.memory_space<hbm>>
        tpu.wait_dma2 semaphore(%run_scoped3A : memref<!tpu.dma_semaphore, #tpu.memory_space<semaphore_mem>>) src(%arg9 : memref<128x128xf32, #tpu.memory_space<vmem>>) dst(%dma_wait3A_146 : memref<128x128xf32, #tpu.memory_space<hbm>>)
        tpu.yield
      }) : () -> ()
    }
    %scan3A_64 = arith.constant 39 : i32
    %dma_start3A_65 = arith.constant 79 : i32
    %dma_start3A_66 = arith.constant 0 : i32
    %dma_start3A_67 = tpu.memref_slice %arg7[%dma_start3A_65, %dma_start3A_66] : memref<80x128xi32, #tpu.memory_space<vmem>> -> memref<1x128xi32, #tpu.memory_space<vmem>>
    %dma_start3A_68 = tpu.memref_squeeze %dma_start3A_67 : memref<1x128xi32, #tpu.memory_space<vmem>> -> memref<128xi32, #tpu.memory_space<vmem>>
    %dma_start3A_69 = arith.constant 0 : i32
    %dma_start3A_70 = arith.constant 0 : i32
    %dma_start3A_71 = tpu.memref_slice %arg10[%dma_start3A_69, %dma_start3A_70] : memref<10240x128xf32, #tpu.memory_space<vmem_shared>> -> memref<10240x128xf32, #tpu.memory_space<vmem_shared>>
    tpu.enqueue_indirect_dma source(%dma_start3A_71 : memref<10240x128xf32, #tpu.memory_space<vmem_shared>>) target(%arg9 : memref<128x128xf32, #tpu.memory_space<vmem>>) offsets(%dma_start3A_68 : memref<128xi32, #tpu.memory_space<vmem>>) semaphore(%arg12 : memref<!tpu.dma_semaphore, #tpu.memory_space<semaphore_mem>>)
    %dma_wait3A_72 = arith.constant 0 : i32
    %dma_wait3A_73 = arith.constant 0 : i32
    %dma_wait3A_74 = tpu.memref_slice %arg7[%dma_wait3A_72, %dma_wait3A_73] : memref<80x128xi32, #tpu.memory_space<vmem>> -> memref<1x128xi32, #tpu.memory_space<vmem>>
    %dma_wait3A_75 = tpu.memref_squeeze %dma_wait3A_74 : memref<1x128xi32, #tpu.memory_space<vmem>> -> memref<128xi32, #tpu.memory_space<vmem>>
    %dma_wait3A_76 = arith.constant 0 : i32
    %dma_wait3A_77 = arith.constant 0 : i32
    %dma_wait3A_78 = tpu.memref_slice %arg10[%dma_wait3A_76, %dma_wait3A_77] : memref<10240x128xf32, #tpu.memory_space<vmem_shared>> -> memref<10240x128xf32, #tpu.memory_space<vmem_shared>>
    tpu.wait_indirect_dma semaphore(%arg11 : memref<!tpu.dma_semaphore, #tpu.memory_space<semaphore_mem>>) src(%dma_wait3A_78 : memref<10240x128xf32, #tpu.memory_space<vmem_shared>>) dst(%arg8 : memref<128x128xf32, #tpu.memory_space<vmem>>)
    %mul3A_79 = arith.constant 10240 : i32
    %mul3A_80 = arith.muli %add3A, %mul3A_79 : i32
    %add3A_81 = arith.constant 9984 : i32
    %add3A_82 = arith.addi %mul3A_80, %add3A_81 : i32
    "tpu.region"() ({
      %run_scoped3A = tpu.sem_alloc : memref<!tpu.dma_semaphore, #tpu.memory_space<semaphore_mem>>
      %dma_start3A_94 = arith.constant 0 : i32
      %dma_start3A_95 = tpu.memref_slice %arg6[%add3A_82, %dma_start3A_94] : memref<327680x128xf32, #tpu.memory_space<hbm>> -> memref<128x128xf32, #tpu.memory_space<hbm>>
      %dma_start3A_96 = arith.constant 0 : i32
      %dma_start3A_97 = tpu.memref_slice %arg6[%add3A_82, %dma_start3A_96] : memref<327680x128xf32, #tpu.memory_space<hbm>> -> memref<128x128xf32, #tpu.memory_space<hbm>>
      tpu.enqueue_dma source(%arg8 : memref<128x128xf32, #tpu.memory_space<vmem>>) target(%dma_start3A_97 : memref<128x128xf32, #tpu.memory_space<hbm>>) target_semaphore(%run_scoped3A : memref<!tpu.dma_semaphore, #tpu.memory_space<semaphore_mem>>)
      %dma_wait3A_98 = arith.constant 0 : i32
      %dma_wait3A_99 = tpu.memref_slice %arg6[%add3A_82, %dma_wait3A_98] : memref<327680x128xf32, #tpu.memory_space<hbm>> -> memref<128x128xf32, #tpu.memory_space<hbm>>
      %dma_wait3A_100 = arith.constant 0 : i32
      %dma_wait3A_101 = tpu.memref_slice %arg6[%add3A_82, %dma_wait3A_100] : memref<327680x128xf32, #tpu.memory_space<hbm>> -> memref<128x128xf32, #tpu.memory_space<hbm>>
      tpu.wait_dma2 semaphore(%run_scoped3A : memref<!tpu.dma_semaphore, #tpu.memory_space<semaphore_mem>>) src(%arg8 : memref<128x128xf32, #tpu.memory_space<vmem>>) dst(%dma_wait3A_101 : memref<128x128xf32, #tpu.memory_space<hbm>>)
      tpu.yield
    }) : () -> ()
    %dma_wait3A_83 = arith.constant 0 : i32
    %dma_wait3A_84 = arith.constant 0 : i32
    %dma_wait3A_85 = tpu.memref_slice %arg7[%dma_wait3A_83, %dma_wait3A_84] : memref<80x128xi32, #tpu.memory_space<vmem>> -> memref<1x128xi32, #tpu.memory_space<vmem>>
    %dma_wait3A_86 = tpu.memref_squeeze %dma_wait3A_85 : memref<1x128xi32, #tpu.memory_space<vmem>> -> memref<128xi32, #tpu.memory_space<vmem>>
    %dma_wait3A_87 = arith.constant 0 : i32
    %dma_wait3A_88 = arith.constant 0 : i32
    %dma_wait3A_89 = tpu.memref_slice %arg10[%dma_wait3A_87, %dma_wait3A_88] : memref<10240x128xf32, #tpu.memory_space<vmem_shared>> -> memref<10240x128xf32, #tpu.memory_space<vmem_shared>>
    tpu.wait_indirect_dma semaphore(%arg12 : memref<!tpu.dma_semaphore, #tpu.memory_space<semaphore_mem>>) src(%dma_wait3A_89 : memref<10240x128xf32, #tpu.memory_space<vmem_shared>>) dst(%arg9 : memref<128x128xf32, #tpu.memory_space<vmem>>)
    %mul3A_90 = arith.constant 10240 : i32
    %mul3A_91 = arith.muli %add3A, %mul3A_90 : i32
    %add3A_92 = arith.constant 10112 : i32
    %add3A_93 = arith.addi %mul3A_91, %add3A_92 : i32
    "tpu.region"() ({
      %run_scoped3A = tpu.sem_alloc : memref<!tpu.dma_semaphore, #tpu.memory_space<semaphore_mem>>
      %dma_start3A_94 = arith.constant 0 : i32
      %dma_start3A_95 = tpu.memref_slice %arg6[%add3A_93, %dma_start3A_94] : memref<327680x128xf32, #tpu.memory_space<hbm>> -> memref<128x128xf32, #tpu.memory_space<hbm>>
      %dma_start3A_96 = arith.constant 0 : i32
      %dma_start3A_97 = tpu.memref_slice %arg6[%add3A_93, %dma_start3A_96] : memref<327680x128xf32, #tpu.memory_space<hbm>> -> memref<128x128xf32, #tpu.memory_space<hbm>>
      tpu.enqueue_dma source(%arg9 : memref<128x128xf32, #tpu.memory_space<vmem>>) target(%dma_start3A_97 : memref<128x128xf32, #tpu.memory_space<hbm>>) target_semaphore(%run_scoped3A : memref<!tpu.dma_semaphore, #tpu.memory_space<semaphore_mem>>)
      %dma_wait3A_98 = arith.constant 0 : i32
      %dma_wait3A_99 = tpu.memref_slice %arg6[%add3A_93, %dma_wait3A_98] : memref<327680x128xf32, #tpu.memory_space<hbm>> -> memref<128x128xf32, #tpu.memory_space<hbm>>
      %dma_wait3A_100 = arith.constant 0 : i32
      %dma_wait3A_101 = tpu.memref_slice %arg6[%add3A_93, %dma_wait3A_100] : memref<327680x128xf32, #tpu.memory_space<hbm>> -> memref<128x128xf32, #tpu.memory_space<hbm>>
      tpu.wait_dma2 semaphore(%run_scoped3A : memref<!tpu.dma_semaphore, #tpu.memory_space<semaphore_mem>>) src(%arg9 : memref<128x128xf32, #tpu.memory_space<vmem>>) dst(%dma_wait3A_101 : memref<128x128xf32, #tpu.memory_space<hbm>>)
      tpu.yield
    }) : () -> ()
    return
  }
}

#map = affine_map<(d0, d1) -> (0, 0)>
module attributes {stable_mosaic.version = 14 : i64} {
  func.func @_scatter_kernel(%arg0: i32, %arg1: i32, %arg2: memref<327680x128xf32, #tpu.memory_space<hbm>>, %arg3: memref<327680x128xf32, #tpu.memory_space<hbm>>, %arg4: memref<2560x128xi32, #tpu.memory_space<hbm>>, %arg5: memref<10240x128xf32, #tpu.memory_space<hbm>>, %arg6: memref<20480x128xf32, #tpu.memory_space<hbm>>, %arg7: memref<20480x128xf32, #tpu.memory_space<hbm>>, %arg8: memref<80x128xi32, #tpu.memory_space<vmem>>, %arg9: memref<128x128xf32, #tpu.memory_space<vmem>>, %arg10: memref<128x128xf32, #tpu.memory_space<vmem>>, %arg11: memref<10240x128xf32, #tpu.memory_space<vmem_shared>>, %arg12: memref<!tpu.dma_semaphore, #tpu.memory_space<semaphore_mem>>, %arg13: memref<!tpu.dma_semaphore, #tpu.memory_space<semaphore_mem>>) attributes {dimension_semantics = [#tpu.dimension_semantics<core_parallel>, #tpu.dimension_semantics<subcore_parallel>], iteration_bounds = array<i64: 2, 16>, scalar_prefetch = 0 : i64, scratch_operands = 6 : i64, tpu.core_type = #tpu.core_type<sc_vector_subcore>, window_params = [{transform_indices = #map}, {transform_indices = #map}, {transform_indices = #map}, {transform_indices = #map}, {transform_indices = #map}, {transform_indices = #map}]} {
    %mul3A = arith.constant 2 : i32
    %mul3A_0 = arith.muli %arg1, %mul3A : i32
    %add3A = arith.addi %mul3A_0, %arg0 : i32
    %mul3A_1 = arith.constant 80 : i32
    %mul3A_2 = arith.muli %add3A, %mul3A_1 : i32
    "tpu.region"() ({
      %run_scoped3A_102 = tpu.sem_alloc : memref<!tpu.dma_semaphore, #tpu.memory_space<semaphore_mem>>
      %dma_start3A_103 = arith.constant 0 : i32
      %dma_start3A_104 = tpu.memref_slice %arg4[%mul3A_2, %dma_start3A_103] : memref<2560x128xi32, #tpu.memory_space<hbm>> -> memref<80x128xi32, #tpu.memory_space<hbm>>
      %dma_start3A_105 = arith.constant 0 : i32
      %dma_start3A_106 = tpu.memref_slice %arg4[%mul3A_2, %dma_start3A_105] : memref<2560x128xi32, #tpu.memory_space<hbm>> -> memref<80x128xi32, #tpu.memory_space<hbm>>
      tpu.enqueue_dma source(%dma_start3A_106 : memref<80x128xi32, #tpu.memory_space<hbm>>) target(%arg8 : memref<80x128xi32, #tpu.memory_space<vmem>>) target_semaphore(%run_scoped3A_102 : memref<!tpu.dma_semaphore, #tpu.memory_space<semaphore_mem>>)
      %dma_wait3A_107 = arith.constant 0 : i32
      %dma_wait3A_108 = tpu.memref_slice %arg4[%mul3A_2, %dma_wait3A_107] : memref<2560x128xi32, #tpu.memory_space<hbm>> -> memref<80x128xi32, #tpu.memory_space<hbm>>
      %dma_wait3A_109 = arith.constant 0 : i32
      %dma_wait3A_110 = tpu.memref_slice %arg4[%mul3A_2, %dma_wait3A_109] : memref<2560x128xi32, #tpu.memory_space<hbm>> -> memref<80x128xi32, #tpu.memory_space<hbm>>
      tpu.wait_dma2 semaphore(%run_scoped3A_102 : memref<!tpu.dma_semaphore, #tpu.memory_space<semaphore_mem>>) src(%dma_wait3A_110 : memref<80x128xi32, #tpu.memory_space<hbm>>) dst(%arg8 : memref<80x128xi32, #tpu.memory_space<vmem>>)
      tpu.yield
    }) : () -> ()
    %mul3A_3 = arith.constant 640 : i32
    %mul3A_4 = arith.muli %arg1, %mul3A_3 : i32
    %scan3A = arith.constant 0 : i32
    %scan3A_5 = arith.constant 0 : i32
    %scan3A_6 = arith.constant 8 : i32
    %scan3A_7 = arith.addi %scan3A_5, %scan3A_6 : i32
    %scan3A_8 = arith.constant 1 : i32
    scf.for %scan3A_102 = %scan3A_5 to %scan3A_7 step %scan3A_8  : i32 {
      %mul3A_103 = arith.constant 80 : i32
      %mul3A_104 = arith.muli %scan3A_102, %mul3A_103 : i32
      %add3A_105 = arith.addi %mul3A_4, %mul3A_104 : i32
      "tpu.region"() ({
        %run_scoped3A_106 = tpu.sem_alloc : memref<!tpu.dma_semaphore, #tpu.memory_space<semaphore_mem>>
        %dma_start3A_107 = arith.constant 0 : i32
        %dma_start3A_108 = arith.constant 0 : i32
        %dma_start3A_109 = tpu.memref_slice %arg9[%dma_start3A_107, %dma_start3A_108] : memref<128x128xf32, #tpu.memory_space<vmem>> -> memref<80x128xf32, #tpu.memory_space<vmem>>
        %dma_start3A_110 = arith.constant 0 : i32
        %dma_start3A_111 = tpu.memref_slice %arg5[%add3A_105, %dma_start3A_110] : memref<10240x128xf32, #tpu.memory_space<hbm>> -> memref<80x128xf32, #tpu.memory_space<hbm>>
        %dma_start3A_112 = arith.constant 0 : i32
        %dma_start3A_113 = arith.constant 0 : i32
        %dma_start3A_114 = tpu.memref_slice %arg9[%dma_start3A_112, %dma_start3A_113] : memref<128x128xf32, #tpu.memory_space<vmem>> -> memref<80x128xf32, #tpu.memory_space<vmem>>
        %dma_start3A_115 = arith.constant 0 : i32
        %dma_start3A_116 = tpu.memref_slice %arg5[%add3A_105, %dma_start3A_115] : memref<10240x128xf32, #tpu.memory_space<hbm>> -> memref<80x128xf32, #tpu.memory_space<hbm>>
        tpu.enqueue_dma source(%dma_start3A_116 : memref<80x128xf32, #tpu.memory_space<hbm>>) target(%dma_start3A_114 : memref<80x128xf32, #tpu.memory_space<vmem>>) target_semaphore(%run_scoped3A_106 : memref<!tpu.dma_semaphore, #tpu.memory_space<semaphore_mem>>)
        %dma_wait3A_117 = arith.constant 0 : i32
        %dma_wait3A_118 = arith.constant 0 : i32
        %dma_wait3A_119 = tpu.memref_slice %arg9[%dma_wait3A_117, %dma_wait3A_118] : memref<128x128xf32, #tpu.memory_space<vmem>> -> memref<80x128xf32, #tpu.memory_space<vmem>>
        %dma_wait3A_120 = arith.constant 0 : i32
        %dma_wait3A_121 = tpu.memref_slice %arg5[%add3A_105, %dma_wait3A_120] : memref<10240x128xf32, #tpu.memory_space<hbm>> -> memref<80x128xf32, #tpu.memory_space<hbm>>
        %dma_wait3A_122 = arith.constant 0 : i32
        %dma_wait3A_123 = arith.constant 0 : i32
        %dma_wait3A_124 = tpu.memref_slice %arg9[%dma_wait3A_122, %dma_wait3A_123] : memref<128x128xf32, #tpu.memory_space<vmem>> -> memref<80x128xf32, #tpu.memory_space<vmem>>
        %dma_wait3A_125 = arith.constant 0 : i32
        %dma_wait3A_126 = tpu.memref_slice %arg5[%add3A_105, %dma_wait3A_125] : memref<10240x128xf32, #tpu.memory_space<hbm>> -> memref<80x128xf32, #tpu.memory_space<hbm>>
        tpu.wait_dma2 semaphore(%run_scoped3A_106 : memref<!tpu.dma_semaphore, #tpu.memory_space<semaphore_mem>>) src(%dma_wait3A_126 : memref<80x128xf32, #tpu.memory_space<hbm>>) dst(%dma_wait3A_124 : memref<80x128xf32, #tpu.memory_space<vmem>>)
        tpu.yield
      }) : () -> ()
      "tpu.region"() ({
        %run_scoped3A_106 = tpu.sem_alloc : memref<!tpu.dma_semaphore, #tpu.memory_space<semaphore_mem>>
        %dma_start3A_107 = arith.constant 0 : i32
        %dma_start3A_108 = arith.constant 0 : i32
        %dma_start3A_109 = tpu.memref_slice %arg9[%dma_start3A_107, %dma_start3A_108] : memref<128x128xf32, #tpu.memory_space<vmem>> -> memref<80x128xf32, #tpu.memory_space<vmem>>
        %dma_start3A_110 = arith.constant 0 : i32
        %dma_start3A_111 = tpu.memref_slice %arg11[%add3A_105, %dma_start3A_110] : memref<10240x128xf32, #tpu.memory_space<vmem_shared>> -> memref<80x128xf32, #tpu.memory_space<vmem_shared>>
        %dma_start3A_112 = arith.constant 0 : i32
        %dma_start3A_113 = tpu.memref_slice %arg11[%add3A_105, %dma_start3A_112] : memref<10240x128xf32, #tpu.memory_space<vmem_shared>> -> memref<80x128xf32, #tpu.memory_space<vmem_shared>>
        %dma_start3A_114 = arith.constant 0 : i32
        %dma_start3A_115 = arith.constant 0 : i32
        %dma_start3A_116 = tpu.memref_slice %arg9[%dma_start3A_114, %dma_start3A_115] : memref<128x128xf32, #tpu.memory_space<vmem>> -> memref<80x128xf32, #tpu.memory_space<vmem>>
        tpu.enqueue_dma source(%dma_start3A_116 : memref<80x128xf32, #tpu.memory_space<vmem>>) target(%dma_start3A_113 : memref<80x128xf32, #tpu.memory_space<vmem_shared>>) target_semaphore(%run_scoped3A_106 : memref<!tpu.dma_semaphore, #tpu.memory_space<semaphore_mem>>)
        %dma_wait3A_117 = arith.constant 0 : i32
        %dma_wait3A_118 = arith.constant 0 : i32
        %dma_wait3A_119 = tpu.memref_slice %arg9[%dma_wait3A_117, %dma_wait3A_118] : memref<128x128xf32, #tpu.memory_space<vmem>> -> memref<80x128xf32, #tpu.memory_space<vmem>>
        %dma_wait3A_120 = arith.constant 0 : i32
        %dma_wait3A_121 = tpu.memref_slice %arg11[%add3A_105, %dma_wait3A_120] : memref<10240x128xf32, #tpu.memory_space<vmem_shared>> -> memref<80x128xf32, #tpu.memory_space<vmem_shared>>
        %dma_wait3A_122 = arith.constant 0 : i32
        %dma_wait3A_123 = tpu.memref_slice %arg11[%add3A_105, %dma_wait3A_122] : memref<10240x128xf32, #tpu.memory_space<vmem_shared>> -> memref<80x128xf32, #tpu.memory_space<vmem_shared>>
        %dma_wait3A_124 = arith.constant 0 : i32
        %dma_wait3A_125 = arith.constant 0 : i32
        %dma_wait3A_126 = tpu.memref_slice %arg9[%dma_wait3A_124, %dma_wait3A_125] : memref<128x128xf32, #tpu.memory_space<vmem>> -> memref<80x128xf32, #tpu.memory_space<vmem>>
        tpu.wait_dma2 semaphore(%run_scoped3A_106 : memref<!tpu.dma_semaphore, #tpu.memory_space<semaphore_mem>>) src(%dma_wait3A_126 : memref<80x128xf32, #tpu.memory_space<vmem>>) dst(%dma_wait3A_123 : memref<80x128xf32, #tpu.memory_space<vmem_shared>>)
        tpu.yield
      }) : () -> ()
    }
    %scan3A_9 = arith.constant 8 : i32
    %barrier3A = arith.constant 0 : index
    tpu.barrier barrier_id(%barrier3A)
    %mul3A_10 = arith.constant 10240 : i32
    %mul3A_11 = arith.muli %add3A, %mul3A_10 : i32
    %add3A_12 = arith.constant 0 : i32
    %add3A_13 = arith.addi %mul3A_11, %add3A_12 : i32
    %dma_start3A = arith.constant 0 : i32
    %dma_start3A_14 = tpu.memref_slice %arg2[%add3A_13, %dma_start3A] : memref<327680x128xf32, #tpu.memory_space<hbm>> -> memref<128x128xf32, #tpu.memory_space<hbm>>
    %dma_start3A_15 = arith.constant 0 : i32
    %dma_start3A_16 = tpu.memref_slice %arg2[%add3A_13, %dma_start3A_15] : memref<327680x128xf32, #tpu.memory_space<hbm>> -> memref<128x128xf32, #tpu.memory_space<hbm>>
    tpu.enqueue_dma source(%dma_start3A_16 : memref<128x128xf32, #tpu.memory_space<hbm>>) target(%arg9 : memref<128x128xf32, #tpu.memory_space<vmem>>) target_semaphore(%arg12 : memref<!tpu.dma_semaphore, #tpu.memory_space<semaphore_mem>>)
    %scan3A_17 = arith.constant 0 : i32
    %scan3A_18 = arith.constant 0 : i32
    %scan3A_19 = arith.constant 39 : i32
    %scan3A_20 = arith.addi %scan3A_18, %scan3A_19 : i32
    %scan3A_21 = arith.constant 1 : i32
    scf.for %scan3A_102 = %scan3A_18 to %scan3A_20 step %scan3A_21  : i32 {
      %mul3A_103 = arith.constant 2 : i32
      %mul3A_104 = arith.muli %scan3A_102, %mul3A_103 : i32
      %add3A_105 = arith.constant 1 : i32
      %add3A_106 = arith.addi %mul3A_104, %add3A_105 : i32
      %mul3A_107 = arith.constant 10240 : i32
      %mul3A_108 = arith.muli %add3A, %mul3A_107 : i32
      %mul3A_109 = arith.constant 128 : i32
      %mul3A_110 = arith.muli %add3A_106, %mul3A_109 : i32
      %add3A_111 = arith.addi %mul3A_108, %mul3A_110 : i32
      %dma_start3A_112 = arith.constant 0 : i32
      %dma_start3A_113 = tpu.memref_slice %arg2[%add3A_111, %dma_start3A_112] : memref<327680x128xf32, #tpu.memory_space<hbm>> -> memref<128x128xf32, #tpu.memory_space<hbm>>
      %dma_start3A_114 = arith.constant 0 : i32
      %dma_start3A_115 = tpu.memref_slice %arg2[%add3A_111, %dma_start3A_114] : memref<327680x128xf32, #tpu.memory_space<hbm>> -> memref<128x128xf32, #tpu.memory_space<hbm>>
      tpu.enqueue_dma source(%dma_start3A_115 : memref<128x128xf32, #tpu.memory_space<hbm>>) target(%arg10 : memref<128x128xf32, #tpu.memory_space<vmem>>) target_semaphore(%arg13 : memref<!tpu.dma_semaphore, #tpu.memory_space<semaphore_mem>>)
      %dma_wait3A_116 = arith.constant 0 : i32
      %dma_wait3A_117 = arith.constant 0 : i32
      %dma_wait3A_118 = tpu.memref_slice %arg2[%dma_wait3A_116, %dma_wait3A_117] : memref<327680x128xf32, #tpu.memory_space<hbm>> -> memref<128x128xf32, #tpu.memory_space<hbm>>
      %dma_wait3A_119 = arith.constant 0 : i32
      %dma_wait3A_120 = arith.constant 0 : i32
      %dma_wait3A_121 = tpu.memref_slice %arg2[%dma_wait3A_119, %dma_wait3A_120] : memref<327680x128xf32, #tpu.memory_space<hbm>> -> memref<128x128xf32, #tpu.memory_space<hbm>>
      tpu.wait_dma2 semaphore(%arg12 : memref<!tpu.dma_semaphore, #tpu.memory_space<semaphore_mem>>) src(%dma_wait3A_121 : memref<128x128xf32, #tpu.memory_space<hbm>>) dst(%arg9 : memref<128x128xf32, #tpu.memory_space<vmem>>)
      "tpu.region"() ({
        %run_scoped3A_141 = tpu.sem_alloc : memref<!tpu.dma_semaphore, #tpu.memory_space<semaphore_mem>>
        %dma_start3A_142 = arith.constant 0 : i32
        %dma_start3A_143 = tpu.memref_slice %arg8[%mul3A_104, %dma_start3A_142] : memref<80x128xi32, #tpu.memory_space<vmem>> -> memref<1x128xi32, #tpu.memory_space<vmem>>
        %dma_start3A_144 = tpu.memref_squeeze %dma_start3A_143 : memref<1x128xi32, #tpu.memory_space<vmem>> -> memref<128xi32, #tpu.memory_space<vmem>>
        %dma_start3A_145 = arith.constant 0 : i32
        %dma_start3A_146 = arith.constant 0 : i32
        %dma_start3A_147 = tpu.memref_slice %arg11[%dma_start3A_145, %dma_start3A_146] : memref<10240x128xf32, #tpu.memory_space<vmem_shared>> -> memref<10240x128xf32, #tpu.memory_space<vmem_shared>>
        tpu.enqueue_indirect_dma source(%arg9 : memref<128x128xf32, #tpu.memory_space<vmem>>) target(%dma_start3A_147 : memref<10240x128xf32, #tpu.memory_space<vmem_shared>>) offsets(%dma_start3A_144 : memref<128xi32, #tpu.memory_space<vmem>>) semaphore(%run_scoped3A_141 : memref<!tpu.dma_semaphore, #tpu.memory_space<semaphore_mem>>) {add = true}
        %dma_wait3A_148 = arith.constant 0 : i32
        %dma_wait3A_149 = tpu.memref_slice %arg8[%mul3A_104, %dma_wait3A_148] : memref<80x128xi32, #tpu.memory_space<vmem>> -> memref<1x128xi32, #tpu.memory_space<vmem>>
        %dma_wait3A_150 = tpu.memref_squeeze %dma_wait3A_149 : memref<1x128xi32, #tpu.memory_space<vmem>> -> memref<128xi32, #tpu.memory_space<vmem>>
        %dma_wait3A_151 = arith.constant 0 : i32
        %dma_wait3A_152 = arith.constant 0 : i32
        %dma_wait3A_153 = tpu.memref_slice %arg11[%dma_wait3A_151, %dma_wait3A_152] : memref<10240x128xf32, #tpu.memory_space<vmem_shared>> -> memref<10240x128xf32, #tpu.memory_space<vmem_shared>>
        tpu.wait_indirect_dma semaphore(%run_scoped3A_141 : memref<!tpu.dma_semaphore, #tpu.memory_space<semaphore_mem>>) src(%arg9 : memref<128x128xf32, #tpu.memory_space<vmem>>) dst(%dma_wait3A_153 : memref<10240x128xf32, #tpu.memory_space<vmem_shared>>)
        tpu.yield
      }) : () -> ()
      %add3A_122 = arith.constant 2 : i32
      %add3A_123 = arith.addi %mul3A_104, %add3A_122 : i32
      %mul3A_124 = arith.constant 10240 : i32
      %mul3A_125 = arith.muli %add3A, %mul3A_124 : i32
      %mul3A_126 = arith.constant 128 : i32
      %mul3A_127 = arith.muli %add3A_123, %mul3A_126 : i32
      %add3A_128 = arith.addi %mul3A_125, %mul3A_127 : i32
      %dma_start3A_129 = arith.constant 0 : i32
      %dma_start3A_130 = tpu.memref_slice %arg2[%add3A_128, %dma_start3A_129] : memref<327680x128xf32, #tpu.memory_space<hbm>> -> memref<128x128xf32, #tpu.memory_space<hbm>>
      %dma_start3A_131 = arith.constant 0 : i32
      %dma_start3A_132 = tpu.memref_slice %arg2[%add3A_128, %dma_start3A_131] : memref<327680x128xf32, #tpu.memory_space<hbm>> -> memref<128x128xf32, #tpu.memory_space<hbm>>
      tpu.enqueue_dma source(%dma_start3A_132 : memref<128x128xf32, #tpu.memory_space<hbm>>) target(%arg9 : memref<128x128xf32, #tpu.memory_space<vmem>>) target_semaphore(%arg12 : memref<!tpu.dma_semaphore, #tpu.memory_space<semaphore_mem>>)
      %add3A_133 = arith.constant 1 : i32
      %add3A_134 = arith.addi %mul3A_104, %add3A_133 : i32
      %dma_wait3A_135 = arith.constant 0 : i32
      %dma_wait3A_136 = arith.constant 0 : i32
      %dma_wait3A_137 = tpu.memref_slice %arg2[%dma_wait3A_135, %dma_wait3A_136] : memref<327680x128xf32, #tpu.memory_space<hbm>> -> memref<128x128xf32, #tpu.memory_space<hbm>>
      %dma_wait3A_138 = arith.constant 0 : i32
      %dma_wait3A_139 = arith.constant 0 : i32
      %dma_wait3A_140 = tpu.memref_slice %arg2[%dma_wait3A_138, %dma_wait3A_139] : memref<327680x128xf32, #tpu.memory_space<hbm>> -> memref<128x128xf32, #tpu.memory_space<hbm>>
      tpu.wait_dma2 semaphore(%arg13 : memref<!tpu.dma_semaphore, #tpu.memory_space<semaphore_mem>>) src(%dma_wait3A_140 : memref<128x128xf32, #tpu.memory_space<hbm>>) dst(%arg10 : memref<128x128xf32, #tpu.memory_space<vmem>>)
      "tpu.region"() ({
        %run_scoped3A_141 = tpu.sem_alloc : memref<!tpu.dma_semaphore, #tpu.memory_space<semaphore_mem>>
        %dma_start3A_142 = arith.constant 0 : i32
        %dma_start3A_143 = tpu.memref_slice %arg8[%add3A_134, %dma_start3A_142] : memref<80x128xi32, #tpu.memory_space<vmem>> -> memref<1x128xi32, #tpu.memory_space<vmem>>
        %dma_start3A_144 = tpu.memref_squeeze %dma_start3A_143 : memref<1x128xi32, #tpu.memory_space<vmem>> -> memref<128xi32, #tpu.memory_space<vmem>>
        %dma_start3A_145 = arith.constant 0 : i32
        %dma_start3A_146 = arith.constant 0 : i32
        %dma_start3A_147 = tpu.memref_slice %arg11[%dma_start3A_145, %dma_start3A_146] : memref<10240x128xf32, #tpu.memory_space<vmem_shared>> -> memref<10240x128xf32, #tpu.memory_space<vmem_shared>>
        tpu.enqueue_indirect_dma source(%arg10 : memref<128x128xf32, #tpu.memory_space<vmem>>) target(%dma_start3A_147 : memref<10240x128xf32, #tpu.memory_space<vmem_shared>>) offsets(%dma_start3A_144 : memref<128xi32, #tpu.memory_space<vmem>>) semaphore(%run_scoped3A_141 : memref<!tpu.dma_semaphore, #tpu.memory_space<semaphore_mem>>) {add = true}
        %dma_wait3A_148 = arith.constant 0 : i32
        %dma_wait3A_149 = tpu.memref_slice %arg8[%add3A_134, %dma_wait3A_148] : memref<80x128xi32, #tpu.memory_space<vmem>> -> memref<1x128xi32, #tpu.memory_space<vmem>>
        %dma_wait3A_150 = tpu.memref_squeeze %dma_wait3A_149 : memref<1x128xi32, #tpu.memory_space<vmem>> -> memref<128xi32, #tpu.memory_space<vmem>>
        %dma_wait3A_151 = arith.constant 0 : i32
        %dma_wait3A_152 = arith.constant 0 : i32
        %dma_wait3A_153 = tpu.memref_slice %arg11[%dma_wait3A_151, %dma_wait3A_152] : memref<10240x128xf32, #tpu.memory_space<vmem_shared>> -> memref<10240x128xf32, #tpu.memory_space<vmem_shared>>
        tpu.wait_indirect_dma semaphore(%run_scoped3A_141 : memref<!tpu.dma_semaphore, #tpu.memory_space<semaphore_mem>>) src(%arg10 : memref<128x128xf32, #tpu.memory_space<vmem>>) dst(%dma_wait3A_153 : memref<10240x128xf32, #tpu.memory_space<vmem_shared>>)
        tpu.yield
      }) : () -> ()
    }
    %scan3A_22 = arith.constant 39 : i32
    %mul3A_23 = arith.constant 10240 : i32
    %mul3A_24 = arith.muli %add3A, %mul3A_23 : i32
    %add3A_25 = arith.constant 10112 : i32
    %add3A_26 = arith.addi %mul3A_24, %add3A_25 : i32
    %dma_start3A_27 = arith.constant 0 : i32
    %dma_start3A_28 = tpu.memref_slice %arg2[%add3A_26, %dma_start3A_27] : memref<327680x128xf32, #tpu.memory_space<hbm>> -> memref<128x128xf32, #tpu.memory_space<hbm>>
    %dma_start3A_29 = arith.constant 0 : i32
    %dma_start3A_30 = tpu.memref_slice %arg2[%add3A_26, %dma_start3A_29] : memref<327680x128xf32, #tpu.memory_space<hbm>> -> memref<128x128xf32, #tpu.memory_space<hbm>>
    tpu.enqueue_dma source(%dma_start3A_30 : memref<128x128xf32, #tpu.memory_space<hbm>>) target(%arg10 : memref<128x128xf32, #tpu.memory_space<vmem>>) target_semaphore(%arg13 : memref<!tpu.dma_semaphore, #tpu.memory_space<semaphore_mem>>)
    %dma_wait3A = arith.constant 0 : i32
    %dma_wait3A_31 = arith.constant 0 : i32
    %dma_wait3A_32 = tpu.memref_slice %arg2[%dma_wait3A, %dma_wait3A_31] : memref<327680x128xf32, #tpu.memory_space<hbm>> -> memref<128x128xf32, #tpu.memory_space<hbm>>
    %dma_wait3A_33 = arith.constant 0 : i32
    %dma_wait3A_34 = arith.constant 0 : i32
    %dma_wait3A_35 = tpu.memref_slice %arg2[%dma_wait3A_33, %dma_wait3A_34] : memref<327680x128xf32, #tpu.memory_space<hbm>> -> memref<128x128xf32, #tpu.memory_space<hbm>>
    tpu.wait_dma2 semaphore(%arg12 : memref<!tpu.dma_semaphore, #tpu.memory_space<semaphore_mem>>) src(%dma_wait3A_35 : memref<128x128xf32, #tpu.memory_space<hbm>>) dst(%arg9 : memref<128x128xf32, #tpu.memory_space<vmem>>)
    %run_scoped3A = arith.constant 78 : i32
    "tpu.region"() ({
      %run_scoped3A_102 = tpu.sem_alloc : memref<!tpu.dma_semaphore, #tpu.memory_space<semaphore_mem>>
      %dma_start3A_103 = arith.constant 0 : i32
      %dma_start3A_104 = tpu.memref_slice %arg8[%run_scoped3A, %dma_start3A_103] : memref<80x128xi32, #tpu.memory_space<vmem>> -> memref<1x128xi32, #tpu.memory_space<vmem>>
      %dma_start3A_105 = tpu.memref_squeeze %dma_start3A_104 : memref<1x128xi32, #tpu.memory_space<vmem>> -> memref<128xi32, #tpu.memory_space<vmem>>
      %dma_start3A_106 = arith.constant 0 : i32
      %dma_start3A_107 = arith.constant 0 : i32
      %dma_start3A_108 = tpu.memref_slice %arg11[%dma_start3A_106, %dma_start3A_107] : memref<10240x128xf32, #tpu.memory_space<vmem_shared>> -> memref<10240x128xf32, #tpu.memory_space<vmem_shared>>
      tpu.enqueue_indirect_dma source(%arg9 : memref<128x128xf32, #tpu.memory_space<vmem>>) target(%dma_start3A_108 : memref<10240x128xf32, #tpu.memory_space<vmem_shared>>) offsets(%dma_start3A_105 : memref<128xi32, #tpu.memory_space<vmem>>) semaphore(%run_scoped3A_102 : memref<!tpu.dma_semaphore, #tpu.memory_space<semaphore_mem>>) {add = true}
      %dma_wait3A_109 = arith.constant 0 : i32
      %dma_wait3A_110 = tpu.memref_slice %arg8[%run_scoped3A, %dma_wait3A_109] : memref<80x128xi32, #tpu.memory_space<vmem>> -> memref<1x128xi32, #tpu.memory_space<vmem>>
      %dma_wait3A_111 = tpu.memref_squeeze %dma_wait3A_110 : memref<1x128xi32, #tpu.memory_space<vmem>> -> memref<128xi32, #tpu.memory_space<vmem>>
      %dma_wait3A_112 = arith.constant 0 : i32
      %dma_wait3A_113 = arith.constant 0 : i32
      %dma_wait3A_114 = tpu.memref_slice %arg11[%dma_wait3A_112, %dma_wait3A_113] : memref<10240x128xf32, #tpu.memory_space<vmem_shared>> -> memref<10240x128xf32, #tpu.memory_space<vmem_shared>>
      tpu.wait_indirect_dma semaphore(%run_scoped3A_102 : memref<!tpu.dma_semaphore, #tpu.memory_space<semaphore_mem>>) src(%arg9 : memref<128x128xf32, #tpu.memory_space<vmem>>) dst(%dma_wait3A_114 : memref<10240x128xf32, #tpu.memory_space<vmem_shared>>)
      tpu.yield
    }) : () -> ()
    %dma_wait3A_36 = arith.constant 0 : i32
    %dma_wait3A_37 = arith.constant 0 : i32
    %dma_wait3A_38 = tpu.memref_slice %arg2[%dma_wait3A_36, %dma_wait3A_37] : memref<327680x128xf32, #tpu.memory_space<hbm>> -> memref<128x128xf32, #tpu.memory_space<hbm>>
    %dma_wait3A_39 = arith.constant 0 : i32
    %dma_wait3A_40 = arith.constant 0 : i32
    %dma_wait3A_41 = tpu.memref_slice %arg2[%dma_wait3A_39, %dma_wait3A_40] : memref<327680x128xf32, #tpu.memory_space<hbm>> -> memref<128x128xf32, #tpu.memory_space<hbm>>
    tpu.wait_dma2 semaphore(%arg13 : memref<!tpu.dma_semaphore, #tpu.memory_space<semaphore_mem>>) src(%dma_wait3A_41 : memref<128x128xf32, #tpu.memory_space<hbm>>) dst(%arg10 : memref<128x128xf32, #tpu.memory_space<vmem>>)
    %run_scoped3A_42 = arith.constant 79 : i32
    "tpu.region"() ({
      %run_scoped3A_102 = tpu.sem_alloc : memref<!tpu.dma_semaphore, #tpu.memory_space<semaphore_mem>>
      %dma_start3A_103 = arith.constant 0 : i32
      %dma_start3A_104 = tpu.memref_slice %arg8[%run_scoped3A_42, %dma_start3A_103] : memref<80x128xi32, #tpu.memory_space<vmem>> -> memref<1x128xi32, #tpu.memory_space<vmem>>
      %dma_start3A_105 = tpu.memref_squeeze %dma_start3A_104 : memref<1x128xi32, #tpu.memory_space<vmem>> -> memref<128xi32, #tpu.memory_space<vmem>>
      %dma_start3A_106 = arith.constant 0 : i32
      %dma_start3A_107 = arith.constant 0 : i32
      %dma_start3A_108 = tpu.memref_slice %arg11[%dma_start3A_106, %dma_start3A_107] : memref<10240x128xf32, #tpu.memory_space<vmem_shared>> -> memref<10240x128xf32, #tpu.memory_space<vmem_shared>>
      tpu.enqueue_indirect_dma source(%arg10 : memref<128x128xf32, #tpu.memory_space<vmem>>) target(%dma_start3A_108 : memref<10240x128xf32, #tpu.memory_space<vmem_shared>>) offsets(%dma_start3A_105 : memref<128xi32, #tpu.memory_space<vmem>>) semaphore(%run_scoped3A_102 : memref<!tpu.dma_semaphore, #tpu.memory_space<semaphore_mem>>) {add = true}
      %dma_wait3A_109 = arith.constant 0 : i32
      %dma_wait3A_110 = tpu.memref_slice %arg8[%run_scoped3A_42, %dma_wait3A_109] : memref<80x128xi32, #tpu.memory_space<vmem>> -> memref<1x128xi32, #tpu.memory_space<vmem>>
      %dma_wait3A_111 = tpu.memref_squeeze %dma_wait3A_110 : memref<1x128xi32, #tpu.memory_space<vmem>> -> memref<128xi32, #tpu.memory_space<vmem>>
      %dma_wait3A_112 = arith.constant 0 : i32
      %dma_wait3A_113 = arith.constant 0 : i32
      %dma_wait3A_114 = tpu.memref_slice %arg11[%dma_wait3A_112, %dma_wait3A_113] : memref<10240x128xf32, #tpu.memory_space<vmem_shared>> -> memref<10240x128xf32, #tpu.memory_space<vmem_shared>>
      tpu.wait_indirect_dma semaphore(%run_scoped3A_102 : memref<!tpu.dma_semaphore, #tpu.memory_space<semaphore_mem>>) src(%arg10 : memref<128x128xf32, #tpu.memory_space<vmem>>) dst(%dma_wait3A_114 : memref<10240x128xf32, #tpu.memory_space<vmem_shared>>)
      tpu.yield
    }) : () -> ()
    %barrier3A_43 = arith.constant 0 : index
    tpu.barrier barrier_id(%barrier3A_43)
    %scan3A_44 = arith.constant 0 : i32
    %scan3A_45 = arith.constant 0 : i32
    %scan3A_46 = arith.constant 8 : i32
    %scan3A_47 = arith.addi %scan3A_45, %scan3A_46 : i32
    %scan3A_48 = arith.constant 1 : i32
    scf.for %scan3A_102 = %scan3A_45 to %scan3A_47 step %scan3A_48  : i32 {
      %mul3A_103 = arith.constant 80 : i32
      %mul3A_104 = arith.muli %scan3A_102, %mul3A_103 : i32
      %add3A_105 = arith.addi %mul3A_4, %mul3A_104 : i32
      "tpu.region"() ({
        %run_scoped3A_109 = tpu.sem_alloc : memref<!tpu.dma_semaphore, #tpu.memory_space<semaphore_mem>>
        %dma_start3A_110 = arith.constant 0 : i32
        %dma_start3A_111 = arith.constant 0 : i32
        %dma_start3A_112 = tpu.memref_slice %arg9[%dma_start3A_110, %dma_start3A_111] : memref<128x128xf32, #tpu.memory_space<vmem>> -> memref<80x128xf32, #tpu.memory_space<vmem>>
        %dma_start3A_113 = arith.constant 0 : i32
        %dma_start3A_114 = tpu.memref_slice %arg11[%add3A_105, %dma_start3A_113] : memref<10240x128xf32, #tpu.memory_space<vmem_shared>> -> memref<80x128xf32, #tpu.memory_space<vmem_shared>>
        %dma_start3A_115 = arith.constant 0 : i32
        %dma_start3A_116 = arith.constant 0 : i32
        %dma_start3A_117 = tpu.memref_slice %arg9[%dma_start3A_115, %dma_start3A_116] : memref<128x128xf32, #tpu.memory_space<vmem>> -> memref<80x128xf32, #tpu.memory_space<vmem>>
        %dma_start3A_118 = arith.constant 0 : i32
        %dma_start3A_119 = tpu.memref_slice %arg11[%add3A_105, %dma_start3A_118] : memref<10240x128xf32, #tpu.memory_space<vmem_shared>> -> memref<80x128xf32, #tpu.memory_space<vmem_shared>>
        tpu.enqueue_dma source(%dma_start3A_119 : memref<80x128xf32, #tpu.memory_space<vmem_shared>>) target(%dma_start3A_117 : memref<80x128xf32, #tpu.memory_space<vmem>>) target_semaphore(%run_scoped3A_109 : memref<!tpu.dma_semaphore, #tpu.memory_space<semaphore_mem>>)
        %dma_wait3A_120 = arith.constant 0 : i32
        %dma_wait3A_121 = arith.constant 0 : i32
        %dma_wait3A_122 = tpu.memref_slice %arg9[%dma_wait3A_120, %dma_wait3A_121] : memref<128x128xf32, #tpu.memory_space<vmem>> -> memref<80x128xf32, #tpu.memory_space<vmem>>
        %dma_wait3A_123 = arith.constant 0 : i32
        %dma_wait3A_124 = tpu.memref_slice %arg11[%add3A_105, %dma_wait3A_123] : memref<10240x128xf32, #tpu.memory_space<vmem_shared>> -> memref<80x128xf32, #tpu.memory_space<vmem_shared>>
        %dma_wait3A_125 = arith.constant 0 : i32
        %dma_wait3A_126 = arith.constant 0 : i32
        %dma_wait3A_127 = tpu.memref_slice %arg9[%dma_wait3A_125, %dma_wait3A_126] : memref<128x128xf32, #tpu.memory_space<vmem>> -> memref<80x128xf32, #tpu.memory_space<vmem>>
        %dma_wait3A_128 = arith.constant 0 : i32
        %dma_wait3A_129 = tpu.memref_slice %arg11[%add3A_105, %dma_wait3A_128] : memref<10240x128xf32, #tpu.memory_space<vmem_shared>> -> memref<80x128xf32, #tpu.memory_space<vmem_shared>>
        tpu.wait_dma2 semaphore(%run_scoped3A_109 : memref<!tpu.dma_semaphore, #tpu.memory_space<semaphore_mem>>) src(%dma_wait3A_129 : memref<80x128xf32, #tpu.memory_space<vmem_shared>>) dst(%dma_wait3A_127 : memref<80x128xf32, #tpu.memory_space<vmem>>)
        tpu.yield
      }) : () -> ()
      %mul3A_106 = arith.constant 10240 : i32
      %mul3A_107 = arith.muli %arg0, %mul3A_106 : i32
      %add3A_108 = arith.addi %mul3A_107, %add3A_105 : i32
      "tpu.region"() ({
        %run_scoped3A_109 = tpu.sem_alloc : memref<!tpu.dma_semaphore, #tpu.memory_space<semaphore_mem>>
        %dma_start3A_110 = arith.constant 0 : i32
        %dma_start3A_111 = arith.constant 0 : i32
        %dma_start3A_112 = tpu.memref_slice %arg9[%dma_start3A_110, %dma_start3A_111] : memref<128x128xf32, #tpu.memory_space<vmem>> -> memref<80x128xf32, #tpu.memory_space<vmem>>
        %dma_start3A_113 = arith.constant 0 : i32
        %dma_start3A_114 = tpu.memref_slice %arg6[%add3A_108, %dma_start3A_113] : memref<20480x128xf32, #tpu.memory_space<hbm>> -> memref<80x128xf32, #tpu.memory_space<hbm>>
        %dma_start3A_115 = arith.constant 0 : i32
        %dma_start3A_116 = tpu.memref_slice %arg6[%add3A_108, %dma_start3A_115] : memref<20480x128xf32, #tpu.memory_space<hbm>> -> memref<80x128xf32, #tpu.memory_space<hbm>>
        %dma_start3A_117 = arith.constant 0 : i32
        %dma_start3A_118 = arith.constant 0 : i32
        %dma_start3A_119 = tpu.memref_slice %arg9[%dma_start3A_117, %dma_start3A_118] : memref<128x128xf32, #tpu.memory_space<vmem>> -> memref<80x128xf32, #tpu.memory_space<vmem>>
        tpu.enqueue_dma source(%dma_start3A_119 : memref<80x128xf32, #tpu.memory_space<vmem>>) target(%dma_start3A_116 : memref<80x128xf32, #tpu.memory_space<hbm>>) target_semaphore(%run_scoped3A_109 : memref<!tpu.dma_semaphore, #tpu.memory_space<semaphore_mem>>)
        %dma_wait3A_120 = arith.constant 0 : i32
        %dma_wait3A_121 = arith.constant 0 : i32
        %dma_wait3A_122 = tpu.memref_slice %arg9[%dma_wait3A_120, %dma_wait3A_121] : memref<128x128xf32, #tpu.memory_space<vmem>> -> memref<80x128xf32, #tpu.memory_space<vmem>>
        %dma_wait3A_123 = arith.constant 0 : i32
        %dma_wait3A_124 = tpu.memref_slice %arg6[%add3A_108, %dma_wait3A_123] : memref<20480x128xf32, #tpu.memory_space<hbm>> -> memref<80x128xf32, #tpu.memory_space<hbm>>
        %dma_wait3A_125 = arith.constant 0 : i32
        %dma_wait3A_126 = tpu.memref_slice %arg6[%add3A_108, %dma_wait3A_125] : memref<20480x128xf32, #tpu.memory_space<hbm>> -> memref<80x128xf32, #tpu.memory_space<hbm>>
        %dma_wait3A_127 = arith.constant 0 : i32
        %dma_wait3A_128 = arith.constant 0 : i32
        %dma_wait3A_129 = tpu.memref_slice %arg9[%dma_wait3A_127, %dma_wait3A_128] : memref<128x128xf32, #tpu.memory_space<vmem>> -> memref<80x128xf32, #tpu.memory_space<vmem>>
        tpu.wait_dma2 semaphore(%run_scoped3A_109 : memref<!tpu.dma_semaphore, #tpu.memory_space<semaphore_mem>>) src(%dma_wait3A_129 : memref<80x128xf32, #tpu.memory_space<vmem>>) dst(%dma_wait3A_126 : memref<80x128xf32, #tpu.memory_space<hbm>>)
        tpu.yield
      }) : () -> ()
    }
    %scan3A_49 = arith.constant 8 : i32
    %barrier3A_50 = arith.constant 0 : index
    tpu.barrier barrier_id(%barrier3A_50)
    %scan3A_51 = arith.constant 0 : i32
    %scan3A_52 = arith.constant 0 : i32
    %scan3A_53 = arith.constant 8 : i32
    %scan3A_54 = arith.addi %scan3A_52, %scan3A_53 : i32
    %scan3A_55 = arith.constant 1 : i32
    scf.for %scan3A_102 = %scan3A_52 to %scan3A_54 step %scan3A_55  : i32 {
      %mul3A_103 = arith.constant 80 : i32
      %mul3A_104 = arith.muli %scan3A_102, %mul3A_103 : i32
      %add3A_105 = arith.addi %mul3A_4, %mul3A_104 : i32
      "tpu.region"() ({
        %run_scoped3A_106 = tpu.sem_alloc : memref<!tpu.dma_semaphore, #tpu.memory_space<semaphore_mem>>
        %dma_start3A_107 = arith.constant 0 : i32
        %dma_start3A_108 = arith.constant 0 : i32
        %dma_start3A_109 = tpu.memref_slice %arg9[%dma_start3A_107, %dma_start3A_108] : memref<128x128xf32, #tpu.memory_space<vmem>> -> memref<80x128xf32, #tpu.memory_space<vmem>>
        %dma_start3A_110 = arith.constant 0 : i32
        %dma_start3A_111 = tpu.memref_slice %arg5[%add3A_105, %dma_start3A_110] : memref<10240x128xf32, #tpu.memory_space<hbm>> -> memref<80x128xf32, #tpu.memory_space<hbm>>
        %dma_start3A_112 = arith.constant 0 : i32
        %dma_start3A_113 = arith.constant 0 : i32
        %dma_start3A_114 = tpu.memref_slice %arg9[%dma_start3A_112, %dma_start3A_113] : memref<128x128xf32, #tpu.memory_space<vmem>> -> memref<80x128xf32, #tpu.memory_space<vmem>>
        %dma_start3A_115 = arith.constant 0 : i32
        %dma_start3A_116 = tpu.memref_slice %arg5[%add3A_105, %dma_start3A_115] : memref<10240x128xf32, #tpu.memory_space<hbm>> -> memref<80x128xf32, #tpu.memory_space<hbm>>
        tpu.enqueue_dma source(%dma_start3A_116 : memref<80x128xf32, #tpu.memory_space<hbm>>) target(%dma_start3A_114 : memref<80x128xf32, #tpu.memory_space<vmem>>) target_semaphore(%run_scoped3A_106 : memref<!tpu.dma_semaphore, #tpu.memory_space<semaphore_mem>>)
        %dma_wait3A_117 = arith.constant 0 : i32
        %dma_wait3A_118 = arith.constant 0 : i32
        %dma_wait3A_119 = tpu.memref_slice %arg9[%dma_wait3A_117, %dma_wait3A_118] : memref<128x128xf32, #tpu.memory_space<vmem>> -> memref<80x128xf32, #tpu.memory_space<vmem>>
        %dma_wait3A_120 = arith.constant 0 : i32
        %dma_wait3A_121 = tpu.memref_slice %arg5[%add3A_105, %dma_wait3A_120] : memref<10240x128xf32, #tpu.memory_space<hbm>> -> memref<80x128xf32, #tpu.memory_space<hbm>>
        %dma_wait3A_122 = arith.constant 0 : i32
        %dma_wait3A_123 = arith.constant 0 : i32
        %dma_wait3A_124 = tpu.memref_slice %arg9[%dma_wait3A_122, %dma_wait3A_123] : memref<128x128xf32, #tpu.memory_space<vmem>> -> memref<80x128xf32, #tpu.memory_space<vmem>>
        %dma_wait3A_125 = arith.constant 0 : i32
        %dma_wait3A_126 = tpu.memref_slice %arg5[%add3A_105, %dma_wait3A_125] : memref<10240x128xf32, #tpu.memory_space<hbm>> -> memref<80x128xf32, #tpu.memory_space<hbm>>
        tpu.wait_dma2 semaphore(%run_scoped3A_106 : memref<!tpu.dma_semaphore, #tpu.memory_space<semaphore_mem>>) src(%dma_wait3A_126 : memref<80x128xf32, #tpu.memory_space<hbm>>) dst(%dma_wait3A_124 : memref<80x128xf32, #tpu.memory_space<vmem>>)
        tpu.yield
      }) : () -> ()
      "tpu.region"() ({
        %run_scoped3A_106 = tpu.sem_alloc : memref<!tpu.dma_semaphore, #tpu.memory_space<semaphore_mem>>
        %dma_start3A_107 = arith.constant 0 : i32
        %dma_start3A_108 = arith.constant 0 : i32
        %dma_start3A_109 = tpu.memref_slice %arg9[%dma_start3A_107, %dma_start3A_108] : memref<128x128xf32, #tpu.memory_space<vmem>> -> memref<80x128xf32, #tpu.memory_space<vmem>>
        %dma_start3A_110 = arith.constant 0 : i32
        %dma_start3A_111 = tpu.memref_slice %arg11[%add3A_105, %dma_start3A_110] : memref<10240x128xf32, #tpu.memory_space<vmem_shared>> -> memref<80x128xf32, #tpu.memory_space<vmem_shared>>
        %dma_start3A_112 = arith.constant 0 : i32
        %dma_start3A_113 = tpu.memref_slice %arg11[%add3A_105, %dma_start3A_112] : memref<10240x128xf32, #tpu.memory_space<vmem_shared>> -> memref<80x128xf32, #tpu.memory_space<vmem_shared>>
        %dma_start3A_114 = arith.constant 0 : i32
        %dma_start3A_115 = arith.constant 0 : i32
        %dma_start3A_116 = tpu.memref_slice %arg9[%dma_start3A_114, %dma_start3A_115] : memref<128x128xf32, #tpu.memory_space<vmem>> -> memref<80x128xf32, #tpu.memory_space<vmem>>
        tpu.enqueue_dma source(%dma_start3A_116 : memref<80x128xf32, #tpu.memory_space<vmem>>) target(%dma_start3A_113 : memref<80x128xf32, #tpu.memory_space<vmem_shared>>) target_semaphore(%run_scoped3A_106 : memref<!tpu.dma_semaphore, #tpu.memory_space<semaphore_mem>>)
        %dma_wait3A_117 = arith.constant 0 : i32
        %dma_wait3A_118 = arith.constant 0 : i32
        %dma_wait3A_119 = tpu.memref_slice %arg9[%dma_wait3A_117, %dma_wait3A_118] : memref<128x128xf32, #tpu.memory_space<vmem>> -> memref<80x128xf32, #tpu.memory_space<vmem>>
        %dma_wait3A_120 = arith.constant 0 : i32
        %dma_wait3A_121 = tpu.memref_slice %arg11[%add3A_105, %dma_wait3A_120] : memref<10240x128xf32, #tpu.memory_space<vmem_shared>> -> memref<80x128xf32, #tpu.memory_space<vmem_shared>>
        %dma_wait3A_122 = arith.constant 0 : i32
        %dma_wait3A_123 = tpu.memref_slice %arg11[%add3A_105, %dma_wait3A_122] : memref<10240x128xf32, #tpu.memory_space<vmem_shared>> -> memref<80x128xf32, #tpu.memory_space<vmem_shared>>
        %dma_wait3A_124 = arith.constant 0 : i32
        %dma_wait3A_125 = arith.constant 0 : i32
        %dma_wait3A_126 = tpu.memref_slice %arg9[%dma_wait3A_124, %dma_wait3A_125] : memref<128x128xf32, #tpu.memory_space<vmem>> -> memref<80x128xf32, #tpu.memory_space<vmem>>
        tpu.wait_dma2 semaphore(%run_scoped3A_106 : memref<!tpu.dma_semaphore, #tpu.memory_space<semaphore_mem>>) src(%dma_wait3A_126 : memref<80x128xf32, #tpu.memory_space<vmem>>) dst(%dma_wait3A_123 : memref<80x128xf32, #tpu.memory_space<vmem_shared>>)
        tpu.yield
      }) : () -> ()
    }
    %scan3A_56 = arith.constant 8 : i32
    %barrier3A_57 = arith.constant 0 : index
    tpu.barrier barrier_id(%barrier3A_57)
    %mul3A_58 = arith.constant 10240 : i32
    %mul3A_59 = arith.muli %add3A, %mul3A_58 : i32
    %add3A_60 = arith.constant 0 : i32
    %add3A_61 = arith.addi %mul3A_59, %add3A_60 : i32
    %dma_start3A_62 = arith.constant 0 : i32
    %dma_start3A_63 = tpu.memref_slice %arg3[%add3A_61, %dma_start3A_62] : memref<327680x128xf32, #tpu.memory_space<hbm>> -> memref<128x128xf32, #tpu.memory_space<hbm>>
    %dma_start3A_64 = arith.constant 0 : i32
    %dma_start3A_65 = tpu.memref_slice %arg3[%add3A_61, %dma_start3A_64] : memref<327680x128xf32, #tpu.memory_space<hbm>> -> memref<128x128xf32, #tpu.memory_space<hbm>>
    tpu.enqueue_dma source(%dma_start3A_65 : memref<128x128xf32, #tpu.memory_space<hbm>>) target(%arg9 : memref<128x128xf32, #tpu.memory_space<vmem>>) target_semaphore(%arg12 : memref<!tpu.dma_semaphore, #tpu.memory_space<semaphore_mem>>)
    %scan3A_66 = arith.constant 0 : i32
    %scan3A_67 = arith.constant 0 : i32
    %scan3A_68 = arith.constant 39 : i32
    %scan3A_69 = arith.addi %scan3A_67, %scan3A_68 : i32
    %scan3A_70 = arith.constant 1 : i32
    scf.for %scan3A_102 = %scan3A_67 to %scan3A_69 step %scan3A_70  : i32 {
      %mul3A_103 = arith.constant 2 : i32
      %mul3A_104 = arith.muli %scan3A_102, %mul3A_103 : i32
      %add3A_105 = arith.constant 1 : i32
      %add3A_106 = arith.addi %mul3A_104, %add3A_105 : i32
      %mul3A_107 = arith.constant 10240 : i32
      %mul3A_108 = arith.muli %add3A, %mul3A_107 : i32
      %mul3A_109 = arith.constant 128 : i32
      %mul3A_110 = arith.muli %add3A_106, %mul3A_109 : i32
      %add3A_111 = arith.addi %mul3A_108, %mul3A_110 : i32
      %dma_start3A_112 = arith.constant 0 : i32
      %dma_start3A_113 = tpu.memref_slice %arg3[%add3A_111, %dma_start3A_112] : memref<327680x128xf32, #tpu.memory_space<hbm>> -> memref<128x128xf32, #tpu.memory_space<hbm>>
      %dma_start3A_114 = arith.constant 0 : i32
      %dma_start3A_115 = tpu.memref_slice %arg3[%add3A_111, %dma_start3A_114] : memref<327680x128xf32, #tpu.memory_space<hbm>> -> memref<128x128xf32, #tpu.memory_space<hbm>>
      tpu.enqueue_dma source(%dma_start3A_115 : memref<128x128xf32, #tpu.memory_space<hbm>>) target(%arg10 : memref<128x128xf32, #tpu.memory_space<vmem>>) target_semaphore(%arg13 : memref<!tpu.dma_semaphore, #tpu.memory_space<semaphore_mem>>)
      %dma_wait3A_116 = arith.constant 0 : i32
      %dma_wait3A_117 = arith.constant 0 : i32
      %dma_wait3A_118 = tpu.memref_slice %arg3[%dma_wait3A_116, %dma_wait3A_117] : memref<327680x128xf32, #tpu.memory_space<hbm>> -> memref<128x128xf32, #tpu.memory_space<hbm>>
      %dma_wait3A_119 = arith.constant 0 : i32
      %dma_wait3A_120 = arith.constant 0 : i32
      %dma_wait3A_121 = tpu.memref_slice %arg3[%dma_wait3A_119, %dma_wait3A_120] : memref<327680x128xf32, #tpu.memory_space<hbm>> -> memref<128x128xf32, #tpu.memory_space<hbm>>
      tpu.wait_dma2 semaphore(%arg12 : memref<!tpu.dma_semaphore, #tpu.memory_space<semaphore_mem>>) src(%dma_wait3A_121 : memref<128x128xf32, #tpu.memory_space<hbm>>) dst(%arg9 : memref<128x128xf32, #tpu.memory_space<vmem>>)
      "tpu.region"() ({
        %run_scoped3A_141 = tpu.sem_alloc : memref<!tpu.dma_semaphore, #tpu.memory_space<semaphore_mem>>
        %dma_start3A_142 = arith.constant 0 : i32
        %dma_start3A_143 = tpu.memref_slice %arg8[%mul3A_104, %dma_start3A_142] : memref<80x128xi32, #tpu.memory_space<vmem>> -> memref<1x128xi32, #tpu.memory_space<vmem>>
        %dma_start3A_144 = tpu.memref_squeeze %dma_start3A_143 : memref<1x128xi32, #tpu.memory_space<vmem>> -> memref<128xi32, #tpu.memory_space<vmem>>
        %dma_start3A_145 = arith.constant 0 : i32
        %dma_start3A_146 = arith.constant 0 : i32
        %dma_start3A_147 = tpu.memref_slice %arg11[%dma_start3A_145, %dma_start3A_146] : memref<10240x128xf32, #tpu.memory_space<vmem_shared>> -> memref<10240x128xf32, #tpu.memory_space<vmem_shared>>
        tpu.enqueue_indirect_dma source(%arg9 : memref<128x128xf32, #tpu.memory_space<vmem>>) target(%dma_start3A_147 : memref<10240x128xf32, #tpu.memory_space<vmem_shared>>) offsets(%dma_start3A_144 : memref<128xi32, #tpu.memory_space<vmem>>) semaphore(%run_scoped3A_141 : memref<!tpu.dma_semaphore, #tpu.memory_space<semaphore_mem>>) {add = true}
        %dma_wait3A_148 = arith.constant 0 : i32
        %dma_wait3A_149 = tpu.memref_slice %arg8[%mul3A_104, %dma_wait3A_148] : memref<80x128xi32, #tpu.memory_space<vmem>> -> memref<1x128xi32, #tpu.memory_space<vmem>>
        %dma_wait3A_150 = tpu.memref_squeeze %dma_wait3A_149 : memref<1x128xi32, #tpu.memory_space<vmem>> -> memref<128xi32, #tpu.memory_space<vmem>>
        %dma_wait3A_151 = arith.constant 0 : i32
        %dma_wait3A_152 = arith.constant 0 : i32
        %dma_wait3A_153 = tpu.memref_slice %arg11[%dma_wait3A_151, %dma_wait3A_152] : memref<10240x128xf32, #tpu.memory_space<vmem_shared>> -> memref<10240x128xf32, #tpu.memory_space<vmem_shared>>
        tpu.wait_indirect_dma semaphore(%run_scoped3A_141 : memref<!tpu.dma_semaphore, #tpu.memory_space<semaphore_mem>>) src(%arg9 : memref<128x128xf32, #tpu.memory_space<vmem>>) dst(%dma_wait3A_153 : memref<10240x128xf32, #tpu.memory_space<vmem_shared>>)
        tpu.yield
      }) : () -> ()
      %add3A_122 = arith.constant 2 : i32
      %add3A_123 = arith.addi %mul3A_104, %add3A_122 : i32
      %mul3A_124 = arith.constant 10240 : i32
      %mul3A_125 = arith.muli %add3A, %mul3A_124 : i32
      %mul3A_126 = arith.constant 128 : i32
      %mul3A_127 = arith.muli %add3A_123, %mul3A_126 : i32
      %add3A_128 = arith.addi %mul3A_125, %mul3A_127 : i32
      %dma_start3A_129 = arith.constant 0 : i32
      %dma_start3A_130 = tpu.memref_slice %arg3[%add3A_128, %dma_start3A_129] : memref<327680x128xf32, #tpu.memory_space<hbm>> -> memref<128x128xf32, #tpu.memory_space<hbm>>
      %dma_start3A_131 = arith.constant 0 : i32
      %dma_start3A_132 = tpu.memref_slice %arg3[%add3A_128, %dma_start3A_131] : memref<327680x128xf32, #tpu.memory_space<hbm>> -> memref<128x128xf32, #tpu.memory_space<hbm>>
      tpu.enqueue_dma source(%dma_start3A_132 : memref<128x128xf32, #tpu.memory_space<hbm>>) target(%arg9 : memref<128x128xf32, #tpu.memory_space<vmem>>) target_semaphore(%arg12 : memref<!tpu.dma_semaphore, #tpu.memory_space<semaphore_mem>>)
      %add3A_133 = arith.constant 1 : i32
      %add3A_134 = arith.addi %mul3A_104, %add3A_133 : i32
      %dma_wait3A_135 = arith.constant 0 : i32
      %dma_wait3A_136 = arith.constant 0 : i32
      %dma_wait3A_137 = tpu.memref_slice %arg3[%dma_wait3A_135, %dma_wait3A_136] : memref<327680x128xf32, #tpu.memory_space<hbm>> -> memref<128x128xf32, #tpu.memory_space<hbm>>
      %dma_wait3A_138 = arith.constant 0 : i32
      %dma_wait3A_139 = arith.constant 0 : i32
      %dma_wait3A_140 = tpu.memref_slice %arg3[%dma_wait3A_138, %dma_wait3A_139] : memref<327680x128xf32, #tpu.memory_space<hbm>> -> memref<128x128xf32, #tpu.memory_space<hbm>>
      tpu.wait_dma2 semaphore(%arg13 : memref<!tpu.dma_semaphore, #tpu.memory_space<semaphore_mem>>) src(%dma_wait3A_140 : memref<128x128xf32, #tpu.memory_space<hbm>>) dst(%arg10 : memref<128x128xf32, #tpu.memory_space<vmem>>)
      "tpu.region"() ({
        %run_scoped3A_141 = tpu.sem_alloc : memref<!tpu.dma_semaphore, #tpu.memory_space<semaphore_mem>>
        %dma_start3A_142 = arith.constant 0 : i32
        %dma_start3A_143 = tpu.memref_slice %arg8[%add3A_134, %dma_start3A_142] : memref<80x128xi32, #tpu.memory_space<vmem>> -> memref<1x128xi32, #tpu.memory_space<vmem>>
        %dma_start3A_144 = tpu.memref_squeeze %dma_start3A_143 : memref<1x128xi32, #tpu.memory_space<vmem>> -> memref<128xi32, #tpu.memory_space<vmem>>
        %dma_start3A_145 = arith.constant 0 : i32
        %dma_start3A_146 = arith.constant 0 : i32
        %dma_start3A_147 = tpu.memref_slice %arg11[%dma_start3A_145, %dma_start3A_146] : memref<10240x128xf32, #tpu.memory_space<vmem_shared>> -> memref<10240x128xf32, #tpu.memory_space<vmem_shared>>
        tpu.enqueue_indirect_dma source(%arg10 : memref<128x128xf32, #tpu.memory_space<vmem>>) target(%dma_start3A_147 : memref<10240x128xf32, #tpu.memory_space<vmem_shared>>) offsets(%dma_start3A_144 : memref<128xi32, #tpu.memory_space<vmem>>) semaphore(%run_scoped3A_141 : memref<!tpu.dma_semaphore, #tpu.memory_space<semaphore_mem>>) {add = true}
        %dma_wait3A_148 = arith.constant 0 : i32
        %dma_wait3A_149 = tpu.memref_slice %arg8[%add3A_134, %dma_wait3A_148] : memref<80x128xi32, #tpu.memory_space<vmem>> -> memref<1x128xi32, #tpu.memory_space<vmem>>
        %dma_wait3A_150 = tpu.memref_squeeze %dma_wait3A_149 : memref<1x128xi32, #tpu.memory_space<vmem>> -> memref<128xi32, #tpu.memory_space<vmem>>
        %dma_wait3A_151 = arith.constant 0 : i32
        %dma_wait3A_152 = arith.constant 0 : i32
        %dma_wait3A_153 = tpu.memref_slice %arg11[%dma_wait3A_151, %dma_wait3A_152] : memref<10240x128xf32, #tpu.memory_space<vmem_shared>> -> memref<10240x128xf32, #tpu.memory_space<vmem_shared>>
        tpu.wait_indirect_dma semaphore(%run_scoped3A_141 : memref<!tpu.dma_semaphore, #tpu.memory_space<semaphore_mem>>) src(%arg10 : memref<128x128xf32, #tpu.memory_space<vmem>>) dst(%dma_wait3A_153 : memref<10240x128xf32, #tpu.memory_space<vmem_shared>>)
        tpu.yield
      }) : () -> ()
    }
    %scan3A_71 = arith.constant 39 : i32
    %mul3A_72 = arith.constant 10240 : i32
    %mul3A_73 = arith.muli %add3A, %mul3A_72 : i32
    %add3A_74 = arith.constant 10112 : i32
    %add3A_75 = arith.addi %mul3A_73, %add3A_74 : i32
    %dma_start3A_76 = arith.constant 0 : i32
    %dma_start3A_77 = tpu.memref_slice %arg3[%add3A_75, %dma_start3A_76] : memref<327680x128xf32, #tpu.memory_space<hbm>> -> memref<128x128xf32, #tpu.memory_space<hbm>>
    %dma_start3A_78 = arith.constant 0 : i32
    %dma_start3A_79 = tpu.memref_slice %arg3[%add3A_75, %dma_start3A_78] : memref<327680x128xf32, #tpu.memory_space<hbm>> -> memref<128x128xf32, #tpu.memory_space<hbm>>
    tpu.enqueue_dma source(%dma_start3A_79 : memref<128x128xf32, #tpu.memory_space<hbm>>) target(%arg10 : memref<128x128xf32, #tpu.memory_space<vmem>>) target_semaphore(%arg13 : memref<!tpu.dma_semaphore, #tpu.memory_space<semaphore_mem>>)
    %dma_wait3A_80 = arith.constant 0 : i32
    %dma_wait3A_81 = arith.constant 0 : i32
    %dma_wait3A_82 = tpu.memref_slice %arg3[%dma_wait3A_80, %dma_wait3A_81] : memref<327680x128xf32, #tpu.memory_space<hbm>> -> memref<128x128xf32, #tpu.memory_space<hbm>>
    %dma_wait3A_83 = arith.constant 0 : i32
    %dma_wait3A_84 = arith.constant 0 : i32
    %dma_wait3A_85 = tpu.memref_slice %arg3[%dma_wait3A_83, %dma_wait3A_84] : memref<327680x128xf32, #tpu.memory_space<hbm>> -> memref<128x128xf32, #tpu.memory_space<hbm>>
    tpu.wait_dma2 semaphore(%arg12 : memref<!tpu.dma_semaphore, #tpu.memory_space<semaphore_mem>>) src(%dma_wait3A_85 : memref<128x128xf32, #tpu.memory_space<hbm>>) dst(%arg9 : memref<128x128xf32, #tpu.memory_space<vmem>>)
    %run_scoped3A_86 = arith.constant 78 : i32
    "tpu.region"() ({
      %run_scoped3A_102 = tpu.sem_alloc : memref<!tpu.dma_semaphore, #tpu.memory_space<semaphore_mem>>
      %dma_start3A_103 = arith.constant 0 : i32
      %dma_start3A_104 = tpu.memref_slice %arg8[%run_scoped3A_86, %dma_start3A_103] : memref<80x128xi32, #tpu.memory_space<vmem>> -> memref<1x128xi32, #tpu.memory_space<vmem>>
      %dma_start3A_105 = tpu.memref_squeeze %dma_start3A_104 : memref<1x128xi32, #tpu.memory_space<vmem>> -> memref<128xi32, #tpu.memory_space<vmem>>
      %dma_start3A_106 = arith.constant 0 : i32
      %dma_start3A_107 = arith.constant 0 : i32
      %dma_start3A_108 = tpu.memref_slice %arg11[%dma_start3A_106, %dma_start3A_107] : memref<10240x128xf32, #tpu.memory_space<vmem_shared>> -> memref<10240x128xf32, #tpu.memory_space<vmem_shared>>
      tpu.enqueue_indirect_dma source(%arg9 : memref<128x128xf32, #tpu.memory_space<vmem>>) target(%dma_start3A_108 : memref<10240x128xf32, #tpu.memory_space<vmem_shared>>) offsets(%dma_start3A_105 : memref<128xi32, #tpu.memory_space<vmem>>) semaphore(%run_scoped3A_102 : memref<!tpu.dma_semaphore, #tpu.memory_space<semaphore_mem>>) {add = true}
      %dma_wait3A_109 = arith.constant 0 : i32
      %dma_wait3A_110 = tpu.memref_slice %arg8[%run_scoped3A_86, %dma_wait3A_109] : memref<80x128xi32, #tpu.memory_space<vmem>> -> memref<1x128xi32, #tpu.memory_space<vmem>>
      %dma_wait3A_111 = tpu.memref_squeeze %dma_wait3A_110 : memref<1x128xi32, #tpu.memory_space<vmem>> -> memref<128xi32, #tpu.memory_space<vmem>>
      %dma_wait3A_112 = arith.constant 0 : i32
      %dma_wait3A_113 = arith.constant 0 : i32
      %dma_wait3A_114 = tpu.memref_slice %arg11[%dma_wait3A_112, %dma_wait3A_113] : memref<10240x128xf32, #tpu.memory_space<vmem_shared>> -> memref<10240x128xf32, #tpu.memory_space<vmem_shared>>
      tpu.wait_indirect_dma semaphore(%run_scoped3A_102 : memref<!tpu.dma_semaphore, #tpu.memory_space<semaphore_mem>>) src(%arg9 : memref<128x128xf32, #tpu.memory_space<vmem>>) dst(%dma_wait3A_114 : memref<10240x128xf32, #tpu.memory_space<vmem_shared>>)
      tpu.yield
    }) : () -> ()
    %dma_wait3A_87 = arith.constant 0 : i32
    %dma_wait3A_88 = arith.constant 0 : i32
    %dma_wait3A_89 = tpu.memref_slice %arg3[%dma_wait3A_87, %dma_wait3A_88] : memref<327680x128xf32, #tpu.memory_space<hbm>> -> memref<128x128xf32, #tpu.memory_space<hbm>>
    %dma_wait3A_90 = arith.constant 0 : i32
    %dma_wait3A_91 = arith.constant 0 : i32
    %dma_wait3A_92 = tpu.memref_slice %arg3[%dma_wait3A_90, %dma_wait3A_91] : memref<327680x128xf32, #tpu.memory_space<hbm>> -> memref<128x128xf32, #tpu.memory_space<hbm>>
    tpu.wait_dma2 semaphore(%arg13 : memref<!tpu.dma_semaphore, #tpu.memory_space<semaphore_mem>>) src(%dma_wait3A_92 : memref<128x128xf32, #tpu.memory_space<hbm>>) dst(%arg10 : memref<128x128xf32, #tpu.memory_space<vmem>>)
    %run_scoped3A_93 = arith.constant 79 : i32
    "tpu.region"() ({
      %run_scoped3A_102 = tpu.sem_alloc : memref<!tpu.dma_semaphore, #tpu.memory_space<semaphore_mem>>
      %dma_start3A_103 = arith.constant 0 : i32
      %dma_start3A_104 = tpu.memref_slice %arg8[%run_scoped3A_93, %dma_start3A_103] : memref<80x128xi32, #tpu.memory_space<vmem>> -> memref<1x128xi32, #tpu.memory_space<vmem>>
      %dma_start3A_105 = tpu.memref_squeeze %dma_start3A_104 : memref<1x128xi32, #tpu.memory_space<vmem>> -> memref<128xi32, #tpu.memory_space<vmem>>
      %dma_start3A_106 = arith.constant 0 : i32
      %dma_start3A_107 = arith.constant 0 : i32
      %dma_start3A_108 = tpu.memref_slice %arg11[%dma_start3A_106, %dma_start3A_107] : memref<10240x128xf32, #tpu.memory_space<vmem_shared>> -> memref<10240x128xf32, #tpu.memory_space<vmem_shared>>
      tpu.enqueue_indirect_dma source(%arg10 : memref<128x128xf32, #tpu.memory_space<vmem>>) target(%dma_start3A_108 : memref<10240x128xf32, #tpu.memory_space<vmem_shared>>) offsets(%dma_start3A_105 : memref<128xi32, #tpu.memory_space<vmem>>) semaphore(%run_scoped3A_102 : memref<!tpu.dma_semaphore, #tpu.memory_space<semaphore_mem>>) {add = true}
      %dma_wait3A_109 = arith.constant 0 : i32
      %dma_wait3A_110 = tpu.memref_slice %arg8[%run_scoped3A_93, %dma_wait3A_109] : memref<80x128xi32, #tpu.memory_space<vmem>> -> memref<1x128xi32, #tpu.memory_space<vmem>>
      %dma_wait3A_111 = tpu.memref_squeeze %dma_wait3A_110 : memref<1x128xi32, #tpu.memory_space<vmem>> -> memref<128xi32, #tpu.memory_space<vmem>>
      %dma_wait3A_112 = arith.constant 0 : i32
      %dma_wait3A_113 = arith.constant 0 : i32
      %dma_wait3A_114 = tpu.memref_slice %arg11[%dma_wait3A_112, %dma_wait3A_113] : memref<10240x128xf32, #tpu.memory_space<vmem_shared>> -> memref<10240x128xf32, #tpu.memory_space<vmem_shared>>
      tpu.wait_indirect_dma semaphore(%run_scoped3A_102 : memref<!tpu.dma_semaphore, #tpu.memory_space<semaphore_mem>>) src(%arg10 : memref<128x128xf32, #tpu.memory_space<vmem>>) dst(%dma_wait3A_114 : memref<10240x128xf32, #tpu.memory_space<vmem_shared>>)
      tpu.yield
    }) : () -> ()
    %barrier3A_94 = arith.constant 0 : index
    tpu.barrier barrier_id(%barrier3A_94)
    %scan3A_95 = arith.constant 0 : i32
    %scan3A_96 = arith.constant 0 : i32
    %scan3A_97 = arith.constant 8 : i32
    %scan3A_98 = arith.addi %scan3A_96, %scan3A_97 : i32
    %scan3A_99 = arith.constant 1 : i32
    scf.for %scan3A_102 = %scan3A_96 to %scan3A_98 step %scan3A_99  : i32 {
      %mul3A_103 = arith.constant 80 : i32
      %mul3A_104 = arith.muli %scan3A_102, %mul3A_103 : i32
      %add3A_105 = arith.addi %mul3A_4, %mul3A_104 : i32
      "tpu.region"() ({
        %run_scoped3A_109 = tpu.sem_alloc : memref<!tpu.dma_semaphore, #tpu.memory_space<semaphore_mem>>
        %dma_start3A_110 = arith.constant 0 : i32
        %dma_start3A_111 = arith.constant 0 : i32
        %dma_start3A_112 = tpu.memref_slice %arg9[%dma_start3A_110, %dma_start3A_111] : memref<128x128xf32, #tpu.memory_space<vmem>> -> memref<80x128xf32, #tpu.memory_space<vmem>>
        %dma_start3A_113 = arith.constant 0 : i32
        %dma_start3A_114 = tpu.memref_slice %arg11[%add3A_105, %dma_start3A_113] : memref<10240x128xf32, #tpu.memory_space<vmem_shared>> -> memref<80x128xf32, #tpu.memory_space<vmem_shared>>
        %dma_start3A_115 = arith.constant 0 : i32
        %dma_start3A_116 = arith.constant 0 : i32
        %dma_start3A_117 = tpu.memref_slice %arg9[%dma_start3A_115, %dma_start3A_116] : memref<128x128xf32, #tpu.memory_space<vmem>> -> memref<80x128xf32, #tpu.memory_space<vmem>>
        %dma_start3A_118 = arith.constant 0 : i32
        %dma_start3A_119 = tpu.memref_slice %arg11[%add3A_105, %dma_start3A_118] : memref<10240x128xf32, #tpu.memory_space<vmem_shared>> -> memref<80x128xf32, #tpu.memory_space<vmem_shared>>
        tpu.enqueue_dma source(%dma_start3A_119 : memref<80x128xf32, #tpu.memory_space<vmem_shared>>) target(%dma_start3A_117 : memref<80x128xf32, #tpu.memory_space<vmem>>) target_semaphore(%run_scoped3A_109 : memref<!tpu.dma_semaphore, #tpu.memory_space<semaphore_mem>>)
        %dma_wait3A_120 = arith.constant 0 : i32
        %dma_wait3A_121 = arith.constant 0 : i32
        %dma_wait3A_122 = tpu.memref_slice %arg9[%dma_wait3A_120, %dma_wait3A_121] : memref<128x128xf32, #tpu.memory_space<vmem>> -> memref<80x128xf32, #tpu.memory_space<vmem>>
        %dma_wait3A_123 = arith.constant 0 : i32
        %dma_wait3A_124 = tpu.memref_slice %arg11[%add3A_105, %dma_wait3A_123] : memref<10240x128xf32, #tpu.memory_space<vmem_shared>> -> memref<80x128xf32, #tpu.memory_space<vmem_shared>>
        %dma_wait3A_125 = arith.constant 0 : i32
        %dma_wait3A_126 = arith.constant 0 : i32
        %dma_wait3A_127 = tpu.memref_slice %arg9[%dma_wait3A_125, %dma_wait3A_126] : memref<128x128xf32, #tpu.memory_space<vmem>> -> memref<80x128xf32, #tpu.memory_space<vmem>>
        %dma_wait3A_128 = arith.constant 0 : i32
        %dma_wait3A_129 = tpu.memref_slice %arg11[%add3A_105, %dma_wait3A_128] : memref<10240x128xf32, #tpu.memory_space<vmem_shared>> -> memref<80x128xf32, #tpu.memory_space<vmem_shared>>
        tpu.wait_dma2 semaphore(%run_scoped3A_109 : memref<!tpu.dma_semaphore, #tpu.memory_space<semaphore_mem>>) src(%dma_wait3A_129 : memref<80x128xf32, #tpu.memory_space<vmem_shared>>) dst(%dma_wait3A_127 : memref<80x128xf32, #tpu.memory_space<vmem>>)
        tpu.yield
      }) : () -> ()
      %mul3A_106 = arith.constant 10240 : i32
      %mul3A_107 = arith.muli %arg0, %mul3A_106 : i32
      %add3A_108 = arith.addi %mul3A_107, %add3A_105 : i32
      "tpu.region"() ({
        %run_scoped3A_109 = tpu.sem_alloc : memref<!tpu.dma_semaphore, #tpu.memory_space<semaphore_mem>>
        %dma_start3A_110 = arith.constant 0 : i32
        %dma_start3A_111 = arith.constant 0 : i32
        %dma_start3A_112 = tpu.memref_slice %arg9[%dma_start3A_110, %dma_start3A_111] : memref<128x128xf32, #tpu.memory_space<vmem>> -> memref<80x128xf32, #tpu.memory_space<vmem>>
        %dma_start3A_113 = arith.constant 0 : i32
        %dma_start3A_114 = tpu.memref_slice %arg7[%add3A_108, %dma_start3A_113] : memref<20480x128xf32, #tpu.memory_space<hbm>> -> memref<80x128xf32, #tpu.memory_space<hbm>>
        %dma_start3A_115 = arith.constant 0 : i32
        %dma_start3A_116 = tpu.memref_slice %arg7[%add3A_108, %dma_start3A_115] : memref<20480x128xf32, #tpu.memory_space<hbm>> -> memref<80x128xf32, #tpu.memory_space<hbm>>
        %dma_start3A_117 = arith.constant 0 : i32
        %dma_start3A_118 = arith.constant 0 : i32
        %dma_start3A_119 = tpu.memref_slice %arg9[%dma_start3A_117, %dma_start3A_118] : memref<128x128xf32, #tpu.memory_space<vmem>> -> memref<80x128xf32, #tpu.memory_space<vmem>>
        tpu.enqueue_dma source(%dma_start3A_119 : memref<80x128xf32, #tpu.memory_space<vmem>>) target(%dma_start3A_116 : memref<80x128xf32, #tpu.memory_space<hbm>>) target_semaphore(%run_scoped3A_109 : memref<!tpu.dma_semaphore, #tpu.memory_space<semaphore_mem>>)
        %dma_wait3A_120 = arith.constant 0 : i32
        %dma_wait3A_121 = arith.constant 0 : i32
        %dma_wait3A_122 = tpu.memref_slice %arg9[%dma_wait3A_120, %dma_wait3A_121] : memref<128x128xf32, #tpu.memory_space<vmem>> -> memref<80x128xf32, #tpu.memory_space<vmem>>
        %dma_wait3A_123 = arith.constant 0 : i32
        %dma_wait3A_124 = tpu.memref_slice %arg7[%add3A_108, %dma_wait3A_123] : memref<20480x128xf32, #tpu.memory_space<hbm>> -> memref<80x128xf32, #tpu.memory_space<hbm>>
        %dma_wait3A_125 = arith.constant 0 : i32
        %dma_wait3A_126 = tpu.memref_slice %arg7[%add3A_108, %dma_wait3A_125] : memref<20480x128xf32, #tpu.memory_space<hbm>> -> memref<80x128xf32, #tpu.memory_space<hbm>>
        %dma_wait3A_127 = arith.constant 0 : i32
        %dma_wait3A_128 = arith.constant 0 : i32
        %dma_wait3A_129 = tpu.memref_slice %arg9[%dma_wait3A_127, %dma_wait3A_128] : memref<128x128xf32, #tpu.memory_space<vmem>> -> memref<80x128xf32, #tpu.memory_space<vmem>>
        tpu.wait_dma2 semaphore(%run_scoped3A_109 : memref<!tpu.dma_semaphore, #tpu.memory_space<semaphore_mem>>) src(%dma_wait3A_129 : memref<80x128xf32, #tpu.memory_space<vmem>>) dst(%dma_wait3A_126 : memref<80x128xf32, #tpu.memory_space<hbm>>)
        tpu.yield
      }) : () -> ()
    }
    %scan3A_100 = arith.constant 8 : i32
    %barrier3A_101 = arith.constant 0 : index
    tpu.barrier barrier_id(%barrier3A_101)
    return
  }
}

module attributes {stable_mosaic.version = 14 : i64} {
  func.func @_attn_edge_kernel(%arg0: i32, %arg1: memref<2560x128xf32, #tpu.memory_space<vmem>>, %arg2: memref<2560x128xf32, #tpu.memory_space<vmem>>, %arg3: memref<2560x128xf32, #tpu.memory_space<vmem>>, %arg4: memref<128x128xf32, #tpu.memory_space<vmem>>, %arg5: memref<128x128xf32, #tpu.memory_space<vmem>>, %arg6: memref<128x128xf32, #tpu.memory_space<vmem>>, %arg7: memref<1x128xf32, #tpu.memory_space<vmem>>, %arg8: memref<128x128xf32, #tpu.memory_space<vmem>>, %arg9: memref<1x128xf32, #tpu.memory_space<vmem>>, %arg10: memref<1x128xf32, #tpu.memory_space<vmem>>, %arg11: memref<1x128xf32, #tpu.memory_space<vmem>>, %arg12: memref<128x128xf32, #tpu.memory_space<vmem>>, %arg13: memref<128x128xf32, #tpu.memory_space<vmem>>, %arg14: memref<1x128xf32, #tpu.memory_space<vmem>>, %arg15: memref<128x128xf32, #tpu.memory_space<vmem>>, %arg16: memref<1x128xf32, #tpu.memory_space<vmem>>, %arg17: memref<128x128xf32, #tpu.memory_space<vmem>>, %arg18: memref<1x128xf32, #tpu.memory_space<vmem>>, %arg19: memref<2560x128xf32, #tpu.memory_space<vmem>>, %arg20: memref<2560x128xf32, #tpu.memory_space<vmem>>) attributes {dimension_semantics = [#tpu.dimension_semantics<arbitrary>], iteration_bounds = array<i64: 125>, scalar_prefetch = 0 : i64, scratch_operands = 0 : i64, tpu.core_type = #tpu.core_type<tc>, window_params = [{transform_indices = @transform_0, window_bounds = array<i64: 2560, 128>}, {transform_indices = @transform_1, window_bounds = array<i64: 2560, 128>}, {transform_indices = @transform_2, window_bounds = array<i64: 2560, 128>}, {pipeline_mode = #tpu.pipeline_mode<synchronous>, transform_indices = @transform_3, window_bounds = array<i64: 128, 128>}, {pipeline_mode = #tpu.pipeline_mode<synchronous>, transform_indices = @transform_4, window_bounds = array<i64: 128, 128>}, {pipeline_mode = #tpu.pipeline_mode<synchronous>, transform_indices = @transform_5, window_bounds = array<i64: 128, 128>}, {pipeline_mode = #tpu.pipeline_mode<synchronous>, transform_indices = @transform_6, window_bounds = array<i64: 1, 128>}, {pipeline_mode = #tpu.pipeline_mode<synchronous>, transform_indices = @transform_7, window_bounds = array<i64: 128, 128>}, {pipeline_mode = #tpu.pipeline_mode<synchronous>, transform_indices = @transform_8, window_bounds = array<i64: 1, 128>}, {pipeline_mode = #tpu.pipeline_mode<synchronous>, transform_indices = @transform_9, window_bounds = array<i64: 1, 128>}, {pipeline_mode = #tpu.pipeline_mode<synchronous>, transform_indices = @transform_10, window_bounds = array<i64: 1, 128>}, {pipeline_mode = #tpu.pipeline_mode<synchronous>, transform_indices = @transform_11, window_bounds = array<i64: 128, 128>}, {pipeline_mode = #tpu.pipeline_mode<synchronous>, transform_indices = @transform_12, window_bounds = array<i64: 128, 128>}, {pipeline_mode = #tpu.pipeline_mode<synchronous>, transform_indices = @transform_13, window_bounds = array<i64: 1, 128>}, {pipeline_mode = #tpu.pipeline_mode<synchronous>, transform_indices = @transform_14, window_bounds = array<i64: 128, 128>}, {pipeline_mode = #tpu.pipeline_mode<synchronous>, transform_indices = @transform_15, window_bounds = array<i64: 1, 128>}, {pipeline_mode = #tpu.pipeline_mode<synchronous>, transform_indices = @transform_16, window_bounds = array<i64: 128, 128>}, {pipeline_mode = #tpu.pipeline_mode<synchronous>, transform_indices = @transform_17, window_bounds = array<i64: 1, 128>}, {transform_indices = @transform_18, window_bounds = array<i64: 2560, 128>}, {transform_indices = @transform_19, window_bounds = array<i64: 2560, 128>}]} {
    %get3A = arith.constant 0 : index
    %get3A_0 = arith.constant 0 : index
    %get3A_1 = vector.load %arg2[%get3A, %get3A_0] : memref<2560x128xf32, #tpu.memory_space<vmem>>, vector<2560x128xf32>
    %get3A_2 = arith.constant 0 : index
    %get3A_3 = arith.constant 0 : index
    %get3A_4 = vector.load %arg4[%get3A_2, %get3A_3] : memref<128x128xf32, #tpu.memory_space<vmem>>, vector<128x128xf32>
    %dot_general3A = arith.constant dense<0.000000e+00> : vector<2560x128xf32>
    %dot_general3A_5 = tpu.matmul %get3A_1, %get3A_4, %dot_general3A {dimension_numbers = #tpu.dot_dimension_numbers<[1], [0], [0], [1], [0, 0, 1, 1], [], []>, transpose_lhs_hint = false} : vector<2560x128xf32>, vector<128x128xf32>, vector<2560x128xf32> -> vector<2560x128xf32>
    %get3A_6 = arith.constant 0 : index
    %get3A_7 = arith.constant 0 : index
    %get3A_8 = vector.load %arg1[%get3A_6, %get3A_7] : memref<2560x128xf32, #tpu.memory_space<vmem>>, vector<2560x128xf32>
    %get3A_9 = arith.constant 0 : index
    %get3A_10 = arith.constant 0 : index
    %get3A_11 = vector.load %arg5[%get3A_9, %get3A_10] : memref<128x128xf32, #tpu.memory_space<vmem>>, vector<128x128xf32>
    %dot_general3A_12 = arith.constant dense<0.000000e+00> : vector<2560x128xf32>
    %dot_general3A_13 = tpu.matmul %get3A_8, %get3A_11, %dot_general3A_12 {dimension_numbers = #tpu.dot_dimension_numbers<[1], [0], [0], [1], [0, 0, 1, 1], [], []>, transpose_lhs_hint = false} : vector<2560x128xf32>, vector<128x128xf32>, vector<2560x128xf32> -> vector<2560x128xf32>
    %add3A = arith.addf %dot_general3A_5, %dot_general3A_13 : vector<2560x128xf32>
    %get3A_14 = arith.constant 0 : index
    %get3A_15 = arith.constant 0 : index
    %get3A_16 = vector.load %arg3[%get3A_14, %get3A_15] : memref<2560x128xf32, #tpu.memory_space<vmem>>, vector<2560x128xf32>
    %get3A_17 = arith.constant 0 : index
    %get3A_18 = arith.constant 0 : index
    %get3A_19 = vector.load %arg6[%get3A_17, %get3A_18] : memref<128x128xf32, #tpu.memory_space<vmem>>, vector<128x128xf32>
    %dot_general3A_20 = arith.constant dense<0.000000e+00> : vector<2560x128xf32>
    %dot_general3A_21 = tpu.matmul %get3A_16, %get3A_19, %dot_general3A_20 {dimension_numbers = #tpu.dot_dimension_numbers<[1], [0], [0], [1], [0, 0, 1, 1], [], []>, transpose_lhs_hint = false} : vector<2560x128xf32>, vector<128x128xf32>, vector<2560x128xf32> -> vector<2560x128xf32>
    %add3A_22 = arith.addf %add3A, %dot_general3A_21 : vector<2560x128xf32>
    %get3A_23 = arith.constant 0 : index
    %get3A_24 = arith.constant 0 : index
    %get3A_25 = vector.load %arg7[%get3A_23, %get3A_24] : memref<1x128xf32, #tpu.memory_space<vmem>>, vector<1x128xf32>
    %add3A_26 = vector.broadcast %get3A_25 : vector<1x128xf32> to vector<2560x128xf32>
    %add3A_27 = arith.addf %add3A_22, %add3A_26 : vector<2560x128xf32>
    %integer_pow3A = arith.mulf %add3A_27, %add3A_27 : vector<2560x128xf32>
    %integer_pow3A_28 = arith.mulf %add3A_27, %integer_pow3A : vector<2560x128xf32>
    %mul3A = arith.constant 4.471500e-02 : f32
    %mul3A_29 = vector.broadcast %mul3A : f32 to vector<2560x128xf32>
    %mul3A_30 = arith.mulf %mul3A_29, %integer_pow3A_28 : vector<2560x128xf32>
    %add3A_31 = arith.addf %add3A_27, %mul3A_30 : vector<2560x128xf32>
    %mul3A_32 = arith.constant 0.797884583 : f32
    %mul3A_33 = vector.broadcast %mul3A_32 : f32 to vector<2560x128xf32>
    %mul3A_34 = arith.mulf %mul3A_33, %add3A_31 : vector<2560x128xf32>
    %tanh3A = math.tanh %mul3A_34 : vector<2560x128xf32>
    %add3A_35 = arith.constant 1.000000e+00 : f32
    %add3A_36 = vector.broadcast %add3A_35 : f32 to vector<2560x128xf32>
    %add3A_37 = arith.addf %add3A_36, %tanh3A : vector<2560x128xf32>
    %mul3A_38 = arith.constant 5.000000e-01 : f32
    %mul3A_39 = vector.broadcast %mul3A_38 : f32 to vector<2560x128xf32>
    %mul3A_40 = arith.mulf %mul3A_39, %add3A_37 : vector<2560x128xf32>
    %mul3A_41 = arith.mulf %add3A_27, %mul3A_40 : vector<2560x128xf32>
    %get3A_42 = arith.constant 0 : index
    %get3A_43 = arith.constant 0 : index
    %get3A_44 = vector.load %arg8[%get3A_42, %get3A_43] : memref<128x128xf32, #tpu.memory_space<vmem>>, vector<128x128xf32>
    %dot_general3A_45 = arith.constant dense<0.000000e+00> : vector<2560x128xf32>
    %dot_general3A_46 = tpu.matmul %mul3A_41, %get3A_44, %dot_general3A_45 {dimension_numbers = #tpu.dot_dimension_numbers<[1], [0], [0], [1], [0, 0, 1, 1], [], []>, transpose_lhs_hint = false} : vector<2560x128xf32>, vector<128x128xf32>, vector<2560x128xf32> -> vector<2560x128xf32>
    %get3A_47 = arith.constant 0 : index
    %get3A_48 = arith.constant 0 : index
    %get3A_49 = vector.load %arg9[%get3A_47, %get3A_48] : memref<1x128xf32, #tpu.memory_space<vmem>>, vector<1x128xf32>
    %add3A_50 = vector.broadcast %get3A_49 : vector<1x128xf32> to vector<2560x128xf32>
    %add3A_51 = arith.addf %dot_general3A_46, %add3A_50 : vector<2560x128xf32>
    %integer_pow3A_52 = arith.mulf %add3A_51, %add3A_51 : vector<2560x128xf32>
    %integer_pow3A_53 = arith.mulf %add3A_51, %integer_pow3A_52 : vector<2560x128xf32>
    %mul3A_54 = arith.constant 4.471500e-02 : f32
    %mul3A_55 = vector.broadcast %mul3A_54 : f32 to vector<2560x128xf32>
    %mul3A_56 = arith.mulf %mul3A_55, %integer_pow3A_53 : vector<2560x128xf32>
    %add3A_57 = arith.addf %add3A_51, %mul3A_56 : vector<2560x128xf32>
    %mul3A_58 = arith.constant 0.797884583 : f32
    %mul3A_59 = vector.broadcast %mul3A_58 : f32 to vector<2560x128xf32>
    %mul3A_60 = arith.mulf %mul3A_59, %add3A_57 : vector<2560x128xf32>
    %tanh3A_61 = math.tanh %mul3A_60 : vector<2560x128xf32>
    %add3A_62 = arith.constant 1.000000e+00 : f32
    %add3A_63 = vector.broadcast %add3A_62 : f32 to vector<2560x128xf32>
    %add3A_64 = arith.addf %add3A_63, %tanh3A_61 : vector<2560x128xf32>
    %mul3A_65 = arith.constant 5.000000e-01 : f32
    %mul3A_66 = vector.broadcast %mul3A_65 : f32 to vector<2560x128xf32>
    %mul3A_67 = arith.mulf %mul3A_66, %add3A_64 : vector<2560x128xf32>
    %mul3A_68 = arith.mulf %add3A_51, %mul3A_67 : vector<2560x128xf32>
    %get3A_69 = arith.constant 0 : index
    %get3A_70 = arith.constant 0 : index
    %get3A_71 = vector.load %arg10[%get3A_69, %get3A_70] : memref<1x128xf32, #tpu.memory_space<vmem>>, vector<1x128xf32>
    %mul3A_72 = vector.broadcast %get3A_71 : vector<1x128xf32> to vector<2560x128xf32>
    %mul3A_73 = arith.mulf %mul3A_68, %mul3A_72 : vector<2560x128xf32>
    %reduce_sum3A = arith.constant dense<0.000000e+00> : vector<2560xf32>
    %reduce_sum3A_74 = vector.multi_reduction <add>, %mul3A_73, %reduce_sum3A [1] : vector<2560x128xf32> to vector<2560xf32>
    %broadcast_in_dim3A = vector.shape_cast %reduce_sum3A_74 : vector<2560xf32> to vector<2560x1xf32>
    %get3A_75 = arith.constant 0 : index
    %get3A_76 = arith.constant 0 : index
    %get3A_77 = vector.load %arg11[%get3A_75, %get3A_76] : memref<1x128xf32, #tpu.memory_space<vmem>>, vector<1x1xf32>
    %get3A_78 = vector.extract %get3A_77[0, 0] : f32 from vector<1x1xf32>
    %add3A_79 = vector.broadcast %get3A_78 : f32 to vector<2560x1xf32>
    %add3A_80 = arith.addf %broadcast_in_dim3A, %add3A_79 : vector<2560x1xf32>
    %mul3A_81 = arith.constant 0.0883883461 : f32
    %mul3A_82 = vector.broadcast %mul3A_81 : f32 to vector<2560x1xf32>
    %mul3A_83 = arith.mulf %add3A_80, %mul3A_82 : vector<2560x1xf32>
    %get3A_84 = arith.constant 0 : index
    %get3A_85 = arith.constant 0 : index
    %get3A_86 = vector.load %arg1[%get3A_84, %get3A_85] : memref<2560x128xf32, #tpu.memory_space<vmem>>, vector<2560x128xf32>
    %get3A_87 = arith.constant 0 : index
    %get3A_88 = arith.constant 0 : index
    %get3A_89 = vector.load %arg12[%get3A_87, %get3A_88] : memref<128x128xf32, #tpu.memory_space<vmem>>, vector<128x128xf32>
    %dot_general3A_90 = arith.constant dense<0.000000e+00> : vector<2560x128xf32>
    %dot_general3A_91 = tpu.matmul %get3A_86, %get3A_89, %dot_general3A_90 {dimension_numbers = #tpu.dot_dimension_numbers<[1], [0], [0], [1], [0, 0, 1, 1], [], []>, transpose_lhs_hint = false} : vector<2560x128xf32>, vector<128x128xf32>, vector<2560x128xf32> -> vector<2560x128xf32>
    %get3A_92 = arith.constant 0 : index
    %get3A_93 = arith.constant 0 : index
    %get3A_94 = vector.load %arg3[%get3A_92, %get3A_93] : memref<2560x128xf32, #tpu.memory_space<vmem>>, vector<2560x128xf32>
    %get3A_95 = arith.constant 0 : index
    %get3A_96 = arith.constant 0 : index
    %get3A_97 = vector.load %arg13[%get3A_95, %get3A_96] : memref<128x128xf32, #tpu.memory_space<vmem>>, vector<128x128xf32>
    %dot_general3A_98 = arith.constant dense<0.000000e+00> : vector<2560x128xf32>
    %dot_general3A_99 = tpu.matmul %get3A_94, %get3A_97, %dot_general3A_98 {dimension_numbers = #tpu.dot_dimension_numbers<[1], [0], [0], [1], [0, 0, 1, 1], [], []>, transpose_lhs_hint = false} : vector<2560x128xf32>, vector<128x128xf32>, vector<2560x128xf32> -> vector<2560x128xf32>
    %add3A_100 = arith.addf %dot_general3A_91, %dot_general3A_99 : vector<2560x128xf32>
    %get3A_101 = arith.constant 0 : index
    %get3A_102 = arith.constant 0 : index
    %get3A_103 = vector.load %arg14[%get3A_101, %get3A_102] : memref<1x128xf32, #tpu.memory_space<vmem>>, vector<1x128xf32>
    %add3A_104 = vector.broadcast %get3A_103 : vector<1x128xf32> to vector<2560x128xf32>
    %add3A_105 = arith.addf %add3A_100, %add3A_104 : vector<2560x128xf32>
    %integer_pow3A_106 = arith.mulf %add3A_105, %add3A_105 : vector<2560x128xf32>
    %integer_pow3A_107 = arith.mulf %add3A_105, %integer_pow3A_106 : vector<2560x128xf32>
    %mul3A_108 = arith.constant 4.471500e-02 : f32
    %mul3A_109 = vector.broadcast %mul3A_108 : f32 to vector<2560x128xf32>
    %mul3A_110 = arith.mulf %mul3A_109, %integer_pow3A_107 : vector<2560x128xf32>
    %add3A_111 = arith.addf %add3A_105, %mul3A_110 : vector<2560x128xf32>
    %mul3A_112 = arith.constant 0.797884583 : f32
    %mul3A_113 = vector.broadcast %mul3A_112 : f32 to vector<2560x128xf32>
    %mul3A_114 = arith.mulf %mul3A_113, %add3A_111 : vector<2560x128xf32>
    %tanh3A_115 = math.tanh %mul3A_114 : vector<2560x128xf32>
    %add3A_116 = arith.constant 1.000000e+00 : f32
    %add3A_117 = vector.broadcast %add3A_116 : f32 to vector<2560x128xf32>
    %add3A_118 = arith.addf %add3A_117, %tanh3A_115 : vector<2560x128xf32>
    %mul3A_119 = arith.constant 5.000000e-01 : f32
    %mul3A_120 = vector.broadcast %mul3A_119 : f32 to vector<2560x128xf32>
    %mul3A_121 = arith.mulf %mul3A_120, %add3A_118 : vector<2560x128xf32>
    %mul3A_122 = arith.mulf %add3A_105, %mul3A_121 : vector<2560x128xf32>
    %get3A_123 = arith.constant 0 : index
    %get3A_124 = arith.constant 0 : index
    %get3A_125 = vector.load %arg15[%get3A_123, %get3A_124] : memref<128x128xf32, #tpu.memory_space<vmem>>, vector<128x128xf32>
    %dot_general3A_126 = arith.constant dense<0.000000e+00> : vector<2560x128xf32>
    %dot_general3A_127 = tpu.matmul %mul3A_122, %get3A_125, %dot_general3A_126 {dimension_numbers = #tpu.dot_dimension_numbers<[1], [0], [0], [1], [0, 0, 1, 1], [], []>, transpose_lhs_hint = false} : vector<2560x128xf32>, vector<128x128xf32>, vector<2560x128xf32> -> vector<2560x128xf32>
    %get3A_128 = arith.constant 0 : index
    %get3A_129 = arith.constant 0 : index
    %get3A_130 = vector.load %arg16[%get3A_128, %get3A_129] : memref<1x128xf32, #tpu.memory_space<vmem>>, vector<1x128xf32>
    %add3A_131 = vector.broadcast %get3A_130 : vector<1x128xf32> to vector<2560x128xf32>
    %add3A_132 = arith.addf %dot_general3A_127, %add3A_131 : vector<2560x128xf32>
    %integer_pow3A_133 = arith.mulf %add3A_132, %add3A_132 : vector<2560x128xf32>
    %integer_pow3A_134 = arith.mulf %add3A_132, %integer_pow3A_133 : vector<2560x128xf32>
    %mul3A_135 = arith.constant 4.471500e-02 : f32
    %mul3A_136 = vector.broadcast %mul3A_135 : f32 to vector<2560x128xf32>
    %mul3A_137 = arith.mulf %mul3A_136, %integer_pow3A_134 : vector<2560x128xf32>
    %add3A_138 = arith.addf %add3A_132, %mul3A_137 : vector<2560x128xf32>
    %mul3A_139 = arith.constant 0.797884583 : f32
    %mul3A_140 = vector.broadcast %mul3A_139 : f32 to vector<2560x128xf32>
    %mul3A_141 = arith.mulf %mul3A_140, %add3A_138 : vector<2560x128xf32>
    %tanh3A_142 = math.tanh %mul3A_141 : vector<2560x128xf32>
    %add3A_143 = arith.constant 1.000000e+00 : f32
    %add3A_144 = vector.broadcast %add3A_143 : f32 to vector<2560x128xf32>
    %add3A_145 = arith.addf %add3A_144, %tanh3A_142 : vector<2560x128xf32>
    %mul3A_146 = arith.constant 5.000000e-01 : f32
    %mul3A_147 = vector.broadcast %mul3A_146 : f32 to vector<2560x128xf32>
    %mul3A_148 = arith.mulf %mul3A_147, %add3A_145 : vector<2560x128xf32>
    %mul3A_149 = arith.mulf %add3A_132, %mul3A_148 : vector<2560x128xf32>
    %get3A_150 = arith.constant 0 : index
    %get3A_151 = arith.constant 0 : index
    %get3A_152 = vector.load %arg17[%get3A_150, %get3A_151] : memref<128x128xf32, #tpu.memory_space<vmem>>, vector<128x128xf32>
    %dot_general3A_153 = arith.constant dense<0.000000e+00> : vector<2560x128xf32>
    %dot_general3A_154 = tpu.matmul %mul3A_149, %get3A_152, %dot_general3A_153 {dimension_numbers = #tpu.dot_dimension_numbers<[1], [0], [0], [1], [0, 0, 1, 1], [], []>, transpose_lhs_hint = false} : vector<2560x128xf32>, vector<128x128xf32>, vector<2560x128xf32> -> vector<2560x128xf32>
    %get3A_155 = arith.constant 0 : index
    %get3A_156 = arith.constant 0 : index
    %get3A_157 = vector.load %arg18[%get3A_155, %get3A_156] : memref<1x128xf32, #tpu.memory_space<vmem>>, vector<1x128xf32>
    %add3A_158 = vector.broadcast %get3A_157 : vector<1x128xf32> to vector<2560x128xf32>
    %add3A_159 = arith.addf %dot_general3A_154, %add3A_158 : vector<2560x128xf32>
    %exp3A = math.exp %mul3A_83 : vector<2560x1xf32>
    %mul3A_160 = vector.broadcast %exp3A : vector<2560x1xf32> to vector<2560x128xf32>
    %mul3A_161 = arith.mulf %add3A_159, %mul3A_160 : vector<2560x128xf32>
    %swap3A = arith.constant 0 : index
    %swap3A_162 = arith.constant 0 : index
    %swap3A_163 = vector.load %arg19[%swap3A, %swap3A_162] : memref<2560x128xf32, #tpu.memory_space<vmem>>, vector<2560x128xf32>
    tpu.vector_store %arg19[%swap3A, %swap3A_162], %mul3A_161 {strides = array<i32>} : memref<2560x128xf32, #tpu.memory_space<vmem>>, vector<2560x128xf32>,
    %broadcast_in_dim3A_164 = vector.shape_cast %exp3A : vector<2560x1xf32> to vector<2560x1xf32>
    %broadcast_in_dim3A_165 = vector.broadcast %broadcast_in_dim3A_164 : vector<2560x1xf32> to vector<2560x128xf32>
    %swap3A_166 = arith.constant 0 : index
    %swap3A_167 = arith.constant 0 : index
    %swap3A_168 = vector.load %arg20[%swap3A_166, %swap3A_167] : memref<2560x128xf32, #tpu.memory_space<vmem>>, vector<2560x128xf32>
    tpu.vector_store %arg20[%swap3A_166, %swap3A_167], %broadcast_in_dim3A_165 {strides = array<i32>} : memref<2560x128xf32, #tpu.memory_space<vmem>>, vector<2560x128xf32>,
    return
  }
  func.func @transform_0(%arg0: i32) -> (i32, i32) {
    %c0_i32 = arith.constant 0 : i32
    %c0_i32_0 = arith.constant 0 : i32
    return %arg0, %c0_i32 : i32, i32
  }
  func.func @transform_1(%arg0: i32) -> (i32, i32) {
    %c0_i32 = arith.constant 0 : i32
    %c0_i32_0 = arith.constant 0 : i32
    return %arg0, %c0_i32 : i32, i32
  }
  func.func @transform_2(%arg0: i32) -> (i32, i32) {
    %c0_i32 = arith.constant 0 : i32
    %c0_i32_0 = arith.constant 0 : i32
    return %arg0, %c0_i32 : i32, i32
  }
  func.func @transform_3(%arg0: i32) -> (i32, i32) {
    %c0_i32 = arith.constant 0 : i32
    %c0_i32_0 = arith.constant 0 : i32
    %c0_i32_1 = arith.constant 0 : i32
    return %c0_i32, %c0_i32_0 : i32, i32
  }
  func.func @transform_4(%arg0: i32) -> (i32, i32) {
    %c0_i32 = arith.constant 0 : i32
    %c0_i32_0 = arith.constant 0 : i32
    %c0_i32_1 = arith.constant 0 : i32
    return %c0_i32, %c0_i32_0 : i32, i32
  }
  func.func @transform_5(%arg0: i32) -> (i32, i32) {
    %c0_i32 = arith.constant 0 : i32
    %c0_i32_0 = arith.constant 0 : i32
    %c0_i32_1 = arith.constant 0 : i32
    return %c0_i32, %c0_i32_0 : i32, i32
  }
  func.func @transform_6(%arg0: i32) -> (i32, i32) {
    %c0_i32 = arith.constant 0 : i32
    %c0_i32_0 = arith.constant 0 : i32
    %c0_i32_1 = arith.constant 0 : i32
    return %c0_i32, %c0_i32_0 : i32, i32
  }
  func.func @transform_7(%arg0: i32) -> (i32, i32) {
    %c0_i32 = arith.constant 0 : i32
    %c0_i32_0 = arith.constant 0 : i32
    %c0_i32_1 = arith.constant 0 : i32
    return %c0_i32, %c0_i32_0 : i32, i32
  }
  func.func @transform_8(%arg0: i32) -> (i32, i32) {
    %c0_i32 = arith.constant 0 : i32
    %c0_i32_0 = arith.constant 0 : i32
    %c0_i32_1 = arith.constant 0 : i32
    return %c0_i32, %c0_i32_0 : i32, i32
  }
  func.func @transform_9(%arg0: i32) -> (i32, i32) {
    %c0_i32 = arith.constant 0 : i32
    %c0_i32_0 = arith.constant 0 : i32
    %c0_i32_1 = arith.constant 0 : i32
    return %c0_i32, %c0_i32_0 : i32, i32
  }
  func.func @transform_10(%arg0: i32) -> (i32, i32) {
    %c0_i32 = arith.constant 0 : i32
    %c0_i32_0 = arith.constant 0 : i32
    %c0_i32_1 = arith.constant 0 : i32
    return %c0_i32, %c0_i32_0 : i32, i32
  }
  func.func @transform_11(%arg0: i32) -> (i32, i32) {
    %c0_i32 = arith.constant 0 : i32
    %c0_i32_0 = arith.constant 0 : i32
    %c0_i32_1 = arith.constant 0 : i32
    return %c0_i32, %c0_i32_0 : i32, i32
  }
  func.func @transform_12(%arg0: i32) -> (i32, i32) {
    %c0_i32 = arith.constant 0 : i32
    %c0_i32_0 = arith.constant 0 : i32
    %c0_i32_1 = arith.constant 0 : i32
    return %c0_i32, %c0_i32_0 : i32, i32
  }
  func.func @transform_13(%arg0: i32) -> (i32, i32) {
    %c0_i32 = arith.constant 0 : i32
    %c0_i32_0 = arith.constant 0 : i32
    %c0_i32_1 = arith.constant 0 : i32
    return %c0_i32, %c0_i32_0 : i32, i32
  }
  func.func @transform_14(%arg0: i32) -> (i32, i32) {
    %c0_i32 = arith.constant 0 : i32
    %c0_i32_0 = arith.constant 0 : i32
    %c0_i32_1 = arith.constant 0 : i32
    return %c0_i32, %c0_i32_0 : i32, i32
  }
  func.func @transform_15(%arg0: i32) -> (i32, i32) {
    %c0_i32 = arith.constant 0 : i32
    %c0_i32_0 = arith.constant 0 : i32
    %c0_i32_1 = arith.constant 0 : i32
    return %c0_i32, %c0_i32_0 : i32, i32
  }
  func.func @transform_16(%arg0: i32) -> (i32, i32) {
    %c0_i32 = arith.constant 0 : i32
    %c0_i32_0 = arith.constant 0 : i32
    %c0_i32_1 = arith.constant 0 : i32
    return %c0_i32, %c0_i32_0 : i32, i32
  }
  func.func @transform_17(%arg0: i32) -> (i32, i32) {
    %c0_i32 = arith.constant 0 : i32
    %c0_i32_0 = arith.constant 0 : i32
    %c0_i32_1 = arith.constant 0 : i32
    return %c0_i32, %c0_i32_0 : i32, i32
  }
  func.func @transform_18(%arg0: i32) -> (i32, i32) {
    %c0_i32 = arith.constant 0 : i32
    %c0_i32_0 = arith.constant 0 : i32
    return %arg0, %c0_i32 : i32, i32
  }
  func.func @transform_19(%arg0: i32) -> (i32, i32) {
    %c0_i32 = arith.constant 0 : i32
    %c0_i32_0 = arith.constant 0 : i32
    return %arg0, %c0_i32 : i32, i32
  }
}

module attributes {stable_mosaic.version = 14 : i64} {
  func.func @_node_kernel(%arg0: memref<20480x128xf32, #tpu.memory_space<vmem>>, %arg1: memref<20480x128xf32, #tpu.memory_space<vmem>>, %arg2: memref<10000x128xf32, #tpu.memory_space<vmem>>, %arg3: memref<128x128xf32, #tpu.memory_space<vmem>>, %arg4: memref<1x128xf32, #tpu.memory_space<vmem>>, %arg5: memref<1x128xf32, #tpu.memory_space<vmem>>, %arg6: memref<128x512xf32, #tpu.memory_space<vmem>>, %arg7: memref<1x512xf32, #tpu.memory_space<vmem>>, %arg8: memref<512x128xf32, #tpu.memory_space<vmem>>, %arg9: memref<1x128xf32, #tpu.memory_space<vmem>>, %arg10: memref<1x128xf32, #tpu.memory_space<vmem>>, %arg11: memref<1x128xf32, #tpu.memory_space<vmem>>, %arg12: memref<10240x128xf32, #tpu.memory_space<vmem>>) attributes {dimension_semantics = [], scalar_prefetch = 0 : i64, scratch_operands = 0 : i64, tpu.core_type = #tpu.core_type<tc>} {
    %get3A = arith.constant 0 : index
    %get3A_0 = arith.constant 0 : index
    %get3A_1 = vector.load %arg0[%get3A, %get3A_0] : memref<20480x128xf32, #tpu.memory_space<vmem>>, vector<10000x128xf32>
    %get3A_2 = arith.constant 10240 : index
    %get3A_3 = arith.constant 0 : index
    %get3A_4 = vector.load %arg0[%get3A_2, %get3A_3] : memref<20480x128xf32, #tpu.memory_space<vmem>>, vector<10000x128xf32>
    %add3A = arith.addf %get3A_1, %get3A_4 : vector<10000x128xf32>
    %get3A_5 = arith.constant 0 : index
    %get3A_6 = arith.constant 0 : index
    %get3A_7 = vector.load %arg1[%get3A_5, %get3A_6] : memref<20480x128xf32, #tpu.memory_space<vmem>>, vector<10000x1xf32>
    %get3A_8 = arith.constant 10240 : index
    %get3A_9 = arith.constant 0 : index
    %get3A_10 = vector.load %arg1[%get3A_8, %get3A_9] : memref<20480x128xf32, #tpu.memory_space<vmem>>, vector<10000x1xf32>
    %add3A_11 = arith.addf %get3A_7, %get3A_10 : vector<10000x1xf32>
    %add3A_12 = arith.constant 9.99999996E-13 : f32
    %add3A_13 = vector.broadcast %add3A_12 : f32 to vector<10000x1xf32>
    %add3A_14 = arith.addf %add3A_11, %add3A_13 : vector<10000x1xf32>
    %div3A = vector.broadcast %add3A_14 : vector<10000x1xf32> to vector<10000x128xf32>
    %div3A_15 = arith.divf %add3A, %div3A : vector<10000x128xf32>
    %get3A_16 = arith.constant 0 : index
    %get3A_17 = arith.constant 0 : index
    %get3A_18 = vector.load %arg2[%get3A_16, %get3A_17] : memref<10000x128xf32, #tpu.memory_space<vmem>>, vector<10000x128xf32>
    %get3A_19 = arith.constant 0 : index
    %get3A_20 = arith.constant 0 : index
    %get3A_21 = vector.load %arg3[%get3A_19, %get3A_20] : memref<128x128xf32, #tpu.memory_space<vmem>>, vector<128x128xf32>
    %dot_general3A = arith.constant dense<0.000000e+00> : vector<10000x128xf32>
    %dot_general3A_22 = tpu.matmul %div3A_15, %get3A_21, %dot_general3A {dimension_numbers = #tpu.dot_dimension_numbers<[1], [0], [0], [1], [0, 0, 1, 1], [], []>, transpose_lhs_hint = false} : vector<10000x128xf32>, vector<128x128xf32>, vector<10000x128xf32> -> vector<10000x128xf32>
    %add3A_23 = arith.addf %get3A_18, %dot_general3A_22 : vector<10000x128xf32>
    %reduce_sum3A = arith.constant dense<0.000000e+00> : vector<128xf32>
    %reduce_sum3A_24 = vector.multi_reduction <add>, %add3A_23, %reduce_sum3A [0] : vector<10000x128xf32> to vector<128xf32>
    %broadcast_in_dim3A = vector.shape_cast %reduce_sum3A_24 : vector<128xf32> to vector<1x128xf32>
    %div3A_25 = arith.constant 1.000000e+04 : f32
    %div3A_26 = vector.broadcast %div3A_25 : f32 to vector<1x128xf32>
    %div3A_27 = arith.divf %broadcast_in_dim3A, %div3A_26 : vector<1x128xf32>
    %sub3A = vector.broadcast %div3A_27 : vector<1x128xf32> to vector<10000x128xf32>
    %sub3A_28 = arith.subf %add3A_23, %sub3A : vector<10000x128xf32>
    %integer_pow3A = arith.mulf %sub3A_28, %sub3A_28 : vector<10000x128xf32>
    %reduce_sum3A_29 = arith.constant dense<0.000000e+00> : vector<128xf32>
    %reduce_sum3A_30 = vector.multi_reduction <add>, %integer_pow3A, %reduce_sum3A_29 [0] : vector<10000x128xf32> to vector<128xf32>
    %broadcast_in_dim3A_31 = vector.shape_cast %reduce_sum3A_30 : vector<128xf32> to vector<1x128xf32>
    %div3A_32 = arith.constant 1.000000e+04 : f32
    %div3A_33 = vector.broadcast %div3A_32 : f32 to vector<1x128xf32>
    %div3A_34 = arith.divf %broadcast_in_dim3A_31, %div3A_33 : vector<1x128xf32>
    %sub3A_35 = vector.broadcast %div3A_27 : vector<1x128xf32> to vector<10000x128xf32>
    %sub3A_36 = arith.subf %add3A_23, %sub3A_35 : vector<10000x128xf32>
    %add3A_37 = arith.constant 9.99999974E-6 : f32
    %add3A_38 = vector.broadcast %add3A_37 : f32 to vector<1x128xf32>
    %add3A_39 = arith.addf %div3A_34, %add3A_38 : vector<1x128xf32>
    %sqrt3A = math.sqrt %add3A_39 : vector<1x128xf32>
    %div3A_40 = vector.broadcast %sqrt3A : vector<1x128xf32> to vector<10000x128xf32>
    %div3A_41 = arith.divf %sub3A_36, %div3A_40 : vector<10000x128xf32>
    %get3A_42 = arith.constant 0 : index
    %get3A_43 = arith.constant 0 : index
    %get3A_44 = vector.load %arg4[%get3A_42, %get3A_43] : memref<1x128xf32, #tpu.memory_space<vmem>>, vector<1x128xf32>
    %mul3A = vector.broadcast %get3A_44 : vector<1x128xf32> to vector<10000x128xf32>
    %mul3A_45 = arith.mulf %div3A_41, %mul3A : vector<10000x128xf32>
    %get3A_46 = arith.constant 0 : index
    %get3A_47 = arith.constant 0 : index
    %get3A_48 = vector.load %arg5[%get3A_46, %get3A_47] : memref<1x128xf32, #tpu.memory_space<vmem>>, vector<1x128xf32>
    %add3A_49 = vector.broadcast %get3A_48 : vector<1x128xf32> to vector<10000x128xf32>
    %add3A_50 = arith.addf %mul3A_45, %add3A_49 : vector<10000x128xf32>
    %broadcast_in_dim3A_51 = arith.constant 0.000000e+00 : f32
    %broadcast_in_dim3A_52 = vector.broadcast %broadcast_in_dim3A_51 : f32 to vector<1x128xf32>
    %broadcast_in_dim3A_53 = arith.constant 0.000000e+00 : f32
    %broadcast_in_dim3A_54 = vector.broadcast %broadcast_in_dim3A_53 : f32 to vector<1x128xf32>
    %slice3A = vector.extract_strided_slice %add3A_50 {offsets = [0, 0], sizes = [2000, 128], strides = [1, 1]} : vector<10000x128xf32> to vector<2000x128xf32>
    %get3A_55 = arith.constant 0 : index
    %get3A_56 = arith.constant 0 : index
    %get3A_57 = vector.load %arg6[%get3A_55, %get3A_56] : memref<128x512xf32, #tpu.memory_space<vmem>>, vector<128x512xf32>
    %dot_general3A_58 = arith.constant dense<0.000000e+00> : vector<2000x512xf32>
    %dot_general3A_59 = tpu.matmul %slice3A, %get3A_57, %dot_general3A_58 {dimension_numbers = #tpu.dot_dimension_numbers<[1], [0], [0], [1], [0, 0, 1, 1], [], []>, transpose_lhs_hint = false} : vector<2000x128xf32>, vector<128x512xf32>, vector<2000x512xf32> -> vector<2000x512xf32>
    %get3A_60 = arith.constant 0 : index
    %get3A_61 = arith.constant 0 : index
    %get3A_62 = vector.load %arg7[%get3A_60, %get3A_61] : memref<1x512xf32, #tpu.memory_space<vmem>>, vector<1x512xf32>
    %add3A_63 = vector.broadcast %get3A_62 : vector<1x512xf32> to vector<2000x512xf32>
    %add3A_64 = arith.addf %dot_general3A_59, %add3A_63 : vector<2000x512xf32>
    %integer_pow3A_65 = arith.mulf %add3A_64, %add3A_64 : vector<2000x512xf32>
    %integer_pow3A_66 = arith.mulf %add3A_64, %integer_pow3A_65 : vector<2000x512xf32>
    %mul3A_67 = arith.constant 4.471500e-02 : f32
    %mul3A_68 = vector.broadcast %mul3A_67 : f32 to vector<2000x512xf32>
    %mul3A_69 = arith.mulf %mul3A_68, %integer_pow3A_66 : vector<2000x512xf32>
    %add3A_70 = arith.addf %add3A_64, %mul3A_69 : vector<2000x512xf32>
    %mul3A_71 = arith.constant 0.797884583 : f32
    %mul3A_72 = vector.broadcast %mul3A_71 : f32 to vector<2000x512xf32>
    %mul3A_73 = arith.mulf %mul3A_72, %add3A_70 : vector<2000x512xf32>
    %tanh3A = math.tanh %mul3A_73 : vector<2000x512xf32>
    %add3A_74 = arith.constant 1.000000e+00 : f32
    %add3A_75 = vector.broadcast %add3A_74 : f32 to vector<2000x512xf32>
    %add3A_76 = arith.addf %add3A_75, %tanh3A : vector<2000x512xf32>
    %mul3A_77 = arith.constant 5.000000e-01 : f32
    %mul3A_78 = vector.broadcast %mul3A_77 : f32 to vector<2000x512xf32>
    %mul3A_79 = arith.mulf %mul3A_78, %add3A_76 : vector<2000x512xf32>
    %mul3A_80 = arith.mulf %add3A_64, %mul3A_79 : vector<2000x512xf32>
    %get3A_81 = arith.constant 0 : index
    %get3A_82 = arith.constant 0 : index
    %get3A_83 = vector.load %arg8[%get3A_81, %get3A_82] : memref<512x128xf32, #tpu.memory_space<vmem>>, vector<512x128xf32>
    %dot_general3A_84 = arith.constant dense<0.000000e+00> : vector<2000x128xf32>
    %dot_general3A_85 = tpu.matmul %mul3A_80, %get3A_83, %dot_general3A_84 {dimension_numbers = #tpu.dot_dimension_numbers<[1], [0], [0], [1], [0, 0, 1, 1], [], []>, transpose_lhs_hint = false} : vector<2000x512xf32>, vector<512x128xf32>, vector<2000x128xf32> -> vector<2000x128xf32>
    %add3A_86 = arith.addf %slice3A, %dot_general3A_85 : vector<2000x128xf32>
    %get3A_87 = arith.constant 0 : index
    %get3A_88 = arith.constant 0 : index
    %get3A_89 = vector.load %arg9[%get3A_87, %get3A_88] : memref<1x128xf32, #tpu.memory_space<vmem>>, vector<1x128xf32>
    %add3A_90 = vector.broadcast %get3A_89 : vector<1x128xf32> to vector<2000x128xf32>
    %add3A_91 = arith.addf %add3A_86, %add3A_90 : vector<2000x128xf32>
    %swap3A = arith.constant 0 : index
    %swap3A_92 = arith.constant 0 : index
    %swap3A_93 = vector.load %arg12[%swap3A, %swap3A_92] : memref<10240x128xf32, #tpu.memory_space<vmem>>, vector<2000x128xf32>
    tpu.vector_store %arg12[%swap3A, %swap3A_92], %add3A_91 {strides = array<i32>} : memref<10240x128xf32, #tpu.memory_space<vmem>>, vector<2000x128xf32>,
    %reduce_sum3A_94 = arith.constant dense<0.000000e+00> : vector<128xf32>
    %reduce_sum3A_95 = vector.multi_reduction <add>, %add3A_91, %reduce_sum3A_94 [0] : vector<2000x128xf32> to vector<128xf32>
    %broadcast_in_dim3A_96 = vector.shape_cast %reduce_sum3A_95 : vector<128xf32> to vector<1x128xf32>
    %add3A_97 = arith.addf %broadcast_in_dim3A_52, %broadcast_in_dim3A_96 : vector<1x128xf32>
    %mul3A_98 = arith.mulf %add3A_91, %add3A_91 : vector<2000x128xf32>
    %reduce_sum3A_99 = arith.constant dense<0.000000e+00> : vector<128xf32>
    %reduce_sum3A_100 = vector.multi_reduction <add>, %mul3A_98, %reduce_sum3A_99 [0] : vector<2000x128xf32> to vector<128xf32>
    %broadcast_in_dim3A_101 = vector.shape_cast %reduce_sum3A_100 : vector<128xf32> to vector<1x128xf32>
    %add3A_102 = arith.addf %broadcast_in_dim3A_54, %broadcast_in_dim3A_101 : vector<1x128xf32>
    %slice3A_103 = vector.extract_strided_slice %add3A_50 {offsets = [2000, 0], sizes = [2000, 128], strides = [1, 1]} : vector<10000x128xf32> to vector<2000x128xf32>
    %get3A_104 = arith.constant 0 : index
    %get3A_105 = arith.constant 0 : index
    %get3A_106 = vector.load %arg6[%get3A_104, %get3A_105] : memref<128x512xf32, #tpu.memory_space<vmem>>, vector<128x512xf32>
    %dot_general3A_107 = arith.constant dense<0.000000e+00> : vector<2000x512xf32>
    %dot_general3A_108 = tpu.matmul %slice3A_103, %get3A_106, %dot_general3A_107 {dimension_numbers = #tpu.dot_dimension_numbers<[1], [0], [0], [1], [0, 0, 1, 1], [], []>, transpose_lhs_hint = false} : vector<2000x128xf32>, vector<128x512xf32>, vector<2000x512xf32> -> vector<2000x512xf32>
    %get3A_109 = arith.constant 0 : index
    %get3A_110 = arith.constant 0 : index
    %get3A_111 = vector.load %arg7[%get3A_109, %get3A_110] : memref<1x512xf32, #tpu.memory_space<vmem>>, vector<1x512xf32>
    %add3A_112 = vector.broadcast %get3A_111 : vector<1x512xf32> to vector<2000x512xf32>
    %add3A_113 = arith.addf %dot_general3A_108, %add3A_112 : vector<2000x512xf32>
    %integer_pow3A_114 = arith.mulf %add3A_113, %add3A_113 : vector<2000x512xf32>
    %integer_pow3A_115 = arith.mulf %add3A_113, %integer_pow3A_114 : vector<2000x512xf32>
    %mul3A_116 = arith.constant 4.471500e-02 : f32
    %mul3A_117 = vector.broadcast %mul3A_116 : f32 to vector<2000x512xf32>
    %mul3A_118 = arith.mulf %mul3A_117, %integer_pow3A_115 : vector<2000x512xf32>
    %add3A_119 = arith.addf %add3A_113, %mul3A_118 : vector<2000x512xf32>
    %mul3A_120 = arith.constant 0.797884583 : f32
    %mul3A_121 = vector.broadcast %mul3A_120 : f32 to vector<2000x512xf32>
    %mul3A_122 = arith.mulf %mul3A_121, %add3A_119 : vector<2000x512xf32>
    %tanh3A_123 = math.tanh %mul3A_122 : vector<2000x512xf32>
    %add3A_124 = arith.constant 1.000000e+00 : f32
    %add3A_125 = vector.broadcast %add3A_124 : f32 to vector<2000x512xf32>
    %add3A_126 = arith.addf %add3A_125, %tanh3A_123 : vector<2000x512xf32>
    %mul3A_127 = arith.constant 5.000000e-01 : f32
    %mul3A_128 = vector.broadcast %mul3A_127 : f32 to vector<2000x512xf32>
    %mul3A_129 = arith.mulf %mul3A_128, %add3A_126 : vector<2000x512xf32>
    %mul3A_130 = arith.mulf %add3A_113, %mul3A_129 : vector<2000x512xf32>
    %get3A_131 = arith.constant 0 : index
    %get3A_132 = arith.constant 0 : index
    %get3A_133 = vector.load %arg8[%get3A_131, %get3A_132] : memref<512x128xf32, #tpu.memory_space<vmem>>, vector<512x128xf32>
    %dot_general3A_134 = arith.constant dense<0.000000e+00> : vector<2000x128xf32>
    %dot_general3A_135 = tpu.matmul %mul3A_130, %get3A_133, %dot_general3A_134 {dimension_numbers = #tpu.dot_dimension_numbers<[1], [0], [0], [1], [0, 0, 1, 1], [], []>, transpose_lhs_hint = false} : vector<2000x512xf32>, vector<512x128xf32>, vector<2000x128xf32> -> vector<2000x128xf32>
    %add3A_136 = arith.addf %slice3A_103, %dot_general3A_135 : vector<2000x128xf32>
    %get3A_137 = arith.constant 0 : index
    %get3A_138 = arith.constant 0 : index
    %get3A_139 = vector.load %arg9[%get3A_137, %get3A_138] : memref<1x128xf32, #tpu.memory_space<vmem>>, vector<1x128xf32>
    %add3A_140 = vector.broadcast %get3A_139 : vector<1x128xf32> to vector<2000x128xf32>
    %add3A_141 = arith.addf %add3A_136, %add3A_140 : vector<2000x128xf32>
    %swap3A_142 = arith.constant 2000 : index
    %swap3A_143 = arith.constant 0 : index
    %swap3A_144 = vector.load %arg12[%swap3A_142, %swap3A_143] : memref<10240x128xf32, #tpu.memory_space<vmem>>, vector<2000x128xf32>
    tpu.vector_store %arg12[%swap3A_142, %swap3A_143], %add3A_141 {strides = array<i32>} : memref<10240x128xf32, #tpu.memory_space<vmem>>, vector<2000x128xf32>,
    %reduce_sum3A_145 = arith.constant dense<0.000000e+00> : vector<128xf32>
    %reduce_sum3A_146 = vector.multi_reduction <add>, %add3A_141, %reduce_sum3A_145 [0] : vector<2000x128xf32> to vector<128xf32>
    %broadcast_in_dim3A_147 = vector.shape_cast %reduce_sum3A_146 : vector<128xf32> to vector<1x128xf32>
    %add3A_148 = arith.addf %add3A_97, %broadcast_in_dim3A_147 : vector<1x128xf32>
    %mul3A_149 = arith.mulf %add3A_141, %add3A_141 : vector<2000x128xf32>
    %reduce_sum3A_150 = arith.constant dense<0.000000e+00> : vector<128xf32>
    %reduce_sum3A_151 = vector.multi_reduction <add>, %mul3A_149, %reduce_sum3A_150 [0] : vector<2000x128xf32> to vector<128xf32>
    %broadcast_in_dim3A_152 = vector.shape_cast %reduce_sum3A_151 : vector<128xf32> to vector<1x128xf32>
    %add3A_153 = arith.addf %add3A_102, %broadcast_in_dim3A_152 : vector<1x128xf32>
    %slice3A_154 = vector.extract_strided_slice %add3A_50 {offsets = [4000, 0], sizes = [2000, 128], strides = [1, 1]} : vector<10000x128xf32> to vector<2000x128xf32>
    %get3A_155 = arith.constant 0 : index
    %get3A_156 = arith.constant 0 : index
    %get3A_157 = vector.load %arg6[%get3A_155, %get3A_156] : memref<128x512xf32, #tpu.memory_space<vmem>>, vector<128x512xf32>
    %dot_general3A_158 = arith.constant dense<0.000000e+00> : vector<2000x512xf32>
    %dot_general3A_159 = tpu.matmul %slice3A_154, %get3A_157, %dot_general3A_158 {dimension_numbers = #tpu.dot_dimension_numbers<[1], [0], [0], [1], [0, 0, 1, 1], [], []>, transpose_lhs_hint = false} : vector<2000x128xf32>, vector<128x512xf32>, vector<2000x512xf32> -> vector<2000x512xf32>
    %get3A_160 = arith.constant 0 : index
    %get3A_161 = arith.constant 0 : index
    %get3A_162 = vector.load %arg7[%get3A_160, %get3A_161] : memref<1x512xf32, #tpu.memory_space<vmem>>, vector<1x512xf32>
    %add3A_163 = vector.broadcast %get3A_162 : vector<1x512xf32> to vector<2000x512xf32>
    %add3A_164 = arith.addf %dot_general3A_159, %add3A_163 : vector<2000x512xf32>
    %integer_pow3A_165 = arith.mulf %add3A_164, %add3A_164 : vector<2000x512xf32>
    %integer_pow3A_166 = arith.mulf %add3A_164, %integer_pow3A_165 : vector<2000x512xf32>
    %mul3A_167 = arith.constant 4.471500e-02 : f32
    %mul3A_168 = vector.broadcast %mul3A_167 : f32 to vector<2000x512xf32>
    %mul3A_169 = arith.mulf %mul3A_168, %integer_pow3A_166 : vector<2000x512xf32>
    %add3A_170 = arith.addf %add3A_164, %mul3A_169 : vector<2000x512xf32>
    %mul3A_171 = arith.constant 0.797884583 : f32
    %mul3A_172 = vector.broadcast %mul3A_171 : f32 to vector<2000x512xf32>
    %mul3A_173 = arith.mulf %mul3A_172, %add3A_170 : vector<2000x512xf32>
    %tanh3A_174 = math.tanh %mul3A_173 : vector<2000x512xf32>
    %add3A_175 = arith.constant 1.000000e+00 : f32
    %add3A_176 = vector.broadcast %add3A_175 : f32 to vector<2000x512xf32>
    %add3A_177 = arith.addf %add3A_176, %tanh3A_174 : vector<2000x512xf32>
    %mul3A_178 = arith.constant 5.000000e-01 : f32
    %mul3A_179 = vector.broadcast %mul3A_178 : f32 to vector<2000x512xf32>
    %mul3A_180 = arith.mulf %mul3A_179, %add3A_177 : vector<2000x512xf32>
    %mul3A_181 = arith.mulf %add3A_164, %mul3A_180 : vector<2000x512xf32>
    %get3A_182 = arith.constant 0 : index
    %get3A_183 = arith.constant 0 : index
    %get3A_184 = vector.load %arg8[%get3A_182, %get3A_183] : memref<512x128xf32, #tpu.memory_space<vmem>>, vector<512x128xf32>
    %dot_general3A_185 = arith.constant dense<0.000000e+00> : vector<2000x128xf32>
    %dot_general3A_186 = tpu.matmul %mul3A_181, %get3A_184, %dot_general3A_185 {dimension_numbers = #tpu.dot_dimension_numbers<[1], [0], [0], [1], [0, 0, 1, 1], [], []>, transpose_lhs_hint = false} : vector<2000x512xf32>, vector<512x128xf32>, vector<2000x128xf32> -> vector<2000x128xf32>
    %add3A_187 = arith.addf %slice3A_154, %dot_general3A_186 : vector<2000x128xf32>
    %get3A_188 = arith.constant 0 : index
    %get3A_189 = arith.constant 0 : index
    %get3A_190 = vector.load %arg9[%get3A_188, %get3A_189] : memref<1x128xf32, #tpu.memory_space<vmem>>, vector<1x128xf32>
    %add3A_191 = vector.broadcast %get3A_190 : vector<1x128xf32> to vector<2000x128xf32>
    %add3A_192 = arith.addf %add3A_187, %add3A_191 : vector<2000x128xf32>
    %swap3A_193 = arith.constant 4000 : index
    %swap3A_194 = arith.constant 0 : index
    %swap3A_195 = vector.load %arg12[%swap3A_193, %swap3A_194] : memref<10240x128xf32, #tpu.memory_space<vmem>>, vector<2000x128xf32>
    tpu.vector_store %arg12[%swap3A_193, %swap3A_194], %add3A_192 {strides = array<i32>} : memref<10240x128xf32, #tpu.memory_space<vmem>>, vector<2000x128xf32>,
    %reduce_sum3A_196 = arith.constant dense<0.000000e+00> : vector<128xf32>
    %reduce_sum3A_197 = vector.multi_reduction <add>, %add3A_192, %reduce_sum3A_196 [0] : vector<2000x128xf32> to vector<128xf32>
    %broadcast_in_dim3A_198 = vector.shape_cast %reduce_sum3A_197 : vector<128xf32> to vector<1x128xf32>
    %add3A_199 = arith.addf %add3A_148, %broadcast_in_dim3A_198 : vector<1x128xf32>
    %mul3A_200 = arith.mulf %add3A_192, %add3A_192 : vector<2000x128xf32>
    %reduce_sum3A_201 = arith.constant dense<0.000000e+00> : vector<128xf32>
    %reduce_sum3A_202 = vector.multi_reduction <add>, %mul3A_200, %reduce_sum3A_201 [0] : vector<2000x128xf32> to vector<128xf32>
    %broadcast_in_dim3A_203 = vector.shape_cast %reduce_sum3A_202 : vector<128xf32> to vector<1x128xf32>
    %add3A_204 = arith.addf %add3A_153, %broadcast_in_dim3A_203 : vector<1x128xf32>
    %slice3A_205 = vector.extract_strided_slice %add3A_50 {offsets = [6000, 0], sizes = [2000, 128], strides = [1, 1]} : vector<10000x128xf32> to vector<2000x128xf32>
    %get3A_206 = arith.constant 0 : index
    %get3A_207 = arith.constant 0 : index
    %get3A_208 = vector.load %arg6[%get3A_206, %get3A_207] : memref<128x512xf32, #tpu.memory_space<vmem>>, vector<128x512xf32>
    %dot_general3A_209 = arith.constant dense<0.000000e+00> : vector<2000x512xf32>
    %dot_general3A_210 = tpu.matmul %slice3A_205, %get3A_208, %dot_general3A_209 {dimension_numbers = #tpu.dot_dimension_numbers<[1], [0], [0], [1], [0, 0, 1, 1], [], []>, transpose_lhs_hint = false} : vector<2000x128xf32>, vector<128x512xf32>, vector<2000x512xf32> -> vector<2000x512xf32>
    %get3A_211 = arith.constant 0 : index
    %get3A_212 = arith.constant 0 : index
    %get3A_213 = vector.load %arg7[%get3A_211, %get3A_212] : memref<1x512xf32, #tpu.memory_space<vmem>>, vector<1x512xf32>
    %add3A_214 = vector.broadcast %get3A_213 : vector<1x512xf32> to vector<2000x512xf32>
    %add3A_215 = arith.addf %dot_general3A_210, %add3A_214 : vector<2000x512xf32>
    %integer_pow3A_216 = arith.mulf %add3A_215, %add3A_215 : vector<2000x512xf32>
    %integer_pow3A_217 = arith.mulf %add3A_215, %integer_pow3A_216 : vector<2000x512xf32>
    %mul3A_218 = arith.constant 4.471500e-02 : f32
    %mul3A_219 = vector.broadcast %mul3A_218 : f32 to vector<2000x512xf32>
    %mul3A_220 = arith.mulf %mul3A_219, %integer_pow3A_217 : vector<2000x512xf32>
    %add3A_221 = arith.addf %add3A_215, %mul3A_220 : vector<2000x512xf32>
    %mul3A_222 = arith.constant 0.797884583 : f32
    %mul3A_223 = vector.broadcast %mul3A_222 : f32 to vector<2000x512xf32>
    %mul3A_224 = arith.mulf %mul3A_223, %add3A_221 : vector<2000x512xf32>
    %tanh3A_225 = math.tanh %mul3A_224 : vector<2000x512xf32>
    %add3A_226 = arith.constant 1.000000e+00 : f32
    %add3A_227 = vector.broadcast %add3A_226 : f32 to vector<2000x512xf32>
    %add3A_228 = arith.addf %add3A_227, %tanh3A_225 : vector<2000x512xf32>
    %mul3A_229 = arith.constant 5.000000e-01 : f32
    %mul3A_230 = vector.broadcast %mul3A_229 : f32 to vector<2000x512xf32>
    %mul3A_231 = arith.mulf %mul3A_230, %add3A_228 : vector<2000x512xf32>
    %mul3A_232 = arith.mulf %add3A_215, %mul3A_231 : vector<2000x512xf32>
    %get3A_233 = arith.constant 0 : index
    %get3A_234 = arith.constant 0 : index
    %get3A_235 = vector.load %arg8[%get3A_233, %get3A_234] : memref<512x128xf32, #tpu.memory_space<vmem>>, vector<512x128xf32>
    %dot_general3A_236 = arith.constant dense<0.000000e+00> : vector<2000x128xf32>
    %dot_general3A_237 = tpu.matmul %mul3A_232, %get3A_235, %dot_general3A_236 {dimension_numbers = #tpu.dot_dimension_numbers<[1], [0], [0], [1], [0, 0, 1, 1], [], []>, transpose_lhs_hint = false} : vector<2000x512xf32>, vector<512x128xf32>, vector<2000x128xf32> -> vector<2000x128xf32>
    %add3A_238 = arith.addf %slice3A_205, %dot_general3A_237 : vector<2000x128xf32>
    %get3A_239 = arith.constant 0 : index
    %get3A_240 = arith.constant 0 : index
    %get3A_241 = vector.load %arg9[%get3A_239, %get3A_240] : memref<1x128xf32, #tpu.memory_space<vmem>>, vector<1x128xf32>
    %add3A_242 = vector.broadcast %get3A_241 : vector<1x128xf32> to vector<2000x128xf32>
    %add3A_243 = arith.addf %add3A_238, %add3A_242 : vector<2000x128xf32>
    %swap3A_244 = arith.constant 6000 : index
    %swap3A_245 = arith.constant 0 : index
    %swap3A_246 = vector.load %arg12[%swap3A_244, %swap3A_245] : memref<10240x128xf32, #tpu.memory_space<vmem>>, vector<2000x128xf32>
    tpu.vector_store %arg12[%swap3A_244, %swap3A_245], %add3A_243 {strides = array<i32>} : memref<10240x128xf32, #tpu.memory_space<vmem>>, vector<2000x128xf32>,
    %reduce_sum3A_247 = arith.constant dense<0.000000e+00> : vector<128xf32>
    %reduce_sum3A_248 = vector.multi_reduction <add>, %add3A_243, %reduce_sum3A_247 [0] : vector<2000x128xf32> to vector<128xf32>
    %broadcast_in_dim3A_249 = vector.shape_cast %reduce_sum3A_248 : vector<128xf32> to vector<1x128xf32>
    %add3A_250 = arith.addf %add3A_199, %broadcast_in_dim3A_249 : vector<1x128xf32>
    %mul3A_251 = arith.mulf %add3A_243, %add3A_243 : vector<2000x128xf32>
    %reduce_sum3A_252 = arith.constant dense<0.000000e+00> : vector<128xf32>
    %reduce_sum3A_253 = vector.multi_reduction <add>, %mul3A_251, %reduce_sum3A_252 [0] : vector<2000x128xf32> to vector<128xf32>
    %broadcast_in_dim3A_254 = vector.shape_cast %reduce_sum3A_253 : vector<128xf32> to vector<1x128xf32>
    %add3A_255 = arith.addf %add3A_204, %broadcast_in_dim3A_254 : vector<1x128xf32>
    %slice3A_256 = vector.extract_strided_slice %add3A_50 {offsets = [8000, 0], sizes = [2000, 128], strides = [1, 1]} : vector<10000x128xf32> to vector<2000x128xf32>
    %get3A_257 = arith.constant 0 : index
    %get3A_258 = arith.constant 0 : index
    %get3A_259 = vector.load %arg6[%get3A_257, %get3A_258] : memref<128x512xf32, #tpu.memory_space<vmem>>, vector<128x512xf32>
    %dot_general3A_260 = arith.constant dense<0.000000e+00> : vector<2000x512xf32>
    %dot_general3A_261 = tpu.matmul %slice3A_256, %get3A_259, %dot_general3A_260 {dimension_numbers = #tpu.dot_dimension_numbers<[1], [0], [0], [1], [0, 0, 1, 1], [], []>, transpose_lhs_hint = false} : vector<2000x128xf32>, vector<128x512xf32>, vector<2000x512xf32> -> vector<2000x512xf32>
    %get3A_262 = arith.constant 0 : index
    %get3A_263 = arith.constant 0 : index
    %get3A_264 = vector.load %arg7[%get3A_262, %get3A_263] : memref<1x512xf32, #tpu.memory_space<vmem>>, vector<1x512xf32>
    %add3A_265 = vector.broadcast %get3A_264 : vector<1x512xf32> to vector<2000x512xf32>
    %add3A_266 = arith.addf %dot_general3A_261, %add3A_265 : vector<2000x512xf32>
    %integer_pow3A_267 = arith.mulf %add3A_266, %add3A_266 : vector<2000x512xf32>
    %integer_pow3A_268 = arith.mulf %add3A_266, %integer_pow3A_267 : vector<2000x512xf32>
    %mul3A_269 = arith.constant 4.471500e-02 : f32
    %mul3A_270 = vector.broadcast %mul3A_269 : f32 to vector<2000x512xf32>
    %mul3A_271 = arith.mulf %mul3A_270, %integer_pow3A_268 : vector<2000x512xf32>
    %add3A_272 = arith.addf %add3A_266, %mul3A_271 : vector<2000x512xf32>
    %mul3A_273 = arith.constant 0.797884583 : f32
    %mul3A_274 = vector.broadcast %mul3A_273 : f32 to vector<2000x512xf32>
    %mul3A_275 = arith.mulf %mul3A_274, %add3A_272 : vector<2000x512xf32>
    %tanh3A_276 = math.tanh %mul3A_275 : vector<2000x512xf32>
    %add3A_277 = arith.constant 1.000000e+00 : f32
    %add3A_278 = vector.broadcast %add3A_277 : f32 to vector<2000x512xf32>
    %add3A_279 = arith.addf %add3A_278, %tanh3A_276 : vector<2000x512xf32>
    %mul3A_280 = arith.constant 5.000000e-01 : f32
    %mul3A_281 = vector.broadcast %mul3A_280 : f32 to vector<2000x512xf32>
    %mul3A_282 = arith.mulf %mul3A_281, %add3A_279 : vector<2000x512xf32>
    %mul3A_283 = arith.mulf %add3A_266, %mul3A_282 : vector<2000x512xf32>
    %get3A_284 = arith.constant 0 : index
    %get3A_285 = arith.constant 0 : index
    %get3A_286 = vector.load %arg8[%get3A_284, %get3A_285] : memref<512x128xf32, #tpu.memory_space<vmem>>, vector<512x128xf32>
    %dot_general3A_287 = arith.constant dense<0.000000e+00> : vector<2000x128xf32>
    %dot_general3A_288 = tpu.matmul %mul3A_283, %get3A_286, %dot_general3A_287 {dimension_numbers = #tpu.dot_dimension_numbers<[1], [0], [0], [1], [0, 0, 1, 1], [], []>, transpose_lhs_hint = false} : vector<2000x512xf32>, vector<512x128xf32>, vector<2000x128xf32> -> vector<2000x128xf32>
    %add3A_289 = arith.addf %slice3A_256, %dot_general3A_288 : vector<2000x128xf32>
    %get3A_290 = arith.constant 0 : index
    %get3A_291 = arith.constant 0 : index
    %get3A_292 = vector.load %arg9[%get3A_290, %get3A_291] : memref<1x128xf32, #tpu.memory_space<vmem>>, vector<1x128xf32>
    %add3A_293 = vector.broadcast %get3A_292 : vector<1x128xf32> to vector<2000x128xf32>
    %add3A_294 = arith.addf %add3A_289, %add3A_293 : vector<2000x128xf32>
    %swap3A_295 = arith.constant 8000 : index
    %swap3A_296 = arith.constant 0 : index
    %swap3A_297 = vector.load %arg12[%swap3A_295, %swap3A_296] : memref<10240x128xf32, #tpu.memory_space<vmem>>, vector<2000x128xf32>
    tpu.vector_store %arg12[%swap3A_295, %swap3A_296], %add3A_294 {strides = array<i32>} : memref<10240x128xf32, #tpu.memory_space<vmem>>, vector<2000x128xf32>,
    %reduce_sum3A_298 = arith.constant dense<0.000000e+00> : vector<128xf32>
    %reduce_sum3A_299 = vector.multi_reduction <add>, %add3A_294, %reduce_sum3A_298 [0] : vector<2000x128xf32> to vector<128xf32>
    %broadcast_in_dim3A_300 = vector.shape_cast %reduce_sum3A_299 : vector<128xf32> to vector<1x128xf32>
    %add3A_301 = arith.addf %add3A_250, %broadcast_in_dim3A_300 : vector<1x128xf32>
    %mul3A_302 = arith.mulf %add3A_294, %add3A_294 : vector<2000x128xf32>
    %reduce_sum3A_303 = arith.constant dense<0.000000e+00> : vector<128xf32>
    %reduce_sum3A_304 = vector.multi_reduction <add>, %mul3A_302, %reduce_sum3A_303 [0] : vector<2000x128xf32> to vector<128xf32>
    %broadcast_in_dim3A_305 = vector.shape_cast %reduce_sum3A_304 : vector<128xf32> to vector<1x128xf32>
    %add3A_306 = arith.addf %add3A_255, %broadcast_in_dim3A_305 : vector<1x128xf32>
    %mul3A_307 = arith.constant 9.99999974E-5 : f32
    %mul3A_308 = vector.broadcast %mul3A_307 : f32 to vector<1x128xf32>
    %mul3A_309 = arith.mulf %add3A_301, %mul3A_308 : vector<1x128xf32>
    %mul3A_310 = arith.constant 9.99999974E-5 : f32
    %mul3A_311 = vector.broadcast %mul3A_310 : f32 to vector<1x128xf32>
    %mul3A_312 = arith.mulf %add3A_306, %mul3A_311 : vector<1x128xf32>
    %mul3A_313 = arith.mulf %mul3A_309, %mul3A_309 : vector<1x128xf32>
    %sub3A_314 = arith.subf %mul3A_312, %mul3A_313 : vector<1x128xf32>
    %get3A_315 = arith.constant 0 : index
    %get3A_316 = arith.constant 0 : index
    %get3A_317 = vector.load %arg12[%get3A_315, %get3A_316] : memref<10240x128xf32, #tpu.memory_space<vmem>>, vector<10000x128xf32>
    %sub3A_318 = vector.broadcast %mul3A_309 : vector<1x128xf32> to vector<10000x128xf32>
    %sub3A_319 = arith.subf %get3A_317, %sub3A_318 : vector<10000x128xf32>
    %add3A_320 = arith.constant 9.99999974E-6 : f32
    %add3A_321 = vector.broadcast %add3A_320 : f32 to vector<1x128xf32>
    %add3A_322 = arith.addf %sub3A_314, %add3A_321 : vector<1x128xf32>
    %sqrt3A_323 = math.sqrt %add3A_322 : vector<1x128xf32>
    %div3A_324 = vector.broadcast %sqrt3A_323 : vector<1x128xf32> to vector<10000x128xf32>
    %div3A_325 = arith.divf %sub3A_319, %div3A_324 : vector<10000x128xf32>
    %get3A_326 = arith.constant 0 : index
    %get3A_327 = arith.constant 0 : index
    %get3A_328 = vector.load %arg10[%get3A_326, %get3A_327] : memref<1x128xf32, #tpu.memory_space<vmem>>, vector<1x128xf32>
    %mul3A_329 = vector.broadcast %get3A_328 : vector<1x128xf32> to vector<10000x128xf32>
    %mul3A_330 = arith.mulf %div3A_325, %mul3A_329 : vector<10000x128xf32>
    %get3A_331 = arith.constant 0 : index
    %get3A_332 = arith.constant 0 : index
    %get3A_333 = vector.load %arg11[%get3A_331, %get3A_332] : memref<1x128xf32, #tpu.memory_space<vmem>>, vector<1x128xf32>
    %add3A_334 = vector.broadcast %get3A_333 : vector<1x128xf32> to vector<10000x128xf32>
    %add3A_335 = arith.addf %mul3A_330, %add3A_334 : vector<10000x128xf32>
    %swap3A_336 = arith.constant 0 : index
    %swap3A_337 = arith.constant 0 : index
    %swap3A_338 = vector.load %arg12[%swap3A_336, %swap3A_337] : memref<10240x128xf32, #tpu.memory_space<vmem>>, vector<10000x128xf32>
    tpu.vector_store %arg12[%swap3A_336, %swap3A_337], %add3A_335 {strides = array<i32>} : memref<10240x128xf32, #tpu.memory_space<vmem>>, vector<10000x128xf32>,
    return
  }
}

module attributes {stable_mosaic.version = 14 : i64} {
  func.func @_edge_mlp_kernel(%arg0: i32, %arg1: memref<2560x128xf32, #tpu.memory_space<vmem>>, %arg2: memref<2560x128xf32, #tpu.memory_space<vmem>>, %arg3: memref<2560x128xf32, #tpu.memory_space<vmem>>, %arg4: memref<128x128xf32, #tpu.memory_space<vmem>>, %arg5: memref<128x128xf32, #tpu.memory_space<vmem>>, %arg6: memref<128x128xf32, #tpu.memory_space<vmem>>, %arg7: memref<1x128xf32, #tpu.memory_space<vmem>>, %arg8: memref<128x128xf32, #tpu.memory_space<vmem>>, %arg9: memref<1x128xf32, #tpu.memory_space<vmem>>, %arg10: memref<128x128xf32, #tpu.memory_space<vmem>>, %arg11: memref<1x128xf32, #tpu.memory_space<vmem>>, %arg12: memref<2560x128xbf16, #tpu.memory_space<vmem>>, %arg13: memref<2x128xf32, #tpu.memory_space<vmem>>) attributes {dimension_semantics = [#tpu.dimension_semantics<arbitrary>], iteration_bounds = array<i64: 125>, scalar_prefetch = 0 : i64, scratch_operands = 0 : i64, tpu.core_type = #tpu.core_type<tc>, window_params = [{transform_indices = @transform_0, window_bounds = array<i64: 2560, 128>}, {transform_indices = @transform_1, window_bounds = array<i64: 2560, 128>}, {transform_indices = @transform_2, window_bounds = array<i64: 2560, 128>}, {pipeline_mode = #tpu.pipeline_mode<synchronous>, transform_indices = @transform_3, window_bounds = array<i64: 128, 128>}, {pipeline_mode = #tpu.pipeline_mode<synchronous>, transform_indices = @transform_4, window_bounds = array<i64: 128, 128>}, {pipeline_mode = #tpu.pipeline_mode<synchronous>, transform_indices = @transform_5, window_bounds = array<i64: 128, 128>}, {pipeline_mode = #tpu.pipeline_mode<synchronous>, transform_indices = @transform_6, window_bounds = array<i64: 1, 128>}, {pipeline_mode = #tpu.pipeline_mode<synchronous>, transform_indices = @transform_7, window_bounds = array<i64: 128, 128>}, {pipeline_mode = #tpu.pipeline_mode<synchronous>, transform_indices = @transform_8, window_bounds = array<i64: 1, 128>}, {pipeline_mode = #tpu.pipeline_mode<synchronous>, transform_indices = @transform_9, window_bounds = array<i64: 128, 128>}, {pipeline_mode = #tpu.pipeline_mode<synchronous>, transform_indices = @transform_10, window_bounds = array<i64: 1, 128>}, {transform_indices = @transform_11, window_bounds = array<i64: 2560, 128>}, {pipeline_mode = #tpu.pipeline_mode<synchronous>, transform_indices = @transform_12, window_bounds = array<i64: 2, 128>}]} {
    %eq3A = arith.constant 0 : i32
    %eq3A_0 = arith.cmpi eq, %arg0, %eq3A : i32
    %convert_element_type3A = arith.extui %eq3A_0 : i1 to i32
    %cond3A = arith.constant 0 : i32
    %cond3A_1 = arith.cmpi ne, %convert_element_type3A, %cond3A : i32
    scf.if %cond3A_1 {
      %broadcast_in_dim3A_107 = arith.constant 0.000000e+00 : f32
      %broadcast_in_dim3A_108 = vector.broadcast %broadcast_in_dim3A_107 : f32 to vector<2x128xf32>
      %swap3A_109 = arith.constant 0 : index
      %swap3A_110 = arith.constant 0 : index
      %swap3A_111 = vector.load %arg13[%swap3A_109, %swap3A_110] : memref<2x128xf32, #tpu.memory_space<vmem>>, vector<2x128xf32>
      tpu.vector_store %arg13[%swap3A_109, %swap3A_110], %broadcast_in_dim3A_108 {strides = array<i32>} : memref<2x128xf32, #tpu.memory_space<vmem>>, vector<2x128xf32>,
    } else {
    }
    %get3A = arith.constant 0 : index
    %get3A_2 = arith.constant 0 : index
    %get3A_3 = vector.load %arg1[%get3A, %get3A_2] : memref<2560x128xf32, #tpu.memory_space<vmem>>, vector<2560x128xf32>
    %get3A_4 = arith.constant 0 : index
    %get3A_5 = arith.constant 0 : index
    %get3A_6 = vector.load %arg4[%get3A_4, %get3A_5] : memref<128x128xf32, #tpu.memory_space<vmem>>, vector<128x128xf32>
    %dot_general3A = arith.constant dense<0.000000e+00> : vector<2560x128xf32>
    %dot_general3A_7 = tpu.matmul %get3A_3, %get3A_6, %dot_general3A {dimension_numbers = #tpu.dot_dimension_numbers<[1], [0], [0], [1], [0, 0, 1, 1], [], []>, transpose_lhs_hint = false} : vector<2560x128xf32>, vector<128x128xf32>, vector<2560x128xf32> -> vector<2560x128xf32>
    %get3A_8 = arith.constant 0 : index
    %get3A_9 = arith.constant 0 : index
    %get3A_10 = vector.load %arg2[%get3A_8, %get3A_9] : memref<2560x128xf32, #tpu.memory_space<vmem>>, vector<2560x128xf32>
    %get3A_11 = arith.constant 0 : index
    %get3A_12 = arith.constant 0 : index
    %get3A_13 = vector.load %arg5[%get3A_11, %get3A_12] : memref<128x128xf32, #tpu.memory_space<vmem>>, vector<128x128xf32>
    %dot_general3A_14 = arith.constant dense<0.000000e+00> : vector<2560x128xf32>
    %dot_general3A_15 = tpu.matmul %get3A_10, %get3A_13, %dot_general3A_14 {dimension_numbers = #tpu.dot_dimension_numbers<[1], [0], [0], [1], [0, 0, 1, 1], [], []>, transpose_lhs_hint = false} : vector<2560x128xf32>, vector<128x128xf32>, vector<2560x128xf32> -> vector<2560x128xf32>
    %add3A = arith.addf %dot_general3A_7, %dot_general3A_15 : vector<2560x128xf32>
    %get3A_16 = arith.constant 0 : index
    %get3A_17 = arith.constant 0 : index
    %get3A_18 = vector.load %arg3[%get3A_16, %get3A_17] : memref<2560x128xf32, #tpu.memory_space<vmem>>, vector<2560x128xf32>
    %get3A_19 = arith.constant 0 : index
    %get3A_20 = arith.constant 0 : index
    %get3A_21 = vector.load %arg6[%get3A_19, %get3A_20] : memref<128x128xf32, #tpu.memory_space<vmem>>, vector<128x128xf32>
    %dot_general3A_22 = arith.constant dense<0.000000e+00> : vector<2560x128xf32>
    %dot_general3A_23 = tpu.matmul %get3A_18, %get3A_21, %dot_general3A_22 {dimension_numbers = #tpu.dot_dimension_numbers<[1], [0], [0], [1], [0, 0, 1, 1], [], []>, transpose_lhs_hint = false} : vector<2560x128xf32>, vector<128x128xf32>, vector<2560x128xf32> -> vector<2560x128xf32>
    %add3A_24 = arith.addf %add3A, %dot_general3A_23 : vector<2560x128xf32>
    %get3A_25 = arith.constant 0 : index
    %get3A_26 = arith.constant 0 : index
    %get3A_27 = vector.load %arg7[%get3A_25, %get3A_26] : memref<1x128xf32, #tpu.memory_space<vmem>>, vector<1x128xf32>
    %add3A_28 = vector.broadcast %get3A_27 : vector<1x128xf32> to vector<2560x128xf32>
    %add3A_29 = arith.addf %add3A_24, %add3A_28 : vector<2560x128xf32>
    %integer_pow3A = arith.mulf %add3A_29, %add3A_29 : vector<2560x128xf32>
    %integer_pow3A_30 = arith.mulf %add3A_29, %integer_pow3A : vector<2560x128xf32>
    %mul3A = arith.constant 4.471500e-02 : f32
    %mul3A_31 = vector.broadcast %mul3A : f32 to vector<2560x128xf32>
    %mul3A_32 = arith.mulf %mul3A_31, %integer_pow3A_30 : vector<2560x128xf32>
    %add3A_33 = arith.addf %add3A_29, %mul3A_32 : vector<2560x128xf32>
    %mul3A_34 = arith.constant 0.797884583 : f32
    %mul3A_35 = vector.broadcast %mul3A_34 : f32 to vector<2560x128xf32>
    %mul3A_36 = arith.mulf %mul3A_35, %add3A_33 : vector<2560x128xf32>
    %tanh3A = math.tanh %mul3A_36 : vector<2560x128xf32>
    %add3A_37 = arith.constant 1.000000e+00 : f32
    %add3A_38 = vector.broadcast %add3A_37 : f32 to vector<2560x128xf32>
    %add3A_39 = arith.addf %add3A_38, %tanh3A : vector<2560x128xf32>
    %mul3A_40 = arith.constant 5.000000e-01 : f32
    %mul3A_41 = vector.broadcast %mul3A_40 : f32 to vector<2560x128xf32>
    %mul3A_42 = arith.mulf %mul3A_41, %add3A_39 : vector<2560x128xf32>
    %mul3A_43 = arith.mulf %add3A_29, %mul3A_42 : vector<2560x128xf32>
    %get3A_44 = arith.constant 0 : index
    %get3A_45 = arith.constant 0 : index
    %get3A_46 = vector.load %arg8[%get3A_44, %get3A_45] : memref<128x128xf32, #tpu.memory_space<vmem>>, vector<128x128xf32>
    %dot_general3A_47 = arith.constant dense<0.000000e+00> : vector<2560x128xf32>
    %dot_general3A_48 = tpu.matmul %mul3A_43, %get3A_46, %dot_general3A_47 {dimension_numbers = #tpu.dot_dimension_numbers<[1], [0], [0], [1], [0, 0, 1, 1], [], []>, transpose_lhs_hint = false} : vector<2560x128xf32>, vector<128x128xf32>, vector<2560x128xf32> -> vector<2560x128xf32>
    %get3A_49 = arith.constant 0 : index
    %get3A_50 = arith.constant 0 : index
    %get3A_51 = vector.load %arg9[%get3A_49, %get3A_50] : memref<1x128xf32, #tpu.memory_space<vmem>>, vector<1x128xf32>
    %add3A_52 = vector.broadcast %get3A_51 : vector<1x128xf32> to vector<2560x128xf32>
    %add3A_53 = arith.addf %dot_general3A_48, %add3A_52 : vector<2560x128xf32>
    %integer_pow3A_54 = arith.mulf %add3A_53, %add3A_53 : vector<2560x128xf32>
    %integer_pow3A_55 = arith.mulf %add3A_53, %integer_pow3A_54 : vector<2560x128xf32>
    %mul3A_56 = arith.constant 4.471500e-02 : f32
    %mul3A_57 = vector.broadcast %mul3A_56 : f32 to vector<2560x128xf32>
    %mul3A_58 = arith.mulf %mul3A_57, %integer_pow3A_55 : vector<2560x128xf32>
    %add3A_59 = arith.addf %add3A_53, %mul3A_58 : vector<2560x128xf32>
    %mul3A_60 = arith.constant 0.797884583 : f32
    %mul3A_61 = vector.broadcast %mul3A_60 : f32 to vector<2560x128xf32>
    %mul3A_62 = arith.mulf %mul3A_61, %add3A_59 : vector<2560x128xf32>
    %tanh3A_63 = math.tanh %mul3A_62 : vector<2560x128xf32>
    %add3A_64 = arith.constant 1.000000e+00 : f32
    %add3A_65 = vector.broadcast %add3A_64 : f32 to vector<2560x128xf32>
    %add3A_66 = arith.addf %add3A_65, %tanh3A_63 : vector<2560x128xf32>
    %mul3A_67 = arith.constant 5.000000e-01 : f32
    %mul3A_68 = vector.broadcast %mul3A_67 : f32 to vector<2560x128xf32>
    %mul3A_69 = arith.mulf %mul3A_68, %add3A_66 : vector<2560x128xf32>
    %mul3A_70 = arith.mulf %add3A_53, %mul3A_69 : vector<2560x128xf32>
    %get3A_71 = arith.constant 0 : index
    %get3A_72 = arith.constant 0 : index
    %get3A_73 = vector.load %arg10[%get3A_71, %get3A_72] : memref<128x128xf32, #tpu.memory_space<vmem>>, vector<128x128xf32>
    %dot_general3A_74 = arith.constant dense<0.000000e+00> : vector<2560x128xf32>
    %dot_general3A_75 = tpu.matmul %mul3A_70, %get3A_73, %dot_general3A_74 {dimension_numbers = #tpu.dot_dimension_numbers<[1], [0], [0], [1], [0, 0, 1, 1], [], []>, transpose_lhs_hint = false} : vector<2560x128xf32>, vector<128x128xf32>, vector<2560x128xf32> -> vector<2560x128xf32>
    %get3A_76 = arith.constant 0 : index
    %get3A_77 = arith.constant 0 : index
    %get3A_78 = vector.load %arg11[%get3A_76, %get3A_77] : memref<1x128xf32, #tpu.memory_space<vmem>>, vector<1x128xf32>
    %add3A_79 = vector.broadcast %get3A_78 : vector<1x128xf32> to vector<2560x128xf32>
    %add3A_80 = arith.addf %dot_general3A_75, %add3A_79 : vector<2560x128xf32>
    %get3A_81 = arith.constant 0 : index
    %get3A_82 = arith.constant 0 : index
    %get3A_83 = vector.load %arg2[%get3A_81, %get3A_82] : memref<2560x128xf32, #tpu.memory_space<vmem>>, vector<2560x128xf32>
    %add3A_84 = arith.addf %get3A_83, %add3A_80 : vector<2560x128xf32>
    %convert_element_type3A_85 = arith.truncf %add3A_84 : vector<2560x128xf32> to vector<2560x128xbf16>
    %swap3A = arith.constant 0 : index
    %swap3A_86 = arith.constant 0 : index
    %swap3A_87 = vector.load %arg12[%swap3A, %swap3A_86] : memref<2560x128xbf16, #tpu.memory_space<vmem>>, vector<2560x128xbf16>
    tpu.vector_store %arg12[%swap3A, %swap3A_86], %convert_element_type3A_85 {strides = array<i32>} : memref<2560x128xbf16, #tpu.memory_space<vmem>>, vector<2560x128xbf16>,
    %get3A_88 = arith.constant 0 : index
    %get3A_89 = arith.constant 0 : index
    %get3A_90 = vector.load %arg13[%get3A_88, %get3A_89] : memref<2x128xf32, #tpu.memory_space<vmem>>, vector<1x128xf32>
    %reduce_sum3A = arith.constant dense<0.000000e+00> : vector<128xf32>
    %reduce_sum3A_91 = vector.multi_reduction <add>, %add3A_84, %reduce_sum3A [0] : vector<2560x128xf32> to vector<128xf32>
    %broadcast_in_dim3A = vector.shape_cast %reduce_sum3A_91 : vector<128xf32> to vector<1x128xf32>
    %add3A_92 = arith.addf %get3A_90, %broadcast_in_dim3A : vector<1x128xf32>
    %swap3A_93 = arith.constant 0 : index
    %swap3A_94 = arith.constant 0 : index
    %swap3A_95 = vector.load %arg13[%swap3A_93, %swap3A_94] : memref<2x128xf32, #tpu.memory_space<vmem>>, vector<1x128xf32>
    tpu.vector_store %arg13[%swap3A_93, %swap3A_94], %add3A_92 {strides = array<i32>} : memref<2x128xf32, #tpu.memory_space<vmem>>, vector<1x128xf32>,
    %get3A_96 = arith.constant 1 : index
    %get3A_97 = arith.constant 0 : index
    %get3A_98 = vector.load %arg13[%get3A_96, %get3A_97] : memref<2x128xf32, #tpu.memory_space<vmem>>, vector<1x128xf32>
    %mul3A_99 = arith.mulf %add3A_84, %add3A_84 : vector<2560x128xf32>
    %reduce_sum3A_100 = arith.constant dense<0.000000e+00> : vector<128xf32>
    %reduce_sum3A_101 = vector.multi_reduction <add>, %mul3A_99, %reduce_sum3A_100 [0] : vector<2560x128xf32> to vector<128xf32>
    %broadcast_in_dim3A_102 = vector.shape_cast %reduce_sum3A_101 : vector<128xf32> to vector<1x128xf32>
    %add3A_103 = arith.addf %get3A_98, %broadcast_in_dim3A_102 : vector<1x128xf32>
    %swap3A_104 = arith.constant 1 : index
    %swap3A_105 = arith.constant 0 : index
    %swap3A_106 = vector.load %arg13[%swap3A_104, %swap3A_105] : memref<2x128xf32, #tpu.memory_space<vmem>>, vector<1x128xf32>
    tpu.vector_store %arg13[%swap3A_104, %swap3A_105], %add3A_103 {strides = array<i32>} : memref<2x128xf32, #tpu.memory_space<vmem>>, vector<1x128xf32>,
    return
  }
  func.func @transform_0(%arg0: i32) -> (i32, i32) {
    %c0_i32 = arith.constant 0 : i32
    %c0_i32_0 = arith.constant 0 : i32
    return %arg0, %c0_i32 : i32, i32
  }
  func.func @transform_1(%arg0: i32) -> (i32, i32) {
    %c0_i32 = arith.constant 0 : i32
    %c0_i32_0 = arith.constant 0 : i32
    return %arg0, %c0_i32 : i32, i32
  }
  func.func @transform_2(%arg0: i32) -> (i32, i32) {
    %c0_i32 = arith.constant 0 : i32
    %c0_i32_0 = arith.constant 0 : i32
    return %arg0, %c0_i32 : i32, i32
  }
  func.func @transform_3(%arg0: i32) -> (i32, i32) {
    %c0_i32 = arith.constant 0 : i32
    %c0_i32_0 = arith.constant 0 : i32
    %c0_i32_1 = arith.constant 0 : i32
    return %c0_i32, %c0_i32_0 : i32, i32
  }
  func.func @transform_4(%arg0: i32) -> (i32, i32) {
    %c0_i32 = arith.constant 0 : i32
    %c0_i32_0 = arith.constant 0 : i32
    %c0_i32_1 = arith.constant 0 : i32
    return %c0_i32, %c0_i32_0 : i32, i32
  }
  func.func @transform_5(%arg0: i32) -> (i32, i32) {
    %c0_i32 = arith.constant 0 : i32
    %c0_i32_0 = arith.constant 0 : i32
    %c0_i32_1 = arith.constant 0 : i32
    return %c0_i32, %c0_i32_0 : i32, i32
  }
  func.func @transform_6(%arg0: i32) -> (i32, i32) {
    %c0_i32 = arith.constant 0 : i32
    %c0_i32_0 = arith.constant 0 : i32
    %c0_i32_1 = arith.constant 0 : i32
    return %c0_i32, %c0_i32_0 : i32, i32
  }
  func.func @transform_7(%arg0: i32) -> (i32, i32) {
    %c0_i32 = arith.constant 0 : i32
    %c0_i32_0 = arith.constant 0 : i32
    %c0_i32_1 = arith.constant 0 : i32
    return %c0_i32, %c0_i32_0 : i32, i32
  }
  func.func @transform_8(%arg0: i32) -> (i32, i32) {
    %c0_i32 = arith.constant 0 : i32
    %c0_i32_0 = arith.constant 0 : i32
    %c0_i32_1 = arith.constant 0 : i32
    return %c0_i32, %c0_i32_0 : i32, i32
  }
  func.func @transform_9(%arg0: i32) -> (i32, i32) {
    %c0_i32 = arith.constant 0 : i32
    %c0_i32_0 = arith.constant 0 : i32
    %c0_i32_1 = arith.constant 0 : i32
    return %c0_i32, %c0_i32_0 : i32, i32
  }
  func.func @transform_10(%arg0: i32) -> (i32, i32) {
    %c0_i32 = arith.constant 0 : i32
    %c0_i32_0 = arith.constant 0 : i32
    %c0_i32_1 = arith.constant 0 : i32
    return %c0_i32, %c0_i32_0 : i32, i32
  }
  func.func @transform_11(%arg0: i32) -> (i32, i32) {
    %c0_i32 = arith.constant 0 : i32
    %c0_i32_0 = arith.constant 0 : i32
    return %arg0, %c0_i32 : i32, i32
  }
  func.func @transform_12(%arg0: i32) -> (i32, i32) {
    %c0_i32 = arith.constant 0 : i32
    %c0_i32_0 = arith.constant 0 : i32
    %c0_i32_1 = arith.constant 0 : i32
    return %c0_i32, %c0_i32_0 : i32, i32
  }
}

module attributes {stable_mosaic.version = 14 : i64} {
  func.func @_edge_bn_kernel(%arg0: i32, %arg1: memref<2560x128xbf16, #tpu.memory_space<vmem>>, %arg2: memref<2x128xf32, #tpu.memory_space<vmem>>, %arg3: memref<1x128xf32, #tpu.memory_space<vmem>>, %arg4: memref<1x128xf32, #tpu.memory_space<vmem>>, %arg5: memref<2560x128xf32, #tpu.memory_space<vmem>>) attributes {dimension_semantics = [#tpu.dimension_semantics<arbitrary>], iteration_bounds = array<i64: 125>, scalar_prefetch = 0 : i64, scratch_operands = 0 : i64, tpu.core_type = #tpu.core_type<tc>, window_params = [{transform_indices = @transform_0, window_bounds = array<i64: 2560, 128>}, {pipeline_mode = #tpu.pipeline_mode<synchronous>, transform_indices = @transform_1, window_bounds = array<i64: 2, 128>}, {pipeline_mode = #tpu.pipeline_mode<synchronous>, transform_indices = @transform_2, window_bounds = array<i64: 1, 128>}, {pipeline_mode = #tpu.pipeline_mode<synchronous>, transform_indices = @transform_3, window_bounds = array<i64: 1, 128>}, {transform_indices = @transform_4, window_bounds = array<i64: 2560, 128>}]} {
    %get3A = arith.constant 0 : index
    %get3A_0 = arith.constant 0 : index
    %get3A_1 = vector.load %arg2[%get3A, %get3A_0] : memref<2x128xf32, #tpu.memory_space<vmem>>, vector<1x128xf32>
    %mul3A = arith.constant 3.125000e-06 : f32
    %mul3A_2 = vector.broadcast %mul3A : f32 to vector<1x128xf32>
    %mul3A_3 = arith.mulf %get3A_1, %mul3A_2 : vector<1x128xf32>
    %get3A_4 = arith.constant 1 : index
    %get3A_5 = arith.constant 0 : index
    %get3A_6 = vector.load %arg2[%get3A_4, %get3A_5] : memref<2x128xf32, #tpu.memory_space<vmem>>, vector<1x128xf32>
    %mul3A_7 = arith.constant 3.125000e-06 : f32
    %mul3A_8 = vector.broadcast %mul3A_7 : f32 to vector<1x128xf32>
    %mul3A_9 = arith.mulf %get3A_6, %mul3A_8 : vector<1x128xf32>
    %mul3A_10 = arith.mulf %mul3A_3, %mul3A_3 : vector<1x128xf32>
    %sub3A = arith.subf %mul3A_9, %mul3A_10 : vector<1x128xf32>
    %get3A_11 = arith.constant 0 : index
    %get3A_12 = arith.constant 0 : index
    %get3A_13 = vector.load %arg1[%get3A_11, %get3A_12] : memref<2560x128xbf16, #tpu.memory_space<vmem>>, vector<2560x128xbf16>
    %convert_element_type3A = arith.extf %get3A_13 : vector<2560x128xbf16> to vector<2560x128xf32>
    %sub3A_14 = vector.broadcast %mul3A_3 : vector<1x128xf32> to vector<2560x128xf32>
    %sub3A_15 = arith.subf %convert_element_type3A, %sub3A_14 : vector<2560x128xf32>
    %add3A = arith.constant 9.99999974E-6 : f32
    %add3A_16 = vector.broadcast %add3A : f32 to vector<1x128xf32>
    %add3A_17 = arith.addf %sub3A, %add3A_16 : vector<1x128xf32>
    %sqrt3A = math.sqrt %add3A_17 : vector<1x128xf32>
    %div3A = vector.broadcast %sqrt3A : vector<1x128xf32> to vector<2560x128xf32>
    %div3A_18 = arith.divf %sub3A_15, %div3A : vector<2560x128xf32>
    %get3A_19 = arith.constant 0 : index
    %get3A_20 = arith.constant 0 : index
    %get3A_21 = vector.load %arg3[%get3A_19, %get3A_20] : memref<1x128xf32, #tpu.memory_space<vmem>>, vector<1x128xf32>
    %mul3A_22 = vector.broadcast %get3A_21 : vector<1x128xf32> to vector<2560x128xf32>
    %mul3A_23 = arith.mulf %div3A_18, %mul3A_22 : vector<2560x128xf32>
    %get3A_24 = arith.constant 0 : index
    %get3A_25 = arith.constant 0 : index
    %get3A_26 = vector.load %arg4[%get3A_24, %get3A_25] : memref<1x128xf32, #tpu.memory_space<vmem>>, vector<1x128xf32>
    %add3A_27 = vector.broadcast %get3A_26 : vector<1x128xf32> to vector<2560x128xf32>
    %add3A_28 = arith.addf %mul3A_23, %add3A_27 : vector<2560x128xf32>
    %swap3A = arith.constant 0 : index
    %swap3A_29 = arith.constant 0 : index
    %swap3A_30 = vector.load %arg5[%swap3A, %swap3A_29] : memref<2560x128xf32, #tpu.memory_space<vmem>>, vector<2560x128xf32>
    tpu.vector_store %arg5[%swap3A, %swap3A_29], %add3A_28 {strides = array<i32>} : memref<2560x128xf32, #tpu.memory_space<vmem>>, vector<2560x128xf32>,
    return
  }
  func.func @transform_0(%arg0: i32) -> (i32, i32) {
    %c0_i32 = arith.constant 0 : i32
    %c0_i32_0 = arith.constant 0 : i32
    return %arg0, %c0_i32 : i32, i32
  }
  func.func @transform_1(%arg0: i32) -> (i32, i32) {
    %c0_i32 = arith.constant 0 : i32
    %c0_i32_0 = arith.constant 0 : i32
    %c0_i32_1 = arith.constant 0 : i32
    return %c0_i32, %c0_i32_0 : i32, i32
  }
  func.func @transform_2(%arg0: i32) -> (i32, i32) {
    %c0_i32 = arith.constant 0 : i32
    %c0_i32_0 = arith.constant 0 : i32
    %c0_i32_1 = arith.constant 0 : i32
    return %c0_i32, %c0_i32_0 : i32, i32
  }
  func.func @transform_3(%arg0: i32) -> (i32, i32) {
    %c0_i32 = arith.constant 0 : i32
    %c0_i32_0 = arith.constant 0 : i32
    %c0_i32_1 = arith.constant 0 : i32
    return %c0_i32, %c0_i32_0 : i32, i32
  }
  func.func @transform_4(%arg0: i32) -> (i32, i32) {
    %c0_i32 = arith.constant 0 : i32
    %c0_i32_0 = arith.constant 0 : i32
    return %arg0, %c0_i32 : i32, i32
  }
}

</mosaic_0001>

<sc_bundles>
// kernel: kernel.12.cloned.1.call-start
scs
__scs_entry_jumppad:
0x0: {  	(pc) =	sbr.rel $0x88, $3  }
0x1: {  	(tag) =	ssettag $0x0;
	lr =	simm.s32 $0x1  }
0x2: {  	[smem:$0x3F81] =	sst lr;
	_ =	strace $0xD0000000  }
0x3: {  	_ = 	snop  }
0x4: {  	_ = 	snop  }
0x5: {  	_ = 	snop  }
0x6: {  	_ = 	snop  }
0x7: {  	_ = 	snop  }
__scs_overlays_trampoline_lowered:
0x8: {  	[smem:$0x3F90] =	sst s0  }
0x9: {  	[smem:$0x3F91] =	sst s1  }
0xa: {  	[smem:$0x3F92] =	sst s2  }
0xb: {  	[smem:$0x3F93] =	sst s3  }
0xc: {  	[smem:$0x3F94] =	sst s4  }
0xd: {  	[smem:$0x3F95] =	sst s5  }
0xe: {  	[smem:$0x3F96] =	sst s6  }
0xf: {  	[smem:$0x3F97] =	sst s7  }
0x10: {  	[smem:$0x3F98] =	sst s8  }
0x11: {  	[smem:$0x3F99] =	sst s9;
	s0 =	simm.s32 @!p0 $0x0  }
0x12: {  	s1 =	sld [smem:$0x3F7F];
	s0 =	simm.s32 @p0 $0x1  }
0x13: {  	[smem:$0x3F9A] =	sst s0;
	s0 =	simm.s32 @!p1 $0x0  }
0x14: {  	s2 =	sld [smem:$0x3F7E];
	s0 =	simm.s32 @p1 $0x1  }
0x15: {  	[smem:$0x3F9B] =	sst s0;
	s0 =	simm.s32 @!p2 $0x0  }
0x16: {  	s3 =	sld [smem:$0x3FDB];
	s0 =	simm.s32 @p2 $0x1  }
0x17: {  	s4 =	simm.s32 $0x1BF5;
	[smem:$0x3F9D] =	sst s0  }
0x18: {  	s0 =	sld [smem:$0x3F80];
	_ =	swait.ge [sflag:s4], $0x0  }
0x19: {  	s7 =	sld [smem:$0x3F81]  }
0x1a: {  	s8 =	sadd.s32 $0xFFFFE003, lr  }
0x1b: {  	s9 =	sadd.s32 $0xFFFFFEF7, lr;
	s5 =	simm.s32 $0xFFFFFFFF;
	p2 =	slt.u32 s8, $0xFFFFF086  }
0x1c: {  	p1 =	slt.u32 s9, $0xF7A;
	s5 =	simm.s32 @!p2 $0x0  }
0x1d: {  	s5 =	simm.s32 @p1 $0x1;
	p0 =	seq.s32 s7, s2  }
0x1e: {  	s7 =	smul.u32 @!p0 $0xF7A, s2;
	p2 =	seq.s32 @!p0 s5, $0x0  }
0x1f: {  	s9 =	smul.u32 $0xF7A, s1;
	s8 =	simm.s32 @!p0 $0x1BF5;
	p2 =	por !p2, p0  }
0x20: {  	[sflag:s8] =	ssyncset.s32 @!p0 $0xFFFFF086;
	s6 =	sadd.s32 @!p0 s3, s7;
	s7 =	simm.s32 @!p0 $0x108  }
0x21: {  	s3 =	sadd.s32 s3, s9;
	s6 =	sadd.s32 @!p0 $0x88, s6;
	s7 =	simm.s32 @p2 $0x1082  }
0x22: {  	[simem:s7], [sflag:s8] =	dma.local @!p0 [hbm:s6], $0xF7A  }
0x23: {  	s9 =	sor.u32 $0xD0000000, s2;
	s6 =	simm.s32 $0x108;
	_ =	swait.ge @!p0 [sflag:s8], $0x0  }
0x24: {  	s3 =	sadd.s32 $0x88, s3;
	s6 =	simm.s32 @!p1 $0x1082;
	[sflag:s4] =	ssyncset.s32 $0xFFFFF086  }
0x25: {  	[simem:s6], [sflag:s4] =	dma.local [hbm:s3], $0xF7A  }
0x26: {  	[smem:$0x3F81] =	sst s1;
	(tag) =	ssettag s2;
	_ =	strace s9  }
0x27: {  	s1 =	sld [smem:$0x3F91]  }
0x28: {  	s2 =	sld [smem:$0x3F92]  }
0x29: {  	s4 =	sld [smem:$0x3F94]  }
0x2a: {  	p0 =	seq.s32 s5, $0x0;
	s5 =	sld [smem:$0x3F95]  }
0x2b: {  	s6 =	sld [smem:$0x3F96]  }
0x2c: {  	s7 =	sld [smem:$0x3F97]  }
0x2d: {  	s3 =	simm.s32 $0x108;
	s8 =	sld [smem:$0x3F98]  }
0x2e: {  	s3 =	simm.s32 @!p0 $0x1082;
	s9 =	sld [smem:$0x3F99]  }
0x2f: {  	lr =	sadd.s32 s0, s3;
	s0 =	sld [smem:$0x3F90]  }
0x30: {  	s3 =	sld [smem:$0x3F93]  }
0x31: {  	[smem:$0x3F9C] =	sst s10  }
0x32: {  	s10 =	sld [smem:$0x3F9A];
	_ =	sdelay $0x3  }
0x33: {  	p0 =	seq.s32 s10, $0x1;
	s10 =	sld [smem:$0x3F9C];
	_ =	sdelay $0x3  }
0x34: {  	[smem:$0x3F9C] =	sst s10  }
0x35: {  	s10 =	sld [smem:$0x3F9B];
	_ =	sdelay $0x3  }
0x36: {  	p1 =	seq.s32 s10, $0x1;
	s10 =	sld [smem:$0x3F9C];
	_ =	sdelay $0x3  }
0x37: {  	[smem:$0x3F9C] =	sst s10  }
0x38: {  	s10 =	sld [smem:$0x3F9D]  }
0x39: {  	_ = 	snop;
	(pc) =	sbr.ind lr, $3  }
0x3a: {  	_ = 	snop  }
0x3b: {  	_ = 	snop  }
0x3c: {  	p2 =	seq.s32 s10, $0x1;
	s10 =	sld [smem:$0x3F9C]  }
0x3d: {  	_ =	shalt  }
0x3e: {  	_ =	shalt  }
0x3f: {  	_ =	shalt  }
0x40: {  	_ =	shalt  }
0x41: {  	_ =	shalt  }
0x42: {  	_ =	shalt  }
0x43: {  	_ =	shalt  }
0x44: {  	_ =	shalt  }
0x45: {  	_ =	shalt  }
0x46: {  	_ =	shalt  }
0x47: {  	_ =	shalt  }
0x48: {  	_ =	shalt  }
0x49: {  	_ =	shalt  }
0x4a: {  	_ =	shalt  }
0x4b: {  	_ =	shalt  }
0x4c: {  	_ =	shalt  }
0x4d: {  	_ =	shalt  }
0x4e: {  	_ =	shalt  }
0x4f: {  	_ =	shalt  }
0x50: {  	_ =	shalt  }
0x51: {  	_ =	shalt  }
0x52: {  	_ =	shalt  }
0x53: {  	_ =	shalt  }
0x54: {  	_ =	shalt  }
0x55: {  	_ =	shalt  }
0x56: {  	_ =	shalt  }
0x57: {  	_ =	shalt  }
0x58: {  	_ =	shalt  }
0x59: {  	_ =	shalt  }
0x5a: {  	_ =	shalt  }
0x5b: {  	_ =	shalt  }
0x5c: {  	_ =	shalt  }
0x5d: {  	_ =	shalt  }
0x5e: {  	_ =	shalt  }
0x5f: {  	_ =	shalt  }
0x60: {  	_ =	shalt  }
0x61: {  	_ =	shalt  }
0x62: {  	_ =	shalt  }
0x63: {  	_ =	shalt  }
0x64: {  	_ =	shalt  }
0x65: {  	_ =	shalt  }
0x66: {  	_ =	shalt  }
0x67: {  	_ =	shalt  }
0x68: {  	_ =	shalt  }
0x69: {  	_ =	shalt  }
0x6a: {  	_ =	shalt  }
0x6b: {  	_ =	shalt  }
0x6c: {  	_ =	shalt  }
0x6d: {  	_ =	shalt  }
0x6e: {  	_ =	shalt  }
0x6f: {  	_ =	shalt  }
0x70: {  	_ =	shalt  }
0x71: {  	_ =	shalt  }
0x72: {  	_ =	shalt  }
0x73: {  	_ =	shalt  }
0x74: {  	_ =	shalt  }
0x75: {  	_ =	shalt  }
0x76: {  	_ =	shalt  }
0x77: {  	_ =	shalt  }
0x78: {  	_ =	shalt  }
0x79: {  	_ =	shalt  }
0x7a: {  	_ =	shalt  }
0x7b: {  	_ =	shalt  }
0x7c: {  	_ =	shalt  }
0x7d: {  	_ =	shalt  }
0x7e: {  	_ =	shalt  }
0x7f: {  	_ =	shalt  }
0x80: {  	_ =	shalt  }
0x81: {  	_ =	shalt  }
0x82: {  	_ =	shalt  }
0x83: {  	_ =	shalt  }
0x84: {  	_ =	shalt  }
0x85: {  	_ =	shalt  }
0x86: {  	_ =	shalt  }
0x87: {  	_ =	shalt  }
.Lfunc_end0:
.L_simem_size_0:
called_computation.1_lowered:
.L_overlay_start_0:
0x88: {  	s2 =	sld [smem:$0x3FD9]  }
0x89: {  	s3 =	sld [smem:$0x3FFE];
	_ =	sdelay $0x1  }
0x8a: {  	s1 =	srdreg.scid  }
0x8b: {  	s0 =	sand.u32 $0x1, s1  }
0x8c: {  	s14 =	sshll.u32 s0, $0xA;
	s2 =	sadd.s32 s3, s2  }
0x8d: {  	s2 =	sadd.s32 s2, s14  }
0x8e: {  	[smem:$0x3FA8] =	sst s2  }
0x8f: {  	_ = 	snop  }
0x90: {  	s2 =	sld [smem:$0x3FD0];
	_ =	sdelay $0x2  }
0x91: {  	s15 =	simm.s32 $0xA;
	s4 =	simm.s32 $0x10  }
0x92: {  	[smem:s4], [sflag:s15] =	dma.local [hbm:s2], $0x1  }
0x93: {  	_ =	swait.eq [sflag:s15], $0x1  }
0x94: {  	[sflag:s15] =	ssyncset.done $0x0  }
0x95: {  	[sflag:s15] =	ssyncadd.s32 $0xFFFFFFFF  }
0x96: {  	s16 =	sld [smem:$0x11];
	(tm) =	ssettm $0x1  }
0x97: {  	s17 =	sld [smem:$0x3FFB];
	_ =	sdelay $0x3  }
0x98: {  	_ =	strace s17  }
0x99: {  	s3 =	sld [smem:$0x3FFC];
	_ =	sdelay $0x3  }
0x9a: {  	_ =	strace s3  }
0x9b: {  	s3 =	sld [smem:$0x3FFD];
	_ =	sdelay $0x3  }
0x9c: {  	_ =	strace s3  }
0x9d: {  	_ =	strace $0x8FFFFFFF  }
0x9e: {  	s18 =	sld [smem:$0x3FDB];
	_ =	sdelay $0x1  }
0x9f: {  	s19 =	simm.s32 $_scs_section_size  }
0xa0: {  	s5 =	simm.s32 $_size__tile_overlayer_lowered;
	s6 =	simm.s32 $_tile_overlayer_lowered  }
0xa1: {  	s22 =	simm.s32 $0x1BFF;
	s21 =	sshll.u32 s6, $0x1;
	s3 =	sadd.s32 s19, s18  }
0xa2: {  	s7 =	simm.s32 $0x0;
	s20 =	sshll.u32 s5, $0x1;
	s5 =	sadd.s32 s21, s3  }
0xa3: {  	[timem:s7], [sflag:s22] =	dma.local [hbm:s5], s20  }
0xa4: {  	_ =	swait.ge [sflag:s22], s20  }
0xa5: {  	s4 =	ssub.s32 $0x0, s20;
	[sflag:s22] =	ssyncset.done $0x0  }
0xa6: {  	[sflag:s22] =	ssyncadd.s32 s4;
	_ =	sdelay $0x1  }
0xa7: {  	s23 =	simm.s32 $0x1B8B  }
0xa8: {  	_ =	swait.ge [sflag:s23], $0x1  }
0xa9: {  	[sflag:s23] =	ssyncset.done $0x0  }
0xaa: {  	s25 =	simm.s32 $0x1B8E;
	s24 =	sld [smem:$0x3FFE];
	[sflag:s23] =	ssyncadd.s32 $0xFFFFFFFF  }
0xab: {  	s26 =	simm.s32 $execute0_lowered;
	[smem:$0x3FD2] =	sst s25  }
0xac: {  	s5 =	sshll.u32 s26, $0x1;
	_ =	strace $0x80000049;
	[dreg:$0x1] =	wrdreg $0xFFFFFFFF  }
0xad: {  	s28 =	simm.s32 $_size_execute0_lowered;
	s3 =	sadd.s32 s3, s5;
	[dreg:$0x0] =	wrdreg $0x0  }
0xae: {  	s5 =	sshll.u32 s28, $0x1;
	[dreg:$0x2] =	wrdreg s3  }
0xaf: {  	[dreg:$0x3] =	wrdreg s5  }
0xb0: {  	[dreg:$0x4] =	wrdreg $0xC0  }
0xb1: {  	_ =	task [dreg:s7], $0x5FFFF  }
0xb2: {  	[dreg:$0x1] =	wrdreg $0xFFFFFFFF  }
0xb3: {  	[dreg:$0x0] =	wrdreg $0x60  }
0xb4: {  	[dreg:$0x2] =	wrdreg s24  }
0xb5: {  	[dreg:$0x3] =	wrdreg s16  }
0xb6: {  	[dreg:$0x4] =	wrdreg $0xA8000  }
0xb7: {  	[dreg:$0x5] =	wrdreg $0x9  }
0xb8: {  	_ =	task.clear_ibuf [dreg:s7], $0x6FFFF;
	_ =	strace $0x90000049  }
0xb9: {  	s29 =	simm.s32 $0x9;
	_ =	strace $0x8000004B  }
0xba: {  	_ =	swait.ge [sflag:s29], $0x1  }
0xbb: {  	[sflag:s29] =	ssyncadd.s32 $0xFFFFFFFF  }
0xbc: {  	_ =	strace $0x9000004B  }
0xbd: {  	_ =	sfence  }
0xbe: {  	s30 =	sld [smem:$0x0];
	_ =	sdelay $0x2  }
0xbf: {  	s31 =	sshll.u32 s1, $0xD;
	s1 =	sshrl.u32 s1, $0x2  }
0xc0: {  	s3 =	sand.u32 $0x4000, s31;
	s1 =	sadd.s32 s1, s30  }
0xc1: {  	s0 =	sor.u32 s3, s0;
	s1 =	sshll.u32 s1, $0x11  }
0xc2: {  	s0 =	sor.u32 s1, s0  }
0xc3: {  	s0 =	sadd.s32 $0x8F2B, s0  }
0xc4: {  	[sflag:s0] =	ssyncadd.remote.s32 $0x1  }
0xc5: {  	_ =	sfence.sel $0xFFFF  }
0xc6: {  	[dreg:$0x0] =	wrdreg $0xFFFFFFFF;
	(pc) =	sbr.abs _section_cstart, $3  }
0xc7: {  	[dreg:$0x1] =	wrdreg $0xFFFFFFFF  }
0xc8: {  	_ =	task.clear_ibuf [dreg:s7], $0x2FFFF;
	_ =	strace $0x9FFFFFFF  }
0xc9: {  	(tm) =	ssettm $0x7FFFFFFF  }
tec
execute0_lowered:
.L_overlay_start_1:
0x0: {  	(tag) =	ssettag $0x1  }
0x1: {  	s10 =	rddreg [dreg:$0x0]  }
0x2: {  	s0 =	srdreg.scid;
	s28 =	rddreg [dreg:$0x1]  }
0x3: {  	s29 =	stileid.u32;
	s31 =	rddreg [dreg:$0x2]  }
0x4: {  	s9 =	sand.u32 $0x1, s0;
	s22 =	sshll.u32 s29, $0x1;
	s19 =	smul.u32 $0x280, s29  }
0x5: {  	s2 =	smul.u32 $0x2800, s29;
	s8 =	sadd.s32 $0x19C00, s10;
	s1 =	ssub.s32 $0x2, s9  }
0x6: {  	s18 =	sor.u32 s9, s22;
	s20 =	smul.u32 $0x2800, s9;
	s23 =	sshrl.u32 s1, $0x1  }
0x7: {  	s11 =	sor.u32 $0x50, s19;
	s24 =	sadd.s32 s8, s2;
	s12 =	sadd.s32 $0xA0, s19  }
0x8: {  	s13 =	sadd.s32 $0xF0, s19;
	s14 =	sadd.s32 $0x140, s19;
	s15 =	sadd.s32 $0x190, s19  }
0x9: {  	s16 =	sadd.s32 $0x1E0, s19;
	s17 =	sadd.s32 $0x230, s19;
	s0 =	ssub.s32 s1, s23  }
0xa: {  	[dreg:$0x4] =	wrdreg s24;
	s25 =	sshll.u32 s11, $0x4;
	s3 =	sshll.u32 s12, $0x4  }
0xb: {  	s4 =	sshll.u32 s13, $0x4;
	s5 =	sshll.u32 s14, $0x4;
	s6 =	sshll.u32 s15, $0x4  }
0xc: {  	s7 =	sshll.u32 s16, $0x4;
	s21 =	sshll.u32 s17, $0x4;
	s19 =	sadd.s32 s20, s19  }
0xd: {  	s26 =	sadd.s32 s20, s11;
	s22 =	sadd.s32 s20, s12;
	s23 =	sadd.s32 s20, s13  }
0xe: {  	s24 =	sadd.s32 s20, s14;
	s2 =	sadd.s32 s8, s25;
	s3 =	sadd.s32 s8, s3  }
0xf: {  	s4 =	sadd.s32 s8, s4;
	s5 =	sadd.s32 s8, s5;
	s6 =	sadd.s32 s8, s6  }
0x10: {  	s7 =	sadd.s32 s8, s7;
	s8 =	sadd.s32 s8, s21;
	s19 =	sshll.u32 s19, $0x4  }
0x11: {  	s21 =	sshll.u32 s26, $0x4;
	s22 =	sshll.u32 s22, $0x4;
	s23 =	sshll.u32 s23, $0x4  }
0x12: {  	s24 =	sshll.u32 s24, $0x4;
	s25 =	sadd.s32 s20, s15;
	s1 =	sadd.s32 s28, s19  }
0x13: {  	s26 =	sadd.s32 s20, s16;
	[dreg:$0x5] =	wrdreg s1;
	s1 =	sadd.s32 s28, s21  }
0x14: {  	s20 =	sadd.s32 s20, s17;
	[dreg:$0x6] =	wrdreg s1;
	s1 =	sadd.s32 s28, s22  }
0x15: {  	s25 =	sshll.u32 s25, $0x4;
	[dreg:$0x7] =	wrdreg s1;
	s1 =	sadd.s32 s28, s23  }
0x16: {  	s26 =	sshll.u32 s26, $0x4;
	[dreg:$0x8] =	wrdreg s1;
	s1 =	sadd.s32 s28, s24  }
0x17: {  	s20 =	sshll.u32 s20, $0x4;
	[dreg:$0x9] =	wrdreg s1;
	s1 =	sadd.s32 s28, s25  }
0x18: {  	[dreg:$0xa] =	wrdreg s1;
	s1 =	sadd.s32 s28, s26;
	s28 =	sadd.s32 s28, s20  }
0x19: {  	[dreg:$0xc] =	wrdreg s28;
	s28 =	sadd.s32 $0x41C00, s10  }
0x1a: {  	[dreg:$0xb] =	wrdreg s1;
	s19 =	sadd.s32 s28, s19  }
0x1b: {  	s30 =	simm.s32 $0x0;
	s20 =	sadd.s32 s28, s20;
	[dreg:$0xd] =	wrdreg s19  }
0x1c: {  	s9 =	smul.u32 $0x28000, s9;
	s19 =	sadd.s32 s28, s21;
	[dreg:$0x14] =	wrdreg s20  }
0x1d: {  	s13 =	sshll.u32 s13, $0x7;
	s21 =	sadd.s32 s28, s22;
	[dreg:$0xe] =	wrdreg s19  }
0x1e: {  	s0 =	smax.u32 s0, $0x1;
	s22 =	sadd.s32 s28, s23;
	[dreg:$0xf] =	wrdreg s21  }
0x1f: {  	s13 =	sadd.s32 s13, s31;
	s23 =	sadd.s32 s28, s24;
	[dreg:$0x10] =	wrdreg s22  }
0x20: {  	s16 =	sshll.u32 s16, $0x7;
	s24 =	sadd.s32 s28, s25;
	[dreg:$0x11] =	wrdreg s23  }
0x21: {  	s25 =	sadd.s32 s28, s26;
	s26 =	smul.u32 $0x140000, s18;
	[dreg:$0x12] =	wrdreg s24  }
0x22: {  	s16 =	sadd.s32 s16, s31;
	[dreg:$0x13] =	wrdreg s25;
	s21 =	smul.u32 $0x500, s18  }
0x23: {  	s24 =	simm.s32 $0x0;
	s18 =	smul.u32 $0x28000, s18;
	s22 =	sadd.s32 $0xA19C00, s10  }
0x24: {  	[smem:$0x7FF] =	sst s24;
	s19 =	sshrl.u32 s26, $0x3;
	s26 =	smul.u32 $0x50000, s29  }
0x25: {  	s20 =	sadd.s32 s21, s10;
	s10 =	sadd.s32 $0xF19C00, s10;
	s23 =	sadd.s32 s22, s18  }
0x26: {  	s19 =	sadd.s32 $0x27800, s19;
	[dreg:$0x15] =	wrdreg s23;
	s25 =	sadd.s32 s10, s18  }
0x27: {  	s28 =	sadd.s32 s22, s19;
	s29 =	sadd.s32 s10, s19;
	s1 =	sadd.s32 s26, s22  }
0x28: {  	s10 =	sadd.s32 s26, s10;
	s21 =	sadd.s32 $0xFC00, s20;
	[dreg:$0x16] =	wrdreg s25  }
0x29: {  	s22 =	sshrl.u32 s26, $0x2;
	s23 =	sshll.u32 s11, $0x7;
	[dreg:$0x17] =	wrdreg s28  }
0x2a: {  	s26 =	sshll.u32 s14, $0x7;
	s20 =	simm.s32 $0x3;
	[dreg:$0x18] =	wrdreg s29  }
0x2b: {  	s19 =	sadd.s32 s9, s1;
	s10 =	sadd.s32 s9, s10;
	s9 =	sadd.s32 s22, s31  }
0x2c: {  	s11 =	sadd.s32 s23, s31;
	s25 =	sshll.u32 s12, $0x7;
	s14 =	sadd.s32 s26, s31  }
0x2d: {  	s28 =	sshll.u32 s15, $0x7;
	s29 =	sshll.u32 s17, $0x7;
	s22 =	simm.s32 $0x6800  }
0x2e: {  	s23 =	simm.s32 $0x1;
	_ =	strace $0x8000004A;
	[dreg:$0x19] =	wrdreg s21  }
0x2f: {  	s26 =	simm.s32 $0x2;
	[dreg:$0x1a] =	wrdreg s0;
	s12 =	sadd.s32 s25, s31  }
0x30: {  	s15 =	sadd.s32 s28, s31;
	s17 =	sadd.s32 s29, s31;
	s18 =	sadd.s32 $0x1000, s19  }
0x31: {  	s19 =	sadd.s32 $0x1000, s10;
	s21 =	simm.s32 $0x2800;
	s25 =	simm.s32 $0x80  }
.LBB2_1:
0x32: {  	s0 =	rddreg [dreg:$0x19]  }
0x33: {  	[tilespmem:s24], [sflag:$0x3] =	stream.linear.gather [hbm4b:s0+s24], $0x2800, $0x38;
	[tilespmem:$0x1E800] =	vst v63  }
0x34: {  	_ =	swait.ge [sflag:s20], $0x2800  }
0x35: {  	[sflag:s20] =	ssyncset.done $0x0  }
0x36: {  	s10 =	rddreg [dreg:$0x4];
	[sflag:s20] =	ssyncadd.s32 $0xFFFFD800  }
0x37: {  	[tilespmem:s21], [sflag:$0x3] =	stream.linear.gather [hbm4b:s10+s24], $0x2800, $0x38;
	[tilespmem:$0x1E800] =	vst v63  }
0x38: {  	_ =	swait.ge [sflag:s20], $0x2800  }
0x39: {  	[sflag:s20] =	ssyncset.done $0x0  }
0x3a: {  	[sflag:s20] =	ssyncadd.s32 $0xFFFFD800  }
0x3b: {  	[spmem:s9] =	stream.linear.scatter [tilespmem:s21], [sflag:$0x3], $0x2800, $0x38;
	[tilespmem:$0x1E800] =	vst v63  }
0x3c: {  	_ =	swait.ge [sflag:s20], $0x2800  }
0x3d: {  	[sflag:s20] =	ssyncset.done $0x0  }
0x3e: {  	[sflag:s20] =	ssyncadd.s32 $0xFFFFD800  }
0x3f: {  	[tilespmem:s21], [sflag:$0x3] =	stream.linear.gather [hbm4b:s2+s24], $0x2800, $0x38;
	[tilespmem:$0x1E800] =	vst v63  }
0x40: {  	_ =	swait.ge [sflag:s20], $0x2800  }
0x41: {  	[sflag:s20] =	ssyncset.done $0x0  }
0x42: {  	[sflag:s20] =	ssyncadd.s32 $0xFFFFD800  }
0x43: {  	[spmem:s11] =	stream.linear.scatter [tilespmem:s21], [sflag:$0x3], $0x2800, $0x38;
	[tilespmem:$0x1E800] =	vst v63  }
0x44: {  	_ =	swait.ge [sflag:s20], $0x2800  }
0x45: {  	[sflag:s20] =	ssyncset.done $0x0  }
0x46: {  	[sflag:s20] =	ssyncadd.s32 $0xFFFFD800  }
0x47: {  	[tilespmem:s21], [sflag:$0x3] =	stream.linear.gather [hbm4b:s3+s24], $0x2800, $0x38;
	[tilespmem:$0x1E800] =	vst v63  }
0x48: {  	_ =	swait.ge [sflag:s20], $0x2800  }
0x49: {  	[sflag:s20] =	ssyncset.done $0x0  }
0x4a: {  	[sflag:s20] =	ssyncadd.s32 $0xFFFFD800  }
0x4b: {  	[spmem:s12] =	stream.linear.scatter [tilespmem:s21], [sflag:$0x3], $0x2800, $0x38;
	[tilespmem:$0x1E800] =	vst v63  }
0x4c: {  	_ =	swait.ge [sflag:s20], $0x2800  }
0x4d: {  	[sflag:s20] =	ssyncset.done $0x0  }
0x4e: {  	[sflag:s20] =	ssyncadd.s32 $0xFFFFD800  }
0x4f: {  	[tilespmem:s21], [sflag:$0x3] =	stream.linear.gather [hbm4b:s4+s24], $0x2800, $0x38;
	[tilespmem:$0x1E800] =	vst v63  }
0x50: {  	_ =	swait.ge [sflag:s20], $0x2800  }
0x51: {  	[sflag:s20] =	ssyncset.done $0x0  }
0x52: {  	[sflag:s20] =	ssyncadd.s32 $0xFFFFD800  }
0x53: {  	[spmem:s13] =	stream.linear.scatter [tilespmem:s21], [sflag:$0x3], $0x2800, $0x38;
	[tilespmem:$0x1E800] =	vst v63  }
0x54: {  	_ =	swait.ge [sflag:s20], $0x2800  }
0x55: {  	[sflag:s20] =	ssyncset.done $0x0  }
0x56: {  	[sflag:s20] =	ssyncadd.s32 $0xFFFFD800  }
0x57: {  	[tilespmem:s21], [sflag:$0x3] =	stream.linear.gather [hbm4b:s5+s24], $0x2800, $0x38;
	[tilespmem:$0x1E800] =	vst v63  }
0x58: {  	_ =	swait.ge [sflag:s20], $0x2800  }
0x59: {  	[sflag:s20] =	ssyncset.done $0x0  }
0x5a: {  	[sflag:s20] =	ssyncadd.s32 $0xFFFFD800  }
0x5b: {  	[spmem:s14] =	stream.linear.scatter [tilespmem:s21], [sflag:$0x3], $0x2800, $0x38;
	[tilespmem:$0x1E800] =	vst v63  }
0x5c: {  	_ =	swait.ge [sflag:s20], $0x2800  }
0x5d: {  	[sflag:s20] =	ssyncset.done $0x0  }
0x5e: {  	[sflag:s20] =	ssyncadd.s32 $0xFFFFD800  }
0x5f: {  	[tilespmem:s21], [sflag:$0x3] =	stream.linear.gather [hbm4b:s6+s24], $0x2800, $0x38;
	[tilespmem:$0x1E800] =	vst v63  }
0x60: {  	_ =	swait.ge [sflag:s20], $0x2800  }
0x61: {  	[sflag:s20] =	ssyncset.done $0x0  }
0x62: {  	[sflag:s20] =	ssyncadd.s32 $0xFFFFD800  }
0x63: {  	[spmem:s15] =	stream.linear.scatter [tilespmem:s21], [sflag:$0x3], $0x2800, $0x38;
	[tilespmem:$0x1E800] =	vst v63  }
0x64: {  	_ =	swait.ge [sflag:s20], $0x2800  }
0x65: {  	[sflag:s20] =	ssyncset.done $0x0  }
0x66: {  	[sflag:s20] =	ssyncadd.s32 $0xFFFFD800  }
0x67: {  	[tilespmem:s21], [sflag:$0x3] =	stream.linear.gather [hbm4b:s7+s24], $0x2800, $0x38;
	[tilespmem:$0x1E800] =	vst v63  }
0x68: {  	_ =	swait.ge [sflag:s20], $0x2800  }
0x69: {  	[sflag:s20] =	ssyncset.done $0x0  }
0x6a: {  	[sflag:s20] =	ssyncadd.s32 $0xFFFFD800  }
0x6b: {  	[spmem:s16] =	stream.linear.scatter [tilespmem:s21], [sflag:$0x3], $0x2800, $0x38;
	[tilespmem:$0x1E800] =	vst v63  }
0x6c: {  	_ =	swait.ge [sflag:s20], $0x2800  }
0x6d: {  	[sflag:s20] =	ssyncset.done $0x0  }
0x6e: {  	[sflag:s20] =	ssyncadd.s32 $0xFFFFD800  }
0x6f: {  	[tilespmem:s21], [sflag:$0x3] =	stream.linear.gather [hbm4b:s8+s24], $0x2800, $0x38;
	[tilespmem:$0x1E800] =	vst v63  }
0x70: {  	_ =	swait.ge [sflag:s20], $0x2800  }
0x71: {  	[sflag:s20] =	ssyncset.done $0x0  }
0x72: {  	[sflag:s20] =	ssyncadd.s32 $0xFFFFD800  }
0x73: {  	[spmem:s17] =	stream.linear.scatter [tilespmem:s21], [sflag:$0x3], $0x2800, $0x38;
	[tilespmem:$0x1E800] =	vst v63  }
0x74: {  	_ =	swait.ge [sflag:s20], $0x2800  }
0x75: {  	[sflag:s20] =	ssyncset.done $0x0  }
0x76: {  	[sflag:s20] =	ssyncadd.s32 $0xFFFFD800  }
0x77: {  	[bflag:$0x0] =	sbarrier.arrive $0xFFFF  }
0x78: {  	s29 =	rddreg [dreg:$0x15]  }
0x79: {  	[tilespmem:s21], [sflag:$0x1] =	stream.linear.gather [hbm4b:s29+s24], $0x4000, $0x38;
	[tilespmem:$0x1E800] =	vst v63  }
0x7a: {  	s1 =	sadd.s32 $0xFFFFF800, s18  }
0x7b: {  	[tilespmem:s22], [sflag:$0x2] =	stream.linear.gather [hbm4b:s1+s24], $0x4000, $0x38;
	[tilespmem:$0x1E800] =	vst v63  }
0x7c: {  	_ =	swait.ge [sflag:s23], $0x4000  }
0x7d: {  	[sflag:s23] =	ssyncset.done $0x0  }
0x7e: {  	s10 =	simm.s32 $0x0;
	[sflag:s23] =	ssyncadd.s32 $0xFFFFC000  }
0x7f: {  	[spmem:s31] =	stream.indirect.scatter.add.f32 [tilespmem:s21], [sflag:$0x3], $0x80, s10, s25, $0xb8;
	[tilespmem:$0x1E800] =	vst v63  }
0x80: {  	_ =	swait.ge [sflag:s20], $0x4000  }
0x81: {  	[sflag:s20] =	ssyncset.done $0x0  }
0x82: {  	[sflag:s20] =	ssyncadd.s32 $0xFFFFC000  }
0x83: {  	[tilespmem:s21], [sflag:$0x1] =	stream.linear.gather [hbm4b:s18+s24], $0x4000, $0x38;
	[tilespmem:$0x1E800] =	vst v63  }
0x84: {  	_ =	swait.ge [sflag:s26], $0x4000  }
0x85: {  	[sflag:s26] =	ssyncset.done $0x0  }
0x86: {  	s29 =	simm.s32 $0x80;
	[sflag:s26] =	ssyncadd.s32 $0xFFFFC000  }
0x87: {  	[spmem:s31] =	stream.indirect.scatter.add.f32 [tilespmem:s22], [sflag:$0x3], $0x80, s29, s25, $0xb8;
	[tilespmem:$0x1E800] =	vst v63  }
0x88: {  	s28 =	simm.s32 $0x800;
	_ =	swait.ge [sflag:s20], $0x4000  }
0x89: {  	s0 =	sadd.s32 $0x1000, s18;
	s10 =	simm.s32 $0x400;
	[sflag:s20] =	ssyncset.done $0x0  }
.LBB2_2:
0x8a: {  	p0 =	sne.s32 s28, $0x9800;
	s29 =	sadd.s32 $0xFFFFF800, s0;
	[sflag:s20] =	ssyncadd.s32 $0xFFFFC000  }
0x8b: {  	[tilespmem:s22], [sflag:$0x2] =	stream.linear.gather [hbm4b:s29+s24], $0x4000, $0x38;
	[tilespmem:$0x1E800] =	vst v63  }
0x8c: {  	s29 =	smov.u32 s28;
	s28 =	sadd.s32 $0x400, s28;
	_ =	swait.ge [sflag:s23], $0x4000  }
0x8d: {  	[sflag:s23] =	ssyncset.done $0x0  }
0x8e: {  	s1 =	sshra.s32 s10, $0x2;
	s10 =	smov.u32 s29;
	[sflag:s23] =	ssyncadd.s32 $0xFFFFC000  }
0x8f: {  	[spmem:s31] =	stream.indirect.scatter.add.f32 [tilespmem:s21], [sflag:$0x3], $0x80, s1, s25, $0xb8;
	[tilespmem:$0x1E800] =	vst v63  }
0x90: {  	_ =	swait.ge [sflag:s20], $0x4000  }
0x91: {  	[sflag:s20] =	ssyncset.done $0x0  }
0x92: {  	[sflag:s20] =	ssyncadd.s32 $0xFFFFC000  }
0x93: {  	[tilespmem:s21], [sflag:$0x1] =	stream.linear.gather [hbm4b:s0+s24], $0x4000, $0x38;
	[tilespmem:$0x1E800] =	vst v63  }
0x94: {  	_ =	swait.ge [sflag:s26], $0x4000  }
.Ltmp0:
0x95: {  	[sflag:s26] =	ssyncset.done $0x0;
	(pc) =	sbr.rel @p0 .LBB2_2-.Ltmp0, $4  }
0x96: {  	s1 =	sadd.s32 $0x80, s1;
	[sflag:s26] =	ssyncadd.s32 $0xFFFFC000  }
0x97: {  	[spmem:s31] =	stream.indirect.scatter.add.f32 [tilespmem:s22], [sflag:$0x3], $0x80, s1, s25, $0xb8;
	[tilespmem:$0x1E800] =	vst v63  }
0x98: {  	_ =	swait.ge [sflag:s20], $0x4000  }
0x99: {  	s0 =	sadd.s32 $0x1000, s0;
	[sflag:s20] =	ssyncset.done $0x0  }
0x9a: {  	s1 =	sadd.s32 $0xFFFFF800, s0;
	[sflag:s20] =	ssyncadd.s32 $0xFFFFC000  }
0x9b: {  	[tilespmem:s22], [sflag:$0x2] =	stream.linear.gather [hbm4b:s1+s24], $0x4000, $0x38;
	[tilespmem:$0x1E800] =	vst v63  }
0x9c: {  	_ =	swait.ge [sflag:s23], $0x4000  }
0x9d: {  	[sflag:s23] =	ssyncset.done $0x0  }
0x9e: {  	s29 =	sshra.s32 s10, $0x2;
	[sflag:s23] =	ssyncadd.s32 $0xFFFFC000  }
0x9f: {  	[spmem:s31] =	stream.indirect.scatter.add.f32 [tilespmem:s21], [sflag:$0x3], $0x80, s29, s25, $0xb8;
	[tilespmem:$0x1E800] =	vst v63  }
0xa0: {  	_ =	swait.ge [sflag:s20], $0x4000  }
0xa1: {  	[sflag:s20] =	ssyncset.done $0x0  }
0xa2: {  	[sflag:s20] =	ssyncadd.s32 $0xFFFFC000  }
0xa3: {  	[tilespmem:s21], [sflag:$0x1] =	stream.linear.gather [hbm4b:s0+s24], $0x4000, $0x38;
	[tilespmem:$0x1E800] =	vst v63  }
0xa4: {  	_ =	swait.ge [sflag:s26], $0x4000  }
0xa5: {  	[sflag:s26] =	ssyncset.done $0x0  }
0xa6: {  	s10 =	sadd.s32 $0x80, s29;
	[sflag:s26] =	ssyncadd.s32 $0xFFFFC000  }
0xa7: {  	[spmem:s31] =	stream.indirect.scatter.add.f32 [tilespmem:s22], [sflag:$0x3], $0x80, s10, s25, $0xb8;
	[tilespmem:$0x1E800] =	vst v63  }
0xa8: {  	_ =	swait.ge [sflag:s20], $0x4000  }
0xa9: {  	[sflag:s20] =	ssyncset.done $0x0  }
0xaa: {  	s0 =	simm.s32 $0x0;
	s29 =	rddreg [dreg:$0x17];
	[sflag:s20] =	ssyncadd.s32 $0xFFFFC000  }
0xab: {  	[tilespmem:s22], [sflag:$0x2] =	stream.linear.gather [hbm4b:s29+s0], $0x4000, $0x38;
	[tilespmem:$0x1E800] =	vst v63  }
0xac: {  	_ =	swait.ge [sflag:s23], $0x4000  }
0xad: {  	[sflag:s23] =	ssyncset.done $0x0  }
0xae: {  	s10 =	simm.s32 $0x2700;
	[sflag:s23] =	ssyncadd.s32 $0xFFFFC000  }
0xaf: {  	[spmem:s31] =	stream.indirect.scatter.add.f32 [tilespmem:s21], [sflag:$0x3], $0x80, s10, s25, $0xb8;
	[tilespmem:$0x1E800] =	vst v63  }
0xb0: {  	_ =	swait.ge [sflag:s20], $0x4000  }
0xb1: {  	[sflag:s20] =	ssyncset.done $0x0  }
0xb2: {  	[sflag:s20] =	ssyncadd.s32 $0xFFFFC000  }
0xb3: {  	_ =	swait.ge [sflag:s26], $0x4000  }
0xb4: {  	[sflag:s26] =	ssyncset.done $0x0  }
0xb5: {  	s29 =	simm.s32 $0x2780;
	[sflag:s26] =	ssyncadd.s32 $0xFFFFC000  }
0xb6: {  	[spmem:s31] =	stream.indirect.scatter.add.f32 [tilespmem:s22], [sflag:$0x3], $0x80, s29, s25, $0xb8;
	[tilespmem:$0x1E800] =	vst v63  }
0xb7: {  	_ =	swait.ge [sflag:s20], $0x4000  }
0xb8: {  	[sflag:s20] =	ssyncset.done $0x0  }
0xb9: {  	[sflag:s20] =	ssyncadd.s32 $0xFFFFC000  }
0xba: {  	[bflag:$0x0] =	sbarrier.arrive $0xFFFF  }
0xbb: {  	[tilespmem:s21], [sflag:$0x3] =	stream.linear.gather [spmem:s9], $0x2800, $0x38;
	[tilespmem:$0x1E800] =	vst v63  }
0xbc: {  	_ =	swait.ge [sflag:s20], $0x2800  }
0xbd: {  	[sflag:s20] =	ssyncset.done $0x0  }
0xbe: {  	s10 =	rddreg [dreg:$0x5];
	[sflag:s20] =	ssyncadd.s32 $0xFFFFD800  }
0xbf: {  	[hbm4b:s10+s0] =	stream.linear.scatter [tilespmem:s21], [sflag:$0x3], $0x2800, $0x38;
	[tilespmem:$0x1E800] =	vst v63  }
0xc0: {  	_ =	swait.ge [sflag:s20], $0x2800  }
0xc1: {  	[sflag:s20] =	ssyncset.done $0x0  }
0xc2: {  	[sflag:s20] =	ssyncadd.s32 $0xFFFFD800  }
0xc3: {  	[tilespmem:s21], [sflag:$0x3] =	stream.linear.gather [spmem:s11], $0x2800, $0x38;
	[tilespmem:$0x1E800] =	vst v63  }
0xc4: {  	_ =	swait.ge [sflag:s20], $0x2800  }
0xc5: {  	[sflag:s20] =	ssyncset.done $0x0  }
0xc6: {  	s29 =	rddreg [dreg:$0x6];
	[sflag:s20] =	ssyncadd.s32 $0xFFFFD800  }
0xc7: {  	[hbm4b:s29+s0] =	stream.linear.scatter [tilespmem:s21], [sflag:$0x3], $0x2800, $0x38;
	[tilespmem:$0x1E800] =	vst v63  }
0xc8: {  	_ =	swait.ge [sflag:s20], $0x2800  }
0xc9: {  	[sflag:s20] =	ssyncset.done $0x0  }
0xca: {  	[sflag:s20] =	ssyncadd.s32 $0xFFFFD800  }
0xcb: {  	[tilespmem:s21], [sflag:$0x3] =	stream.linear.gather [spmem:s12], $0x2800, $0x38;
	[tilespmem:$0x1E800] =	vst v63  }
0xcc: {  	_ =	swait.ge [sflag:s20], $0x2800  }
0xcd: {  	[sflag:s20] =	ssyncset.done $0x0  }
0xce: {  	s10 =	rddreg [dreg:$0x7];
	[sflag:s20] =	ssyncadd.s32 $0xFFFFD800  }
0xcf: {  	[hbm4b:s10+s0] =	stream.linear.scatter [tilespmem:s21], [sflag:$0x3], $0x2800, $0x38;
	[tilespmem:$0x1E800] =	vst v63  }
0xd0: {  	_ =	swait.ge [sflag:s20], $0x2800  }
0xd1: {  	[sflag:s20] =	ssyncset.done $0x0  }
0xd2: {  	[sflag:s20] =	ssyncadd.s32 $0xFFFFD800  }
0xd3: {  	[tilespmem:s21], [sflag:$0x3] =	stream.linear.gather [spmem:s13], $0x2800, $0x38;
	[tilespmem:$0x1E800] =	vst v63  }
0xd4: {  	_ =	swait.ge [sflag:s20], $0x2800  }
0xd5: {  	[sflag:s20] =	ssyncset.done $0x0  }
0xd6: {  	s29 =	rddreg [dreg:$0x8];
	[sflag:s20] =	ssyncadd.s32 $0xFFFFD800  }
0xd7: {  	[hbm4b:s29+s0] =	stream.linear.scatter [tilespmem:s21], [sflag:$0x3], $0x2800, $0x38;
	[tilespmem:$0x1E800] =	vst v63  }
0xd8: {  	_ =	swait.ge [sflag:s20], $0x2800  }
0xd9: {  	[sflag:s20] =	ssyncset.done $0x0  }
0xda: {  	[sflag:s20] =	ssyncadd.s32 $0xFFFFD800  }
0xdb: {  	[tilespmem:s21], [sflag:$0x3] =	stream.linear.gather [spmem:s14], $0x2800, $0x38;
	[tilespmem:$0x1E800] =	vst v63  }
0xdc: {  	_ =	swait.ge [sflag:s20], $0x2800  }
0xdd: {  	[sflag:s20] =	ssyncset.done $0x0  }
0xde: {  	s10 =	rddreg [dreg:$0x9];
	[sflag:s20] =	ssyncadd.s32 $0xFFFFD800  }
0xdf: {  	[hbm4b:s10+s0] =	stream.linear.scatter [tilespmem:s21], [sflag:$0x3], $0x2800, $0x38;
	[tilespmem:$0x1E800] =	vst v63  }
0xe0: {  	_ =	swait.ge [sflag:s20], $0x2800  }
0xe1: {  	[sflag:s20] =	ssyncset.done $0x0  }
0xe2: {  	[sflag:s20] =	ssyncadd.s32 $0xFFFFD800  }
0xe3: {  	[tilespmem:s21], [sflag:$0x3] =	stream.linear.gather [spmem:s15], $0x2800, $0x38;
	[tilespmem:$0x1E800] =	vst v63  }
0xe4: {  	_ =	swait.ge [sflag:s20], $0x2800  }
0xe5: {  	[sflag:s20] =	ssyncset.done $0x0  }
0xe6: {  	s29 =	rddreg [dreg:$0xa];
	[sflag:s20] =	ssyncadd.s32 $0xFFFFD800  }
0xe7: {  	[hbm4b:s29+s0] =	stream.linear.scatter [tilespmem:s21], [sflag:$0x3], $0x2800, $0x38;
	[tilespmem:$0x1E800] =	vst v63  }
0xe8: {  	_ =	swait.ge [sflag:s20], $0x2800  }
0xe9: {  	[sflag:s20] =	ssyncset.done $0x0  }
0xea: {  	[sflag:s20] =	ssyncadd.s32 $0xFFFFD800  }
0xeb: {  	[tilespmem:s21], [sflag:$0x3] =	stream.linear.gather [spmem:s16], $0x2800, $0x38;
	[tilespmem:$0x1E800] =	vst v63  }
0xec: {  	_ =	swait.ge [sflag:s20], $0x2800  }
0xed: {  	[sflag:s20] =	ssyncset.done $0x0  }
0xee: {  	s10 =	rddreg [dreg:$0xb];
	[sflag:s20] =	ssyncadd.s32 $0xFFFFD800  }
0xef: {  	[hbm4b:s10+s0] =	stream.linear.scatter [tilespmem:s21], [sflag:$0x3], $0x2800, $0x38;
	[tilespmem:$0x1E800] =	vst v63  }
0xf0: {  	_ =	swait.ge [sflag:s20], $0x2800  }
0xf1: {  	[sflag:s20] =	ssyncset.done $0x0  }
0xf2: {  	[sflag:s20] =	ssyncadd.s32 $0xFFFFD800  }
0xf3: {  	[tilespmem:s21], [sflag:$0x3] =	stream.linear.gather [spmem:s17], $0x2800, $0x38;
	[tilespmem:$0x1E800] =	vst v63  }
0xf4: {  	_ =	swait.ge [sflag:s20], $0x2800  }
0xf5: {  	[sflag:s20] =	ssyncset.done $0x0  }
0xf6: {  	s29 =	rddreg [dreg:$0xc];
	[sflag:s20] =	ssyncadd.s32 $0xFFFFD800  }
0xf7: {  	[hbm4b:s29+s0] =	stream.linear.scatter [tilespmem:s21], [sflag:$0x3], $0x2800, $0x38;
	[tilespmem:$0x1E800] =	vst v63  }
0xf8: {  	_ =	swait.ge [sflag:s20], $0x2800  }
0xf9: {  	[sflag:s20] =	ssyncset.done $0x0  }
0xfa: {  	[sflag:s20] =	ssyncadd.s32 $0xFFFFD800  }
0xfb: {  	[bflag:$0x0] =	sbarrier.arrive $0xFFFF  }
0xfc: {  	s10 =	rddreg [dreg:$0x4]  }
0xfd: {  	[tilespmem:s21], [sflag:$0x3] =	stream.linear.gather [hbm4b:s10+s0], $0x2800, $0x38;
	[tilespmem:$0x1E800] =	vst v63  }
0xfe: {  	_ =	swait.ge [sflag:s20], $0x2800  }
0xff: {  	[sflag:s20] =	ssyncset.done $0x0  }
0x100: {  	[sflag:s20] =	ssyncadd.s32 $0xFFFFD800  }
0x101: {  	[spmem:s9] =	stream.linear.scatter [tilespmem:s21], [sflag:$0x3], $0x2800, $0x38;
	[tilespmem:$0x1E800] =	vst v63  }
0x102: {  	_ =	swait.ge [sflag:s20], $0x2800  }
0x103: {  	[sflag:s20] =	ssyncset.done $0x0  }
0x104: {  	[sflag:s20] =	ssyncadd.s32 $0xFFFFD800  }
0x105: {  	[tilespmem:s21], [sflag:$0x3] =	stream.linear.gather [hbm4b:s2+s0], $0x2800, $0x38;
	[tilespmem:$0x1E800] =	vst v63  }
0x106: {  	_ =	swait.ge [sflag:s20], $0x2800  }
0x107: {  	[sflag:s20] =	ssyncset.done $0x0  }
0x108: {  	[sflag:s20] =	ssyncadd.s32 $0xFFFFD800  }
0x109: {  	[spmem:s11] =	stream.linear.scatter [tilespmem:s21], [sflag:$0x3], $0x2800, $0x38;
	[tilespmem:$0x1E800] =	vst v63  }
0x10a: {  	_ =	swait.ge [sflag:s20], $0x2800  }
0x10b: {  	[sflag:s20] =	ssyncset.done $0x0  }
0x10c: {  	[sflag:s20] =	ssyncadd.s32 $0xFFFFD800  }
0x10d: {  	[tilespmem:s21], [sflag:$0x3] =	stream.linear.gather [hbm4b:s3+s0], $0x2800, $0x38;
	[tilespmem:$0x1E800] =	vst v63  }
0x10e: {  	_ =	swait.ge [sflag:s20], $0x2800  }
0x10f: {  	[sflag:s20] =	ssyncset.done $0x0  }
0x110: {  	[sflag:s20] =	ssyncadd.s32 $0xFFFFD800  }
0x111: {  	[spmem:s12] =	stream.linear.scatter [tilespmem:s21], [sflag:$0x3], $0x2800, $0x38;
	[tilespmem:$0x1E800] =	vst v63  }
0x112: {  	_ =	swait.ge [sflag:s20], $0x2800  }
0x113: {  	[sflag:s20] =	ssyncset.done $0x0  }
0x114: {  	[sflag:s20] =	ssyncadd.s32 $0xFFFFD800  }
0x115: {  	[tilespmem:s21], [sflag:$0x3] =	stream.linear.gather [hbm4b:s4+s0], $0x2800, $0x38;
	[tilespmem:$0x1E800] =	vst v63  }
0x116: {  	_ =	swait.ge [sflag:s20], $0x2800  }
0x117: {  	[sflag:s20] =	ssyncset.done $0x0  }
0x118: {  	[sflag:s20] =	ssyncadd.s32 $0xFFFFD800  }
0x119: {  	[spmem:s13] =	stream.linear.scatter [tilespmem:s21], [sflag:$0x3], $0x2800, $0x38;
	[tilespmem:$0x1E800] =	vst v63  }
0x11a: {  	_ =	swait.ge [sflag:s20], $0x2800  }
0x11b: {  	[sflag:s20] =	ssyncset.done $0x0  }
0x11c: {  	[sflag:s20] =	ssyncadd.s32 $0xFFFFD800  }
0x11d: {  	[tilespmem:s21], [sflag:$0x3] =	stream.linear.gather [hbm4b:s5+s0], $0x2800, $0x38;
	[tilespmem:$0x1E800] =	vst v63  }
0x11e: {  	_ =	swait.ge [sflag:s20], $0x2800  }
0x11f: {  	[sflag:s20] =	ssyncset.done $0x0  }
0x120: {  	[sflag:s20] =	ssyncadd.s32 $0xFFFFD800  }
0x121: {  	[spmem:s14] =	stream.linear.scatter [tilespmem:s21], [sflag:$0x3], $0x2800, $0x38;
	[tilespmem:$0x1E800] =	vst v63  }
0x122: {  	_ =	swait.ge [sflag:s20], $0x2800  }
0x123: {  	[sflag:s20] =	ssyncset.done $0x0  }
0x124: {  	[sflag:s20] =	ssyncadd.s32 $0xFFFFD800  }
0x125: {  	[tilespmem:s21], [sflag:$0x3] =	stream.linear.gather [hbm4b:s6+s0], $0x2800, $0x38;
	[tilespmem:$0x1E800] =	vst v63  }
0x126: {  	_ =	swait.ge [sflag:s20], $0x2800  }
0x127: {  	[sflag:s20] =	ssyncset.done $0x0  }
0x128: {  	[sflag:s20] =	ssyncadd.s32 $0xFFFFD800  }
0x129: {  	[spmem:s15] =	stream.linear.scatter [tilespmem:s21], [sflag:$0x3], $0x2800, $0x38;
	[tilespmem:$0x1E800] =	vst v63  }
0x12a: {  	_ =	swait.ge [sflag:s20], $0x2800  }
0x12b: {  	[sflag:s20] =	ssyncset.done $0x0  }
0x12c: {  	[sflag:s20] =	ssyncadd.s32 $0xFFFFD800  }
0x12d: {  	[tilespmem:s21], [sflag:$0x3] =	stream.linear.gather [hbm4b:s7+s0], $0x2800, $0x38;
	[tilespmem:$0x1E800] =	vst v63  }
0x12e: {  	_ =	swait.ge [sflag:s20], $0x2800  }
0x12f: {  	[sflag:s20] =	ssyncset.done $0x0  }
0x130: {  	[sflag:s20] =	ssyncadd.s32 $0xFFFFD800  }
0x131: {  	[spmem:s16] =	stream.linear.scatter [tilespmem:s21], [sflag:$0x3], $0x2800, $0x38;
	[tilespmem:$0x1E800] =	vst v63  }
0x132: {  	_ =	swait.ge [sflag:s20], $0x2800  }
0x133: {  	[sflag:s20] =	ssyncset.done $0x0  }
0x134: {  	[sflag:s20] =	ssyncadd.s32 $0xFFFFD800  }
0x135: {  	[tilespmem:s21], [sflag:$0x3] =	stream.linear.gather [hbm4b:s8+s0], $0x2800, $0x38;
	[tilespmem:$0x1E800] =	vst v63  }
0x136: {  	_ =	swait.ge [sflag:s20], $0x2800  }
0x137: {  	[sflag:s20] =	ssyncset.done $0x0  }
0x138: {  	[sflag:s20] =	ssyncadd.s32 $0xFFFFD800  }
0x139: {  	[spmem:s17] =	stream.linear.scatter [tilespmem:s21], [sflag:$0x3], $0x2800, $0x38;
	[tilespmem:$0x1E800] =	vst v63  }
0x13a: {  	_ =	swait.ge [sflag:s20], $0x2800  }
0x13b: {  	[sflag:s20] =	ssyncset.done $0x0  }
0x13c: {  	[sflag:s20] =	ssyncadd.s32 $0xFFFFD800  }
0x13d: {  	[bflag:$0x0] =	sbarrier.arrive $0xFFFF  }
0x13e: {  	s29 =	rddreg [dreg:$0x16]  }
0x13f: {  	[tilespmem:s21], [sflag:$0x1] =	stream.linear.gather [hbm4b:s29+s0], $0x4000, $0x38;
	[tilespmem:$0x1E800] =	vst v63  }
0x140: {  	s1 =	sadd.s32 $0xFFFFF800, s19  }
0x141: {  	[tilespmem:s22], [sflag:$0x2] =	stream.linear.gather [hbm4b:s1+s24], $0x4000, $0x38;
	[tilespmem:$0x1E800] =	vst v63  }
0x142: {  	_ =	swait.ge [sflag:s23], $0x4000  }
0x143: {  	[sflag:s23] =	ssyncset.done $0x0  }
0x144: {  	s10 =	simm.s32 $0x0;
	[sflag:s23] =	ssyncadd.s32 $0xFFFFC000  }
0x145: {  	[spmem:s31] =	stream.indirect.scatter.add.f32 [tilespmem:s21], [sflag:$0x3], $0x80, s10, s25, $0xb8;
	[tilespmem:$0x1E800] =	vst v63  }
0x146: {  	_ =	swait.ge [sflag:s20], $0x4000  }
0x147: {  	[sflag:s20] =	ssyncset.done $0x0  }
0x148: {  	[sflag:s20] =	ssyncadd.s32 $0xFFFFC000  }
0x149: {  	[tilespmem:s21], [sflag:$0x1] =	stream.linear.gather [hbm4b:s19+s24], $0x4000, $0x38;
	[tilespmem:$0x1E800] =	vst v63  }
0x14a: {  	_ =	swait.ge [sflag:s26], $0x4000  }
0x14b: {  	[sflag:s26] =	ssyncset.done $0x0  }
0x14c: {  	s29 =	simm.s32 $0x80;
	[sflag:s26] =	ssyncadd.s32 $0xFFFFC000  }
0x14d: {  	[spmem:s31] =	stream.indirect.scatter.add.f32 [tilespmem:s22], [sflag:$0x3], $0x80, s29, s25, $0xb8;
	[tilespmem:$0x1E800] =	vst v63  }
0x14e: {  	s28 =	simm.s32 $0x800;
	_ =	swait.ge [sflag:s20], $0x4000  }
0x14f: {  	s0 =	sadd.s32 $0x1000, s19;
	s10 =	simm.s32 $0x400;
	[sflag:s20] =	ssyncset.done $0x0  }
.LBB2_4:
0x150: {  	p0 =	sne.s32 s28, $0x9800;
	s1 =	sadd.s32 $0xFFFFF800, s0;
	[sflag:s20] =	ssyncadd.s32 $0xFFFFC000  }
0x151: {  	[tilespmem:s22], [sflag:$0x2] =	stream.linear.gather [hbm4b:s1+s24], $0x4000, $0x38;
	[tilespmem:$0x1E800] =	vst v63  }
0x152: {  	s1 =	smov.u32 s28;
	s28 =	sadd.s32 $0x400, s28;
	_ =	swait.ge [sflag:s23], $0x4000  }
0x153: {  	[sflag:s23] =	ssyncset.done $0x0  }
0x154: {  	s29 =	sshra.s32 s10, $0x2;
	s10 =	smov.u32 s1;
	[sflag:s23] =	ssyncadd.s32 $0xFFFFC000  }
0x155: {  	[spmem:s31] =	stream.indirect.scatter.add.f32 [tilespmem:s21], [sflag:$0x3], $0x80, s29, s25, $0xb8;
	[tilespmem:$0x1E800] =	vst v63  }
0x156: {  	_ =	swait.ge [sflag:s20], $0x4000  }
0x157: {  	[sflag:s20] =	ssyncset.done $0x0  }
0x158: {  	[sflag:s20] =	ssyncadd.s32 $0xFFFFC000  }
0x159: {  	[tilespmem:s21], [sflag:$0x1] =	stream.linear.gather [hbm4b:s0+s24], $0x4000, $0x38;
	[tilespmem:$0x1E800] =	vst v63  }
0x15a: {  	_ =	swait.ge [sflag:s26], $0x4000  }
.Ltmp1:
0x15b: {  	[sflag:s26] =	ssyncset.done $0x0;
	(pc) =	sbr.rel @p0 .LBB2_4-.Ltmp1, $4  }
0x15c: {  	s1 =	sadd.s32 $0x80, s29;
	[sflag:s26] =	ssyncadd.s32 $0xFFFFC000  }
0x15d: {  	[spmem:s31] =	stream.indirect.scatter.add.f32 [tilespmem:s22], [sflag:$0x3], $0x80, s1, s25, $0xb8;
	[tilespmem:$0x1E800] =	vst v63  }
0x15e: {  	_ =	swait.ge [sflag:s20], $0x4000  }
0x15f: {  	s0 =	sadd.s32 $0x1000, s0;
	[sflag:s20] =	ssyncset.done $0x0  }
0x160: {  	s1 =	sadd.s32 $0xFFFFF800, s0;
	[sflag:s20] =	ssyncadd.s32 $0xFFFFC000  }
0x161: {  	[tilespmem:s22], [sflag:$0x2] =	stream.linear.gather [hbm4b:s1+s24], $0x4000, $0x38;
	[tilespmem:$0x1E800] =	vst v63  }
0x162: {  	_ =	swait.ge [sflag:s23], $0x4000  }
0x163: {  	[sflag:s23] =	ssyncset.done $0x0  }
0x164: {  	s28 =	sshra.s32 s10, $0x2;
	[sflag:s23] =	ssyncadd.s32 $0xFFFFC000  }
0x165: {  	[spmem:s31] =	stream.indirect.scatter.add.f32 [tilespmem:s21], [sflag:$0x3], $0x80, s28, s25, $0xb8;
	[tilespmem:$0x1E800] =	vst v63  }
0x166: {  	_ =	swait.ge [sflag:s20], $0x4000  }
0x167: {  	[sflag:s20] =	ssyncset.done $0x0  }
0x168: {  	[sflag:s20] =	ssyncadd.s32 $0xFFFFC000  }
0x169: {  	[tilespmem:s21], [sflag:$0x1] =	stream.linear.gather [hbm4b:s0+s24], $0x4000, $0x38;
	[tilespmem:$0x1E800] =	vst v63  }
0x16a: {  	_ =	swait.ge [sflag:s26], $0x4000  }
0x16b: {  	[sflag:s26] =	ssyncset.done $0x0  }
0x16c: {  	s29 =	sadd.s32 $0x80, s28;
	[sflag:s26] =	ssyncadd.s32 $0xFFFFC000  }
0x16d: {  	[spmem:s31] =	stream.indirect.scatter.add.f32 [tilespmem:s22], [sflag:$0x3], $0x80, s29, s25, $0xb8;
	[tilespmem:$0x1E800] =	vst v63  }
0x16e: {  	_ =	swait.ge [sflag:s20], $0x4000  }
0x16f: {  	[sflag:s20] =	ssyncset.done $0x0  }
0x170: {  	s1 =	rddreg [dreg:$0x18];
	[sflag:s20] =	ssyncadd.s32 $0xFFFFC000  }
0x171: {  	[tilespmem:s22], [sflag:$0x2] =	stream.linear.gather [hbm4b:s1+s24], $0x4000, $0x38;
	[tilespmem:$0x1E800] =	vst v63  }
0x172: {  	_ =	swait.ge [sflag:s23], $0x4000  }
0x173: {  	[sflag:s23] =	ssyncset.done $0x0  }
0x174: {  	s10 =	simm.s32 $0x2700;
	[sflag:s23] =	ssyncadd.s32 $0xFFFFC000  }
0x175: {  	[spmem:s31] =	stream.indirect.scatter.add.f32 [tilespmem:s21], [sflag:$0x3], $0x80, s10, s25, $0xb8;
	[tilespmem:$0x1E800] =	vst v63  }
0x176: {  	_ =	swait.ge [sflag:s20], $0x4000  }
0x177: {  	[sflag:s20] =	ssyncset.done $0x0  }
0x178: {  	[sflag:s20] =	ssyncadd.s32 $0xFFFFC000  }
0x179: {  	_ =	swait.ge [sflag:s26], $0x4000  }
0x17a: {  	[sflag:s26] =	ssyncset.done $0x0  }
0x17b: {  	s28 =	simm.s32 $0x2780;
	[sflag:s26] =	ssyncadd.s32 $0xFFFFC000  }
0x17c: {  	[spmem:s31] =	stream.indirect.scatter.add.f32 [tilespmem:s22], [sflag:$0x3], $0x80, s28, s25, $0xb8;
	[tilespmem:$0x1E800] =	vst v63  }
0x17d: {  	_ =	swait.ge [sflag:s20], $0x4000  }
0x17e: {  	[sflag:s20] =	ssyncset.done $0x0  }
0x17f: {  	[sflag:s20] =	ssyncadd.s32 $0xFFFFC000  }
0x180: {  	[bflag:$0x0] =	sbarrier.arrive $0xFFFF  }
0x181: {  	[tilespmem:s21], [sflag:$0x3] =	stream.linear.gather [spmem:s9], $0x2800, $0x38;
	[tilespmem:$0x1E800] =	vst v63  }
0x182: {  	_ =	swait.ge [sflag:s20], $0x2800  }
0x183: {  	[sflag:s20] =	ssyncset.done $0x0  }
0x184: {  	s29 =	rddreg [dreg:$0xd];
	[sflag:s20] =	ssyncadd.s32 $0xFFFFD800  }
0x185: {  	[hbm4b:s29+s24] =	stream.linear.scatter [tilespmem:s21], [sflag:$0x3], $0x2800, $0x38;
	[tilespmem:$0x1E800] =	vst v63  }
0x186: {  	_ =	swait.ge [sflag:s20], $0x2800  }
0x187: {  	[sflag:s20] =	ssyncset.done $0x0  }
0x188: {  	[sflag:s20] =	ssyncadd.s32 $0xFFFFD800  }
0x189: {  	[tilespmem:s21], [sflag:$0x3] =	stream.linear.gather [spmem:s11], $0x2800, $0x38;
	[tilespmem:$0x1E800] =	vst v63  }
0x18a: {  	_ =	swait.ge [sflag:s20], $0x2800  }
0x18b: {  	[sflag:s20] =	ssyncset.done $0x0  }
0x18c: {  	s1 =	rddreg [dreg:$0xe];
	[sflag:s20] =	ssyncadd.s32 $0xFFFFD800  }
0x18d: {  	[hbm4b:s1+s24] =	stream.linear.scatter [tilespmem:s21], [sflag:$0x3], $0x2800, $0x38;
	[tilespmem:$0x1E800] =	vst v63  }
0x18e: {  	_ =	swait.ge [sflag:s20], $0x2800  }
0x18f: {  	[sflag:s20] =	ssyncset.done $0x0  }
0x190: {  	[sflag:s20] =	ssyncadd.s32 $0xFFFFD800  }
0x191: {  	[tilespmem:s21], [sflag:$0x3] =	stream.linear.gather [spmem:s12], $0x2800, $0x38;
	[tilespmem:$0x1E800] =	vst v63  }
0x192: {  	_ =	swait.ge [sflag:s20], $0x2800  }
0x193: {  	[sflag:s20] =	ssyncset.done $0x0  }
0x194: {  	s10 =	rddreg [dreg:$0xf];
	[sflag:s20] =	ssyncadd.s32 $0xFFFFD800  }
0x195: {  	[hbm4b:s10+s24] =	stream.linear.scatter [tilespmem:s21], [sflag:$0x3], $0x2800, $0x38;
	[tilespmem:$0x1E800] =	vst v63  }
0x196: {  	_ =	swait.ge [sflag:s20], $0x2800  }
0x197: {  	[sflag:s20] =	ssyncset.done $0x0  }
0x198: {  	[sflag:s20] =	ssyncadd.s32 $0xFFFFD800  }
0x199: {  	[tilespmem:s21], [sflag:$0x3] =	stream.linear.gather [spmem:s13], $0x2800, $0x38;
	[tilespmem:$0x1E800] =	vst v63  }
0x19a: {  	_ =	swait.ge [sflag:s20], $0x2800  }
0x19b: {  	[sflag:s20] =	ssyncset.done $0x0  }
0x19c: {  	s28 =	rddreg [dreg:$0x10];
	[sflag:s20] =	ssyncadd.s32 $0xFFFFD800  }
0x19d: {  	[hbm4b:s28+s24] =	stream.linear.scatter [tilespmem:s21], [sflag:$0x3], $0x2800, $0x38;
	[tilespmem:$0x1E800] =	vst v63  }
0x19e: {  	_ =	swait.ge [sflag:s20], $0x2800  }
0x19f: {  	[sflag:s20] =	ssyncset.done $0x0  }
0x1a0: {  	[sflag:s20] =	ssyncadd.s32 $0xFFFFD800  }
0x1a1: {  	[tilespmem:s21], [sflag:$0x3] =	stream.linear.gather [spmem:s14], $0x2800, $0x38;
	[tilespmem:$0x1E800] =	vst v63  }
0x1a2: {  	_ =	swait.ge [sflag:s20], $0x2800  }
0x1a3: {  	[sflag:s20] =	ssyncset.done $0x0  }
0x1a4: {  	s29 =	rddreg [dreg:$0x11];
	[sflag:s20] =	ssyncadd.s32 $0xFFFFD800  }
0x1a5: {  	[hbm4b:s29+s24] =	stream.linear.scatter [tilespmem:s21], [sflag:$0x3], $0x2800, $0x38;
	[tilespmem:$0x1E800] =	vst v63  }
0x1a6: {  	_ =	swait.ge [sflag:s20], $0x2800  }
0x1a7: {  	[sflag:s20] =	ssyncset.done $0x0  }
0x1a8: {  	[sflag:s20] =	ssyncadd.s32 $0xFFFFD800  }
0x1a9: {  	[tilespmem:s21], [sflag:$0x3] =	stream.linear.gather [spmem:s15], $0x2800, $0x38;
	[tilespmem:$0x1E800] =	vst v63  }
0x1aa: {  	_ =	swait.ge [sflag:s20], $0x2800  }
0x1ab: {  	[sflag:s20] =	ssyncset.done $0x0  }
0x1ac: {  	s1 =	rddreg [dreg:$0x12];
	[sflag:s20] =	ssyncadd.s32 $0xFFFFD800  }
0x1ad: {  	[hbm4b:s1+s24] =	stream.linear.scatter [tilespmem:s21], [sflag:$0x3], $0x2800, $0x38;
	[tilespmem:$0x1E800] =	vst v63  }
0x1ae: {  	_ =	swait.ge [sflag:s20], $0x2800  }
0x1af: {  	[sflag:s20] =	ssyncset.done $0x0  }
0x1b0: {  	[sflag:s20] =	ssyncadd.s32 $0xFFFFD800  }
0x1b1: {  	[tilespmem:s21], [sflag:$0x3] =	stream.linear.gather [spmem:s16], $0x2800, $0x38;
	[tilespmem:$0x1E800] =	vst v63  }
0x1b2: {  	_ =	swait.ge [sflag:s20], $0x2800  }
0x1b3: {  	[sflag:s20] =	ssyncset.done $0x0  }
0x1b4: {  	s10 =	rddreg [dreg:$0x13];
	[sflag:s20] =	ssyncadd.s32 $0xFFFFD800  }
0x1b5: {  	[hbm4b:s10+s24] =	stream.linear.scatter [tilespmem:s21], [sflag:$0x3], $0x2800, $0x38;
	[tilespmem:$0x1E800] =	vst v63  }
0x1b6: {  	_ =	swait.ge [sflag:s20], $0x2800  }
0x1b7: {  	[sflag:s20] =	ssyncset.done $0x0  }
0x1b8: {  	[sflag:s20] =	ssyncadd.s32 $0xFFFFD800  }
0x1b9: {  	[tilespmem:s21], [sflag:$0x3] =	stream.linear.gather [spmem:s17], $0x2800, $0x38;
	[tilespmem:$0x1E800] =	vst v63  }
0x1ba: {  	_ =	swait.ge [sflag:s20], $0x2800  }
0x1bb: {  	[sflag:s20] =	ssyncset.done $0x0  }
0x1bc: {  	s28 =	rddreg [dreg:$0x14];
	[sflag:s20] =	ssyncadd.s32 $0xFFFFD800  }
0x1bd: {  	[hbm4b:s28+s24] =	stream.linear.scatter [tilespmem:s21], [sflag:$0x3], $0x2800, $0x38;
	[tilespmem:$0x1E800] =	vst v63  }
0x1be: {  	_ =	swait.ge [sflag:s20], $0x2800  }
0x1bf: {  	s30 =	sadd.s32 $0x1, s30;
	s29 =	rddreg [dreg:$0x1a]  }
0x1c0: {  	p0 =	sne.s32 s30, s29  }
.Ltmp2:
0x1c1: {  	_ = 	snop;
	(pc) =	sbr.rel @p0 .LBB2_1-.Ltmp2, $3  }
0x1c2: {  	[sflag:s20] =	ssyncset.done $0x0  }
0x1c3: {  	[sflag:s20] =	ssyncadd.s32 $0xFFFFD800  }
0x1c4: {  	[bflag:$0x0] =	sbarrier.arrive $0xFFFF;
	_ =	sdelay $0x1  }
0x1c5: {  	_ =	sfence.sel $0x180000  }
0x1c6: {  	[bflag:$0x0] =	sbarrier.arrive $0xFFFF  }
0x1c7: {  	_ =	strace $0x9000004A  }
0x1c8: {  	s0 =	stileid.u32;
	[bflag:$0x2] =	sbarrier.arrive $0xFFFF  }
0x1c9: {  	p0 =	sne.s32 s0, $0x0;
	s0 =	rddreg [dreg:$0x3]  }
0x1ca: {  	s0 =	sadd.s32 @!p0 $0x100000, s0  }
0x1cb: {  	[sflag:s0] =	ssyncadd.tile.s32 @!p0 $0x1;
	_ =	shalt  }
.Lfunc_end2:
_tile_overlayer_lowered:
.L_overlay_start_2:
0x1cc: {  	(tag) =	ssettag $0x2  }
0x1cd: {  	s0 =	rddreg [dreg:$0x0];
	s2 =	stileid.u32  }
0x1ce: {  	s1 =	rddreg [dreg:$0x1];
	p0 =	sne.s32 s2, $0x0  }
0x1cf: {  	s3 =	rddreg [dreg:$0x2];
	[bflag:$0x3] =	sbarrier.arrive $0xFFFF;
	s2 =	simm.s32 @!p0 $0x1C03  }
0x1d0: {  	[timem:s3], [sflag:s2] =	dma.local @!p0 [hbm:s0], s1  }
0x1d1: {  	s0 =	simm.s32 @!p0 $0x3  }
0x1d2: {  	_ =	swait.ge @!p0 [sflag:s0], s1  }
0x1d3: {  	s1 =	ssub.s32 @!p0 $0x0, s1;
	[sflag:s0] =	ssyncset.done @!p0 $0x0  }
0x1d4: {  	[sflag:s0] =	ssyncadd.s32 @!p0 s1  }
0x1d5: {  	[bflag:$0x3] =	sbarrier.arrive $0xFFFF  }
0x1d6: {  	_ =	shalt  }

// kernel: kernel.15.cloned.1.call-start
scs
__scs_entry_jumppad:
0x0: {  	(pc) =	sbr.rel $0x88, $3  }
0x1: {  	(tag) =	ssettag $0x0;
	lr =	simm.s32 $0x1  }
0x2: {  	[smem:$0x3F81] =	sst lr;
	_ =	strace $0xD0000000  }
0x3: {  	_ = 	snop  }
0x4: {  	_ = 	snop  }
0x5: {  	_ = 	snop  }
0x6: {  	_ = 	snop  }
0x7: {  	_ = 	snop  }
__scs_overlays_trampoline_lowered:
0x8: {  	[smem:$0x3F90] =	sst s0  }
0x9: {  	[smem:$0x3F91] =	sst s1  }
0xa: {  	[smem:$0x3F92] =	sst s2  }
0xb: {  	[smem:$0x3F93] =	sst s3  }
0xc: {  	[smem:$0x3F94] =	sst s4  }
0xd: {  	[smem:$0x3F95] =	sst s5  }
0xe: {  	[smem:$0x3F96] =	sst s6  }
0xf: {  	[smem:$0x3F97] =	sst s7  }
0x10: {  	[smem:$0x3F98] =	sst s8  }
0x11: {  	[smem:$0x3F99] =	sst s9;
	s0 =	simm.s32 @!p0 $0x0  }
0x12: {  	s1 =	sld [smem:$0x3F7F];
	s0 =	simm.s32 @p0 $0x1  }
0x13: {  	[smem:$0x3F9A] =	sst s0;
	s0 =	simm.s32 @!p1 $0x0  }
0x14: {  	s2 =	sld [smem:$0x3F7E];
	s0 =	simm.s32 @p1 $0x1  }
0x15: {  	[smem:$0x3F9B] =	sst s0;
	s0 =	simm.s32 @!p2 $0x0  }
0x16: {  	s3 =	sld [smem:$0x3FDB];
	s0 =	simm.s32 @p2 $0x1  }
0x17: {  	s4 =	simm.s32 $0x1BF5;
	[smem:$0x3F9D] =	sst s0  }
0x18: {  	s0 =	sld [smem:$0x3F80];
	_ =	swait.ge [sflag:s4], $0x0  }
0x19: {  	s7 =	sld [smem:$0x3F81]  }
0x1a: {  	s8 =	sadd.s32 $0xFFFFE003, lr  }
0x1b: {  	s9 =	sadd.s32 $0xFFFFFEF7, lr;
	s5 =	simm.s32 $0xFFFFFFFF;
	p2 =	slt.u32 s8, $0xFFFFF086  }
0x1c: {  	p1 =	slt.u32 s9, $0xF7A;
	s5 =	simm.s32 @!p2 $0x0  }
0x1d: {  	s5 =	simm.s32 @p1 $0x1;
	p0 =	seq.s32 s7, s2  }
0x1e: {  	s7 =	smul.u32 @!p0 $0xF7A, s2;
	p2 =	seq.s32 @!p0 s5, $0x0  }
0x1f: {  	s9 =	smul.u32 $0xF7A, s1;
	s8 =	simm.s32 @!p0 $0x1BF5;
	p2 =	por !p2, p0  }
0x20: {  	[sflag:s8] =	ssyncset.s32 @!p0 $0xFFFFF086;
	s6 =	sadd.s32 @!p0 s3, s7;
	s7 =	simm.s32 @!p0 $0x108  }
0x21: {  	s3 =	sadd.s32 s3, s9;
	s6 =	sadd.s32 @!p0 $0x88, s6;
	s7 =	simm.s32 @p2 $0x1082  }
0x22: {  	[simem:s7], [sflag:s8] =	dma.local @!p0 [hbm:s6], $0xF7A  }
0x23: {  	s9 =	sor.u32 $0xD0000000, s2;
	s6 =	simm.s32 $0x108;
	_ =	swait.ge @!p0 [sflag:s8], $0x0  }
0x24: {  	s3 =	sadd.s32 $0x88, s3;
	s6 =	simm.s32 @!p1 $0x1082;
	[sflag:s4] =	ssyncset.s32 $0xFFFFF086  }
0x25: {  	[simem:s6], [sflag:s4] =	dma.local [hbm:s3], $0xF7A  }
0x26: {  	[smem:$0x3F81] =	sst s1;
	(tag) =	ssettag s2;
	_ =	strace s9  }
0x27: {  	s1 =	sld [smem:$0x3F91]  }
0x28: {  	s2 =	sld [smem:$0x3F92]  }
0x29: {  	s4 =	sld [smem:$0x3F94]  }
0x2a: {  	p0 =	seq.s32 s5, $0x0;
	s5 =	sld [smem:$0x3F95]  }
0x2b: {  	s6 =	sld [smem:$0x3F96]  }
0x2c: {  	s7 =	sld [smem:$0x3F97]  }
0x2d: {  	s3 =	simm.s32 $0x108;
	s8 =	sld [smem:$0x3F98]  }
0x2e: {  	s3 =	simm.s32 @!p0 $0x1082;
	s9 =	sld [smem:$0x3F99]  }
0x2f: {  	lr =	sadd.s32 s0, s3;
	s0 =	sld [smem:$0x3F90]  }
0x30: {  	s3 =	sld [smem:$0x3F93]  }
0x31: {  	[smem:$0x3F9C] =	sst s10  }
0x32: {  	s10 =	sld [smem:$0x3F9A];
	_ =	sdelay $0x3  }
0x33: {  	p0 =	seq.s32 s10, $0x1;
	s10 =	sld [smem:$0x3F9C];
	_ =	sdelay $0x3  }
0x34: {  	[smem:$0x3F9C] =	sst s10  }
0x35: {  	s10 =	sld [smem:$0x3F9B];
	_ =	sdelay $0x3  }
0x36: {  	p1 =	seq.s32 s10, $0x1;
	s10 =	sld [smem:$0x3F9C];
	_ =	sdelay $0x3  }
0x37: {  	[smem:$0x3F9C] =	sst s10  }
0x38: {  	s10 =	sld [smem:$0x3F9D]  }
0x39: {  	_ = 	snop;
	(pc) =	sbr.ind lr, $3  }
0x3a: {  	_ = 	snop  }
0x3b: {  	_ = 	snop  }
0x3c: {  	p2 =	seq.s32 s10, $0x1;
	s10 =	sld [smem:$0x3F9C]  }
0x3d: {  	_ =	shalt  }
0x3e: {  	_ =	shalt  }
0x3f: {  	_ =	shalt  }
0x40: {  	_ =	shalt  }
0x41: {  	_ =	shalt  }
0x42: {  	_ =	shalt  }
0x43: {  	_ =	shalt  }
0x44: {  	_ =	shalt  }
0x45: {  	_ =	shalt  }
0x46: {  	_ =	shalt  }
0x47: {  	_ =	shalt  }
0x48: {  	_ =	shalt  }
0x49: {  	_ =	shalt  }
0x4a: {  	_ =	shalt  }
0x4b: {  	_ =	shalt  }
0x4c: {  	_ =	shalt  }
0x4d: {  	_ =	shalt  }
0x4e: {  	_ =	shalt  }
0x4f: {  	_ =	shalt  }
0x50: {  	_ =	shalt  }
0x51: {  	_ =	shalt  }
0x52: {  	_ =	shalt  }
0x53: {  	_ =	shalt  }
0x54: {  	_ =	shalt  }
0x55: {  	_ =	shalt  }
0x56: {  	_ =	shalt  }
0x57: {  	_ =	shalt  }
0x58: {  	_ =	shalt  }
0x59: {  	_ =	shalt  }
0x5a: {  	_ =	shalt  }
0x5b: {  	_ =	shalt  }
0x5c: {  	_ =	shalt  }
0x5d: {  	_ =	shalt  }
0x5e: {  	_ =	shalt  }
0x5f: {  	_ =	shalt  }
0x60: {  	_ =	shalt  }
0x61: {  	_ =	shalt  }
0x62: {  	_ =	shalt  }
0x63: {  	_ =	shalt  }
0x64: {  	_ =	shalt  }
0x65: {  	_ =	shalt  }
0x66: {  	_ =	shalt  }
0x67: {  	_ =	shalt  }
0x68: {  	_ =	shalt  }
0x69: {  	_ =	shalt  }
0x6a: {  	_ =	shalt  }
0x6b: {  	_ =	shalt  }
0x6c: {  	_ =	shalt  }
0x6d: {  	_ =	shalt  }
0x6e: {  	_ =	shalt  }
0x6f: {  	_ =	shalt  }
0x70: {  	_ =	shalt  }
0x71: {  	_ =	shalt  }
0x72: {  	_ =	shalt  }
0x73: {  	_ =	shalt  }
0x74: {  	_ =	shalt  }
0x75: {  	_ =	shalt  }
0x76: {  	_ =	shalt  }
0x77: {  	_ =	shalt  }
0x78: {  	_ =	shalt  }
0x79: {  	_ =	shalt  }
0x7a: {  	_ =	shalt  }
0x7b: {  	_ =	shalt  }
0x7c: {  	_ =	shalt  }
0x7d: {  	_ =	shalt  }
0x7e: {  	_ =	shalt  }
0x7f: {  	_ =	shalt  }
0x80: {  	_ =	shalt  }
0x81: {  	_ =	shalt  }
0x82: {  	_ =	shalt  }
0x83: {  	_ =	shalt  }
0x84: {  	_ =	shalt  }
0x85: {  	_ =	shalt  }
0x86: {  	_ =	shalt  }
0x87: {  	_ =	shalt  }
.Lfunc_end0:
.L_simem_size_0:
called_computation.2_lowered:
.L_overlay_start_0:
0x88: {  	s2 =	sld [smem:$0x3FD9]  }
0x89: {  	s3 =	sld [smem:$0x3FFE];
	_ =	sdelay $0x1  }
0x8a: {  	s1 =	srdreg.scid  }
0x8b: {  	s0 =	sand.u32 $0x1, s1  }
0x8c: {  	s14 =	sshll.u32 s0, $0xA;
	s2 =	sadd.s32 s3, s2  }
0x8d: {  	s2 =	sadd.s32 s2, s14  }
0x8e: {  	[smem:$0x3FA8] =	sst s2  }
0x8f: {  	_ = 	snop  }
0x90: {  	s2 =	sld [smem:$0x3FD0];
	_ =	sdelay $0x2  }
0x91: {  	s15 =	simm.s32 $0xA;
	s4 =	simm.s32 $0x10  }
0x92: {  	[smem:s4], [sflag:s15] =	dma.local [hbm:s2], $0x1  }
0x93: {  	_ =	swait.eq [sflag:s15], $0x1  }
0x94: {  	[sflag:s15] =	ssyncset.done $0x0  }
0x95: {  	[sflag:s15] =	ssyncadd.s32 $0xFFFFFFFF  }
0x96: {  	s16 =	sld [smem:$0x11];
	(tm) =	ssettm $0x1  }
0x97: {  	s17 =	sld [smem:$0x3FFB];
	_ =	sdelay $0x3  }
0x98: {  	_ =	strace s17  }
0x99: {  	s3 =	sld [smem:$0x3FFC];
	_ =	sdelay $0x3  }
0x9a: {  	_ =	strace s3  }
0x9b: {  	s3 =	sld [smem:$0x3FFD];
	_ =	sdelay $0x3  }
0x9c: {  	_ =	strace s3  }
0x9d: {  	_ =	strace $0x8FFFFFFF  }
0x9e: {  	s18 =	sld [smem:$0x3FDB];
	_ =	sdelay $0x1  }
0x9f: {  	s19 =	simm.s32 $_scs_section_size  }
0xa0: {  	s5 =	simm.s32 $_size__tile_overlayer_lowered;
	s6 =	simm.s32 $_tile_overlayer_lowered  }
0xa1: {  	s22 =	simm.s32 $0x1BFF;
	s21 =	sshll.u32 s6, $0x1;
	s3 =	sadd.s32 s19, s18  }
0xa2: {  	s7 =	simm.s32 $0x0;
	s20 =	sshll.u32 s5, $0x1;
	s5 =	sadd.s32 s21, s3  }
0xa3: {  	[timem:s7], [sflag:s22] =	dma.local [hbm:s5], s20  }
0xa4: {  	_ =	swait.ge [sflag:s22], s20  }
0xa5: {  	s4 =	ssub.s32 $0x0, s20;
	[sflag:s22] =	ssyncset.done $0x0  }
0xa6: {  	[sflag:s22] =	ssyncadd.s32 s4;
	_ =	sdelay $0x1  }
0xa7: {  	s23 =	simm.s32 $0x1B8B  }
0xa8: {  	_ =	swait.ge [sflag:s23], $0x1  }
0xa9: {  	[sflag:s23] =	ssyncset.done $0x0  }
0xaa: {  	s25 =	simm.s32 $0x1B8E;
	s24 =	sld [smem:$0x3FFE];
	[sflag:s23] =	ssyncadd.s32 $0xFFFFFFFF  }
0xab: {  	s26 =	simm.s32 $execute0_lowered;
	[smem:$0x3FD2] =	sst s25  }
0xac: {  	s5 =	sshll.u32 s26, $0x1;
	_ =	strace $0x8000004C;
	[dreg:$0x1] =	wrdreg $0xFFFFFFFF  }
0xad: {  	s28 =	simm.s32 $_size_execute0_lowered;
	s3 =	sadd.s32 s3, s5;
	[dreg:$0x0] =	wrdreg $0x0  }
0xae: {  	s5 =	sshll.u32 s28, $0x1;
	[dreg:$0x2] =	wrdreg s3  }
0xaf: {  	[dreg:$0x3] =	wrdreg s5  }
0xb0: {  	[dreg:$0x4] =	wrdreg $0xC0  }
0xb1: {  	_ =	task [dreg:s7], $0x5FFFF  }
0xb2: {  	[dreg:$0x1] =	wrdreg $0xFFFFFFFF  }
0xb3: {  	[dreg:$0x0] =	wrdreg $0x60  }
0xb4: {  	[dreg:$0x2] =	wrdreg s16  }
0xb5: {  	[dreg:$0x3] =	wrdreg s24  }
0xb6: {  	[dreg:$0x4] =	wrdreg $0xA8000  }
0xb7: {  	[dreg:$0x5] =	wrdreg $0x9  }
0xb8: {  	_ =	task.clear_ibuf [dreg:s7], $0x6FFFF;
	_ =	strace $0x9000004C  }
0xb9: {  	s29 =	simm.s32 $0x9;
	_ =	strace $0x8000004E  }
0xba: {  	_ =	swait.ge [sflag:s29], $0x1  }
0xbb: {  	[sflag:s29] =	ssyncadd.s32 $0xFFFFFFFF  }
0xbc: {  	_ =	strace $0x9000004E  }
0xbd: {  	_ =	sfence  }
0xbe: {  	s30 =	sld [smem:$0x0];
	_ =	sdelay $0x2  }
0xbf: {  	s31 =	sshll.u32 s1, $0xD;
	s1 =	sshrl.u32 s1, $0x2  }
0xc0: {  	s3 =	sand.u32 $0x4000, s31;
	s1 =	sadd.s32 s1, s30  }
0xc1: {  	s0 =	sor.u32 s3, s0;
	s1 =	sshll.u32 s1, $0x11  }
0xc2: {  	s0 =	sor.u32 s1, s0  }
0xc3: {  	s0 =	sadd.s32 $0x8F2B, s0  }
0xc4: {  	[sflag:s0] =	ssyncadd.remote.s32 $0x1  }
0xc5: {  	_ =	sfence.sel $0xFFFF  }
0xc6: {  	[dreg:$0x0] =	wrdreg $0xFFFFFFFF;
	(pc) =	sbr.abs _section_cstart, $3  }
0xc7: {  	[dreg:$0x1] =	wrdreg $0xFFFFFFFF  }
0xc8: {  	_ =	task.clear_ibuf [dreg:s7], $0x2FFFF;
	_ =	strace $0x9FFFFFFF  }
0xc9: {  	(tm) =	ssettm $0x7FFFFFFF  }
tec
execute0_lowered:
.L_overlay_start_1:
0x0: {  	(tag) =	ssettag $0x1  }
0x1: {  	s0 =	srdreg.scid;
	s16 =	stileid.u32  }
0x2: {  	s2 =	rddreg [dreg:$0x0];
	s8 =	smul.u32 $0x280, s16  }
0x3: {  	s4 =	rddreg [dreg:$0x1];
	s17 =	smul.u32 $0x2800, s16  }
0x4: {  	s0 =	sand.u32 $0x1, s0;
	s1 =	sshll.u32 s16, $0x1;
	s25 =	smul.u32 $0x280000, s16  }
0x5: {  	s9 =	sadd.s32 $0x19C00, s4;
	s3 =	sor.u32 s0, s1;
	s14 =	smul.u32 $0x140000, s0  }
0x6: {  	s1 =	simm.s32 $0x0;
	s6 =	ssub.s32 $0x2, s0;
	s0 =	smul.u32 $0x28000, s0  }
0x7: {  	s5 =	smul.u32 $0x500, s3;
	[smem:$0x7FF] =	sst s1;
	s7 =	sshrl.u32 s6, $0x1  }
0x8: {  	s3 =	smul.u32 $0x140000, s3;
	s10 =	sor.u32 $0x50, s8;
	s15 =	sadd.s32 $0xA0, s8  }
0x9: {  	s24 =	sadd.s32 $0x140, s8;
	s26 =	sadd.s32 $0x190, s8;
	s28 =	sadd.s32 $0x1E0, s8  }
0xa: {  	s6 =	ssub.s32 s6, s7;
	s11 =	sshll.u32 s10, $0x4;
	s12 =	sshll.u32 s15, $0x4  }
0xb: {  	s7 =	sadd.s32 s2, s17;
	s21 =	sshll.u32 s24, $0x4;
	s13 =	sshll.u32 s26, $0x4  }
0xc: {  	s17 =	sshll.u32 s28, $0x4;
	s14 =	sadd.s32 s14, s25;
	s5 =	sadd.s32 s5, s4  }
0xd: {  	s3 =	sshrl.u32 s3, $0x3;
	[dreg:$0x4] =	wrdreg s7;
	s18 =	sadd.s32 s2, s11  }
0xe: {  	s19 =	sadd.s32 s2, s12;
	s12 =	sadd.s32 s2, s17;
	s17 =	rddreg [dreg:$0x2]  }
0xf: {  	s7 =	sadd.s32 $0xF0, s8;
	s22 =	sadd.s32 s2, s21;
	[dreg:$0x5] =	wrdreg s18  }
0x10: {  	s23 =	sadd.s32 s2, s13;
	s8 =	sadd.s32 $0x230, s8;
	[dreg:$0x6] =	wrdreg s19  }
0x11: {  	s4 =	sadd.s32 $0x519C00, s4;
	s21 =	smul.u32 $0x50000, s16;
	[dreg:$0x8] =	wrdreg s22  }
0x12: {  	s20 =	sshll.u32 s7, $0x4;
	[dreg:$0x9] =	wrdreg s23;
	s18 =	sshll.u32 s8, $0x4  }
0x13: {  	[dreg:$0xa] =	wrdreg s12;
	s19 =	sadd.s32 $0x27000, s3;
	s3 =	sadd.s32 $0x27800, s3  }
0x14: {  	s23 =	sshrl.u32 s14, $0x3;
	s12 =	sshll.u32 s28, $0x7;
	s11 =	sadd.s32 s2, s20  }
0x15: {  	s2 =	sadd.s32 s2, s18;
	s20 =	sadd.s32 s9, s19;
	s22 =	sadd.s32 s9, s3  }
0x16: {  	s13 =	sadd.s32 s4, s3;
	s14 =	sadd.s32 s23, s9;
	s9 =	sadd.s32 s21, s9  }
0x17: {  	s16 =	sadd.s32 s23, s4;
	s25 =	sadd.s32 s21, s4;
	[dreg:$0x7] =	wrdreg s11  }
0x18: {  	s18 =	sadd.s32 $0xFC00, s5;
	s28 =	sadd.s32 s12, s17;
	[dreg:$0xb] =	wrdreg s2  }
0x19: {  	s3 =	simm.s32 $0x6800;
	[dreg:$0xc] =	wrdreg s20;
	s2 =	sadd.s32 s4, s19  }
0x1a: {  	[dreg:$0xe] =	wrdreg s22;
	s4 =	sadd.s32 s0, s9;
	s0 =	sadd.s32 s0, s25  }
0x1b: {  	s19 =	sadd.s32 $0x5C00, s5;
	s20 =	smax.u32 s6, $0x1;
	s5 =	sshll.u32 s10, $0x7  }
0x1c: {  	s6 =	sshll.u32 s15, $0x7;
	s9 =	sshll.u32 s7, $0x7;
	s10 =	sshll.u32 s24, $0x7  }
0x1d: {  	s11 =	sshll.u32 s26, $0x7;
	s15 =	sshll.u32 s8, $0x7;
	s7 =	simm.s32 $0x0  }
0x1e: {  	[dreg:$0xd] =	wrdreg s2;
	s2 =	sshrl.u32 s21, $0x2;
	s22 =	sadd.s32 s5, s17  }
0x1f: {  	s23 =	sadd.s32 s6, s17;
	s24 =	sadd.s32 s9, s17;
	s25 =	sadd.s32 s10, s17  }
0x20: {  	s26 =	sadd.s32 s11, s17;
	s29 =	sadd.s32 s15, s17;
	s30 =	sadd.s32 $0x800, s4  }
0x21: {  	s31 =	sadd.s32 $0x800, s0;
	s15 =	simm.s32 $0x2800;
	s0 =	simm.s32 $0x3  }
0x22: {  	s4 =	simm.s32 $0x1;
	s5 =	simm.s32 $0x2;
	s6 =	simm.s32 $0x2780  }
0x23: {  	_ =	strace $0x8000004D;
	s21 =	sadd.s32 s2, s17;
	s2 =	simm.s32 $0x80  }
.LBB2_1:
0x24: {  	s8 =	rddreg [dreg:$0x4]  }
0x25: {  	[tilespmem:s15], [sflag:$0x3] =	stream.linear.gather [hbm4b:s8+s1], $0x2800, $0x38;
	[tilespmem:$0x1E800] =	vst v63  }
0x26: {  	_ =	swait.ge [sflag:s0], $0x2800  }
0x27: {  	[sflag:s0] =	ssyncset.done $0x0  }
0x28: {  	[sflag:s0] =	ssyncadd.s32 $0xFFFFD800  }
0x29: {  	[spmem:s21] =	stream.linear.scatter [tilespmem:s15], [sflag:$0x3], $0x2800, $0x38;
	[tilespmem:$0x1E800] =	vst v63  }
0x2a: {  	_ =	swait.ge [sflag:s0], $0x2800  }
0x2b: {  	[sflag:s0] =	ssyncset.done $0x0  }
0x2c: {  	s10 =	rddreg [dreg:$0x5];
	[sflag:s0] =	ssyncadd.s32 $0xFFFFD800  }
0x2d: {  	[tilespmem:s15], [sflag:$0x3] =	stream.linear.gather [hbm4b:s10+s1], $0x2800, $0x38;
	[tilespmem:$0x1E800] =	vst v63  }
0x2e: {  	_ =	swait.ge [sflag:s0], $0x2800  }
0x2f: {  	[sflag:s0] =	ssyncset.done $0x0  }
0x30: {  	[sflag:s0] =	ssyncadd.s32 $0xFFFFD800  }
0x31: {  	[spmem:s22] =	stream.linear.scatter [tilespmem:s15], [sflag:$0x3], $0x2800, $0x38;
	[tilespmem:$0x1E800] =	vst v63  }
0x32: {  	_ =	swait.ge [sflag:s0], $0x2800  }
0x33: {  	[sflag:s0] =	ssyncset.done $0x0  }
0x34: {  	s11 =	rddreg [dreg:$0x6];
	[sflag:s0] =	ssyncadd.s32 $0xFFFFD800  }
0x35: {  	[tilespmem:s15], [sflag:$0x3] =	stream.linear.gather [hbm4b:s11+s1], $0x2800, $0x38;
	[tilespmem:$0x1E800] =	vst v63  }
0x36: {  	_ =	swait.ge [sflag:s0], $0x2800  }
0x37: {  	[sflag:s0] =	ssyncset.done $0x0  }
0x38: {  	[sflag:s0] =	ssyncadd.s32 $0xFFFFD800  }
0x39: {  	[spmem:s23] =	stream.linear.scatter [tilespmem:s15], [sflag:$0x3], $0x2800, $0x38;
	[tilespmem:$0x1E800] =	vst v63  }
0x3a: {  	_ =	swait.ge [sflag:s0], $0x2800  }
0x3b: {  	[sflag:s0] =	ssyncset.done $0x0  }
0x3c: {  	s12 =	rddreg [dreg:$0x7];
	[sflag:s0] =	ssyncadd.s32 $0xFFFFD800  }
0x3d: {  	[tilespmem:s15], [sflag:$0x3] =	stream.linear.gather [hbm4b:s12+s1], $0x2800, $0x38;
	[tilespmem:$0x1E800] =	vst v63  }
0x3e: {  	_ =	swait.ge [sflag:s0], $0x2800  }
0x3f: {  	[sflag:s0] =	ssyncset.done $0x0  }
0x40: {  	[sflag:s0] =	ssyncadd.s32 $0xFFFFD800  }
0x41: {  	[spmem:s24] =	stream.linear.scatter [tilespmem:s15], [sflag:$0x3], $0x2800, $0x38;
	[tilespmem:$0x1E800] =	vst v63  }
0x42: {  	_ =	swait.ge [sflag:s0], $0x2800  }
0x43: {  	[sflag:s0] =	ssyncset.done $0x0  }
0x44: {  	s9 =	rddreg [dreg:$0x8];
	[sflag:s0] =	ssyncadd.s32 $0xFFFFD800  }
0x45: {  	[tilespmem:s15], [sflag:$0x3] =	stream.linear.gather [hbm4b:s9+s1], $0x2800, $0x38;
	[tilespmem:$0x1E800] =	vst v63  }
0x46: {  	_ =	swait.ge [sflag:s0], $0x2800  }
0x47: {  	[sflag:s0] =	ssyncset.done $0x0  }
0x48: {  	[sflag:s0] =	ssyncadd.s32 $0xFFFFD800  }
0x49: {  	[spmem:s25] =	stream.linear.scatter [tilespmem:s15], [sflag:$0x3], $0x2800, $0x38;
	[tilespmem:$0x1E800] =	vst v63  }
0x4a: {  	_ =	swait.ge [sflag:s0], $0x2800  }
0x4b: {  	[sflag:s0] =	ssyncset.done $0x0  }
0x4c: {  	s10 =	rddreg [dreg:$0x9];
	[sflag:s0] =	ssyncadd.s32 $0xFFFFD800  }
0x4d: {  	[tilespmem:s15], [sflag:$0x3] =	stream.linear.gather [hbm4b:s10+s1], $0x2800, $0x38;
	[tilespmem:$0x1E800] =	vst v63  }
0x4e: {  	_ =	swait.ge [sflag:s0], $0x2800  }
0x4f: {  	[sflag:s0] =	ssyncset.done $0x0  }
0x50: {  	[sflag:s0] =	ssyncadd.s32 $0xFFFFD800  }
0x51: {  	[spmem:s26] =	stream.linear.scatter [tilespmem:s15], [sflag:$0x3], $0x2800, $0x38;
	[tilespmem:$0x1E800] =	vst v63  }
0x52: {  	_ =	swait.ge [sflag:s0], $0x2800  }
0x53: {  	[sflag:s0] =	ssyncset.done $0x0  }
0x54: {  	s11 =	rddreg [dreg:$0xa];
	[sflag:s0] =	ssyncadd.s32 $0xFFFFD800  }
0x55: {  	[tilespmem:s15], [sflag:$0x3] =	stream.linear.gather [hbm4b:s11+s1], $0x2800, $0x38;
	[tilespmem:$0x1E800] =	vst v63  }
0x56: {  	_ =	swait.ge [sflag:s0], $0x2800  }
0x57: {  	[sflag:s0] =	ssyncset.done $0x0  }
0x58: {  	[sflag:s0] =	ssyncadd.s32 $0xFFFFD800  }
0x59: {  	[spmem:s28] =	stream.linear.scatter [tilespmem:s15], [sflag:$0x3], $0x2800, $0x38;
	[tilespmem:$0x1E800] =	vst v63  }
0x5a: {  	_ =	swait.ge [sflag:s0], $0x2800  }
0x5b: {  	[sflag:s0] =	ssyncset.done $0x0  }
0x5c: {  	s12 =	rddreg [dreg:$0xb];
	[sflag:s0] =	ssyncadd.s32 $0xFFFFD800  }
0x5d: {  	[tilespmem:s15], [sflag:$0x3] =	stream.linear.gather [hbm4b:s12+s1], $0x2800, $0x38;
	[tilespmem:$0x1E800] =	vst v63  }
0x5e: {  	_ =	swait.ge [sflag:s0], $0x2800  }
0x5f: {  	[sflag:s0] =	ssyncset.done $0x0  }
0x60: {  	[sflag:s0] =	ssyncadd.s32 $0xFFFFD800  }
0x61: {  	[spmem:s29] =	stream.linear.scatter [tilespmem:s15], [sflag:$0x3], $0x2800, $0x38;
	[tilespmem:$0x1E800] =	vst v63  }
0x62: {  	_ =	swait.ge [sflag:s0], $0x2800  }
0x63: {  	[sflag:s0] =	ssyncset.done $0x0  }
0x64: {  	[sflag:s0] =	ssyncadd.s32 $0xFFFFD800  }
0x65: {  	[bflag:$0x0] =	sbarrier.arrive $0xFFFF  }
0x66: {  	[tilespmem:s1], [sflag:$0x3] =	stream.linear.gather [hbm4b:s18+s1], $0x2800, $0x38;
	[tilespmem:$0x1E800] =	vst v63  }
0x67: {  	_ =	swait.ge [sflag:s0], $0x2800  }
0x68: {  	[sflag:s0] =	ssyncset.done $0x0  }
0x69: {  	[sflag:s0] =	ssyncadd.s32 $0xFFFFD800  }
0x6a: {  	[tilespmem:s15], [sflag:$0x1] =	stream.indirect.gather [spmem:s17], $0x80, s1, s2, $0xb8;
	[tilespmem:$0x1E800] =	vst v63  }
0x6b: {  	s9 =	simm.s32 $0x80  }
0x6c: {  	[tilespmem:s3], [sflag:$0x2] =	stream.indirect.gather [spmem:s17], $0x80, s9, s2, $0xb8;
	[tilespmem:$0x1E800] =	vst v63  }
0x6d: {  	_ =	swait.ge [sflag:s4], $0x4000  }
0x6e: {  	[sflag:s4] =	ssyncset.done $0x0  }
0x6f: {  	s10 =	sadd.s32 $0x0, s14;
	[sflag:s4] =	ssyncadd.s32 $0xFFFFC000  }
0x70: {  	[hbm4b:s10+s1] =	stream.linear.scatter [tilespmem:s15], [sflag:$0x3], $0x4000, $0x38;
	[tilespmem:$0x1E800] =	vst v63  }
0x71: {  	_ =	swait.ge [sflag:s0], $0x4000  }
0x72: {  	[sflag:s0] =	ssyncset.done $0x0  }
0x73: {  	s11 =	simm.s32 $0x100;
	[sflag:s0] =	ssyncadd.s32 $0xFFFFC000  }
0x74: {  	[tilespmem:s15], [sflag:$0x1] =	stream.indirect.gather [spmem:s17], $0x80, s11, s2, $0xb8;
	[tilespmem:$0x1E800] =	vst v63  }
0x75: {  	_ =	swait.ge [sflag:s5], $0x4000  }
0x76: {  	[sflag:s5] =	ssyncset.done $0x0  }
0x77: {  	s12 =	sadd.s32 $0x0, s30;
	[sflag:s5] =	ssyncadd.s32 $0xFFFFC000  }
0x78: {  	[hbm4b:s12+s1] =	stream.linear.scatter [tilespmem:s3], [sflag:$0x3], $0x4000, $0x38;
	[tilespmem:$0x1E800] =	vst v63  }
0x79: {  	s8 =	simm.s32 $0x1000;
	_ =	swait.ge [sflag:s0], $0x4000  }
0x7a: {  	s9 =	simm.s32 $0x200;
	s10 =	simm.s32 $0x2000;
	[sflag:s0] =	ssyncset.done $0x0  }
.LBB2_2:
0x7b: {  	p0 =	sne.s32 s10, $0x26000;
	s11 =	sadd.s32 $0xFFFFFF80, s9;
	[sflag:s0] =	ssyncadd.s32 $0xFFFFC000  }
0x7c: {  	[tilespmem:s3], [sflag:$0x2] =	stream.indirect.gather [spmem:s17], $0x80, s11, s2, $0xb8;
	[tilespmem:$0x1E800] =	vst v63  }
0x7d: {  	s11 =	smov.u32 s10;
	s10 =	sadd.s32 $0x1000, s10;
	_ =	swait.ge [sflag:s4], $0x4000  }
0x7e: {  	[sflag:s4] =	ssyncset.done $0x0  }
0x7f: {  	s12 =	sadd.s32 s8, s14;
	[sflag:s4] =	ssyncadd.s32 $0xFFFFC000  }
0x80: {  	[hbm4b:s12+s1] =	stream.linear.scatter [tilespmem:s15], [sflag:$0x3], $0x4000, $0x38;
	[tilespmem:$0x1E800] =	vst v63  }
0x81: {  	_ =	swait.ge [sflag:s0], $0x4000  }
0x82: {  	[sflag:s0] =	ssyncset.done $0x0  }
0x83: {  	[sflag:s0] =	ssyncadd.s32 $0xFFFFC000  }
0x84: {  	[tilespmem:s15], [sflag:$0x1] =	stream.indirect.gather [spmem:s17], $0x80, s9, s2, $0xb8;
	[tilespmem:$0x1E800] =	vst v63  }
0x85: {  	_ =	swait.ge [sflag:s5], $0x4000  }
.Ltmp0:
0x86: {  	[sflag:s5] =	ssyncset.done $0x0;
	(pc) =	sbr.rel @p0 .LBB2_2-.Ltmp0, $4  }
0x87: {  	s12 =	sadd.s32 s8, s30;
	s8 =	smov.u32 s11;
	[sflag:s5] =	ssyncadd.s32 $0xFFFFC000  }
0x88: {  	[hbm4b:s12+s1] =	stream.linear.scatter [tilespmem:s3], [sflag:$0x3], $0x4000, $0x38;
	[tilespmem:$0x1E800] =	vst v63  }
0x89: {  	_ =	swait.ge [sflag:s0], $0x4000  }
0x8a: {  	s9 =	sadd.s32 $0x100, s9;
	[sflag:s0] =	ssyncset.done $0x0  }
0x8b: {  	s10 =	sadd.s32 $0xFFFFFF80, s9;
	[sflag:s0] =	ssyncadd.s32 $0xFFFFC000  }
0x8c: {  	[tilespmem:s3], [sflag:$0x2] =	stream.indirect.gather [spmem:s17], $0x80, s10, s2, $0xb8;
	[tilespmem:$0x1E800] =	vst v63  }
0x8d: {  	_ =	swait.ge [sflag:s4], $0x4000  }
0x8e: {  	[sflag:s4] =	ssyncset.done $0x0  }
0x8f: {  	s12 =	sadd.s32 s8, s14;
	[sflag:s4] =	ssyncadd.s32 $0xFFFFC000  }
0x90: {  	[hbm4b:s12+s1] =	stream.linear.scatter [tilespmem:s15], [sflag:$0x3], $0x4000, $0x38;
	[tilespmem:$0x1E800] =	vst v63  }
0x91: {  	_ =	swait.ge [sflag:s0], $0x4000  }
0x92: {  	[sflag:s0] =	ssyncset.done $0x0  }
0x93: {  	[sflag:s0] =	ssyncadd.s32 $0xFFFFC000  }
0x94: {  	[tilespmem:s15], [sflag:$0x1] =	stream.indirect.gather [spmem:s17], $0x80, s9, s2, $0xb8;
	[tilespmem:$0x1E800] =	vst v63  }
0x95: {  	_ =	swait.ge [sflag:s5], $0x4000  }
0x96: {  	[sflag:s5] =	ssyncset.done $0x0  }
0x97: {  	s9 =	sadd.s32 s8, s30;
	[sflag:s5] =	ssyncadd.s32 $0xFFFFC000  }
0x98: {  	[hbm4b:s9+s1] =	stream.linear.scatter [tilespmem:s3], [sflag:$0x3], $0x4000, $0x38;
	[tilespmem:$0x1E800] =	vst v63  }
0x99: {  	_ =	swait.ge [sflag:s0], $0x4000  }
0x9a: {  	[sflag:s0] =	ssyncset.done $0x0  }
0x9b: {  	[sflag:s0] =	ssyncadd.s32 $0xFFFFC000  }
0x9c: {  	[tilespmem:s3], [sflag:$0x2] =	stream.indirect.gather [spmem:s17], $0x80, s6, s2, $0xb8;
	[tilespmem:$0x1E800] =	vst v63  }
0x9d: {  	_ =	swait.ge [sflag:s4], $0x4000  }
0x9e: {  	[sflag:s4] =	ssyncset.done $0x0  }
0x9f: {  	s10 =	simm.s32 $0x0;
	s11 =	rddreg [dreg:$0xc];
	[sflag:s4] =	ssyncadd.s32 $0xFFFFC000  }
0xa0: {  	[hbm4b:s11+s10] =	stream.linear.scatter [tilespmem:s15], [sflag:$0x3], $0x4000, $0x38;
	[tilespmem:$0x1E800] =	vst v63  }
0xa1: {  	_ =	swait.ge [sflag:s0], $0x4000  }
0xa2: {  	[sflag:s0] =	ssyncset.done $0x0  }
0xa3: {  	[sflag:s0] =	ssyncadd.s32 $0xFFFFC000  }
0xa4: {  	_ =	swait.ge [sflag:s5], $0x4000  }
0xa5: {  	[sflag:s5] =	ssyncset.done $0x0  }
0xa6: {  	s12 =	rddreg [dreg:$0xe];
	[sflag:s5] =	ssyncadd.s32 $0xFFFFC000  }
0xa7: {  	[hbm4b:s12+s10] =	stream.linear.scatter [tilespmem:s3], [sflag:$0x3], $0x4000, $0x38;
	[tilespmem:$0x1E800] =	vst v63  }
0xa8: {  	_ =	swait.ge [sflag:s0], $0x4000  }
0xa9: {  	[sflag:s0] =	ssyncset.done $0x0  }
0xaa: {  	[sflag:s0] =	ssyncadd.s32 $0xFFFFC000  }
0xab: {  	[tilespmem:s10], [sflag:$0x3] =	stream.linear.gather [hbm4b:s19+s10], $0x2800, $0x38;
	[tilespmem:$0x1E800] =	vst v63  }
0xac: {  	_ =	swait.ge [sflag:s0], $0x2800  }
0xad: {  	[sflag:s0] =	ssyncset.done $0x0  }
0xae: {  	[sflag:s0] =	ssyncadd.s32 $0xFFFFD800  }
0xaf: {  	[tilespmem:s15], [sflag:$0x1] =	stream.indirect.gather [spmem:s17], $0x80, s10, s2, $0xb8;
	[tilespmem:$0x1E800] =	vst v63  }
0xb0: {  	s9 =	simm.s32 $0x80  }
0xb1: {  	[tilespmem:s3], [sflag:$0x2] =	stream.indirect.gather [spmem:s17], $0x80, s9, s2, $0xb8;
	[tilespmem:$0x1E800] =	vst v63  }
0xb2: {  	_ =	swait.ge [sflag:s4], $0x4000  }
0xb3: {  	[sflag:s4] =	ssyncset.done $0x0  }
0xb4: {  	s10 =	sadd.s32 $0x0, s16;
	[sflag:s4] =	ssyncadd.s32 $0xFFFFC000  }
0xb5: {  	[hbm4b:s10+s1] =	stream.linear.scatter [tilespmem:s15], [sflag:$0x3], $0x4000, $0x38;
	[tilespmem:$0x1E800] =	vst v63  }
0xb6: {  	_ =	swait.ge [sflag:s0], $0x4000  }
0xb7: {  	[sflag:s0] =	ssyncset.done $0x0  }
0xb8: {  	s11 =	simm.s32 $0x100;
	[sflag:s0] =	ssyncadd.s32 $0xFFFFC000  }
0xb9: {  	[tilespmem:s15], [sflag:$0x1] =	stream.indirect.gather [spmem:s17], $0x80, s11, s2, $0xb8;
	[tilespmem:$0x1E800] =	vst v63  }
0xba: {  	_ =	swait.ge [sflag:s5], $0x4000  }
0xbb: {  	[sflag:s5] =	ssyncset.done $0x0  }
0xbc: {  	s12 =	sadd.s32 $0x0, s31;
	[sflag:s5] =	ssyncadd.s32 $0xFFFFC000  }
0xbd: {  	[hbm4b:s12+s1] =	stream.linear.scatter [tilespmem:s3], [sflag:$0x3], $0x4000, $0x38;
	[tilespmem:$0x1E800] =	vst v63  }
0xbe: {  	s8 =	simm.s32 $0x1000;
	_ =	swait.ge [sflag:s0], $0x4000  }
0xbf: {  	s9 =	simm.s32 $0x200;
	s10 =	simm.s32 $0x2000;
	[sflag:s0] =	ssyncset.done $0x0  }
.LBB2_4:
0xc0: {  	p0 =	sne.s32 s10, $0x26000;
	s11 =	sadd.s32 $0xFFFFFF80, s9;
	[sflag:s0] =	ssyncadd.s32 $0xFFFFC000  }
0xc1: {  	[tilespmem:s3], [sflag:$0x2] =	stream.indirect.gather [spmem:s17], $0x80, s11, s2, $0xb8;
	[tilespmem:$0x1E800] =	vst v63  }
0xc2: {  	s11 =	smov.u32 s10;
	s10 =	sadd.s32 $0x1000, s10;
	_ =	swait.ge [sflag:s4], $0x4000  }
0xc3: {  	[sflag:s4] =	ssyncset.done $0x0  }
0xc4: {  	s12 =	sadd.s32 s8, s16;
	[sflag:s4] =	ssyncadd.s32 $0xFFFFC000  }
0xc5: {  	[hbm4b:s12+s1] =	stream.linear.scatter [tilespmem:s15], [sflag:$0x3], $0x4000, $0x38;
	[tilespmem:$0x1E800] =	vst v63  }
0xc6: {  	_ =	swait.ge [sflag:s0], $0x4000  }
0xc7: {  	[sflag:s0] =	ssyncset.done $0x0  }
0xc8: {  	[sflag:s0] =	ssyncadd.s32 $0xFFFFC000  }
0xc9: {  	[tilespmem:s15], [sflag:$0x1] =	stream.indirect.gather [spmem:s17], $0x80, s9, s2, $0xb8;
	[tilespmem:$0x1E800] =	vst v63  }
0xca: {  	_ =	swait.ge [sflag:s5], $0x4000  }
.Ltmp1:
0xcb: {  	[sflag:s5] =	ssyncset.done $0x0;
	(pc) =	sbr.rel @p0 .LBB2_4-.Ltmp1, $4  }
0xcc: {  	s12 =	sadd.s32 s8, s31;
	s8 =	smov.u32 s11;
	[sflag:s5] =	ssyncadd.s32 $0xFFFFC000  }
0xcd: {  	[hbm4b:s12+s1] =	stream.linear.scatter [tilespmem:s3], [sflag:$0x3], $0x4000, $0x38;
	[tilespmem:$0x1E800] =	vst v63  }
0xce: {  	_ =	swait.ge [sflag:s0], $0x4000  }
0xcf: {  	s9 =	sadd.s32 $0x100, s9;
	[sflag:s0] =	ssyncset.done $0x0  }
0xd0: {  	s10 =	sadd.s32 $0xFFFFFF80, s9;
	[sflag:s0] =	ssyncadd.s32 $0xFFFFC000  }
0xd1: {  	[tilespmem:s3], [sflag:$0x2] =	stream.indirect.gather [spmem:s17], $0x80, s10, s2, $0xb8;
	[tilespmem:$0x1E800] =	vst v63  }
0xd2: {  	_ =	swait.ge [sflag:s4], $0x4000  }
0xd3: {  	[sflag:s4] =	ssyncset.done $0x0  }
0xd4: {  	s12 =	sadd.s32 s8, s16;
	[sflag:s4] =	ssyncadd.s32 $0xFFFFC000  }
0xd5: {  	[hbm4b:s12+s1] =	stream.linear.scatter [tilespmem:s15], [sflag:$0x3], $0x4000, $0x38;
	[tilespmem:$0x1E800] =	vst v63  }
0xd6: {  	_ =	swait.ge [sflag:s0], $0x4000  }
0xd7: {  	[sflag:s0] =	ssyncset.done $0x0  }
0xd8: {  	[sflag:s0] =	ssyncadd.s32 $0xFFFFC000  }
0xd9: {  	[tilespmem:s15], [sflag:$0x1] =	stream.indirect.gather [spmem:s17], $0x80, s9, s2, $0xb8;
	[tilespmem:$0x1E800] =	vst v63  }
0xda: {  	_ =	swait.ge [sflag:s5], $0x4000  }
0xdb: {  	[sflag:s5] =	ssyncset.done $0x0  }
0xdc: {  	s11 =	sadd.s32 s8, s31;
	[sflag:s5] =	ssyncadd.s32 $0xFFFFC000  }
0xdd: {  	[hbm4b:s11+s1] =	stream.linear.scatter [tilespmem:s3], [sflag:$0x3], $0x4000, $0x38;
	[tilespmem:$0x1E800] =	vst v63  }
0xde: {  	_ =	swait.ge [sflag:s0], $0x4000  }
0xdf: {  	[sflag:s0] =	ssyncset.done $0x0  }
0xe0: {  	[sflag:s0] =	ssyncadd.s32 $0xFFFFC000  }
0xe1: {  	[tilespmem:s3], [sflag:$0x2] =	stream.indirect.gather [spmem:s17], $0x80, s6, s2, $0xb8;
	[tilespmem:$0x1E800] =	vst v63  }
0xe2: {  	_ =	swait.ge [sflag:s4], $0x4000  }
0xe3: {  	[sflag:s4] =	ssyncset.done $0x0  }
0xe4: {  	s12 =	rddreg [dreg:$0xd];
	[sflag:s4] =	ssyncadd.s32 $0xFFFFC000  }
0xe5: {  	[hbm4b:s12+s1] =	stream.linear.scatter [tilespmem:s15], [sflag:$0x3], $0x4000, $0x38;
	[tilespmem:$0x1E800] =	vst v63  }
0xe6: {  	_ =	swait.ge [sflag:s0], $0x4000  }
0xe7: {  	[sflag:s0] =	ssyncset.done $0x0  }
0xe8: {  	[sflag:s0] =	ssyncadd.s32 $0xFFFFC000  }
0xe9: {  	s7 =	sadd.s32 $0x1, s7;
	_ =	swait.ge [sflag:s5], $0x4000  }
0xea: {  	p0 =	sne.s32 s7, s20;
	[sflag:s5] =	ssyncset.done $0x0  }
.Ltmp2:
0xeb: {  	[sflag:s5] =	ssyncadd.s32 $0xFFFFC000;
	(pc) =	sbr.rel @p0 .LBB2_1-.Ltmp2, $4  }
0xec: {  	[hbm4b:s13+s1] =	stream.linear.scatter [tilespmem:s3], [sflag:$0x3], $0x4000, $0x38;
	[tilespmem:$0x1E800] =	vst v63  }
0xed: {  	_ =	swait.ge [sflag:s0], $0x4000  }
0xee: {  	[sflag:s0] =	ssyncset.done $0x0  }
0xef: {  	[sflag:s0] =	ssyncadd.s32 $0xFFFFC000  }
0xf0: {  	_ =	sfence.sel $0x180000  }
0xf1: {  	[bflag:$0x0] =	sbarrier.arrive $0xFFFF  }
0xf2: {  	_ =	strace $0x9000004D  }
0xf3: {  	s0 =	stileid.u32;
	[bflag:$0x2] =	sbarrier.arrive $0xFFFF  }
0xf4: {  	p0 =	sne.s32 s0, $0x0;
	s0 =	rddreg [dreg:$0x3]  }
0xf5: {  	s0 =	sadd.s32 @!p0 $0x100000, s0  }
0xf6: {  	[sflag:s0] =	ssyncadd.tile.s32 @!p0 $0x1;
	_ =	shalt  }
.Lfunc_end2:
_tile_overlayer_lowered:
.L_overlay_start_2:
0xf7: {  	(tag) =	ssettag $0x2  }
0xf8: {  	s0 =	rddreg [dreg:$0x0];
	s2 =	stileid.u32  }
0xf9: {  	s1 =	rddreg [dreg:$0x1];
	p0 =	sne.s32 s2, $0x0  }
0xfa: {  	s3 =	rddreg [dreg:$0x2];
	[bflag:$0x3] =	sbarrier.arrive $0xFFFF;
	s2 =	simm.s32 @!p0 $0x1C03  }
0xfb: {  	[timem:s3], [sflag:s2] =	dma.local @!p0 [hbm:s0], s1  }
0xfc: {  	s0 =	simm.s32 @!p0 $0x3  }
0xfd: {  	_ =	swait.ge @!p0 [sflag:s0], s1  }
0xfe: {  	s1 =	ssub.s32 @!p0 $0x0, s1;
	[sflag:s0] =	ssyncset.done @!p0 $0x0  }
0xff: {  	[sflag:s0] =	ssyncadd.s32 @!p0 s1  }
0x100: {  	[bflag:$0x3] =	sbarrier.arrive $0xFFFF  }
0x101: {  	_ =	shalt  }

// kernel: kernel.9.cloned.1.call-start
scs
__scs_entry_jumppad:
0x0: {  	(pc) =	sbr.rel $0x88, $3  }
0x1: {  	(tag) =	ssettag $0x0;
	lr =	simm.s32 $0x1  }
0x2: {  	[smem:$0x3F81] =	sst lr;
	_ =	strace $0xD0000000  }
0x3: {  	_ = 	snop  }
0x4: {  	_ = 	snop  }
0x5: {  	_ = 	snop  }
0x6: {  	_ = 	snop  }
0x7: {  	_ = 	snop  }
__scs_overlays_trampoline_lowered:
0x8: {  	[smem:$0x3F90] =	sst s0  }
0x9: {  	[smem:$0x3F91] =	sst s1  }
0xa: {  	[smem:$0x3F92] =	sst s2  }
0xb: {  	[smem:$0x3F93] =	sst s3  }
0xc: {  	[smem:$0x3F94] =	sst s4  }
0xd: {  	[smem:$0x3F95] =	sst s5  }
0xe: {  	[smem:$0x3F96] =	sst s6  }
0xf: {  	[smem:$0x3F97] =	sst s7  }
0x10: {  	[smem:$0x3F98] =	sst s8  }
0x11: {  	[smem:$0x3F99] =	sst s9;
	s0 =	simm.s32 @!p0 $0x0  }
0x12: {  	s1 =	sld [smem:$0x3F7F];
	s0 =	simm.s32 @p0 $0x1  }
0x13: {  	[smem:$0x3F9A] =	sst s0;
	s0 =	simm.s32 @!p1 $0x0  }
0x14: {  	s2 =	sld [smem:$0x3F7E];
	s0 =	simm.s32 @p1 $0x1  }
0x15: {  	[smem:$0x3F9B] =	sst s0;
	s0 =	simm.s32 @!p2 $0x0  }
0x16: {  	s3 =	sld [smem:$0x3FDB];
	s0 =	simm.s32 @p2 $0x1  }
0x17: {  	s4 =	simm.s32 $0x1BF5;
	[smem:$0x3F9D] =	sst s0  }
0x18: {  	s0 =	sld [smem:$0x3F80];
	_ =	swait.ge [sflag:s4], $0x0  }
0x19: {  	s7 =	sld [smem:$0x3F81]  }
0x1a: {  	s8 =	sadd.s32 $0xFFFFE003, lr  }
0x1b: {  	s9 =	sadd.s32 $0xFFFFFEF7, lr;
	s5 =	simm.s32 $0xFFFFFFFF;
	p2 =	slt.u32 s8, $0xFFFFF086  }
0x1c: {  	p1 =	slt.u32 s9, $0xF7A;
	s5 =	simm.s32 @!p2 $0x0  }
0x1d: {  	s5 =	simm.s32 @p1 $0x1;
	p0 =	seq.s32 s7, s2  }
0x1e: {  	s7 =	smul.u32 @!p0 $0xF7A, s2;
	p2 =	seq.s32 @!p0 s5, $0x0  }
0x1f: {  	s9 =	smul.u32 $0xF7A, s1;
	s8 =	simm.s32 @!p0 $0x1BF5;
	p2 =	por !p2, p0  }
0x20: {  	[sflag:s8] =	ssyncset.s32 @!p0 $0xFFFFF086;
	s6 =	sadd.s32 @!p0 s3, s7;
	s7 =	simm.s32 @!p0 $0x108  }
0x21: {  	s3 =	sadd.s32 s3, s9;
	s6 =	sadd.s32 @!p0 $0x88, s6;
	s7 =	simm.s32 @p2 $0x1082  }
0x22: {  	[simem:s7], [sflag:s8] =	dma.local @!p0 [hbm:s6], $0xF7A  }
0x23: {  	s9 =	sor.u32 $0xD0000000, s2;
	s6 =	simm.s32 $0x108;
	_ =	swait.ge @!p0 [sflag:s8], $0x0  }
0x24: {  	s3 =	sadd.s32 $0x88, s3;
	s6 =	simm.s32 @!p1 $0x1082;
	[sflag:s4] =	ssyncset.s32 $0xFFFFF086  }
0x25: {  	[simem:s6], [sflag:s4] =	dma.local [hbm:s3], $0xF7A  }
0x26: {  	[smem:$0x3F81] =	sst s1;
	(tag) =	ssettag s2;
	_ =	strace s9  }
0x27: {  	s1 =	sld [smem:$0x3F91]  }
0x28: {  	s2 =	sld [smem:$0x3F92]  }
0x29: {  	s4 =	sld [smem:$0x3F94]  }
0x2a: {  	p0 =	seq.s32 s5, $0x0;
	s5 =	sld [smem:$0x3F95]  }
0x2b: {  	s6 =	sld [smem:$0x3F96]  }
0x2c: {  	s7 =	sld [smem:$0x3F97]  }
0x2d: {  	s3 =	simm.s32 $0x108;
	s8 =	sld [smem:$0x3F98]  }
0x2e: {  	s3 =	simm.s32 @!p0 $0x1082;
	s9 =	sld [smem:$0x3F99]  }
0x2f: {  	lr =	sadd.s32 s0, s3;
	s0 =	sld [smem:$0x3F90]  }
0x30: {  	s3 =	sld [smem:$0x3F93]  }
0x31: {  	[smem:$0x3F9C] =	sst s10  }
0x32: {  	s10 =	sld [smem:$0x3F9A];
	_ =	sdelay $0x3  }
0x33: {  	p0 =	seq.s32 s10, $0x1;
	s10 =	sld [smem:$0x3F9C];
	_ =	sdelay $0x3  }
0x34: {  	[smem:$0x3F9C] =	sst s10  }
0x35: {  	s10 =	sld [smem:$0x3F9B];
	_ =	sdelay $0x3  }
0x36: {  	p1 =	seq.s32 s10, $0x1;
	s10 =	sld [smem:$0x3F9C];
	_ =	sdelay $0x3  }
0x37: {  	[smem:$0x3F9C] =	sst s10  }
0x38: {  	s10 =	sld [smem:$0x3F9D]  }
0x39: {  	_ = 	snop;
	(pc) =	sbr.ind lr, $3  }
0x3a: {  	_ = 	snop  }
0x3b: {  	_ = 	snop  }
0x3c: {  	p2 =	seq.s32 s10, $0x1;
	s10 =	sld [smem:$0x3F9C]  }
0x3d: {  	_ =	shalt  }
0x3e: {  	_ =	shalt  }
0x3f: {  	_ =	shalt  }
0x40: {  	_ =	shalt  }
0x41: {  	_ =	shalt  }
0x42: {  	_ =	shalt  }
0x43: {  	_ =	shalt  }
0x44: {  	_ =	shalt  }
0x45: {  	_ =	shalt  }
0x46: {  	_ =	shalt  }
0x47: {  	_ =	shalt  }
0x48: {  	_ =	shalt  }
0x49: {  	_ =	shalt  }
0x4a: {  	_ =	shalt  }
0x4b: {  	_ =	shalt  }
0x4c: {  	_ =	shalt  }
0x4d: {  	_ =	shalt  }
0x4e: {  	_ =	shalt  }
0x4f: {  	_ =	shalt  }
0x50: {  	_ =	shalt  }
0x51: {  	_ =	shalt  }
0x52: {  	_ =	shalt  }
0x53: {  	_ =	shalt  }
0x54: {  	_ =	shalt  }
0x55: {  	_ =	shalt  }
0x56: {  	_ =	shalt  }
0x57: {  	_ =	shalt  }
0x58: {  	_ =	shalt  }
0x59: {  	_ =	shalt  }
0x5a: {  	_ =	shalt  }
0x5b: {  	_ =	shalt  }
0x5c: {  	_ =	shalt  }
0x5d: {  	_ =	shalt  }
0x5e: {  	_ =	shalt  }
0x5f: {  	_ =	shalt  }
0x60: {  	_ =	shalt  }
0x61: {  	_ =	shalt  }
0x62: {  	_ =	shalt  }
0x63: {  	_ =	shalt  }
0x64: {  	_ =	shalt  }
0x65: {  	_ =	shalt  }
0x66: {  	_ =	shalt  }
0x67: {  	_ =	shalt  }
0x68: {  	_ =	shalt  }
0x69: {  	_ =	shalt  }
0x6a: {  	_ =	shalt  }
0x6b: {  	_ =	shalt  }
0x6c: {  	_ =	shalt  }
0x6d: {  	_ =	shalt  }
0x6e: {  	_ =	shalt  }
0x6f: {  	_ =	shalt  }
0x70: {  	_ =	shalt  }
0x71: {  	_ =	shalt  }
0x72: {  	_ =	shalt  }
0x73: {  	_ =	shalt  }
0x74: {  	_ =	shalt  }
0x75: {  	_ =	shalt  }
0x76: {  	_ =	shalt  }
0x77: {  	_ =	shalt  }
0x78: {  	_ =	shalt  }
0x79: {  	_ =	shalt  }
0x7a: {  	_ =	shalt  }
0x7b: {  	_ =	shalt  }
0x7c: {  	_ =	shalt  }
0x7d: {  	_ =	shalt  }
0x7e: {  	_ =	shalt  }
0x7f: {  	_ =	shalt  }
0x80: {  	_ =	shalt  }
0x81: {  	_ =	shalt  }
0x82: {  	_ =	shalt  }
0x83: {  	_ =	shalt  }
0x84: {  	_ =	shalt  }
0x85: {  	_ =	shalt  }
0x86: {  	_ =	shalt  }
0x87: {  	_ =	shalt  }
.Lfunc_end0:
.L_simem_size_0:
called_computation_lowered:
.L_overlay_start_0:
0x88: {  	s2 =	sld [smem:$0x3FD9]  }
0x89: {  	s3 =	sld [smem:$0x3FFE];
	_ =	sdelay $0x1  }
0x8a: {  	s1 =	srdreg.scid  }
0x8b: {  	s0 =	sand.u32 $0x1, s1  }
0x8c: {  	s14 =	sshll.u32 s0, $0xA;
	s2 =	sadd.s32 s3, s2  }
0x8d: {  	s2 =	sadd.s32 s2, s14  }
0x8e: {  	[smem:$0x3FA8] =	sst s2  }
0x8f: {  	_ = 	snop  }
0x90: {  	s2 =	sld [smem:$0x3FD0];
	_ =	sdelay $0x2  }
0x91: {  	s15 =	simm.s32 $0xA;
	s4 =	simm.s32 $0x10  }
0x92: {  	[smem:s4], [sflag:s15] =	dma.local [hbm:s2], $0x1  }
0x93: {  	_ =	swait.eq [sflag:s15], $0x1  }
0x94: {  	[sflag:s15] =	ssyncset.done $0x0  }
0x95: {  	[sflag:s15] =	ssyncadd.s32 $0xFFFFFFFF  }
0x96: {  	s16 =	sld [smem:$0x11];
	(tm) =	ssettm $0x1  }
0x97: {  	s17 =	sld [smem:$0x3FFB];
	_ =	sdelay $0x3  }
0x98: {  	_ =	strace s17  }
0x99: {  	s3 =	sld [smem:$0x3FFC];
	_ =	sdelay $0x3  }
0x9a: {  	_ =	strace s3  }
0x9b: {  	s3 =	sld [smem:$0x3FFD];
	_ =	sdelay $0x3  }
0x9c: {  	_ =	strace s3  }
0x9d: {  	_ =	strace $0x8FFFFFFF  }
0x9e: {  	s18 =	sld [smem:$0x3FDB];
	_ =	sdelay $0x1  }
0x9f: {  	s19 =	simm.s32 $_scs_section_size  }
0xa0: {  	s5 =	simm.s32 $_size__tile_overlayer_lowered;
	s6 =	simm.s32 $_tile_overlayer_lowered  }
0xa1: {  	s22 =	simm.s32 $0x1BFF;
	s21 =	sshll.u32 s6, $0x1;
	s3 =	sadd.s32 s19, s18  }
0xa2: {  	s7 =	simm.s32 $0x0;
	s20 =	sshll.u32 s5, $0x1;
	s5 =	sadd.s32 s21, s3  }
0xa3: {  	[timem:s7], [sflag:s22] =	dma.local [hbm:s5], s20  }
0xa4: {  	_ =	swait.ge [sflag:s22], s20  }
0xa5: {  	s4 =	ssub.s32 $0x0, s20;
	[sflag:s22] =	ssyncset.done $0x0  }
0xa6: {  	[sflag:s22] =	ssyncadd.s32 s4;
	_ =	sdelay $0x1  }
0xa7: {  	s23 =	simm.s32 $0x1B8B  }
0xa8: {  	_ =	swait.ge [sflag:s23], $0x1  }
0xa9: {  	[sflag:s23] =	ssyncset.done $0x0  }
0xaa: {  	s25 =	simm.s32 $0x1B8E;
	s24 =	sld [smem:$0x3FFE];
	[sflag:s23] =	ssyncadd.s32 $0xFFFFFFFF  }
0xab: {  	s26 =	simm.s32 $execute0_lowered;
	[smem:$0x3FD2] =	sst s25  }
0xac: {  	s5 =	sshll.u32 s26, $0x1;
	_ =	strace $0x80000046;
	[dreg:$0x1] =	wrdreg $0xFFFFFFFF  }
0xad: {  	s28 =	simm.s32 $_size_execute0_lowered;
	s3 =	sadd.s32 s3, s5;
	[dreg:$0x0] =	wrdreg $0x0  }
0xae: {  	s5 =	sshll.u32 s28, $0x1;
	[dreg:$0x2] =	wrdreg s3  }
0xaf: {  	[dreg:$0x3] =	wrdreg s5  }
0xb0: {  	[dreg:$0x4] =	wrdreg $0xC0  }
0xb1: {  	_ =	task [dreg:s7], $0x5FFFF  }
0xb2: {  	[dreg:$0x1] =	wrdreg $0xFFFFFFFF  }
0xb3: {  	[dreg:$0x0] =	wrdreg $0x60  }
0xb4: {  	[dreg:$0x2] =	wrdreg s16  }
0xb5: {  	[dreg:$0x3] =	wrdreg s24  }
0xb6: {  	[dreg:$0x4] =	wrdreg $0xA8000  }
0xb7: {  	[dreg:$0x5] =	wrdreg $0x9  }
0xb8: {  	_ =	task.clear_ibuf [dreg:s7], $0x6FFFF;
	_ =	strace $0x90000046  }
0xb9: {  	s29 =	simm.s32 $0x9;
	_ =	strace $0x80000048  }
0xba: {  	_ =	swait.ge [sflag:s29], $0x1  }
0xbb: {  	[sflag:s29] =	ssyncadd.s32 $0xFFFFFFFF  }
0xbc: {  	_ =	strace $0x90000048  }
0xbd: {  	_ =	sfence  }
0xbe: {  	s30 =	sld [smem:$0x0];
	_ =	sdelay $0x2  }
0xbf: {  	s31 =	sshll.u32 s1, $0xD;
	s1 =	sshrl.u32 s1, $0x2  }
0xc0: {  	s3 =	sand.u32 $0x4000, s31;
	s1 =	sadd.s32 s1, s30  }
0xc1: {  	s0 =	sor.u32 s3, s0;
	s1 =	sshll.u32 s1, $0x11  }
0xc2: {  	s0 =	sor.u32 s1, s0  }
0xc3: {  	s0 =	sadd.s32 $0x8F2B, s0  }
0xc4: {  	[sflag:s0] =	ssyncadd.remote.s32 $0x1  }
0xc5: {  	_ =	sfence.sel $0xFFFF  }
0xc6: {  	[dreg:$0x0] =	wrdreg $0xFFFFFFFF;
	(pc) =	sbr.abs _section_cstart, $3  }
0xc7: {  	[dreg:$0x1] =	wrdreg $0xFFFFFFFF  }
0xc8: {  	_ =	task.clear_ibuf [dreg:s7], $0x2FFFF;
	_ =	strace $0x9FFFFFFF  }
0xc9: {  	(tm) =	ssettm $0x7FFFFFFF  }
tec
execute0_lowered:
.L_overlay_start_1:
0x0: {  	(tag) =	ssettag $0x1  }
0x1: {  	s0 =	srdreg.scid;
	s16 =	stileid.u32  }
0x2: {  	s2 =	rddreg [dreg:$0x0];
	s8 =	smul.u32 $0x280, s16  }
0x3: {  	s4 =	rddreg [dreg:$0x1];
	s17 =	smul.u32 $0x2800, s16  }
0x4: {  	s0 =	sand.u32 $0x1, s0;
	s1 =	sshll.u32 s16, $0x1;
	s25 =	smul.u32 $0x280000, s16  }
0x5: {  	s9 =	sadd.s32 $0x19C00, s4;
	s3 =	sor.u32 s0, s1;
	s14 =	smul.u32 $0x140000, s0  }
0x6: {  	s1 =	simm.s32 $0x0;
	s6 =	ssub.s32 $0x2, s0;
	s0 =	smul.u32 $0x28000, s0  }
0x7: {  	s5 =	smul.u32 $0x500, s3;
	[smem:$0x7FF] =	sst s1;
	s7 =	sshrl.u32 s6, $0x1  }
0x8: {  	s3 =	smul.u32 $0x140000, s3;
	s10 =	sor.u32 $0x50, s8;
	s15 =	sadd.s32 $0xA0, s8  }
0x9: {  	s24 =	sadd.s32 $0x140, s8;
	s26 =	sadd.s32 $0x190, s8;
	s28 =	sadd.s32 $0x1E0, s8  }
0xa: {  	s6 =	ssub.s32 s6, s7;
	s11 =	sshll.u32 s10, $0x4;
	s12 =	sshll.u32 s15, $0x4  }
0xb: {  	s7 =	sadd.s32 s2, s17;
	s21 =	sshll.u32 s24, $0x4;
	s13 =	sshll.u32 s26, $0x4  }
0xc: {  	s17 =	sshll.u32 s28, $0x4;
	s14 =	sadd.s32 s14, s25;
	s5 =	sadd.s32 s5, s4  }
0xd: {  	s3 =	sshrl.u32 s3, $0x3;
	[dreg:$0x4] =	wrdreg s7;
	s18 =	sadd.s32 s2, s11  }
0xe: {  	s19 =	sadd.s32 s2, s12;
	s12 =	sadd.s32 s2, s17;
	s17 =	rddreg [dreg:$0x2]  }
0xf: {  	s7 =	sadd.s32 $0xF0, s8;
	s22 =	sadd.s32 s2, s21;
	[dreg:$0x5] =	wrdreg s18  }
0x10: {  	s23 =	sadd.s32 s2, s13;
	s8 =	sadd.s32 $0x230, s8;
	[dreg:$0x6] =	wrdreg s19  }
0x11: {  	s4 =	sadd.s32 $0x519C00, s4;
	s21 =	smul.u32 $0x50000, s16;
	[dreg:$0x8] =	wrdreg s22  }
0x12: {  	s20 =	sshll.u32 s7, $0x4;
	[dreg:$0x9] =	wrdreg s23;
	s18 =	sshll.u32 s8, $0x4  }
0x13: {  	[dreg:$0xa] =	wrdreg s12;
	s19 =	sadd.s32 $0x27000, s3;
	s3 =	sadd.s32 $0x27800, s3  }
0x14: {  	s23 =	sshrl.u32 s14, $0x3;
	s12 =	sshll.u32 s28, $0x7;
	s11 =	sadd.s32 s2, s20  }
0x15: {  	s2 =	sadd.s32 s2, s18;
	s20 =	sadd.s32 s9, s19;
	s22 =	sadd.s32 s9, s3  }
0x16: {  	s13 =	sadd.s32 s4, s3;
	s14 =	sadd.s32 s23, s9;
	s9 =	sadd.s32 s21, s9  }
0x17: {  	s16 =	sadd.s32 s23, s4;
	s25 =	sadd.s32 s21, s4;
	[dreg:$0x7] =	wrdreg s11  }
0x18: {  	s18 =	sadd.s32 $0xFC00, s5;
	s28 =	sadd.s32 s12, s17;
	[dreg:$0xb] =	wrdreg s2  }
0x19: {  	s3 =	simm.s32 $0x6800;
	[dreg:$0xc] =	wrdreg s20;
	s2 =	sadd.s32 s4, s19  }
0x1a: {  	[dreg:$0xe] =	wrdreg s22;
	s4 =	sadd.s32 s0, s9;
	s0 =	sadd.s32 s0, s25  }
0x1b: {  	s19 =	sadd.s32 $0x5C00, s5;
	s20 =	smax.u32 s6, $0x1;
	s5 =	sshll.u32 s10, $0x7  }
0x1c: {  	s6 =	sshll.u32 s15, $0x7;
	s9 =	sshll.u32 s7, $0x7;
	s10 =	sshll.u32 s24, $0x7  }
0x1d: {  	s11 =	sshll.u32 s26, $0x7;
	s15 =	sshll.u32 s8, $0x7;
	s7 =	simm.s32 $0x0  }
0x1e: {  	[dreg:$0xd] =	wrdreg s2;
	s2 =	sshrl.u32 s21, $0x2;
	s22 =	sadd.s32 s5, s17  }
0x1f: {  	s23 =	sadd.s32 s6, s17;
	s24 =	sadd.s32 s9, s17;
	s25 =	sadd.s32 s10, s17  }
0x20: {  	s26 =	sadd.s32 s11, s17;
	s29 =	sadd.s32 s15, s17;
	s30 =	sadd.s32 $0x800, s4  }
0x21: {  	s31 =	sadd.s32 $0x800, s0;
	s15 =	simm.s32 $0x2800;
	s0 =	simm.s32 $0x3  }
0x22: {  	s4 =	simm.s32 $0x1;
	s5 =	simm.s32 $0x2;
	s6 =	simm.s32 $0x2780  }
0x23: {  	_ =	strace $0x80000047;
	s21 =	sadd.s32 s2, s17;
	s2 =	simm.s32 $0x80  }
.LBB2_1:
0x24: {  	s8 =	rddreg [dreg:$0x4]  }
0x25: {  	[tilespmem:s15], [sflag:$0x3] =	stream.linear.gather [hbm4b:s8+s1], $0x2800, $0x38;
	[tilespmem:$0x1E800] =	vst v63  }
0x26: {  	_ =	swait.ge [sflag:s0], $0x2800  }
0x27: {  	[sflag:s0] =	ssyncset.done $0x0  }
0x28: {  	[sflag:s0] =	ssyncadd.s32 $0xFFFFD800  }
0x29: {  	[spmem:s21] =	stream.linear.scatter [tilespmem:s15], [sflag:$0x3], $0x2800, $0x38;
	[tilespmem:$0x1E800] =	vst v63  }
0x2a: {  	_ =	swait.ge [sflag:s0], $0x2800  }
0x2b: {  	[sflag:s0] =	ssyncset.done $0x0  }
0x2c: {  	s10 =	rddreg [dreg:$0x5];
	[sflag:s0] =	ssyncadd.s32 $0xFFFFD800  }
0x2d: {  	[tilespmem:s15], [sflag:$0x3] =	stream.linear.gather [hbm4b:s10+s1], $0x2800, $0x38;
	[tilespmem:$0x1E800] =	vst v63  }
0x2e: {  	_ =	swait.ge [sflag:s0], $0x2800  }
0x2f: {  	[sflag:s0] =	ssyncset.done $0x0  }
0x30: {  	[sflag:s0] =	ssyncadd.s32 $0xFFFFD800  }
0x31: {  	[spmem:s22] =	stream.linear.scatter [tilespmem:s15], [sflag:$0x3], $0x2800, $0x38;
	[tilespmem:$0x1E800] =	vst v63  }
0x32: {  	_ =	swait.ge [sflag:s0], $0x2800  }
0x33: {  	[sflag:s0] =	ssyncset.done $0x0  }
0x34: {  	s11 =	rddreg [dreg:$0x6];
	[sflag:s0] =	ssyncadd.s32 $0xFFFFD800  }
0x35: {  	[tilespmem:s15], [sflag:$0x3] =	stream.linear.gather [hbm4b:s11+s1], $0x2800, $0x38;
	[tilespmem:$0x1E800] =	vst v63  }
0x36: {  	_ =	swait.ge [sflag:s0], $0x2800  }
0x37: {  	[sflag:s0] =	ssyncset.done $0x0  }
0x38: {  	[sflag:s0] =	ssyncadd.s32 $0xFFFFD800  }
0x39: {  	[spmem:s23] =	stream.linear.scatter [tilespmem:s15], [sflag:$0x3], $0x2800, $0x38;
	[tilespmem:$0x1E800] =	vst v63  }
0x3a: {  	_ =	swait.ge [sflag:s0], $0x2800  }
0x3b: {  	[sflag:s0] =	ssyncset.done $0x0  }
0x3c: {  	s12 =	rddreg [dreg:$0x7];
	[sflag:s0] =	ssyncadd.s32 $0xFFFFD800  }
0x3d: {  	[tilespmem:s15], [sflag:$0x3] =	stream.linear.gather [hbm4b:s12+s1], $0x2800, $0x38;
	[tilespmem:$0x1E800] =	vst v63  }
0x3e: {  	_ =	swait.ge [sflag:s0], $0x2800  }
0x3f: {  	[sflag:s0] =	ssyncset.done $0x0  }
0x40: {  	[sflag:s0] =	ssyncadd.s32 $0xFFFFD800  }
0x41: {  	[spmem:s24] =	stream.linear.scatter [tilespmem:s15], [sflag:$0x3], $0x2800, $0x38;
	[tilespmem:$0x1E800] =	vst v63  }
0x42: {  	_ =	swait.ge [sflag:s0], $0x2800  }
0x43: {  	[sflag:s0] =	ssyncset.done $0x0  }
0x44: {  	s9 =	rddreg [dreg:$0x8];
	[sflag:s0] =	ssyncadd.s32 $0xFFFFD800  }
0x45: {  	[tilespmem:s15], [sflag:$0x3] =	stream.linear.gather [hbm4b:s9+s1], $0x2800, $0x38;
	[tilespmem:$0x1E800] =	vst v63  }
0x46: {  	_ =	swait.ge [sflag:s0], $0x2800  }
0x47: {  	[sflag:s0] =	ssyncset.done $0x0  }
0x48: {  	[sflag:s0] =	ssyncadd.s32 $0xFFFFD800  }
0x49: {  	[spmem:s25] =	stream.linear.scatter [tilespmem:s15], [sflag:$0x3], $0x2800, $0x38;
	[tilespmem:$0x1E800] =	vst v63  }
0x4a: {  	_ =	swait.ge [sflag:s0], $0x2800  }
0x4b: {  	[sflag:s0] =	ssyncset.done $0x0  }
0x4c: {  	s10 =	rddreg [dreg:$0x9];
	[sflag:s0] =	ssyncadd.s32 $0xFFFFD800  }
0x4d: {  	[tilespmem:s15], [sflag:$0x3] =	stream.linear.gather [hbm4b:s10+s1], $0x2800, $0x38;
	[tilespmem:$0x1E800] =	vst v63  }
0x4e: {  	_ =	swait.ge [sflag:s0], $0x2800  }
0x4f: {  	[sflag:s0] =	ssyncset.done $0x0  }
0x50: {  	[sflag:s0] =	ssyncadd.s32 $0xFFFFD800  }
0x51: {  	[spmem:s26] =	stream.linear.scatter [tilespmem:s15], [sflag:$0x3], $0x2800, $0x38;
	[tilespmem:$0x1E800] =	vst v63  }
0x52: {  	_ =	swait.ge [sflag:s0], $0x2800  }
0x53: {  	[sflag:s0] =	ssyncset.done $0x0  }
0x54: {  	s11 =	rddreg [dreg:$0xa];
	[sflag:s0] =	ssyncadd.s32 $0xFFFFD800  }
0x55: {  	[tilespmem:s15], [sflag:$0x3] =	stream.linear.gather [hbm4b:s11+s1], $0x2800, $0x38;
	[tilespmem:$0x1E800] =	vst v63  }
0x56: {  	_ =	swait.ge [sflag:s0], $0x2800  }
0x57: {  	[sflag:s0] =	ssyncset.done $0x0  }
0x58: {  	[sflag:s0] =	ssyncadd.s32 $0xFFFFD800  }
0x59: {  	[spmem:s28] =	stream.linear.scatter [tilespmem:s15], [sflag:$0x3], $0x2800, $0x38;
	[tilespmem:$0x1E800] =	vst v63  }
0x5a: {  	_ =	swait.ge [sflag:s0], $0x2800  }
0x5b: {  	[sflag:s0] =	ssyncset.done $0x0  }
0x5c: {  	s12 =	rddreg [dreg:$0xb];
	[sflag:s0] =	ssyncadd.s32 $0xFFFFD800  }
0x5d: {  	[tilespmem:s15], [sflag:$0x3] =	stream.linear.gather [hbm4b:s12+s1], $0x2800, $0x38;
	[tilespmem:$0x1E800] =	vst v63  }
0x5e: {  	_ =	swait.ge [sflag:s0], $0x2800  }
0x5f: {  	[sflag:s0] =	ssyncset.done $0x0  }
0x60: {  	[sflag:s0] =	ssyncadd.s32 $0xFFFFD800  }
0x61: {  	[spmem:s29] =	stream.linear.scatter [tilespmem:s15], [sflag:$0x3], $0x2800, $0x38;
	[tilespmem:$0x1E800] =	vst v63  }
0x62: {  	_ =	swait.ge [sflag:s0], $0x2800  }
0x63: {  	[sflag:s0] =	ssyncset.done $0x0  }
0x64: {  	[sflag:s0] =	ssyncadd.s32 $0xFFFFD800  }
0x65: {  	[bflag:$0x0] =	sbarrier.arrive $0xFFFF  }
0x66: {  	[tilespmem:s1], [sflag:$0x3] =	stream.linear.gather [hbm4b:s18+s1], $0x2800, $0x38;
	[tilespmem:$0x1E800] =	vst v63  }
0x67: {  	_ =	swait.ge [sflag:s0], $0x2800  }
0x68: {  	[sflag:s0] =	ssyncset.done $0x0  }
0x69: {  	[sflag:s0] =	ssyncadd.s32 $0xFFFFD800  }
0x6a: {  	[tilespmem:s15], [sflag:$0x1] =	stream.indirect.gather [spmem:s17], $0x80, s1, s2, $0xb8;
	[tilespmem:$0x1E800] =	vst v63  }
0x6b: {  	s9 =	simm.s32 $0x80  }
0x6c: {  	[tilespmem:s3], [sflag:$0x2] =	stream.indirect.gather [spmem:s17], $0x80, s9, s2, $0xb8;
	[tilespmem:$0x1E800] =	vst v63  }
0x6d: {  	_ =	swait.ge [sflag:s4], $0x4000  }
0x6e: {  	[sflag:s4] =	ssyncset.done $0x0  }
0x6f: {  	s10 =	sadd.s32 $0x0, s14;
	[sflag:s4] =	ssyncadd.s32 $0xFFFFC000  }
0x70: {  	[hbm4b:s10+s1] =	stream.linear.scatter [tilespmem:s15], [sflag:$0x3], $0x4000, $0x38;
	[tilespmem:$0x1E800] =	vst v63  }
0x71: {  	_ =	swait.ge [sflag:s0], $0x4000  }
0x72: {  	[sflag:s0] =	ssyncset.done $0x0  }
0x73: {  	s11 =	simm.s32 $0x100;
	[sflag:s0] =	ssyncadd.s32 $0xFFFFC000  }
0x74: {  	[tilespmem:s15], [sflag:$0x1] =	stream.indirect.gather [spmem:s17], $0x80, s11, s2, $0xb8;
	[tilespmem:$0x1E800] =	vst v63  }
0x75: {  	_ =	swait.ge [sflag:s5], $0x4000  }
0x76: {  	[sflag:s5] =	ssyncset.done $0x0  }
0x77: {  	s12 =	sadd.s32 $0x0, s30;
	[sflag:s5] =	ssyncadd.s32 $0xFFFFC000  }
0x78: {  	[hbm4b:s12+s1] =	stream.linear.scatter [tilespmem:s3], [sflag:$0x3], $0x4000, $0x38;
	[tilespmem:$0x1E800] =	vst v63  }
0x79: {  	s8 =	simm.s32 $0x1000;
	_ =	swait.ge [sflag:s0], $0x4000  }
0x7a: {  	s9 =	simm.s32 $0x200;
	s10 =	simm.s32 $0x2000;
	[sflag:s0] =	ssyncset.done $0x0  }
.LBB2_2:
0x7b: {  	p0 =	sne.s32 s10, $0x26000;
	s11 =	sadd.s32 $0xFFFFFF80, s9;
	[sflag:s0] =	ssyncadd.s32 $0xFFFFC000  }
0x7c: {  	[tilespmem:s3], [sflag:$0x2] =	stream.indirect.gather [spmem:s17], $0x80, s11, s2, $0xb8;
	[tilespmem:$0x1E800] =	vst v63  }
0x7d: {  	s11 =	smov.u32 s10;
	s10 =	sadd.s32 $0x1000, s10;
	_ =	swait.ge [sflag:s4], $0x4000  }
0x7e: {  	[sflag:s4] =	ssyncset.done $0x0  }
0x7f: {  	s12 =	sadd.s32 s8, s14;
	[sflag:s4] =	ssyncadd.s32 $0xFFFFC000  }
0x80: {  	[hbm4b:s12+s1] =	stream.linear.scatter [tilespmem:s15], [sflag:$0x3], $0x4000, $0x38;
	[tilespmem:$0x1E800] =	vst v63  }
0x81: {  	_ =	swait.ge [sflag:s0], $0x4000  }
0x82: {  	[sflag:s0] =	ssyncset.done $0x0  }
0x83: {  	[sflag:s0] =	ssyncadd.s32 $0xFFFFC000  }
0x84: {  	[tilespmem:s15], [sflag:$0x1] =	stream.indirect.gather [spmem:s17], $0x80, s9, s2, $0xb8;
	[tilespmem:$0x1E800] =	vst v63  }
0x85: {  	_ =	swait.ge [sflag:s5], $0x4000  }
.Ltmp0:
0x86: {  	[sflag:s5] =	ssyncset.done $0x0;
	(pc) =	sbr.rel @p0 .LBB2_2-.Ltmp0, $4  }
0x87: {  	s12 =	sadd.s32 s8, s30;
	s8 =	smov.u32 s11;
	[sflag:s5] =	ssyncadd.s32 $0xFFFFC000  }
0x88: {  	[hbm4b:s12+s1] =	stream.linear.scatter [tilespmem:s3], [sflag:$0x3], $0x4000, $0x38;
	[tilespmem:$0x1E800] =	vst v63  }
0x89: {  	_ =	swait.ge [sflag:s0], $0x4000  }
0x8a: {  	s9 =	sadd.s32 $0x100, s9;
	[sflag:s0] =	ssyncset.done $0x0  }
0x8b: {  	s10 =	sadd.s32 $0xFFFFFF80, s9;
	[sflag:s0] =	ssyncadd.s32 $0xFFFFC000  }
0x8c: {  	[tilespmem:s3], [sflag:$0x2] =	stream.indirect.gather [spmem:s17], $0x80, s10, s2, $0xb8;
	[tilespmem:$0x1E800] =	vst v63  }
0x8d: {  	_ =	swait.ge [sflag:s4], $0x4000  }
0x8e: {  	[sflag:s4] =	ssyncset.done $0x0  }
0x8f: {  	s12 =	sadd.s32 s8, s14;
	[sflag:s4] =	ssyncadd.s32 $0xFFFFC000  }
0x90: {  	[hbm4b:s12+s1] =	stream.linear.scatter [tilespmem:s15], [sflag:$0x3], $0x4000, $0x38;
	[tilespmem:$0x1E800] =	vst v63  }
0x91: {  	_ =	swait.ge [sflag:s0], $0x4000  }
0x92: {  	[sflag:s0] =	ssyncset.done $0x0  }
0x93: {  	[sflag:s0] =	ssyncadd.s32 $0xFFFFC000  }
0x94: {  	[tilespmem:s15], [sflag:$0x1] =	stream.indirect.gather [spmem:s17], $0x80, s9, s2, $0xb8;
	[tilespmem:$0x1E800] =	vst v63  }
0x95: {  	_ =	swait.ge [sflag:s5], $0x4000  }
0x96: {  	[sflag:s5] =	ssyncset.done $0x0  }
0x97: {  	s9 =	sadd.s32 s8, s30;
	[sflag:s5] =	ssyncadd.s32 $0xFFFFC000  }
0x98: {  	[hbm4b:s9+s1] =	stream.linear.scatter [tilespmem:s3], [sflag:$0x3], $0x4000, $0x38;
	[tilespmem:$0x1E800] =	vst v63  }
0x99: {  	_ =	swait.ge [sflag:s0], $0x4000  }
0x9a: {  	[sflag:s0] =	ssyncset.done $0x0  }
0x9b: {  	[sflag:s0] =	ssyncadd.s32 $0xFFFFC000  }
0x9c: {  	[tilespmem:s3], [sflag:$0x2] =	stream.indirect.gather [spmem:s17], $0x80, s6, s2, $0xb8;
	[tilespmem:$0x1E800] =	vst v63  }
0x9d: {  	_ =	swait.ge [sflag:s4], $0x4000  }
0x9e: {  	[sflag:s4] =	ssyncset.done $0x0  }
0x9f: {  	s10 =	simm.s32 $0x0;
	s11 =	rddreg [dreg:$0xc];
	[sflag:s4] =	ssyncadd.s32 $0xFFFFC000  }
0xa0: {  	[hbm4b:s11+s10] =	stream.linear.scatter [tilespmem:s15], [sflag:$0x3], $0x4000, $0x38;
	[tilespmem:$0x1E800] =	vst v63  }
0xa1: {  	_ =	swait.ge [sflag:s0], $0x4000  }
0xa2: {  	[sflag:s0] =	ssyncset.done $0x0  }
0xa3: {  	[sflag:s0] =	ssyncadd.s32 $0xFFFFC000  }
0xa4: {  	_ =	swait.ge [sflag:s5], $0x4000  }
0xa5: {  	[sflag:s5] =	ssyncset.done $0x0  }
0xa6: {  	s12 =	rddreg [dreg:$0xe];
	[sflag:s5] =	ssyncadd.s32 $0xFFFFC000  }
0xa7: {  	[hbm4b:s12+s10] =	stream.linear.scatter [tilespmem:s3], [sflag:$0x3], $0x4000, $0x38;
	[tilespmem:$0x1E800] =	vst v63  }
0xa8: {  	_ =	swait.ge [sflag:s0], $0x4000  }
0xa9: {  	[sflag:s0] =	ssyncset.done $0x0  }
0xaa: {  	[sflag:s0] =	ssyncadd.s32 $0xFFFFC000  }
0xab: {  	[tilespmem:s10], [sflag:$0x3] =	stream.linear.gather [hbm4b:s19+s10], $0x2800, $0x38;
	[tilespmem:$0x1E800] =	vst v63  }
0xac: {  	_ =	swait.ge [sflag:s0], $0x2800  }
0xad: {  	[sflag:s0] =	ssyncset.done $0x0  }
0xae: {  	[sflag:s0] =	ssyncadd.s32 $0xFFFFD800  }
0xaf: {  	[tilespmem:s15], [sflag:$0x1] =	stream.indirect.gather [spmem:s17], $0x80, s10, s2, $0xb8;
	[tilespmem:$0x1E800] =	vst v63  }
0xb0: {  	s9 =	simm.s32 $0x80  }
0xb1: {  	[tilespmem:s3], [sflag:$0x2] =	stream.indirect.gather [spmem:s17], $0x80, s9, s2, $0xb8;
	[tilespmem:$0x1E800] =	vst v63  }
0xb2: {  	_ =	swait.ge [sflag:s4], $0x4000  }
0xb3: {  	[sflag:s4] =	ssyncset.done $0x0  }
0xb4: {  	s10 =	sadd.s32 $0x0, s16;
	[sflag:s4] =	ssyncadd.s32 $0xFFFFC000  }
0xb5: {  	[hbm4b:s10+s1] =	stream.linear.scatter [tilespmem:s15], [sflag:$0x3], $0x4000, $0x38;
	[tilespmem:$0x1E800] =	vst v63  }
0xb6: {  	_ =	swait.ge [sflag:s0], $0x4000  }
0xb7: {  	[sflag:s0] =	ssyncset.done $0x0  }
0xb8: {  	s11 =	simm.s32 $0x100;
	[sflag:s0] =	ssyncadd.s32 $0xFFFFC000  }
0xb9: {  	[tilespmem:s15], [sflag:$0x1] =	stream.indirect.gather [spmem:s17], $0x80, s11, s2, $0xb8;
	[tilespmem:$0x1E800] =	vst v63  }
0xba: {  	_ =	swait.ge [sflag:s5], $0x4000  }
0xbb: {  	[sflag:s5] =	ssyncset.done $0x0  }
0xbc: {  	s12 =	sadd.s32 $0x0, s31;
	[sflag:s5] =	ssyncadd.s32 $0xFFFFC000  }
0xbd: {  	[hbm4b:s12+s1] =	stream.linear.scatter [tilespmem:s3], [sflag:$0x3], $0x4000, $0x38;
	[tilespmem:$0x1E800] =	vst v63  }
0xbe: {  	s8 =	simm.s32 $0x1000;
	_ =	swait.ge [sflag:s0], $0x4000  }
0xbf: {  	s9 =	simm.s32 $0x200;
	s10 =	simm.s32 $0x2000;
	[sflag:s0] =	ssyncset.done $0x0  }
.LBB2_4:
0xc0: {  	p0 =	sne.s32 s10, $0x26000;
	s11 =	sadd.s32 $0xFFFFFF80, s9;
	[sflag:s0] =	ssyncadd.s32 $0xFFFFC000  }
0xc1: {  	[tilespmem:s3], [sflag:$0x2] =	stream.indirect.gather [spmem:s17], $0x80, s11, s2, $0xb8;
	[tilespmem:$0x1E800] =	vst v63  }
0xc2: {  	s11 =	smov.u32 s10;
	s10 =	sadd.s32 $0x1000, s10;
	_ =	swait.ge [sflag:s4], $0x4000  }
0xc3: {  	[sflag:s4] =	ssyncset.done $0x0  }
0xc4: {  	s12 =	sadd.s32 s8, s16;
	[sflag:s4] =	ssyncadd.s32 $0xFFFFC000  }
0xc5: {  	[hbm4b:s12+s1] =	stream.linear.scatter [tilespmem:s15], [sflag:$0x3], $0x4000, $0x38;
	[tilespmem:$0x1E800] =	vst v63  }
0xc6: {  	_ =	swait.ge [sflag:s0], $0x4000  }
0xc7: {  	[sflag:s0] =	ssyncset.done $0x0  }
0xc8: {  	[sflag:s0] =	ssyncadd.s32 $0xFFFFC000  }
0xc9: {  	[tilespmem:s15], [sflag:$0x1] =	stream.indirect.gather [spmem:s17], $0x80, s9, s2, $0xb8;
	[tilespmem:$0x1E800] =	vst v63  }
0xca: {  	_ =	swait.ge [sflag:s5], $0x4000  }
.Ltmp1:
0xcb: {  	[sflag:s5] =	ssyncset.done $0x0;
	(pc) =	sbr.rel @p0 .LBB2_4-.Ltmp1, $4  }
0xcc: {  	s12 =	sadd.s32 s8, s31;
	s8 =	smov.u32 s11;
	[sflag:s5] =	ssyncadd.s32 $0xFFFFC000  }
0xcd: {  	[hbm4b:s12+s1] =	stream.linear.scatter [tilespmem:s3], [sflag:$0x3], $0x4000, $0x38;
	[tilespmem:$0x1E800] =	vst v63  }
0xce: {  	_ =	swait.ge [sflag:s0], $0x4000  }
0xcf: {  	s9 =	sadd.s32 $0x100, s9;
	[sflag:s0] =	ssyncset.done $0x0  }
0xd0: {  	s10 =	sadd.s32 $0xFFFFFF80, s9;
	[sflag:s0] =	ssyncadd.s32 $0xFFFFC000  }
0xd1: {  	[tilespmem:s3], [sflag:$0x2] =	stream.indirect.gather [spmem:s17], $0x80, s10, s2, $0xb8;
	[tilespmem:$0x1E800] =	vst v63  }
0xd2: {  	_ =	swait.ge [sflag:s4], $0x4000  }
0xd3: {  	[sflag:s4] =	ssyncset.done $0x0  }
0xd4: {  	s12 =	sadd.s32 s8, s16;
	[sflag:s4] =	ssyncadd.s32 $0xFFFFC000  }
0xd5: {  	[hbm4b:s12+s1] =	stream.linear.scatter [tilespmem:s15], [sflag:$0x3], $0x4000, $0x38;
	[tilespmem:$0x1E800] =	vst v63  }
0xd6: {  	_ =	swait.ge [sflag:s0], $0x4000  }
0xd7: {  	[sflag:s0] =	ssyncset.done $0x0  }
0xd8: {  	[sflag:s0] =	ssyncadd.s32 $0xFFFFC000  }
0xd9: {  	[tilespmem:s15], [sflag:$0x1] =	stream.indirect.gather [spmem:s17], $0x80, s9, s2, $0xb8;
	[tilespmem:$0x1E800] =	vst v63  }
0xda: {  	_ =	swait.ge [sflag:s5], $0x4000  }
0xdb: {  	[sflag:s5] =	ssyncset.done $0x0  }
0xdc: {  	s11 =	sadd.s32 s8, s31;
	[sflag:s5] =	ssyncadd.s32 $0xFFFFC000  }
0xdd: {  	[hbm4b:s11+s1] =	stream.linear.scatter [tilespmem:s3], [sflag:$0x3], $0x4000, $0x38;
	[tilespmem:$0x1E800] =	vst v63  }
0xde: {  	_ =	swait.ge [sflag:s0], $0x4000  }
0xdf: {  	[sflag:s0] =	ssyncset.done $0x0  }
0xe0: {  	[sflag:s0] =	ssyncadd.s32 $0xFFFFC000  }
0xe1: {  	[tilespmem:s3], [sflag:$0x2] =	stream.indirect.gather [spmem:s17], $0x80, s6, s2, $0xb8;
	[tilespmem:$0x1E800] =	vst v63  }
0xe2: {  	_ =	swait.ge [sflag:s4], $0x4000  }
0xe3: {  	[sflag:s4] =	ssyncset.done $0x0  }
0xe4: {  	s12 =	rddreg [dreg:$0xd];
	[sflag:s4] =	ssyncadd.s32 $0xFFFFC000  }
0xe5: {  	[hbm4b:s12+s1] =	stream.linear.scatter [tilespmem:s15], [sflag:$0x3], $0x4000, $0x38;
	[tilespmem:$0x1E800] =	vst v63  }
0xe6: {  	_ =	swait.ge [sflag:s0], $0x4000  }
0xe7: {  	[sflag:s0] =	ssyncset.done $0x0  }
0xe8: {  	[sflag:s0] =	ssyncadd.s32 $0xFFFFC000  }
0xe9: {  	s7 =	sadd.s32 $0x1, s7;
	_ =	swait.ge [sflag:s5], $0x4000  }
0xea: {  	p0 =	sne.s32 s7, s20;
	[sflag:s5] =	ssyncset.done $0x0  }
.Ltmp2:
0xeb: {  	[sflag:s5] =	ssyncadd.s32 $0xFFFFC000;
	(pc) =	sbr.rel @p0 .LBB2_1-.Ltmp2, $4  }
0xec: {  	[hbm4b:s13+s1] =	stream.linear.scatter [tilespmem:s3], [sflag:$0x3], $0x4000, $0x38;
	[tilespmem:$0x1E800] =	vst v63  }
0xed: {  	_ =	swait.ge [sflag:s0], $0x4000  }
0xee: {  	[sflag:s0] =	ssyncset.done $0x0  }
0xef: {  	[sflag:s0] =	ssyncadd.s32 $0xFFFFC000  }
0xf0: {  	_ =	sfence.sel $0x180000  }
0xf1: {  	[bflag:$0x0] =	sbarrier.arrive $0xFFFF  }
0xf2: {  	_ =	strace $0x90000047  }
0xf3: {  	s0 =	stileid.u32;
	[bflag:$0x2] =	sbarrier.arrive $0xFFFF  }
0xf4: {  	p0 =	sne.s32 s0, $0x0;
	s0 =	rddreg [dreg:$0x3]  }
0xf5: {  	s0 =	sadd.s32 @!p0 $0x100000, s0  }
0xf6: {  	[sflag:s0] =	ssyncadd.tile.s32 @!p0 $0x1;
	_ =	shalt  }
.Lfunc_end2:
_tile_overlayer_lowered:
.L_overlay_start_2:
0xf7: {  	(tag) =	ssettag $0x2  }
0xf8: {  	s0 =	rddreg [dreg:$0x0];
	s2 =	stileid.u32  }
0xf9: {  	s1 =	rddreg [dreg:$0x1];
	p0 =	sne.s32 s2, $0x0  }
0xfa: {  	s3 =	rddreg [dreg:$0x2];
	[bflag:$0x3] =	sbarrier.arrive $0xFFFF;
	s2 =	simm.s32 @!p0 $0x1C03  }
0xfb: {  	[timem:s3], [sflag:s2] =	dma.local @!p0 [hbm:s0], s1  }
0xfc: {  	s0 =	simm.s32 @!p0 $0x3  }
0xfd: {  	_ =	swait.ge @!p0 [sflag:s0], s1  }
0xfe: {  	s1 =	ssub.s32 @!p0 $0x0, s1;
	[sflag:s0] =	ssyncset.done @!p0 $0x0  }
0xff: {  	[sflag:s0] =	ssyncadd.s32 @!p0 s1  }
0x100: {  	[bflag:$0x3] =	sbarrier.arrive $0xFFFF  }
0x101: {  	_ =	shalt  }

</sc_bundles>
